<compile_context>
chip_gen: v7x
topology: tpu7x:2x2x1
jax: 0.10.2.dev20260603
libtpu: 0.0.44.dev20260713+nightly
codegen_flags: <defaults>
</compile_context>

<pallas_src>
import functools

import jax
import jax.numpy as jnp
from jax import lax
from jax.experimental import pallas as pl
from jax.experimental.pallas import tpu as pltpu
from jax.experimental.pallas import tpu_sc as plsc

NUM_CORES = 2
NUM_SUBCORES = 16
NUM_WORKERS = NUM_CORES * NUM_SUBCORES
LANES = 16
CHUNK = 128


def _scale_of(idx_row, mask_row, g):
    iv = idx_row[pl.ds(g * LANES, LANES)]
    mv = mask_row[pl.ds(g * LANES, LANES)]
    return jnp.where(iv == 0, 0.0, mv)


def _fixup(rows_v, idx_row, mask_row, d):
    anybad = None
    for g in range(CHUNK // LANES):
        bad = _scale_of(idx_row, mask_row, g) != 1.0
        anybad = bad if anybad is None else anybad | bad
    nbad = plsc.all_reduce_population_count(anybad)

    @pl.when(nbad[0] > 0)
    def _fix_chunk():
        for g in range(CHUNK // LANES):
            scale = _scale_of(idx_row, mask_row, g)
            bad = scale != 1.0
            ngroup = plsc.all_reduce_population_count(bad)

            @pl.when(ngroup[0] > 0)
            def _fix(g=g, scale=scale, bad=bad):
                row_ids = g * LANES + lax.iota(jnp.int32, LANES)

                def fix_col(k, c):
                    col = jnp.full((LANES,), k, jnp.int32)
                    v = plsc.load_gather(rows_v, [row_ids, col])
                    plsc.store_scatter(
                        rows_v, [row_ids, col], v * scale, mask=bad
                    )
                    return c

                lax.fori_loop(0, d, fix_col, 0)


@functools.partial(jax.jit, static_argnums=(3, 4))
def _gather_call(table, idx, mask, n, d):
    per_worker = n // NUM_WORKERS
    n_chunks = per_worker // CHUNK
    mesh = plsc.VectorSubcoreMesh(core_axis_name="c", subcore_axis_name="s")

    nbuf = 5
    assert n_chunks % nbuf == 0

    @functools.partial(
        pl.kernel,
        out_type=jax.ShapeDtypeStruct((n, d), jnp.float32),
        mesh=mesh,
        scratch_types=[
            pltpu.VMEM((per_worker,), jnp.int32),
            pltpu.VMEM((per_worker,), jnp.float32),
            [pltpu.VMEM((CHUNK, d), jnp.float32)] * nbuf,
            [pltpu.SemaphoreType.DMA] * nbuf,
            [pltpu.SemaphoreType.DMA] * nbuf,
        ],
        compiler_params=pltpu.CompilerParams(needs_layout_passes=False),
    )
    def body(table_hbm, idx_hbm, mask_hbm, out_hbm,
             idx_v, mask_v, bufs, gsems, osems):
        wid = lax.axis_index("c") * NUM_SUBCORES + lax.axis_index("s")
        base = wid * per_worker

        pltpu.sync_copy(idx_hbm.at[pl.ds(base, per_worker)], idx_v)
        pltpu.sync_copy(mask_hbm.at[pl.ds(base, per_worker)], mask_v)

        def start_gather(c, b):
            pltpu.async_copy(
                table_hbm.at[idx_v.at[pl.ds(c * CHUNK, CHUNK)]],
                bufs[b], gsems[b],
            )

        def wait_gather(c, b):
            pltpu.make_async_copy(
                table_hbm.at[idx_v.at[pl.ds(c * CHUNK, CHUNK)]],
                bufs[b], gsems[b],
            ).wait()

        for b in range(nbuf - 1):
            start_gather(b, b)

        @pl.loop(0, n_chunks, step=nbuf)
        def _outer(i):
            for b in range(nbuf):
                c = i + b

                b2 = (b + nbuf - 1) % nbuf

                @pl.when(c + nbuf - 1 < n_chunks)
                def _start(c=c, b2=b2):
                    @pl.when(c >= 1)
                    def _wait_wb():
                        pltpu.make_async_copy(
                            bufs[b2],
                            out_hbm.at[pl.ds(base + (c - 1) * CHUNK, CHUNK)],
                            osems[b2],
                        ).wait()

                    start_gather(c + nbuf - 1, b2)

                wait_gather(c, b)

                _fixup(bufs[b], idx_v.at[pl.ds(c * CHUNK, CHUNK)],
                       mask_v.at[pl.ds(c * CHUNK, CHUNK)], d)

                pltpu.async_copy(
                    bufs[b], out_hbm.at[pl.ds(base + c * CHUNK, CHUNK)],
                    osems[b],
                )

        for b in range(nbuf):
            c_last = n_chunks - nbuf + b
            pltpu.make_async_copy(
                bufs[b], out_hbm.at[pl.ds(base + c_last * CHUNK, CHUNK)],
                osems[b],
            ).wait()

    return body(table, idx, mask)


def kernel(input_ids, attention_mask, table):
    b, l = input_ids.shape
    d = table.shape[1]
    n = b * l
    idx = input_ids.reshape(n).astype(jnp.int32)
    mask = attention_mask.reshape(n).astype(jnp.float32)
    out = _gather_call(table, idx, mask, n, d)
    return out.reshape(b, l, d)

# --- scband reference (transcript-rebuilt; emitter-appended) ---
"""Pipeline reference for scband-base-neural-model-7017976562234 (READ-ONLY COPY).

The authoritative reference and input builder live on the scoring server;
editing this copy changes nothing except your own understanding.
"""

import jax, jax.numpy as jnp
import numpy as np

VOCAB = 100000
EMBED_DIM = 128
BATCH = 1024
SEQ_LEN = 200
PADDING_IDX = 0


def setup_inputs(seed: int = 0) -> dict:
    key = jax.random.key(seed)
    k1, k2 = jax.random.split(key)
    input_ids = jax.random.randint(k1, (BATCH, SEQ_LEN), 0, VOCAB, dtype=jnp.int64 if jax.config.jax_enable_x64 else jnp.int32).astype(jnp.int32)
    attention_mask = jnp.ones((BATCH, SEQ_LEN), dtype=jnp.float32)
    table = jax.random.normal(k2, (VOCAB, EMBED_DIM), dtype=jnp.float32)
    return {"input_ids": input_ids, "attention_mask": attention_mask, "table": table}


def reference(input_ids, attention_mask, table):
    # nn.Embedding with padding_idx=0: row 0 maps to zeros
    tbl = table.at[PADDING_IDX].set(0.0)
    # embedding gather [B, L] -> [B, L, D]
    emb = jnp.take(tbl, input_ids, axis=0)
    # dropout_layer: identity in eval mode
    # apply_attention_mask: zero out padded positions
    mask_expanded = attention_mask[..., None].astype(jnp.float32)
    emb = emb * mask_expanded
    return emb

if __name__ == "__main__":
    import jax
    _d = setup_inputs()
    print(jax.jit(kernel)(*tuple(_d.values())))

</pallas_src>

<mosaic_0001>
#map = affine_map<(d0, d1) -> (0, 0)>
#map1 = affine_map<(d0, d1) -> (0)>
module attributes {stable_mosaic.version = 14 : i64} {
  func.func @body(%arg0: i32, %arg1: i32, %arg2: memref<100000x128xf32, #tpu.memory_space<hbm>>, %arg3: memref<204800xi32, #tpu.memory_space<hbm>>, %arg4: memref<204800xf32, #tpu.memory_space<hbm>>, %arg5: memref<204800x128xf32, #tpu.memory_space<hbm>>, %arg6: memref<6400xi32, #tpu.memory_space<vmem>>, %arg7: memref<6400xf32, #tpu.memory_space<vmem>>, %arg8: memref<128x128xf32, #tpu.memory_space<vmem>>, %arg9: memref<128x128xf32, #tpu.memory_space<vmem>>, %arg10: memref<128x128xf32, #tpu.memory_space<vmem>>, %arg11: memref<128x128xf32, #tpu.memory_space<vmem>>, %arg12: memref<128x128xf32, #tpu.memory_space<vmem>>, %arg13: memref<!tpu.dma_semaphore, #tpu.memory_space<semaphore_mem>>, %arg14: memref<!tpu.dma_semaphore, #tpu.memory_space<semaphore_mem>>, %arg15: memref<!tpu.dma_semaphore, #tpu.memory_space<semaphore_mem>>, %arg16: memref<!tpu.dma_semaphore, #tpu.memory_space<semaphore_mem>>, %arg17: memref<!tpu.dma_semaphore, #tpu.memory_space<semaphore_mem>>, %arg18: memref<!tpu.dma_semaphore, #tpu.memory_space<semaphore_mem>>, %arg19: memref<!tpu.dma_semaphore, #tpu.memory_space<semaphore_mem>>, %arg20: memref<!tpu.dma_semaphore, #tpu.memory_space<semaphore_mem>>, %arg21: memref<!tpu.dma_semaphore, #tpu.memory_space<semaphore_mem>>, %arg22: memref<!tpu.dma_semaphore, #tpu.memory_space<semaphore_mem>>) attributes {dimension_semantics = [#tpu.dimension_semantics<core_parallel>, #tpu.dimension_semantics<subcore_parallel>], iteration_bounds = array<i64: 2, 16>, scalar_prefetch = 0 : i64, scratch_operands = 17 : i64, tpu.core_type = #tpu.core_type<sc_vector_subcore>, window_params = [{transform_indices = #map}, {transform_indices = #map1}, {transform_indices = #map1}, {transform_indices = #map}]} {
    %mul3A = arith.constant 16 : i32
    %mul3A_0 = arith.muli %arg0, %mul3A : i32
    %add3A = arith.addi %mul3A_0, %arg1 : i32
    %mul3A_1 = arith.constant 6400 : i32
    %mul3A_2 = arith.muli %add3A, %mul3A_1 : i32
    "tpu.region"() ({
      %run_scoped3A = tpu.sem_alloc : memref<!tpu.dma_semaphore, #tpu.memory_space<semaphore_mem>>
      %dma_start3A_55 = tpu.memref_slice %arg3[%mul3A_2] : memref<204800xi32, #tpu.memory_space<hbm>> -> memref<6400xi32, #tpu.memory_space<hbm>>
      %dma_start3A_56 = tpu.memref_slice %arg3[%mul3A_2] : memref<204800xi32, #tpu.memory_space<hbm>> -> memref<6400xi32, #tpu.memory_space<hbm>>
      tpu.enqueue_dma source(%dma_start3A_56 : memref<6400xi32, #tpu.memory_space<hbm>>) target(%arg6 : memref<6400xi32, #tpu.memory_space<vmem>>) target_semaphore(%run_scoped3A : memref<!tpu.dma_semaphore, #tpu.memory_space<semaphore_mem>>)
      %dma_wait3A_57 = tpu.memref_slice %arg3[%mul3A_2] : memref<204800xi32, #tpu.memory_space<hbm>> -> memref<6400xi32, #tpu.memory_space<hbm>>
      %dma_wait3A_58 = tpu.memref_slice %arg3[%mul3A_2] : memref<204800xi32, #tpu.memory_space<hbm>> -> memref<6400xi32, #tpu.memory_space<hbm>>
      tpu.wait_dma2 semaphore(%run_scoped3A : memref<!tpu.dma_semaphore, #tpu.memory_space<semaphore_mem>>) src(%dma_wait3A_58 : memref<6400xi32, #tpu.memory_space<hbm>>) dst(%arg6 : memref<6400xi32, #tpu.memory_space<vmem>>)
      tpu.yield
    }) : () -> ()
    "tpu.region"() ({
      %run_scoped3A = tpu.sem_alloc : memref<!tpu.dma_semaphore, #tpu.memory_space<semaphore_mem>>
      %dma_start3A_55 = tpu.memref_slice %arg4[%mul3A_2] : memref<204800xf32, #tpu.memory_space<hbm>> -> memref<6400xf32, #tpu.memory_space<hbm>>
      %dma_start3A_56 = tpu.memref_slice %arg4[%mul3A_2] : memref<204800xf32, #tpu.memory_space<hbm>> -> memref<6400xf32, #tpu.memory_space<hbm>>
      tpu.enqueue_dma source(%dma_start3A_56 : memref<6400xf32, #tpu.memory_space<hbm>>) target(%arg7 : memref<6400xf32, #tpu.memory_space<vmem>>) target_semaphore(%run_scoped3A : memref<!tpu.dma_semaphore, #tpu.memory_space<semaphore_mem>>)
      %dma_wait3A_57 = tpu.memref_slice %arg4[%mul3A_2] : memref<204800xf32, #tpu.memory_space<hbm>> -> memref<6400xf32, #tpu.memory_space<hbm>>
      %dma_wait3A_58 = tpu.memref_slice %arg4[%mul3A_2] : memref<204800xf32, #tpu.memory_space<hbm>> -> memref<6400xf32, #tpu.memory_space<hbm>>
      tpu.wait_dma2 semaphore(%run_scoped3A : memref<!tpu.dma_semaphore, #tpu.memory_space<semaphore_mem>>) src(%dma_wait3A_58 : memref<6400xf32, #tpu.memory_space<hbm>>) dst(%arg7 : memref<6400xf32, #tpu.memory_space<vmem>>)
      tpu.yield
    }) : () -> ()
    %dma_start3A = arith.constant 0 : i32
    %dma_start3A_3 = tpu.memref_slice %arg6[%dma_start3A] : memref<6400xi32, #tpu.memory_space<vmem>> -> memref<128xi32, #tpu.memory_space<vmem>>
    %dma_start3A_4 = arith.constant 0 : i32
    %dma_start3A_5 = arith.constant 0 : i32
    %dma_start3A_6 = tpu.memref_slice %arg2[%dma_start3A_4, %dma_start3A_5] : memref<100000x128xf32, #tpu.memory_space<hbm>> -> memref<100000x128xf32, #tpu.memory_space<hbm>>
    tpu.enqueue_indirect_dma source(%dma_start3A_6 : memref<100000x128xf32, #tpu.memory_space<hbm>>) target(%arg8 : memref<128x128xf32, #tpu.memory_space<vmem>>) offsets(%dma_start3A_3 : memref<128xi32, #tpu.memory_space<vmem>>) semaphore(%arg13 : memref<!tpu.dma_semaphore, #tpu.memory_space<semaphore_mem>>)
    %dma_start3A_7 = arith.constant 128 : i32
    %dma_start3A_8 = tpu.memref_slice %arg6[%dma_start3A_7] : memref<6400xi32, #tpu.memory_space<vmem>> -> memref<128xi32, #tpu.memory_space<vmem>>
    %dma_start3A_9 = arith.constant 0 : i32
    %dma_start3A_10 = arith.constant 0 : i32
    %dma_start3A_11 = tpu.memref_slice %arg2[%dma_start3A_9, %dma_start3A_10] : memref<100000x128xf32, #tpu.memory_space<hbm>> -> memref<100000x128xf32, #tpu.memory_space<hbm>>
    tpu.enqueue_indirect_dma source(%dma_start3A_11 : memref<100000x128xf32, #tpu.memory_space<hbm>>) target(%arg9 : memref<128x128xf32, #tpu.memory_space<vmem>>) offsets(%dma_start3A_8 : memref<128xi32, #tpu.memory_space<vmem>>) semaphore(%arg14 : memref<!tpu.dma_semaphore, #tpu.memory_space<semaphore_mem>>)
    %dma_start3A_12 = arith.constant 256 : i32
    %dma_start3A_13 = tpu.memref_slice %arg6[%dma_start3A_12] : memref<6400xi32, #tpu.memory_space<vmem>> -> memref<128xi32, #tpu.memory_space<vmem>>
    %dma_start3A_14 = arith.constant 0 : i32
    %dma_start3A_15 = arith.constant 0 : i32
    %dma_start3A_16 = tpu.memref_slice %arg2[%dma_start3A_14, %dma_start3A_15] : memref<100000x128xf32, #tpu.memory_space<hbm>> -> memref<100000x128xf32, #tpu.memory_space<hbm>>
    tpu.enqueue_indirect_dma source(%dma_start3A_16 : memref<100000x128xf32, #tpu.memory_space<hbm>>) target(%arg10 : memref<128x128xf32, #tpu.memory_space<vmem>>) offsets(%dma_start3A_13 : memref<128xi32, #tpu.memory_space<vmem>>) semaphore(%arg15 : memref<!tpu.dma_semaphore, #tpu.memory_space<semaphore_mem>>)
    %dma_start3A_17 = arith.constant 384 : i32
    %dma_start3A_18 = tpu.memref_slice %arg6[%dma_start3A_17] : memref<6400xi32, #tpu.memory_space<vmem>> -> memref<128xi32, #tpu.memory_space<vmem>>
    %dma_start3A_19 = arith.constant 0 : i32
    %dma_start3A_20 = arith.constant 0 : i32
    %dma_start3A_21 = tpu.memref_slice %arg2[%dma_start3A_19, %dma_start3A_20] : memref<100000x128xf32, #tpu.memory_space<hbm>> -> memref<100000x128xf32, #tpu.memory_space<hbm>>
    tpu.enqueue_indirect_dma source(%dma_start3A_21 : memref<100000x128xf32, #tpu.memory_space<hbm>>) target(%arg11 : memref<128x128xf32, #tpu.memory_space<vmem>>) offsets(%dma_start3A_18 : memref<128xi32, #tpu.memory_space<vmem>>) semaphore(%arg16 : memref<!tpu.dma_semaphore, #tpu.memory_space<semaphore_mem>>)
    %scan3A = arith.constant 0 : i32
    %scan3A_22 = arith.constant 10 : i32
    %scan3A_23 = arith.addi %scan3A, %scan3A_22 : i32
    %scan3A_24 = arith.constant 1 : i32
    scf.for %scan3A_55 = %scan3A to %scan3A_23 step %scan3A_24  : i32 {
      %mul3A_56 = arith.constant 5 : i32
      %mul3A_57 = arith.muli %scan3A_55, %mul3A_56 : i32
      %add3A_58 = arith.constant 0 : i32
      %add3A_59 = arith.addi %add3A_58, %mul3A_57 : i32
      %add3A_60 = arith.constant 0 : i32
      %add3A_61 = arith.addi %add3A_59, %add3A_60 : i32
      %add3A_62 = arith.constant 5 : i32
      %add3A_63 = arith.addi %add3A_61, %add3A_62 : i32
      %sub3A = arith.constant 1 : i32
      %sub3A_64 = arith.subi %add3A_63, %sub3A : i32
      %lt3A = arith.constant 50 : i32
      %lt3A_65 = arith.cmpi slt, %sub3A_64, %lt3A : i32
      %convert_element_type3A = arith.extui %lt3A_65 : i1 to i32
      %cond3A = arith.constant 0 : i32
      %cond3A_66 = arith.cmpi ne, %convert_element_type3A, %cond3A : i32
      scf.if %cond3A_66 {
        %ge3A = arith.constant 1 : i32
        %ge3A_860 = arith.cmpi sge, %add3A_61, %ge3A : i32
        %convert_element_type3A_861 = arith.extui %ge3A_860 : i1 to i32
        %cond3A_862 = arith.constant 0 : i32
        %cond3A_863 = arith.cmpi ne, %convert_element_type3A_861, %cond3A_862 : i32
        scf.if %cond3A_863 {
          %sub3A_874 = arith.constant 1 : i32
          %sub3A_875 = arith.subi %add3A_61, %sub3A_874 : i32
          %mul3A_876 = arith.constant 128 : i32
          %mul3A_877 = arith.muli %sub3A_875, %mul3A_876 : i32
          %add3A_878 = arith.addi %mul3A_2, %mul3A_877 : i32
          %dma_wait3A_879 = arith.constant 0 : i32
          %dma_wait3A_880 = tpu.memref_slice %arg5[%add3A_878, %dma_wait3A_879] : memref<204800x128xf32, #tpu.memory_space<hbm>> -> memref<128x128xf32, #tpu.memory_space<hbm>>
          %dma_wait3A_881 = arith.constant 0 : i32
          %dma_wait3A_882 = tpu.memref_slice %arg5[%add3A_878, %dma_wait3A_881] : memref<204800x128xf32, #tpu.memory_space<hbm>> -> memref<128x128xf32, #tpu.memory_space<hbm>>
          tpu.wait_dma2 semaphore(%arg22 : memref<!tpu.dma_semaphore, #tpu.memory_space<semaphore_mem>>) src(%arg12 : memref<128x128xf32, #tpu.memory_space<vmem>>) dst(%dma_wait3A_882 : memref<128x128xf32, #tpu.memory_space<hbm>>)
        } else {
        }
        %add3A_864 = arith.constant 5 : i32
        %add3A_865 = arith.addi %add3A_61, %add3A_864 : i32
        %sub3A_866 = arith.constant 1 : i32
        %sub3A_867 = arith.subi %add3A_865, %sub3A_866 : i32
        %mul3A_868 = arith.constant 128 : i32
        %mul3A_869 = arith.muli %sub3A_867, %mul3A_868 : i32
        %dma_start3A_870 = tpu.memref_slice %arg6[%mul3A_869] : memref<6400xi32, #tpu.memory_space<vmem>> -> memref<128xi32, #tpu.memory_space<vmem>>
        %dma_start3A_871 = arith.constant 0 : i32
        %dma_start3A_872 = arith.constant 0 : i32
        %dma_start3A_873 = tpu.memref_slice %arg2[%dma_start3A_871, %dma_start3A_872] : memref<100000x128xf32, #tpu.memory_space<hbm>> -> memref<100000x128xf32, #tpu.memory_space<hbm>>
        tpu.enqueue_indirect_dma source(%dma_start3A_873 : memref<100000x128xf32, #tpu.memory_space<hbm>>) target(%arg12 : memref<128x128xf32, #tpu.memory_space<vmem>>) offsets(%dma_start3A_870 : memref<128xi32, #tpu.memory_space<vmem>>) semaphore(%arg17 : memref<!tpu.dma_semaphore, #tpu.memory_space<semaphore_mem>>)
      } else {
      }
      %mul3A_67 = arith.constant 128 : i32
      %mul3A_68 = arith.muli %add3A_61, %mul3A_67 : i32
      %dma_wait3A_69 = tpu.memref_slice %arg6[%mul3A_68] : memref<6400xi32, #tpu.memory_space<vmem>> -> memref<128xi32, #tpu.memory_space<vmem>>
      %dma_wait3A_70 = arith.constant 0 : i32
      %dma_wait3A_71 = arith.constant 0 : i32
      %dma_wait3A_72 = tpu.memref_slice %arg2[%dma_wait3A_70, %dma_wait3A_71] : memref<100000x128xf32, #tpu.memory_space<hbm>> -> memref<100000x128xf32, #tpu.memory_space<hbm>>
      tpu.wait_indirect_dma semaphore(%arg13 : memref<!tpu.dma_semaphore, #tpu.memory_space<semaphore_mem>>) src(%dma_wait3A_72 : memref<100000x128xf32, #tpu.memory_space<hbm>>) dst(%arg8 : memref<128x128xf32, #tpu.memory_space<vmem>>)
      %mul3A_73 = arith.constant 128 : i32
      %mul3A_74 = arith.muli %add3A_61, %mul3A_73 : i32
      %mul3A_75 = arith.constant 128 : i32
      %mul3A_76 = arith.muli %add3A_61, %mul3A_75 : i32
      %get3A = tpu.memref_slice %arg6[%mul3A_74] : memref<6400xi32, #tpu.memory_space<vmem>> -> memref<128xi32, #tpu.memory_space<vmem>>
      %get3A_77 = arith.constant 0 : index
      %get3A_78 = tpu.vector_load %get3A[%get3A_77] {strides = array<i32>} : memref<128xi32, #tpu.memory_space<vmem>>, vector<16xi32>,
      %get3A_79 = tpu.memref_slice %arg7[%mul3A_76] : memref<6400xf32, #tpu.memory_space<vmem>> -> memref<128xf32, #tpu.memory_space<vmem>>
      %get3A_80 = arith.constant 0 : index
      %get3A_81 = tpu.vector_load %get3A_79[%get3A_80] {strides = array<i32>} : memref<128xf32, #tpu.memory_space<vmem>>, vector<16xf32>,
      %eq3A = arith.constant 0 : i32
      %eq3A_82 = vector.broadcast %eq3A : i32 to vector<16xi32>
      %eq3A_83 = arith.cmpi eq, %get3A_78, %eq3A_82 : vector<16xi32>
      %jit3A = arith.constant 0.000000e+00 : f32
      %broadcast_in_dim3A = vector.broadcast %jit3A : f32 to vector<16xf32>
      %select_n3A = arith.select %eq3A_83, %broadcast_in_dim3A, %get3A_81 : vector<16xi1>, vector<16xf32>
      %ne3A = arith.constant 1.000000e+00 : f32
      %ne3A_84 = vector.broadcast %ne3A : f32 to vector<16xf32>
      %ne3A_85 = arith.cmpf one, %select_n3A, %ne3A_84 : vector<16xf32>
      %get3A_86 = tpu.memref_slice %arg6[%mul3A_74] : memref<6400xi32, #tpu.memory_space<vmem>> -> memref<128xi32, #tpu.memory_space<vmem>>
      %get3A_87 = arith.constant 16 : index
      %get3A_88 = tpu.vector_load %get3A_86[%get3A_87] {strides = array<i32>} : memref<128xi32, #tpu.memory_space<vmem>>, vector<16xi32>,
      %get3A_89 = tpu.memref_slice %arg7[%mul3A_76] : memref<6400xf32, #tpu.memory_space<vmem>> -> memref<128xf32, #tpu.memory_space<vmem>>
      %get3A_90 = arith.constant 16 : index
      %get3A_91 = tpu.vector_load %get3A_89[%get3A_90] {strides = array<i32>} : memref<128xf32, #tpu.memory_space<vmem>>, vector<16xf32>,
      %eq3A_92 = arith.constant 0 : i32
      %eq3A_93 = vector.broadcast %eq3A_92 : i32 to vector<16xi32>
      %eq3A_94 = arith.cmpi eq, %get3A_88, %eq3A_93 : vector<16xi32>
      %jit3A_95 = arith.constant 0.000000e+00 : f32
      %broadcast_in_dim3A_96 = vector.broadcast %jit3A_95 : f32 to vector<16xf32>
      %select_n3A_97 = arith.select %eq3A_94, %broadcast_in_dim3A_96, %get3A_91 : vector<16xi1>, vector<16xf32>
      %ne3A_98 = arith.constant 1.000000e+00 : f32
      %ne3A_99 = vector.broadcast %ne3A_98 : f32 to vector<16xf32>
      %ne3A_100 = arith.cmpf one, %select_n3A_97, %ne3A_99 : vector<16xf32>
      %or3A = arith.ori %ne3A_85, %ne3A_100 : vector<16xi1>
      %get3A_101 = tpu.memref_slice %arg6[%mul3A_74] : memref<6400xi32, #tpu.memory_space<vmem>> -> memref<128xi32, #tpu.memory_space<vmem>>
      %get3A_102 = arith.constant 32 : index
      %get3A_103 = tpu.vector_load %get3A_101[%get3A_102] {strides = array<i32>} : memref<128xi32, #tpu.memory_space<vmem>>, vector<16xi32>,
      %get3A_104 = tpu.memref_slice %arg7[%mul3A_76] : memref<6400xf32, #tpu.memory_space<vmem>> -> memref<128xf32, #tpu.memory_space<vmem>>
      %get3A_105 = arith.constant 32 : index
      %get3A_106 = tpu.vector_load %get3A_104[%get3A_105] {strides = array<i32>} : memref<128xf32, #tpu.memory_space<vmem>>, vector<16xf32>,
      %eq3A_107 = arith.constant 0 : i32
      %eq3A_108 = vector.broadcast %eq3A_107 : i32 to vector<16xi32>
      %eq3A_109 = arith.cmpi eq, %get3A_103, %eq3A_108 : vector<16xi32>
      %jit3A_110 = arith.constant 0.000000e+00 : f32
      %broadcast_in_dim3A_111 = vector.broadcast %jit3A_110 : f32 to vector<16xf32>
      %select_n3A_112 = arith.select %eq3A_109, %broadcast_in_dim3A_111, %get3A_106 : vector<16xi1>, vector<16xf32>
      %ne3A_113 = arith.constant 1.000000e+00 : f32
      %ne3A_114 = vector.broadcast %ne3A_113 : f32 to vector<16xf32>
      %ne3A_115 = arith.cmpf one, %select_n3A_112, %ne3A_114 : vector<16xf32>
      %or3A_116 = arith.ori %or3A, %ne3A_115 : vector<16xi1>
      %get3A_117 = tpu.memref_slice %arg6[%mul3A_74] : memref<6400xi32, #tpu.memory_space<vmem>> -> memref<128xi32, #tpu.memory_space<vmem>>
      %get3A_118 = arith.constant 48 : index
      %get3A_119 = tpu.vector_load %get3A_117[%get3A_118] {strides = array<i32>} : memref<128xi32, #tpu.memory_space<vmem>>, vector<16xi32>,
      %get3A_120 = tpu.memref_slice %arg7[%mul3A_76] : memref<6400xf32, #tpu.memory_space<vmem>> -> memref<128xf32, #tpu.memory_space<vmem>>
      %get3A_121 = arith.constant 48 : index
      %get3A_122 = tpu.vector_load %get3A_120[%get3A_121] {strides = array<i32>} : memref<128xf32, #tpu.memory_space<vmem>>, vector<16xf32>,
      %eq3A_123 = arith.constant 0 : i32
      %eq3A_124 = vector.broadcast %eq3A_123 : i32 to vector<16xi32>
      %eq3A_125 = arith.cmpi eq, %get3A_119, %eq3A_124 : vector<16xi32>
      %jit3A_126 = arith.constant 0.000000e+00 : f32
      %broadcast_in_dim3A_127 = vector.broadcast %jit3A_126 : f32 to vector<16xf32>
      %select_n3A_128 = arith.select %eq3A_125, %broadcast_in_dim3A_127, %get3A_122 : vector<16xi1>, vector<16xf32>
      %ne3A_129 = arith.constant 1.000000e+00 : f32
      %ne3A_130 = vector.broadcast %ne3A_129 : f32 to vector<16xf32>
      %ne3A_131 = arith.cmpf one, %select_n3A_128, %ne3A_130 : vector<16xf32>
      %or3A_132 = arith.ori %or3A_116, %ne3A_131 : vector<16xi1>
      %get3A_133 = tpu.memref_slice %arg6[%mul3A_74] : memref<6400xi32, #tpu.memory_space<vmem>> -> memref<128xi32, #tpu.memory_space<vmem>>
      %get3A_134 = arith.constant 64 : index
      %get3A_135 = tpu.vector_load %get3A_133[%get3A_134] {strides = array<i32>} : memref<128xi32, #tpu.memory_space<vmem>>, vector<16xi32>,
      %get3A_136 = tpu.memref_slice %arg7[%mul3A_76] : memref<6400xf32, #tpu.memory_space<vmem>> -> memref<128xf32, #tpu.memory_space<vmem>>
      %get3A_137 = arith.constant 64 : index
      %get3A_138 = tpu.vector_load %get3A_136[%get3A_137] {strides = array<i32>} : memref<128xf32, #tpu.memory_space<vmem>>, vector<16xf32>,
      %eq3A_139 = arith.constant 0 : i32
      %eq3A_140 = vector.broadcast %eq3A_139 : i32 to vector<16xi32>
      %eq3A_141 = arith.cmpi eq, %get3A_135, %eq3A_140 : vector<16xi32>
      %jit3A_142 = arith.constant 0.000000e+00 : f32
      %broadcast_in_dim3A_143 = vector.broadcast %jit3A_142 : f32 to vector<16xf32>
      %select_n3A_144 = arith.select %eq3A_141, %broadcast_in_dim3A_143, %get3A_138 : vector<16xi1>, vector<16xf32>
      %ne3A_145 = arith.constant 1.000000e+00 : f32
      %ne3A_146 = vector.broadcast %ne3A_145 : f32 to vector<16xf32>
      %ne3A_147 = arith.cmpf one, %select_n3A_144, %ne3A_146 : vector<16xf32>
      %or3A_148 = arith.ori %or3A_132, %ne3A_147 : vector<16xi1>
      %get3A_149 = tpu.memref_slice %arg6[%mul3A_74] : memref<6400xi32, #tpu.memory_space<vmem>> -> memref<128xi32, #tpu.memory_space<vmem>>
      %get3A_150 = arith.constant 80 : index
      %get3A_151 = tpu.vector_load %get3A_149[%get3A_150] {strides = array<i32>} : memref<128xi32, #tpu.memory_space<vmem>>, vector<16xi32>,
      %get3A_152 = tpu.memref_slice %arg7[%mul3A_76] : memref<6400xf32, #tpu.memory_space<vmem>> -> memref<128xf32, #tpu.memory_space<vmem>>
      %get3A_153 = arith.constant 80 : index
      %get3A_154 = tpu.vector_load %get3A_152[%get3A_153] {strides = array<i32>} : memref<128xf32, #tpu.memory_space<vmem>>, vector<16xf32>,
      %eq3A_155 = arith.constant 0 : i32
      %eq3A_156 = vector.broadcast %eq3A_155 : i32 to vector<16xi32>
      %eq3A_157 = arith.cmpi eq, %get3A_151, %eq3A_156 : vector<16xi32>
      %jit3A_158 = arith.constant 0.000000e+00 : f32
      %broadcast_in_dim3A_159 = vector.broadcast %jit3A_158 : f32 to vector<16xf32>
      %select_n3A_160 = arith.select %eq3A_157, %broadcast_in_dim3A_159, %get3A_154 : vector<16xi1>, vector<16xf32>
      %ne3A_161 = arith.constant 1.000000e+00 : f32
      %ne3A_162 = vector.broadcast %ne3A_161 : f32 to vector<16xf32>
      %ne3A_163 = arith.cmpf one, %select_n3A_160, %ne3A_162 : vector<16xf32>
      %or3A_164 = arith.ori %or3A_148, %ne3A_163 : vector<16xi1>
      %get3A_165 = tpu.memref_slice %arg6[%mul3A_74] : memref<6400xi32, #tpu.memory_space<vmem>> -> memref<128xi32, #tpu.memory_space<vmem>>
      %get3A_166 = arith.constant 96 : index
      %get3A_167 = tpu.vector_load %get3A_165[%get3A_166] {strides = array<i32>} : memref<128xi32, #tpu.memory_space<vmem>>, vector<16xi32>,
      %get3A_168 = tpu.memref_slice %arg7[%mul3A_76] : memref<6400xf32, #tpu.memory_space<vmem>> -> memref<128xf32, #tpu.memory_space<vmem>>
      %get3A_169 = arith.constant 96 : index
      %get3A_170 = tpu.vector_load %get3A_168[%get3A_169] {strides = array<i32>} : memref<128xf32, #tpu.memory_space<vmem>>, vector<16xf32>,
      %eq3A_171 = arith.constant 0 : i32
      %eq3A_172 = vector.broadcast %eq3A_171 : i32 to vector<16xi32>
      %eq3A_173 = arith.cmpi eq, %get3A_167, %eq3A_172 : vector<16xi32>
      %jit3A_174 = arith.constant 0.000000e+00 : f32
      %broadcast_in_dim3A_175 = vector.broadcast %jit3A_174 : f32 to vector<16xf32>
      %select_n3A_176 = arith.select %eq3A_173, %broadcast_in_dim3A_175, %get3A_170 : vector<16xi1>, vector<16xf32>
      %ne3A_177 = arith.constant 1.000000e+00 : f32
      %ne3A_178 = vector.broadcast %ne3A_177 : f32 to vector<16xf32>
      %ne3A_179 = arith.cmpf one, %select_n3A_176, %ne3A_178 : vector<16xf32>
      %or3A_180 = arith.ori %or3A_164, %ne3A_179 : vector<16xi1>
      %get3A_181 = tpu.memref_slice %arg6[%mul3A_74] : memref<6400xi32, #tpu.memory_space<vmem>> -> memref<128xi32, #tpu.memory_space<vmem>>
      %get3A_182 = arith.constant 112 : index
      %get3A_183 = tpu.vector_load %get3A_181[%get3A_182] {strides = array<i32>} : memref<128xi32, #tpu.memory_space<vmem>>, vector<16xi32>,
      %get3A_184 = tpu.memref_slice %arg7[%mul3A_76] : memref<6400xf32, #tpu.memory_space<vmem>> -> memref<128xf32, #tpu.memory_space<vmem>>
      %get3A_185 = arith.constant 112 : index
      %get3A_186 = tpu.vector_load %get3A_184[%get3A_185] {strides = array<i32>} : memref<128xf32, #tpu.memory_space<vmem>>, vector<16xf32>,
      %eq3A_187 = arith.constant 0 : i32
      %eq3A_188 = vector.broadcast %eq3A_187 : i32 to vector<16xi32>
      %eq3A_189 = arith.cmpi eq, %get3A_183, %eq3A_188 : vector<16xi32>
      %jit3A_190 = arith.constant 0.000000e+00 : f32
      %broadcast_in_dim3A_191 = vector.broadcast %jit3A_190 : f32 to vector<16xf32>
      %select_n3A_192 = arith.select %eq3A_189, %broadcast_in_dim3A_191, %get3A_186 : vector<16xi1>, vector<16xf32>
      %ne3A_193 = arith.constant 1.000000e+00 : f32
      %ne3A_194 = vector.broadcast %ne3A_193 : f32 to vector<16xf32>
      %ne3A_195 = arith.cmpf one, %select_n3A_192, %ne3A_194 : vector<16xf32>
      %or3A_196 = arith.ori %or3A_180, %ne3A_195 : vector<16xi1>
      %all_reduce_population_count3A = tpu.all_reduce %or3A_196 {dim = 0 : i64, kind = #tpu.reduction_kind<sum>} : vector<16xi1> -> vector<16xi32>
      %slice3A = vector.extract_strided_slice %all_reduce_population_count3A {offsets = [0], sizes = [1], strides = [1]} : vector<16xi32> to vector<1xi32>
      %squeeze3A = vector.extract %slice3A[0] : i32 from vector<1xi32>
      %gt3A = arith.constant 0 : i32
      %gt3A_197 = arith.cmpi sgt, %squeeze3A, %gt3A : i32
      %convert_element_type3A_198 = arith.extui %gt3A_197 : i1 to i32
      %cond3A_199 = arith.constant 0 : i32
      %cond3A_200 = arith.cmpi ne, %convert_element_type3A_198, %cond3A_199 : i32
      scf.if %cond3A_200 {
        %get3A_860 = tpu.memref_slice %arg6[%mul3A_74] : memref<6400xi32, #tpu.memory_space<vmem>> -> memref<128xi32, #tpu.memory_space<vmem>>
        %get3A_861 = arith.constant 0 : index
        %get3A_862 = tpu.vector_load %get3A_860[%get3A_861] {strides = array<i32>} : memref<128xi32, #tpu.memory_space<vmem>>, vector<16xi32>,
        %get3A_863 = tpu.memref_slice %arg7[%mul3A_76] : memref<6400xf32, #tpu.memory_space<vmem>> -> memref<128xf32, #tpu.memory_space<vmem>>
        %get3A_864 = arith.constant 0 : index
        %get3A_865 = tpu.vector_load %get3A_863[%get3A_864] {strides = array<i32>} : memref<128xf32, #tpu.memory_space<vmem>>, vector<16xf32>,
        %eq3A_866 = arith.constant 0 : i32
        %eq3A_867 = vector.broadcast %eq3A_866 : i32 to vector<16xi32>
        %eq3A_868 = arith.cmpi eq, %get3A_862, %eq3A_867 : vector<16xi32>
        %jit3A_869 = arith.constant 0.000000e+00 : f32
        %broadcast_in_dim3A_870 = vector.broadcast %jit3A_869 : f32 to vector<16xf32>
        %select_n3A_871 = arith.select %eq3A_868, %broadcast_in_dim3A_870, %get3A_865 : vector<16xi1>, vector<16xf32>
        %ne3A_872 = arith.constant 1.000000e+00 : f32
        %ne3A_873 = vector.broadcast %ne3A_872 : f32 to vector<16xf32>
        %ne3A_874 = arith.cmpf one, %select_n3A_871, %ne3A_873 : vector<16xf32>
        %all_reduce_population_count3A_875 = tpu.all_reduce %ne3A_874 {dim = 0 : i64, kind = #tpu.reduction_kind<sum>} : vector<16xi1> -> vector<16xi32>
        %slice3A_876 = vector.extract_strided_slice %all_reduce_population_count3A_875 {offsets = [0], sizes = [1], strides = [1]} : vector<16xi32> to vector<1xi32>
        %squeeze3A_877 = vector.extract %slice3A_876[0] : i32 from vector<1xi32>
        %gt3A_878 = arith.constant 0 : i32
        %gt3A_879 = arith.cmpi sgt, %squeeze3A_877, %gt3A_878 : i32
        %convert_element_type3A_880 = arith.extui %gt3A_879 : i1 to i32
        %cond3A_881 = arith.constant 0 : i32
        %cond3A_882 = arith.cmpi ne, %convert_element_type3A_880, %cond3A_881 : i32
        scf.if %cond3A_882 {
          %iota3A = tpu.iota {dimensions = array<i32: 0>} : vector<16xi32>
          %add3A_1044 = arith.constant 0 : i32
          %add3A_1045 = vector.broadcast %add3A_1044 : i32 to vector<16xi32>
          %add3A_1046 = arith.addi %add3A_1045, %iota3A : vector<16xi32>
          %scan3A_1047 = arith.constant 0 : i32
          %scan3A_1048 = arith.constant 0 : i32
          %scan3A_1049 = arith.constant 128 : i32
          %scan3A_1050 = arith.addi %scan3A_1048, %scan3A_1049 : i32
          %scan3A_1051 = arith.constant 1 : i32
          scf.for %scan3A_1053 = %scan3A_1048 to %scan3A_1050 step %scan3A_1051  : i32 {
            %broadcast_in_dim3A_1054 = vector.broadcast %scan3A_1053 : i32 to vector<16xi32>
            %gather3A = tpu.vector_load_idx %arg8[%add3A_1046, %broadcast_in_dim3A_1054] : memref<128x128xf32, #tpu.memory_space<vmem>>[vector<16xi32>, vector<16xi32>], vector<16xf32>,
            %mul3A_1055 = arith.mulf %gather3A, %select_n3A_871 : vector<16xf32>
            tpu.vector_store_idx %arg8[%add3A_1046, %broadcast_in_dim3A_1054], %mul3A_1055 masked %ne3A_874 : memref<128x128xf32, #tpu.memory_space<vmem>>[vector<16xi32>, vector<16xi32>], vector<16xf32>, vector<16xi1>
          }
          %scan3A_1052 = arith.constant 128 : i32
        } else {
        }
        %get3A_883 = tpu.memref_slice %arg6[%mul3A_74] : memref<6400xi32, #tpu.memory_space<vmem>> -> memref<128xi32, #tpu.memory_space<vmem>>
        %get3A_884 = arith.constant 16 : index
        %get3A_885 = tpu.vector_load %get3A_883[%get3A_884] {strides = array<i32>} : memref<128xi32, #tpu.memory_space<vmem>>, vector<16xi32>,
        %get3A_886 = tpu.memref_slice %arg7[%mul3A_76] : memref<6400xf32, #tpu.memory_space<vmem>> -> memref<128xf32, #tpu.memory_space<vmem>>
        %get3A_887 = arith.constant 16 : index
        %get3A_888 = tpu.vector_load %get3A_886[%get3A_887] {strides = array<i32>} : memref<128xf32, #tpu.memory_space<vmem>>, vector<16xf32>,
        %eq3A_889 = arith.constant 0 : i32
        %eq3A_890 = vector.broadcast %eq3A_889 : i32 to vector<16xi32>
        %eq3A_891 = arith.cmpi eq, %get3A_885, %eq3A_890 : vector<16xi32>
        %jit3A_892 = arith.constant 0.000000e+00 : f32
        %broadcast_in_dim3A_893 = vector.broadcast %jit3A_892 : f32 to vector<16xf32>
        %select_n3A_894 = arith.select %eq3A_891, %broadcast_in_dim3A_893, %get3A_888 : vector<16xi1>, vector<16xf32>
        %ne3A_895 = arith.constant 1.000000e+00 : f32
        %ne3A_896 = vector.broadcast %ne3A_895 : f32 to vector<16xf32>
        %ne3A_897 = arith.cmpf one, %select_n3A_894, %ne3A_896 : vector<16xf32>
        %all_reduce_population_count3A_898 = tpu.all_reduce %ne3A_897 {dim = 0 : i64, kind = #tpu.reduction_kind<sum>} : vector<16xi1> -> vector<16xi32>
        %slice3A_899 = vector.extract_strided_slice %all_reduce_population_count3A_898 {offsets = [0], sizes = [1], strides = [1]} : vector<16xi32> to vector<1xi32>
        %squeeze3A_900 = vector.extract %slice3A_899[0] : i32 from vector<1xi32>
        %gt3A_901 = arith.constant 0 : i32
        %gt3A_902 = arith.cmpi sgt, %squeeze3A_900, %gt3A_901 : i32
        %convert_element_type3A_903 = arith.extui %gt3A_902 : i1 to i32
        %cond3A_904 = arith.constant 0 : i32
        %cond3A_905 = arith.cmpi ne, %convert_element_type3A_903, %cond3A_904 : i32
        scf.if %cond3A_905 {
          %iota3A = tpu.iota {dimensions = array<i32: 0>} : vector<16xi32>
          %add3A_1044 = arith.constant 16 : i32
          %add3A_1045 = vector.broadcast %add3A_1044 : i32 to vector<16xi32>
          %add3A_1046 = arith.addi %add3A_1045, %iota3A : vector<16xi32>
          %scan3A_1047 = arith.constant 0 : i32
          %scan3A_1048 = arith.constant 0 : i32
          %scan3A_1049 = arith.constant 128 : i32
          %scan3A_1050 = arith.addi %scan3A_1048, %scan3A_1049 : i32
          %scan3A_1051 = arith.constant 1 : i32
          scf.for %scan3A_1053 = %scan3A_1048 to %scan3A_1050 step %scan3A_1051  : i32 {
            %broadcast_in_dim3A_1054 = vector.broadcast %scan3A_1053 : i32 to vector<16xi32>
            %gather3A = tpu.vector_load_idx %arg8[%add3A_1046, %broadcast_in_dim3A_1054] : memref<128x128xf32, #tpu.memory_space<vmem>>[vector<16xi32>, vector<16xi32>], vector<16xf32>,
            %mul3A_1055 = arith.mulf %gather3A, %select_n3A_894 : vector<16xf32>
            tpu.vector_store_idx %arg8[%add3A_1046, %broadcast_in_dim3A_1054], %mul3A_1055 masked %ne3A_897 : memref<128x128xf32, #tpu.memory_space<vmem>>[vector<16xi32>, vector<16xi32>], vector<16xf32>, vector<16xi1>
          }
          %scan3A_1052 = arith.constant 128 : i32
        } else {
        }
        %get3A_906 = tpu.memref_slice %arg6[%mul3A_74] : memref<6400xi32, #tpu.memory_space<vmem>> -> memref<128xi32, #tpu.memory_space<vmem>>
        %get3A_907 = arith.constant 32 : index
        %get3A_908 = tpu.vector_load %get3A_906[%get3A_907] {strides = array<i32>} : memref<128xi32, #tpu.memory_space<vmem>>, vector<16xi32>,
        %get3A_909 = tpu.memref_slice %arg7[%mul3A_76] : memref<6400xf32, #tpu.memory_space<vmem>> -> memref<128xf32, #tpu.memory_space<vmem>>
        %get3A_910 = arith.constant 32 : index
        %get3A_911 = tpu.vector_load %get3A_909[%get3A_910] {strides = array<i32>} : memref<128xf32, #tpu.memory_space<vmem>>, vector<16xf32>,
        %eq3A_912 = arith.constant 0 : i32
        %eq3A_913 = vector.broadcast %eq3A_912 : i32 to vector<16xi32>
        %eq3A_914 = arith.cmpi eq, %get3A_908, %eq3A_913 : vector<16xi32>
        %jit3A_915 = arith.constant 0.000000e+00 : f32
        %broadcast_in_dim3A_916 = vector.broadcast %jit3A_915 : f32 to vector<16xf32>
        %select_n3A_917 = arith.select %eq3A_914, %broadcast_in_dim3A_916, %get3A_911 : vector<16xi1>, vector<16xf32>
        %ne3A_918 = arith.constant 1.000000e+00 : f32
        %ne3A_919 = vector.broadcast %ne3A_918 : f32 to vector<16xf32>
        %ne3A_920 = arith.cmpf one, %select_n3A_917, %ne3A_919 : vector<16xf32>
        %all_reduce_population_count3A_921 = tpu.all_reduce %ne3A_920 {dim = 0 : i64, kind = #tpu.reduction_kind<sum>} : vector<16xi1> -> vector<16xi32>
        %slice3A_922 = vector.extract_strided_slice %all_reduce_population_count3A_921 {offsets = [0], sizes = [1], strides = [1]} : vector<16xi32> to vector<1xi32>
        %squeeze3A_923 = vector.extract %slice3A_922[0] : i32 from vector<1xi32>
        %gt3A_924 = arith.constant 0 : i32
        %gt3A_925 = arith.cmpi sgt, %squeeze3A_923, %gt3A_924 : i32
        %convert_element_type3A_926 = arith.extui %gt3A_925 : i1 to i32
        %cond3A_927 = arith.constant 0 : i32
        %cond3A_928 = arith.cmpi ne, %convert_element_type3A_926, %cond3A_927 : i32
        scf.if %cond3A_928 {
          %iota3A = tpu.iota {dimensions = array<i32: 0>} : vector<16xi32>
          %add3A_1044 = arith.constant 32 : i32
          %add3A_1045 = vector.broadcast %add3A_1044 : i32 to vector<16xi32>
          %add3A_1046 = arith.addi %add3A_1045, %iota3A : vector<16xi32>
          %scan3A_1047 = arith.constant 0 : i32
          %scan3A_1048 = arith.constant 0 : i32
          %scan3A_1049 = arith.constant 128 : i32
          %scan3A_1050 = arith.addi %scan3A_1048, %scan3A_1049 : i32
          %scan3A_1051 = arith.constant 1 : i32
          scf.for %scan3A_1053 = %scan3A_1048 to %scan3A_1050 step %scan3A_1051  : i32 {
            %broadcast_in_dim3A_1054 = vector.broadcast %scan3A_1053 : i32 to vector<16xi32>
            %gather3A = tpu.vector_load_idx %arg8[%add3A_1046, %broadcast_in_dim3A_1054] : memref<128x128xf32, #tpu.memory_space<vmem>>[vector<16xi32>, vector<16xi32>], vector<16xf32>,
            %mul3A_1055 = arith.mulf %gather3A, %select_n3A_917 : vector<16xf32>
            tpu.vector_store_idx %arg8[%add3A_1046, %broadcast_in_dim3A_1054], %mul3A_1055 masked %ne3A_920 : memref<128x128xf32, #tpu.memory_space<vmem>>[vector<16xi32>, vector<16xi32>], vector<16xf32>, vector<16xi1>
          }
          %scan3A_1052 = arith.constant 128 : i32
        } else {
        }
        %get3A_929 = tpu.memref_slice %arg6[%mul3A_74] : memref<6400xi32, #tpu.memory_space<vmem>> -> memref<128xi32, #tpu.memory_space<vmem>>
        %get3A_930 = arith.constant 48 : index
        %get3A_931 = tpu.vector_load %get3A_929[%get3A_930] {strides = array<i32>} : memref<128xi32, #tpu.memory_space<vmem>>, vector<16xi32>,
        %get3A_932 = tpu.memref_slice %arg7[%mul3A_76] : memref<6400xf32, #tpu.memory_space<vmem>> -> memref<128xf32, #tpu.memory_space<vmem>>
        %get3A_933 = arith.constant 48 : index
        %get3A_934 = tpu.vector_load %get3A_932[%get3A_933] {strides = array<i32>} : memref<128xf32, #tpu.memory_space<vmem>>, vector<16xf32>,
        %eq3A_935 = arith.constant 0 : i32
        %eq3A_936 = vector.broadcast %eq3A_935 : i32 to vector<16xi32>
        %eq3A_937 = arith.cmpi eq, %get3A_931, %eq3A_936 : vector<16xi32>
        %jit3A_938 = arith.constant 0.000000e+00 : f32
        %broadcast_in_dim3A_939 = vector.broadcast %jit3A_938 : f32 to vector<16xf32>
        %select_n3A_940 = arith.select %eq3A_937, %broadcast_in_dim3A_939, %get3A_934 : vector<16xi1>, vector<16xf32>
        %ne3A_941 = arith.constant 1.000000e+00 : f32
        %ne3A_942 = vector.broadcast %ne3A_941 : f32 to vector<16xf32>
        %ne3A_943 = arith.cmpf one, %select_n3A_940, %ne3A_942 : vector<16xf32>
        %all_reduce_population_count3A_944 = tpu.all_reduce %ne3A_943 {dim = 0 : i64, kind = #tpu.reduction_kind<sum>} : vector<16xi1> -> vector<16xi32>
        %slice3A_945 = vector.extract_strided_slice %all_reduce_population_count3A_944 {offsets = [0], sizes = [1], strides = [1]} : vector<16xi32> to vector<1xi32>
        %squeeze3A_946 = vector.extract %slice3A_945[0] : i32 from vector<1xi32>
        %gt3A_947 = arith.constant 0 : i32
        %gt3A_948 = arith.cmpi sgt, %squeeze3A_946, %gt3A_947 : i32
        %convert_element_type3A_949 = arith.extui %gt3A_948 : i1 to i32
        %cond3A_950 = arith.constant 0 : i32
        %cond3A_951 = arith.cmpi ne, %convert_element_type3A_949, %cond3A_950 : i32
        scf.if %cond3A_951 {
          %iota3A = tpu.iota {dimensions = array<i32: 0>} : vector<16xi32>
          %add3A_1044 = arith.constant 48 : i32
          %add3A_1045 = vector.broadcast %add3A_1044 : i32 to vector<16xi32>
          %add3A_1046 = arith.addi %add3A_1045, %iota3A : vector<16xi32>
          %scan3A_1047 = arith.constant 0 : i32
          %scan3A_1048 = arith.constant 0 : i32
          %scan3A_1049 = arith.constant 128 : i32
          %scan3A_1050 = arith.addi %scan3A_1048, %scan3A_1049 : i32
          %scan3A_1051 = arith.constant 1 : i32
          scf.for %scan3A_1053 = %scan3A_1048 to %scan3A_1050 step %scan3A_1051  : i32 {
            %broadcast_in_dim3A_1054 = vector.broadcast %scan3A_1053 : i32 to vector<16xi32>
            %gather3A = tpu.vector_load_idx %arg8[%add3A_1046, %broadcast_in_dim3A_1054] : memref<128x128xf32, #tpu.memory_space<vmem>>[vector<16xi32>, vector<16xi32>], vector<16xf32>,
            %mul3A_1055 = arith.mulf %gather3A, %select_n3A_940 : vector<16xf32>
            tpu.vector_store_idx %arg8[%add3A_1046, %broadcast_in_dim3A_1054], %mul3A_1055 masked %ne3A_943 : memref<128x128xf32, #tpu.memory_space<vmem>>[vector<16xi32>, vector<16xi32>], vector<16xf32>, vector<16xi1>
          }
          %scan3A_1052 = arith.constant 128 : i32
        } else {
        }
        %get3A_952 = tpu.memref_slice %arg6[%mul3A_74] : memref<6400xi32, #tpu.memory_space<vmem>> -> memref<128xi32, #tpu.memory_space<vmem>>
        %get3A_953 = arith.constant 64 : index
        %get3A_954 = tpu.vector_load %get3A_952[%get3A_953] {strides = array<i32>} : memref<128xi32, #tpu.memory_space<vmem>>, vector<16xi32>,
        %get3A_955 = tpu.memref_slice %arg7[%mul3A_76] : memref<6400xf32, #tpu.memory_space<vmem>> -> memref<128xf32, #tpu.memory_space<vmem>>
        %get3A_956 = arith.constant 64 : index
        %get3A_957 = tpu.vector_load %get3A_955[%get3A_956] {strides = array<i32>} : memref<128xf32, #tpu.memory_space<vmem>>, vector<16xf32>,
        %eq3A_958 = arith.constant 0 : i32
        %eq3A_959 = vector.broadcast %eq3A_958 : i32 to vector<16xi32>
        %eq3A_960 = arith.cmpi eq, %get3A_954, %eq3A_959 : vector<16xi32>
        %jit3A_961 = arith.constant 0.000000e+00 : f32
        %broadcast_in_dim3A_962 = vector.broadcast %jit3A_961 : f32 to vector<16xf32>
        %select_n3A_963 = arith.select %eq3A_960, %broadcast_in_dim3A_962, %get3A_957 : vector<16xi1>, vector<16xf32>
        %ne3A_964 = arith.constant 1.000000e+00 : f32
        %ne3A_965 = vector.broadcast %ne3A_964 : f32 to vector<16xf32>
        %ne3A_966 = arith.cmpf one, %select_n3A_963, %ne3A_965 : vector<16xf32>
        %all_reduce_population_count3A_967 = tpu.all_reduce %ne3A_966 {dim = 0 : i64, kind = #tpu.reduction_kind<sum>} : vector<16xi1> -> vector<16xi32>
        %slice3A_968 = vector.extract_strided_slice %all_reduce_population_count3A_967 {offsets = [0], sizes = [1], strides = [1]} : vector<16xi32> to vector<1xi32>
        %squeeze3A_969 = vector.extract %slice3A_968[0] : i32 from vector<1xi32>
        %gt3A_970 = arith.constant 0 : i32
        %gt3A_971 = arith.cmpi sgt, %squeeze3A_969, %gt3A_970 : i32
        %convert_element_type3A_972 = arith.extui %gt3A_971 : i1 to i32
        %cond3A_973 = arith.constant 0 : i32
        %cond3A_974 = arith.cmpi ne, %convert_element_type3A_972, %cond3A_973 : i32
        scf.if %cond3A_974 {
          %iota3A = tpu.iota {dimensions = array<i32: 0>} : vector<16xi32>
          %add3A_1044 = arith.constant 64 : i32
          %add3A_1045 = vector.broadcast %add3A_1044 : i32 to vector<16xi32>
          %add3A_1046 = arith.addi %add3A_1045, %iota3A : vector<16xi32>
          %scan3A_1047 = arith.constant 0 : i32
          %scan3A_1048 = arith.constant 0 : i32
          %scan3A_1049 = arith.constant 128 : i32
          %scan3A_1050 = arith.addi %scan3A_1048, %scan3A_1049 : i32
          %scan3A_1051 = arith.constant 1 : i32
          scf.for %scan3A_1053 = %scan3A_1048 to %scan3A_1050 step %scan3A_1051  : i32 {
            %broadcast_in_dim3A_1054 = vector.broadcast %scan3A_1053 : i32 to vector<16xi32>
            %gather3A = tpu.vector_load_idx %arg8[%add3A_1046, %broadcast_in_dim3A_1054] : memref<128x128xf32, #tpu.memory_space<vmem>>[vector<16xi32>, vector<16xi32>], vector<16xf32>,
            %mul3A_1055 = arith.mulf %gather3A, %select_n3A_963 : vector<16xf32>
            tpu.vector_store_idx %arg8[%add3A_1046, %broadcast_in_dim3A_1054], %mul3A_1055 masked %ne3A_966 : memref<128x128xf32, #tpu.memory_space<vmem>>[vector<16xi32>, vector<16xi32>], vector<16xf32>, vector<16xi1>
          }
          %scan3A_1052 = arith.constant 128 : i32
        } else {
        }
        %get3A_975 = tpu.memref_slice %arg6[%mul3A_74] : memref<6400xi32, #tpu.memory_space<vmem>> -> memref<128xi32, #tpu.memory_space<vmem>>
        %get3A_976 = arith.constant 80 : index
        %get3A_977 = tpu.vector_load %get3A_975[%get3A_976] {strides = array<i32>} : memref<128xi32, #tpu.memory_space<vmem>>, vector<16xi32>,
        %get3A_978 = tpu.memref_slice %arg7[%mul3A_76] : memref<6400xf32, #tpu.memory_space<vmem>> -> memref<128xf32, #tpu.memory_space<vmem>>
        %get3A_979 = arith.constant 80 : index
        %get3A_980 = tpu.vector_load %get3A_978[%get3A_979] {strides = array<i32>} : memref<128xf32, #tpu.memory_space<vmem>>, vector<16xf32>,
        %eq3A_981 = arith.constant 0 : i32
        %eq3A_982 = vector.broadcast %eq3A_981 : i32 to vector<16xi32>
        %eq3A_983 = arith.cmpi eq, %get3A_977, %eq3A_982 : vector<16xi32>
        %jit3A_984 = arith.constant 0.000000e+00 : f32
        %broadcast_in_dim3A_985 = vector.broadcast %jit3A_984 : f32 to vector<16xf32>
        %select_n3A_986 = arith.select %eq3A_983, %broadcast_in_dim3A_985, %get3A_980 : vector<16xi1>, vector<16xf32>
        %ne3A_987 = arith.constant 1.000000e+00 : f32
        %ne3A_988 = vector.broadcast %ne3A_987 : f32 to vector<16xf32>
        %ne3A_989 = arith.cmpf one, %select_n3A_986, %ne3A_988 : vector<16xf32>
        %all_reduce_population_count3A_990 = tpu.all_reduce %ne3A_989 {dim = 0 : i64, kind = #tpu.reduction_kind<sum>} : vector<16xi1> -> vector<16xi32>
        %slice3A_991 = vector.extract_strided_slice %all_reduce_population_count3A_990 {offsets = [0], sizes = [1], strides = [1]} : vector<16xi32> to vector<1xi32>
        %squeeze3A_992 = vector.extract %slice3A_991[0] : i32 from vector<1xi32>
        %gt3A_993 = arith.constant 0 : i32
        %gt3A_994 = arith.cmpi sgt, %squeeze3A_992, %gt3A_993 : i32
        %convert_element_type3A_995 = arith.extui %gt3A_994 : i1 to i32
        %cond3A_996 = arith.constant 0 : i32
        %cond3A_997 = arith.cmpi ne, %convert_element_type3A_995, %cond3A_996 : i32
        scf.if %cond3A_997 {
          %iota3A = tpu.iota {dimensions = array<i32: 0>} : vector<16xi32>
          %add3A_1044 = arith.constant 80 : i32
          %add3A_1045 = vector.broadcast %add3A_1044 : i32 to vector<16xi32>
          %add3A_1046 = arith.addi %add3A_1045, %iota3A : vector<16xi32>
          %scan3A_1047 = arith.constant 0 : i32
          %scan3A_1048 = arith.constant 0 : i32
          %scan3A_1049 = arith.constant 128 : i32
          %scan3A_1050 = arith.addi %scan3A_1048, %scan3A_1049 : i32
          %scan3A_1051 = arith.constant 1 : i32
          scf.for %scan3A_1053 = %scan3A_1048 to %scan3A_1050 step %scan3A_1051  : i32 {
            %broadcast_in_dim3A_1054 = vector.broadcast %scan3A_1053 : i32 to vector<16xi32>
            %gather3A = tpu.vector_load_idx %arg8[%add3A_1046, %broadcast_in_dim3A_1054] : memref<128x128xf32, #tpu.memory_space<vmem>>[vector<16xi32>, vector<16xi32>], vector<16xf32>,
            %mul3A_1055 = arith.mulf %gather3A, %select_n3A_986 : vector<16xf32>
            tpu.vector_store_idx %arg8[%add3A_1046, %broadcast_in_dim3A_1054], %mul3A_1055 masked %ne3A_989 : memref<128x128xf32, #tpu.memory_space<vmem>>[vector<16xi32>, vector<16xi32>], vector<16xf32>, vector<16xi1>
          }
          %scan3A_1052 = arith.constant 128 : i32
        } else {
        }
        %get3A_998 = tpu.memref_slice %arg6[%mul3A_74] : memref<6400xi32, #tpu.memory_space<vmem>> -> memref<128xi32, #tpu.memory_space<vmem>>
        %get3A_999 = arith.constant 96 : index
        %get3A_1000 = tpu.vector_load %get3A_998[%get3A_999] {strides = array<i32>} : memref<128xi32, #tpu.memory_space<vmem>>, vector<16xi32>,
        %get3A_1001 = tpu.memref_slice %arg7[%mul3A_76] : memref<6400xf32, #tpu.memory_space<vmem>> -> memref<128xf32, #tpu.memory_space<vmem>>
        %get3A_1002 = arith.constant 96 : index
        %get3A_1003 = tpu.vector_load %get3A_1001[%get3A_1002] {strides = array<i32>} : memref<128xf32, #tpu.memory_space<vmem>>, vector<16xf32>,
        %eq3A_1004 = arith.constant 0 : i32
        %eq3A_1005 = vector.broadcast %eq3A_1004 : i32 to vector<16xi32>
        %eq3A_1006 = arith.cmpi eq, %get3A_1000, %eq3A_1005 : vector<16xi32>
        %jit3A_1007 = arith.constant 0.000000e+00 : f32
        %broadcast_in_dim3A_1008 = vector.broadcast %jit3A_1007 : f32 to vector<16xf32>
        %select_n3A_1009 = arith.select %eq3A_1006, %broadcast_in_dim3A_1008, %get3A_1003 : vector<16xi1>, vector<16xf32>
        %ne3A_1010 = arith.constant 1.000000e+00 : f32
        %ne3A_1011 = vector.broadcast %ne3A_1010 : f32 to vector<16xf32>
        %ne3A_1012 = arith.cmpf one, %select_n3A_1009, %ne3A_1011 : vector<16xf32>
        %all_reduce_population_count3A_1013 = tpu.all_reduce %ne3A_1012 {dim = 0 : i64, kind = #tpu.reduction_kind<sum>} : vector<16xi1> -> vector<16xi32>
        %slice3A_1014 = vector.extract_strided_slice %all_reduce_population_count3A_1013 {offsets = [0], sizes = [1], strides = [1]} : vector<16xi32> to vector<1xi32>
        %squeeze3A_1015 = vector.extract %slice3A_1014[0] : i32 from vector<1xi32>
        %gt3A_1016 = arith.constant 0 : i32
        %gt3A_1017 = arith.cmpi sgt, %squeeze3A_1015, %gt3A_1016 : i32
        %convert_element_type3A_1018 = arith.extui %gt3A_1017 : i1 to i32
        %cond3A_1019 = arith.constant 0 : i32
        %cond3A_1020 = arith.cmpi ne, %convert_element_type3A_1018, %cond3A_1019 : i32
        scf.if %cond3A_1020 {
          %iota3A = tpu.iota {dimensions = array<i32: 0>} : vector<16xi32>
          %add3A_1044 = arith.constant 96 : i32
          %add3A_1045 = vector.broadcast %add3A_1044 : i32 to vector<16xi32>
          %add3A_1046 = arith.addi %add3A_1045, %iota3A : vector<16xi32>
          %scan3A_1047 = arith.constant 0 : i32
          %scan3A_1048 = arith.constant 0 : i32
          %scan3A_1049 = arith.constant 128 : i32
          %scan3A_1050 = arith.addi %scan3A_1048, %scan3A_1049 : i32
          %scan3A_1051 = arith.constant 1 : i32
          scf.for %scan3A_1053 = %scan3A_1048 to %scan3A_1050 step %scan3A_1051  : i32 {
            %broadcast_in_dim3A_1054 = vector.broadcast %scan3A_1053 : i32 to vector<16xi32>
            %gather3A = tpu.vector_load_idx %arg8[%add3A_1046, %broadcast_in_dim3A_1054] : memref<128x128xf32, #tpu.memory_space<vmem>>[vector<16xi32>, vector<16xi32>], vector<16xf32>,
            %mul3A_1055 = arith.mulf %gather3A, %select_n3A_1009 : vector<16xf32>
            tpu.vector_store_idx %arg8[%add3A_1046, %broadcast_in_dim3A_1054], %mul3A_1055 masked %ne3A_1012 : memref<128x128xf32, #tpu.memory_space<vmem>>[vector<16xi32>, vector<16xi32>], vector<16xf32>, vector<16xi1>
          }
          %scan3A_1052 = arith.constant 128 : i32
        } else {
        }
        %get3A_1021 = tpu.memref_slice %arg6[%mul3A_74] : memref<6400xi32, #tpu.memory_space<vmem>> -> memref<128xi32, #tpu.memory_space<vmem>>
        %get3A_1022 = arith.constant 112 : index
        %get3A_1023 = tpu.vector_load %get3A_1021[%get3A_1022] {strides = array<i32>} : memref<128xi32, #tpu.memory_space<vmem>>, vector<16xi32>,
        %get3A_1024 = tpu.memref_slice %arg7[%mul3A_76] : memref<6400xf32, #tpu.memory_space<vmem>> -> memref<128xf32, #tpu.memory_space<vmem>>
        %get3A_1025 = arith.constant 112 : index
        %get3A_1026 = tpu.vector_load %get3A_1024[%get3A_1025] {strides = array<i32>} : memref<128xf32, #tpu.memory_space<vmem>>, vector<16xf32>,
        %eq3A_1027 = arith.constant 0 : i32
        %eq3A_1028 = vector.broadcast %eq3A_1027 : i32 to vector<16xi32>
        %eq3A_1029 = arith.cmpi eq, %get3A_1023, %eq3A_1028 : vector<16xi32>
        %jit3A_1030 = arith.constant 0.000000e+00 : f32
        %broadcast_in_dim3A_1031 = vector.broadcast %jit3A_1030 : f32 to vector<16xf32>
        %select_n3A_1032 = arith.select %eq3A_1029, %broadcast_in_dim3A_1031, %get3A_1026 : vector<16xi1>, vector<16xf32>
        %ne3A_1033 = arith.constant 1.000000e+00 : f32
        %ne3A_1034 = vector.broadcast %ne3A_1033 : f32 to vector<16xf32>
        %ne3A_1035 = arith.cmpf one, %select_n3A_1032, %ne3A_1034 : vector<16xf32>
        %all_reduce_population_count3A_1036 = tpu.all_reduce %ne3A_1035 {dim = 0 : i64, kind = #tpu.reduction_kind<sum>} : vector<16xi1> -> vector<16xi32>
        %slice3A_1037 = vector.extract_strided_slice %all_reduce_population_count3A_1036 {offsets = [0], sizes = [1], strides = [1]} : vector<16xi32> to vector<1xi32>
        %squeeze3A_1038 = vector.extract %slice3A_1037[0] : i32 from vector<1xi32>
        %gt3A_1039 = arith.constant 0 : i32
        %gt3A_1040 = arith.cmpi sgt, %squeeze3A_1038, %gt3A_1039 : i32
        %convert_element_type3A_1041 = arith.extui %gt3A_1040 : i1 to i32
        %cond3A_1042 = arith.constant 0 : i32
        %cond3A_1043 = arith.cmpi ne, %convert_element_type3A_1041, %cond3A_1042 : i32
        scf.if %cond3A_1043 {
          %iota3A = tpu.iota {dimensions = array<i32: 0>} : vector<16xi32>
          %add3A_1044 = arith.constant 112 : i32
          %add3A_1045 = vector.broadcast %add3A_1044 : i32 to vector<16xi32>
          %add3A_1046 = arith.addi %add3A_1045, %iota3A : vector<16xi32>
          %scan3A_1047 = arith.constant 0 : i32
          %scan3A_1048 = arith.constant 0 : i32
          %scan3A_1049 = arith.constant 128 : i32
          %scan3A_1050 = arith.addi %scan3A_1048, %scan3A_1049 : i32
          %scan3A_1051 = arith.constant 1 : i32
          scf.for %scan3A_1053 = %scan3A_1048 to %scan3A_1050 step %scan3A_1051  : i32 {
            %broadcast_in_dim3A_1054 = vector.broadcast %scan3A_1053 : i32 to vector<16xi32>
            %gather3A = tpu.vector_load_idx %arg8[%add3A_1046, %broadcast_in_dim3A_1054] : memref<128x128xf32, #tpu.memory_space<vmem>>[vector<16xi32>, vector<16xi32>], vector<16xf32>,
            %mul3A_1055 = arith.mulf %gather3A, %select_n3A_1032 : vector<16xf32>
            tpu.vector_store_idx %arg8[%add3A_1046, %broadcast_in_dim3A_1054], %mul3A_1055 masked %ne3A_1035 : memref<128x128xf32, #tpu.memory_space<vmem>>[vector<16xi32>, vector<16xi32>], vector<16xf32>, vector<16xi1>
          }
          %scan3A_1052 = arith.constant 128 : i32
        } else {
        }
      } else {
      }
      %mul3A_201 = arith.constant 128 : i32
      %mul3A_202 = arith.muli %add3A_61, %mul3A_201 : i32
      %add3A_203 = arith.addi %mul3A_2, %mul3A_202 : i32
      %dma_start3A_204 = arith.constant 0 : i32
      %dma_start3A_205 = tpu.memref_slice %arg5[%add3A_203, %dma_start3A_204] : memref<204800x128xf32, #tpu.memory_space<hbm>> -> memref<128x128xf32, #tpu.memory_space<hbm>>
      %dma_start3A_206 = arith.constant 0 : i32
      %dma_start3A_207 = tpu.memref_slice %arg5[%add3A_203, %dma_start3A_206] : memref<204800x128xf32, #tpu.memory_space<hbm>> -> memref<128x128xf32, #tpu.memory_space<hbm>>
      tpu.enqueue_dma source(%arg8 : memref<128x128xf32, #tpu.memory_space<vmem>>) target(%dma_start3A_207 : memref<128x128xf32, #tpu.memory_space<hbm>>) target_semaphore(%arg18 : memref<!tpu.dma_semaphore, #tpu.memory_space<semaphore_mem>>)
      %add3A_208 = arith.constant 1 : i32
      %add3A_209 = arith.addi %add3A_59, %add3A_208 : i32
      %add3A_210 = arith.constant 5 : i32
      %add3A_211 = arith.addi %add3A_209, %add3A_210 : i32
      %sub3A_212 = arith.constant 1 : i32
      %sub3A_213 = arith.subi %add3A_211, %sub3A_212 : i32
      %lt3A_214 = arith.constant 50 : i32
      %lt3A_215 = arith.cmpi slt, %sub3A_213, %lt3A_214 : i32
      %convert_element_type3A_216 = arith.extui %lt3A_215 : i1 to i32
      %cond3A_217 = arith.constant 0 : i32
      %cond3A_218 = arith.cmpi ne, %convert_element_type3A_216, %cond3A_217 : i32
      scf.if %cond3A_218 {
        %ge3A = arith.constant 1 : i32
        %ge3A_860 = arith.cmpi sge, %add3A_209, %ge3A : i32
        %convert_element_type3A_861 = arith.extui %ge3A_860 : i1 to i32
        %cond3A_862 = arith.constant 0 : i32
        %cond3A_863 = arith.cmpi ne, %convert_element_type3A_861, %cond3A_862 : i32
        scf.if %cond3A_863 {
          %sub3A_874 = arith.constant 1 : i32
          %sub3A_875 = arith.subi %add3A_209, %sub3A_874 : i32
          %mul3A_876 = arith.constant 128 : i32
          %mul3A_877 = arith.muli %sub3A_875, %mul3A_876 : i32
          %add3A_878 = arith.addi %mul3A_2, %mul3A_877 : i32
          %dma_wait3A_879 = arith.constant 0 : i32
          %dma_wait3A_880 = tpu.memref_slice %arg5[%add3A_878, %dma_wait3A_879] : memref<204800x128xf32, #tpu.memory_space<hbm>> -> memref<128x128xf32, #tpu.memory_space<hbm>>
          %dma_wait3A_881 = arith.constant 0 : i32
          %dma_wait3A_882 = tpu.memref_slice %arg5[%add3A_878, %dma_wait3A_881] : memref<204800x128xf32, #tpu.memory_space<hbm>> -> memref<128x128xf32, #tpu.memory_space<hbm>>
          tpu.wait_dma2 semaphore(%arg18 : memref<!tpu.dma_semaphore, #tpu.memory_space<semaphore_mem>>) src(%arg8 : memref<128x128xf32, #tpu.memory_space<vmem>>) dst(%dma_wait3A_882 : memref<128x128xf32, #tpu.memory_space<hbm>>)
        } else {
        }
        %add3A_864 = arith.constant 5 : i32
        %add3A_865 = arith.addi %add3A_209, %add3A_864 : i32
        %sub3A_866 = arith.constant 1 : i32
        %sub3A_867 = arith.subi %add3A_865, %sub3A_866 : i32
        %mul3A_868 = arith.constant 128 : i32
        %mul3A_869 = arith.muli %sub3A_867, %mul3A_868 : i32
        %dma_start3A_870 = tpu.memref_slice %arg6[%mul3A_869] : memref<6400xi32, #tpu.memory_space<vmem>> -> memref<128xi32, #tpu.memory_space<vmem>>
        %dma_start3A_871 = arith.constant 0 : i32
        %dma_start3A_872 = arith.constant 0 : i32
        %dma_start3A_873 = tpu.memref_slice %arg2[%dma_start3A_871, %dma_start3A_872] : memref<100000x128xf32, #tpu.memory_space<hbm>> -> memref<100000x128xf32, #tpu.memory_space<hbm>>
        tpu.enqueue_indirect_dma source(%dma_start3A_873 : memref<100000x128xf32, #tpu.memory_space<hbm>>) target(%arg8 : memref<128x128xf32, #tpu.memory_space<vmem>>) offsets(%dma_start3A_870 : memref<128xi32, #tpu.memory_space<vmem>>) semaphore(%arg13 : memref<!tpu.dma_semaphore, #tpu.memory_space<semaphore_mem>>)
      } else {
      }
      %mul3A_219 = arith.constant 128 : i32
      %mul3A_220 = arith.muli %add3A_209, %mul3A_219 : i32
      %dma_wait3A_221 = tpu.memref_slice %arg6[%mul3A_220] : memref<6400xi32, #tpu.memory_space<vmem>> -> memref<128xi32, #tpu.memory_space<vmem>>
      %dma_wait3A_222 = arith.constant 0 : i32
      %dma_wait3A_223 = arith.constant 0 : i32
      %dma_wait3A_224 = tpu.memref_slice %arg2[%dma_wait3A_222, %dma_wait3A_223] : memref<100000x128xf32, #tpu.memory_space<hbm>> -> memref<100000x128xf32, #tpu.memory_space<hbm>>
      tpu.wait_indirect_dma semaphore(%arg14 : memref<!tpu.dma_semaphore, #tpu.memory_space<semaphore_mem>>) src(%dma_wait3A_224 : memref<100000x128xf32, #tpu.memory_space<hbm>>) dst(%arg9 : memref<128x128xf32, #tpu.memory_space<vmem>>)
      %mul3A_225 = arith.constant 128 : i32
      %mul3A_226 = arith.muli %add3A_209, %mul3A_225 : i32
      %mul3A_227 = arith.constant 128 : i32
      %mul3A_228 = arith.muli %add3A_209, %mul3A_227 : i32
      %get3A_229 = tpu.memref_slice %arg6[%mul3A_226] : memref<6400xi32, #tpu.memory_space<vmem>> -> memref<128xi32, #tpu.memory_space<vmem>>
      %get3A_230 = arith.constant 0 : index
      %get3A_231 = tpu.vector_load %get3A_229[%get3A_230] {strides = array<i32>} : memref<128xi32, #tpu.memory_space<vmem>>, vector<16xi32>,
      %get3A_232 = tpu.memref_slice %arg7[%mul3A_228] : memref<6400xf32, #tpu.memory_space<vmem>> -> memref<128xf32, #tpu.memory_space<vmem>>
      %get3A_233 = arith.constant 0 : index
      %get3A_234 = tpu.vector_load %get3A_232[%get3A_233] {strides = array<i32>} : memref<128xf32, #tpu.memory_space<vmem>>, vector<16xf32>,
      %eq3A_235 = arith.constant 0 : i32
      %eq3A_236 = vector.broadcast %eq3A_235 : i32 to vector<16xi32>
      %eq3A_237 = arith.cmpi eq, %get3A_231, %eq3A_236 : vector<16xi32>
      %jit3A_238 = arith.constant 0.000000e+00 : f32
      %broadcast_in_dim3A_239 = vector.broadcast %jit3A_238 : f32 to vector<16xf32>
      %select_n3A_240 = arith.select %eq3A_237, %broadcast_in_dim3A_239, %get3A_234 : vector<16xi1>, vector<16xf32>
      %ne3A_241 = arith.constant 1.000000e+00 : f32
      %ne3A_242 = vector.broadcast %ne3A_241 : f32 to vector<16xf32>
      %ne3A_243 = arith.cmpf one, %select_n3A_240, %ne3A_242 : vector<16xf32>
      %get3A_244 = tpu.memref_slice %arg6[%mul3A_226] : memref<6400xi32, #tpu.memory_space<vmem>> -> memref<128xi32, #tpu.memory_space<vmem>>
      %get3A_245 = arith.constant 16 : index
      %get3A_246 = tpu.vector_load %get3A_244[%get3A_245] {strides = array<i32>} : memref<128xi32, #tpu.memory_space<vmem>>, vector<16xi32>,
      %get3A_247 = tpu.memref_slice %arg7[%mul3A_228] : memref<6400xf32, #tpu.memory_space<vmem>> -> memref<128xf32, #tpu.memory_space<vmem>>
      %get3A_248 = arith.constant 16 : index
      %get3A_249 = tpu.vector_load %get3A_247[%get3A_248] {strides = array<i32>} : memref<128xf32, #tpu.memory_space<vmem>>, vector<16xf32>,
      %eq3A_250 = arith.constant 0 : i32
      %eq3A_251 = vector.broadcast %eq3A_250 : i32 to vector<16xi32>
      %eq3A_252 = arith.cmpi eq, %get3A_246, %eq3A_251 : vector<16xi32>
      %jit3A_253 = arith.constant 0.000000e+00 : f32
      %broadcast_in_dim3A_254 = vector.broadcast %jit3A_253 : f32 to vector<16xf32>
      %select_n3A_255 = arith.select %eq3A_252, %broadcast_in_dim3A_254, %get3A_249 : vector<16xi1>, vector<16xf32>
      %ne3A_256 = arith.constant 1.000000e+00 : f32
      %ne3A_257 = vector.broadcast %ne3A_256 : f32 to vector<16xf32>
      %ne3A_258 = arith.cmpf one, %select_n3A_255, %ne3A_257 : vector<16xf32>
      %or3A_259 = arith.ori %ne3A_243, %ne3A_258 : vector<16xi1>
      %get3A_260 = tpu.memref_slice %arg6[%mul3A_226] : memref<6400xi32, #tpu.memory_space<vmem>> -> memref<128xi32, #tpu.memory_space<vmem>>
      %get3A_261 = arith.constant 32 : index
      %get3A_262 = tpu.vector_load %get3A_260[%get3A_261] {strides = array<i32>} : memref<128xi32, #tpu.memory_space<vmem>>, vector<16xi32>,
      %get3A_263 = tpu.memref_slice %arg7[%mul3A_228] : memref<6400xf32, #tpu.memory_space<vmem>> -> memref<128xf32, #tpu.memory_space<vmem>>
      %get3A_264 = arith.constant 32 : index
      %get3A_265 = tpu.vector_load %get3A_263[%get3A_264] {strides = array<i32>} : memref<128xf32, #tpu.memory_space<vmem>>, vector<16xf32>,
      %eq3A_266 = arith.constant 0 : i32
      %eq3A_267 = vector.broadcast %eq3A_266 : i32 to vector<16xi32>
      %eq3A_268 = arith.cmpi eq, %get3A_262, %eq3A_267 : vector<16xi32>
      %jit3A_269 = arith.constant 0.000000e+00 : f32
      %broadcast_in_dim3A_270 = vector.broadcast %jit3A_269 : f32 to vector<16xf32>
      %select_n3A_271 = arith.select %eq3A_268, %broadcast_in_dim3A_270, %get3A_265 : vector<16xi1>, vector<16xf32>
      %ne3A_272 = arith.constant 1.000000e+00 : f32
      %ne3A_273 = vector.broadcast %ne3A_272 : f32 to vector<16xf32>
      %ne3A_274 = arith.cmpf one, %select_n3A_271, %ne3A_273 : vector<16xf32>
      %or3A_275 = arith.ori %or3A_259, %ne3A_274 : vector<16xi1>
      %get3A_276 = tpu.memref_slice %arg6[%mul3A_226] : memref<6400xi32, #tpu.memory_space<vmem>> -> memref<128xi32, #tpu.memory_space<vmem>>
      %get3A_277 = arith.constant 48 : index
      %get3A_278 = tpu.vector_load %get3A_276[%get3A_277] {strides = array<i32>} : memref<128xi32, #tpu.memory_space<vmem>>, vector<16xi32>,
      %get3A_279 = tpu.memref_slice %arg7[%mul3A_228] : memref<6400xf32, #tpu.memory_space<vmem>> -> memref<128xf32, #tpu.memory_space<vmem>>
      %get3A_280 = arith.constant 48 : index
      %get3A_281 = tpu.vector_load %get3A_279[%get3A_280] {strides = array<i32>} : memref<128xf32, #tpu.memory_space<vmem>>, vector<16xf32>,
      %eq3A_282 = arith.constant 0 : i32
      %eq3A_283 = vector.broadcast %eq3A_282 : i32 to vector<16xi32>
      %eq3A_284 = arith.cmpi eq, %get3A_278, %eq3A_283 : vector<16xi32>
      %jit3A_285 = arith.constant 0.000000e+00 : f32
      %broadcast_in_dim3A_286 = vector.broadcast %jit3A_285 : f32 to vector<16xf32>
      %select_n3A_287 = arith.select %eq3A_284, %broadcast_in_dim3A_286, %get3A_281 : vector<16xi1>, vector<16xf32>
      %ne3A_288 = arith.constant 1.000000e+00 : f32
      %ne3A_289 = vector.broadcast %ne3A_288 : f32 to vector<16xf32>
      %ne3A_290 = arith.cmpf one, %select_n3A_287, %ne3A_289 : vector<16xf32>
      %or3A_291 = arith.ori %or3A_275, %ne3A_290 : vector<16xi1>
      %get3A_292 = tpu.memref_slice %arg6[%mul3A_226] : memref<6400xi32, #tpu.memory_space<vmem>> -> memref<128xi32, #tpu.memory_space<vmem>>
      %get3A_293 = arith.constant 64 : index
      %get3A_294 = tpu.vector_load %get3A_292[%get3A_293] {strides = array<i32>} : memref<128xi32, #tpu.memory_space<vmem>>, vector<16xi32>,
      %get3A_295 = tpu.memref_slice %arg7[%mul3A_228] : memref<6400xf32, #tpu.memory_space<vmem>> -> memref<128xf32, #tpu.memory_space<vmem>>
      %get3A_296 = arith.constant 64 : index
      %get3A_297 = tpu.vector_load %get3A_295[%get3A_296] {strides = array<i32>} : memref<128xf32, #tpu.memory_space<vmem>>, vector<16xf32>,
      %eq3A_298 = arith.constant 0 : i32
      %eq3A_299 = vector.broadcast %eq3A_298 : i32 to vector<16xi32>
      %eq3A_300 = arith.cmpi eq, %get3A_294, %eq3A_299 : vector<16xi32>
      %jit3A_301 = arith.constant 0.000000e+00 : f32
      %broadcast_in_dim3A_302 = vector.broadcast %jit3A_301 : f32 to vector<16xf32>
      %select_n3A_303 = arith.select %eq3A_300, %broadcast_in_dim3A_302, %get3A_297 : vector<16xi1>, vector<16xf32>
      %ne3A_304 = arith.constant 1.000000e+00 : f32
      %ne3A_305 = vector.broadcast %ne3A_304 : f32 to vector<16xf32>
      %ne3A_306 = arith.cmpf one, %select_n3A_303, %ne3A_305 : vector<16xf32>
      %or3A_307 = arith.ori %or3A_291, %ne3A_306 : vector<16xi1>
      %get3A_308 = tpu.memref_slice %arg6[%mul3A_226] : memref<6400xi32, #tpu.memory_space<vmem>> -> memref<128xi32, #tpu.memory_space<vmem>>
      %get3A_309 = arith.constant 80 : index
      %get3A_310 = tpu.vector_load %get3A_308[%get3A_309] {strides = array<i32>} : memref<128xi32, #tpu.memory_space<vmem>>, vector<16xi32>,
      %get3A_311 = tpu.memref_slice %arg7[%mul3A_228] : memref<6400xf32, #tpu.memory_space<vmem>> -> memref<128xf32, #tpu.memory_space<vmem>>
      %get3A_312 = arith.constant 80 : index
      %get3A_313 = tpu.vector_load %get3A_311[%get3A_312] {strides = array<i32>} : memref<128xf32, #tpu.memory_space<vmem>>, vector<16xf32>,
      %eq3A_314 = arith.constant 0 : i32
      %eq3A_315 = vector.broadcast %eq3A_314 : i32 to vector<16xi32>
      %eq3A_316 = arith.cmpi eq, %get3A_310, %eq3A_315 : vector<16xi32>
      %jit3A_317 = arith.constant 0.000000e+00 : f32
      %broadcast_in_dim3A_318 = vector.broadcast %jit3A_317 : f32 to vector<16xf32>
      %select_n3A_319 = arith.select %eq3A_316, %broadcast_in_dim3A_318, %get3A_313 : vector<16xi1>, vector<16xf32>
      %ne3A_320 = arith.constant 1.000000e+00 : f32
      %ne3A_321 = vector.broadcast %ne3A_320 : f32 to vector<16xf32>
      %ne3A_322 = arith.cmpf one, %select_n3A_319, %ne3A_321 : vector<16xf32>
      %or3A_323 = arith.ori %or3A_307, %ne3A_322 : vector<16xi1>
      %get3A_324 = tpu.memref_slice %arg6[%mul3A_226] : memref<6400xi32, #tpu.memory_space<vmem>> -> memref<128xi32, #tpu.memory_space<vmem>>
      %get3A_325 = arith.constant 96 : index
      %get3A_326 = tpu.vector_load %get3A_324[%get3A_325] {strides = array<i32>} : memref<128xi32, #tpu.memory_space<vmem>>, vector<16xi32>,
      %get3A_327 = tpu.memref_slice %arg7[%mul3A_228] : memref<6400xf32, #tpu.memory_space<vmem>> -> memref<128xf32, #tpu.memory_space<vmem>>
      %get3A_328 = arith.constant 96 : index
      %get3A_329 = tpu.vector_load %get3A_327[%get3A_328] {strides = array<i32>} : memref<128xf32, #tpu.memory_space<vmem>>, vector<16xf32>,
      %eq3A_330 = arith.constant 0 : i32
      %eq3A_331 = vector.broadcast %eq3A_330 : i32 to vector<16xi32>
      %eq3A_332 = arith.cmpi eq, %get3A_326, %eq3A_331 : vector<16xi32>
      %jit3A_333 = arith.constant 0.000000e+00 : f32
      %broadcast_in_dim3A_334 = vector.broadcast %jit3A_333 : f32 to vector<16xf32>
      %select_n3A_335 = arith.select %eq3A_332, %broadcast_in_dim3A_334, %get3A_329 : vector<16xi1>, vector<16xf32>
      %ne3A_336 = arith.constant 1.000000e+00 : f32
      %ne3A_337 = vector.broadcast %ne3A_336 : f32 to vector<16xf32>
      %ne3A_338 = arith.cmpf one, %select_n3A_335, %ne3A_337 : vector<16xf32>
      %or3A_339 = arith.ori %or3A_323, %ne3A_338 : vector<16xi1>
      %get3A_340 = tpu.memref_slice %arg6[%mul3A_226] : memref<6400xi32, #tpu.memory_space<vmem>> -> memref<128xi32, #tpu.memory_space<vmem>>
      %get3A_341 = arith.constant 112 : index
      %get3A_342 = tpu.vector_load %get3A_340[%get3A_341] {strides = array<i32>} : memref<128xi32, #tpu.memory_space<vmem>>, vector<16xi32>,
      %get3A_343 = tpu.memref_slice %arg7[%mul3A_228] : memref<6400xf32, #tpu.memory_space<vmem>> -> memref<128xf32, #tpu.memory_space<vmem>>
      %get3A_344 = arith.constant 112 : index
      %get3A_345 = tpu.vector_load %get3A_343[%get3A_344] {strides = array<i32>} : memref<128xf32, #tpu.memory_space<vmem>>, vector<16xf32>,
      %eq3A_346 = arith.constant 0 : i32
      %eq3A_347 = vector.broadcast %eq3A_346 : i32 to vector<16xi32>
      %eq3A_348 = arith.cmpi eq, %get3A_342, %eq3A_347 : vector<16xi32>
      %jit3A_349 = arith.constant 0.000000e+00 : f32
      %broadcast_in_dim3A_350 = vector.broadcast %jit3A_349 : f32 to vector<16xf32>
      %select_n3A_351 = arith.select %eq3A_348, %broadcast_in_dim3A_350, %get3A_345 : vector<16xi1>, vector<16xf32>
      %ne3A_352 = arith.constant 1.000000e+00 : f32
      %ne3A_353 = vector.broadcast %ne3A_352 : f32 to vector<16xf32>
      %ne3A_354 = arith.cmpf one, %select_n3A_351, %ne3A_353 : vector<16xf32>
      %or3A_355 = arith.ori %or3A_339, %ne3A_354 : vector<16xi1>
      %all_reduce_population_count3A_356 = tpu.all_reduce %or3A_355 {dim = 0 : i64, kind = #tpu.reduction_kind<sum>} : vector<16xi1> -> vector<16xi32>
      %slice3A_357 = vector.extract_strided_slice %all_reduce_population_count3A_356 {offsets = [0], sizes = [1], strides = [1]} : vector<16xi32> to vector<1xi32>
      %squeeze3A_358 = vector.extract %slice3A_357[0] : i32 from vector<1xi32>
      %gt3A_359 = arith.constant 0 : i32
      %gt3A_360 = arith.cmpi sgt, %squeeze3A_358, %gt3A_359 : i32
      %convert_element_type3A_361 = arith.extui %gt3A_360 : i1 to i32
      %cond3A_362 = arith.constant 0 : i32
      %cond3A_363 = arith.cmpi ne, %convert_element_type3A_361, %cond3A_362 : i32
      scf.if %cond3A_363 {
        %get3A_860 = tpu.memref_slice %arg6[%mul3A_226] : memref<6400xi32, #tpu.memory_space<vmem>> -> memref<128xi32, #tpu.memory_space<vmem>>
        %get3A_861 = arith.constant 0 : index
        %get3A_862 = tpu.vector_load %get3A_860[%get3A_861] {strides = array<i32>} : memref<128xi32, #tpu.memory_space<vmem>>, vector<16xi32>,
        %get3A_863 = tpu.memref_slice %arg7[%mul3A_228] : memref<6400xf32, #tpu.memory_space<vmem>> -> memref<128xf32, #tpu.memory_space<vmem>>
        %get3A_864 = arith.constant 0 : index
        %get3A_865 = tpu.vector_load %get3A_863[%get3A_864] {strides = array<i32>} : memref<128xf32, #tpu.memory_space<vmem>>, vector<16xf32>,
        %eq3A_866 = arith.constant 0 : i32
        %eq3A_867 = vector.broadcast %eq3A_866 : i32 to vector<16xi32>
        %eq3A_868 = arith.cmpi eq, %get3A_862, %eq3A_867 : vector<16xi32>
        %jit3A_869 = arith.constant 0.000000e+00 : f32
        %broadcast_in_dim3A_870 = vector.broadcast %jit3A_869 : f32 to vector<16xf32>
        %select_n3A_871 = arith.select %eq3A_868, %broadcast_in_dim3A_870, %get3A_865 : vector<16xi1>, vector<16xf32>
        %ne3A_872 = arith.constant 1.000000e+00 : f32
        %ne3A_873 = vector.broadcast %ne3A_872 : f32 to vector<16xf32>
        %ne3A_874 = arith.cmpf one, %select_n3A_871, %ne3A_873 : vector<16xf32>
        %all_reduce_population_count3A_875 = tpu.all_reduce %ne3A_874 {dim = 0 : i64, kind = #tpu.reduction_kind<sum>} : vector<16xi1> -> vector<16xi32>
        %slice3A_876 = vector.extract_strided_slice %all_reduce_population_count3A_875 {offsets = [0], sizes = [1], strides = [1]} : vector<16xi32> to vector<1xi32>
        %squeeze3A_877 = vector.extract %slice3A_876[0] : i32 from vector<1xi32>
        %gt3A_878 = arith.constant 0 : i32
        %gt3A_879 = arith.cmpi sgt, %squeeze3A_877, %gt3A_878 : i32
        %convert_element_type3A_880 = arith.extui %gt3A_879 : i1 to i32
        %cond3A_881 = arith.constant 0 : i32
        %cond3A_882 = arith.cmpi ne, %convert_element_type3A_880, %cond3A_881 : i32
        scf.if %cond3A_882 {
          %iota3A = tpu.iota {dimensions = array<i32: 0>} : vector<16xi32>
          %add3A_1044 = arith.constant 0 : i32
          %add3A_1045 = vector.broadcast %add3A_1044 : i32 to vector<16xi32>
          %add3A_1046 = arith.addi %add3A_1045, %iota3A : vector<16xi32>
          %scan3A_1047 = arith.constant 0 : i32
          %scan3A_1048 = arith.constant 0 : i32
          %scan3A_1049 = arith.constant 128 : i32
          %scan3A_1050 = arith.addi %scan3A_1048, %scan3A_1049 : i32
          %scan3A_1051 = arith.constant 1 : i32
          scf.for %scan3A_1053 = %scan3A_1048 to %scan3A_1050 step %scan3A_1051  : i32 {
            %broadcast_in_dim3A_1054 = vector.broadcast %scan3A_1053 : i32 to vector<16xi32>
            %gather3A = tpu.vector_load_idx %arg9[%add3A_1046, %broadcast_in_dim3A_1054] : memref<128x128xf32, #tpu.memory_space<vmem>>[vector<16xi32>, vector<16xi32>], vector<16xf32>,
            %mul3A_1055 = arith.mulf %gather3A, %select_n3A_871 : vector<16xf32>
            tpu.vector_store_idx %arg9[%add3A_1046, %broadcast_in_dim3A_1054], %mul3A_1055 masked %ne3A_874 : memref<128x128xf32, #tpu.memory_space<vmem>>[vector<16xi32>, vector<16xi32>], vector<16xf32>, vector<16xi1>
          }
          %scan3A_1052 = arith.constant 128 : i32
        } else {
        }
        %get3A_883 = tpu.memref_slice %arg6[%mul3A_226] : memref<6400xi32, #tpu.memory_space<vmem>> -> memref<128xi32, #tpu.memory_space<vmem>>
        %get3A_884 = arith.constant 16 : index
        %get3A_885 = tpu.vector_load %get3A_883[%get3A_884] {strides = array<i32>} : memref<128xi32, #tpu.memory_space<vmem>>, vector<16xi32>,
        %get3A_886 = tpu.memref_slice %arg7[%mul3A_228] : memref<6400xf32, #tpu.memory_space<vmem>> -> memref<128xf32, #tpu.memory_space<vmem>>
        %get3A_887 = arith.constant 16 : index
        %get3A_888 = tpu.vector_load %get3A_886[%get3A_887] {strides = array<i32>} : memref<128xf32, #tpu.memory_space<vmem>>, vector<16xf32>,
        %eq3A_889 = arith.constant 0 : i32
        %eq3A_890 = vector.broadcast %eq3A_889 : i32 to vector<16xi32>
        %eq3A_891 = arith.cmpi eq, %get3A_885, %eq3A_890 : vector<16xi32>
        %jit3A_892 = arith.constant 0.000000e+00 : f32
        %broadcast_in_dim3A_893 = vector.broadcast %jit3A_892 : f32 to vector<16xf32>
        %select_n3A_894 = arith.select %eq3A_891, %broadcast_in_dim3A_893, %get3A_888 : vector<16xi1>, vector<16xf32>
        %ne3A_895 = arith.constant 1.000000e+00 : f32
        %ne3A_896 = vector.broadcast %ne3A_895 : f32 to vector<16xf32>
        %ne3A_897 = arith.cmpf one, %select_n3A_894, %ne3A_896 : vector<16xf32>
        %all_reduce_population_count3A_898 = tpu.all_reduce %ne3A_897 {dim = 0 : i64, kind = #tpu.reduction_kind<sum>} : vector<16xi1> -> vector<16xi32>
        %slice3A_899 = vector.extract_strided_slice %all_reduce_population_count3A_898 {offsets = [0], sizes = [1], strides = [1]} : vector<16xi32> to vector<1xi32>
        %squeeze3A_900 = vector.extract %slice3A_899[0] : i32 from vector<1xi32>
        %gt3A_901 = arith.constant 0 : i32
        %gt3A_902 = arith.cmpi sgt, %squeeze3A_900, %gt3A_901 : i32
        %convert_element_type3A_903 = arith.extui %gt3A_902 : i1 to i32
        %cond3A_904 = arith.constant 0 : i32
        %cond3A_905 = arith.cmpi ne, %convert_element_type3A_903, %cond3A_904 : i32
        scf.if %cond3A_905 {
          %iota3A = tpu.iota {dimensions = array<i32: 0>} : vector<16xi32>
          %add3A_1044 = arith.constant 16 : i32
          %add3A_1045 = vector.broadcast %add3A_1044 : i32 to vector<16xi32>
          %add3A_1046 = arith.addi %add3A_1045, %iota3A : vector<16xi32>
          %scan3A_1047 = arith.constant 0 : i32
          %scan3A_1048 = arith.constant 0 : i32
          %scan3A_1049 = arith.constant 128 : i32
          %scan3A_1050 = arith.addi %scan3A_1048, %scan3A_1049 : i32
          %scan3A_1051 = arith.constant 1 : i32
          scf.for %scan3A_1053 = %scan3A_1048 to %scan3A_1050 step %scan3A_1051  : i32 {
            %broadcast_in_dim3A_1054 = vector.broadcast %scan3A_1053 : i32 to vector<16xi32>
            %gather3A = tpu.vector_load_idx %arg9[%add3A_1046, %broadcast_in_dim3A_1054] : memref<128x128xf32, #tpu.memory_space<vmem>>[vector<16xi32>, vector<16xi32>], vector<16xf32>,
            %mul3A_1055 = arith.mulf %gather3A, %select_n3A_894 : vector<16xf32>
            tpu.vector_store_idx %arg9[%add3A_1046, %broadcast_in_dim3A_1054], %mul3A_1055 masked %ne3A_897 : memref<128x128xf32, #tpu.memory_space<vmem>>[vector<16xi32>, vector<16xi32>], vector<16xf32>, vector<16xi1>
          }
          %scan3A_1052 = arith.constant 128 : i32
        } else {
        }
        %get3A_906 = tpu.memref_slice %arg6[%mul3A_226] : memref<6400xi32, #tpu.memory_space<vmem>> -> memref<128xi32, #tpu.memory_space<vmem>>
        %get3A_907 = arith.constant 32 : index
        %get3A_908 = tpu.vector_load %get3A_906[%get3A_907] {strides = array<i32>} : memref<128xi32, #tpu.memory_space<vmem>>, vector<16xi32>,
        %get3A_909 = tpu.memref_slice %arg7[%mul3A_228] : memref<6400xf32, #tpu.memory_space<vmem>> -> memref<128xf32, #tpu.memory_space<vmem>>
        %get3A_910 = arith.constant 32 : index
        %get3A_911 = tpu.vector_load %get3A_909[%get3A_910] {strides = array<i32>} : memref<128xf32, #tpu.memory_space<vmem>>, vector<16xf32>,
        %eq3A_912 = arith.constant 0 : i32
        %eq3A_913 = vector.broadcast %eq3A_912 : i32 to vector<16xi32>
        %eq3A_914 = arith.cmpi eq, %get3A_908, %eq3A_913 : vector<16xi32>
        %jit3A_915 = arith.constant 0.000000e+00 : f32
        %broadcast_in_dim3A_916 = vector.broadcast %jit3A_915 : f32 to vector<16xf32>
        %select_n3A_917 = arith.select %eq3A_914, %broadcast_in_dim3A_916, %get3A_911 : vector<16xi1>, vector<16xf32>
        %ne3A_918 = arith.constant 1.000000e+00 : f32
        %ne3A_919 = vector.broadcast %ne3A_918 : f32 to vector<16xf32>
        %ne3A_920 = arith.cmpf one, %select_n3A_917, %ne3A_919 : vector<16xf32>
        %all_reduce_population_count3A_921 = tpu.all_reduce %ne3A_920 {dim = 0 : i64, kind = #tpu.reduction_kind<sum>} : vector<16xi1> -> vector<16xi32>
        %slice3A_922 = vector.extract_strided_slice %all_reduce_population_count3A_921 {offsets = [0], sizes = [1], strides = [1]} : vector<16xi32> to vector<1xi32>
        %squeeze3A_923 = vector.extract %slice3A_922[0] : i32 from vector<1xi32>
        %gt3A_924 = arith.constant 0 : i32
        %gt3A_925 = arith.cmpi sgt, %squeeze3A_923, %gt3A_924 : i32
        %convert_element_type3A_926 = arith.extui %gt3A_925 : i1 to i32
        %cond3A_927 = arith.constant 0 : i32
        %cond3A_928 = arith.cmpi ne, %convert_element_type3A_926, %cond3A_927 : i32
        scf.if %cond3A_928 {
          %iota3A = tpu.iota {dimensions = array<i32: 0>} : vector<16xi32>
          %add3A_1044 = arith.constant 32 : i32
          %add3A_1045 = vector.broadcast %add3A_1044 : i32 to vector<16xi32>
          %add3A_1046 = arith.addi %add3A_1045, %iota3A : vector<16xi32>
          %scan3A_1047 = arith.constant 0 : i32
          %scan3A_1048 = arith.constant 0 : i32
          %scan3A_1049 = arith.constant 128 : i32
          %scan3A_1050 = arith.addi %scan3A_1048, %scan3A_1049 : i32
          %scan3A_1051 = arith.constant 1 : i32
          scf.for %scan3A_1053 = %scan3A_1048 to %scan3A_1050 step %scan3A_1051  : i32 {
            %broadcast_in_dim3A_1054 = vector.broadcast %scan3A_1053 : i32 to vector<16xi32>
            %gather3A = tpu.vector_load_idx %arg9[%add3A_1046, %broadcast_in_dim3A_1054] : memref<128x128xf32, #tpu.memory_space<vmem>>[vector<16xi32>, vector<16xi32>], vector<16xf32>,
            %mul3A_1055 = arith.mulf %gather3A, %select_n3A_917 : vector<16xf32>
            tpu.vector_store_idx %arg9[%add3A_1046, %broadcast_in_dim3A_1054], %mul3A_1055 masked %ne3A_920 : memref<128x128xf32, #tpu.memory_space<vmem>>[vector<16xi32>, vector<16xi32>], vector<16xf32>, vector<16xi1>
          }
          %scan3A_1052 = arith.constant 128 : i32
        } else {
        }
        %get3A_929 = tpu.memref_slice %arg6[%mul3A_226] : memref<6400xi32, #tpu.memory_space<vmem>> -> memref<128xi32, #tpu.memory_space<vmem>>
        %get3A_930 = arith.constant 48 : index
        %get3A_931 = tpu.vector_load %get3A_929[%get3A_930] {strides = array<i32>} : memref<128xi32, #tpu.memory_space<vmem>>, vector<16xi32>,
        %get3A_932 = tpu.memref_slice %arg7[%mul3A_228] : memref<6400xf32, #tpu.memory_space<vmem>> -> memref<128xf32, #tpu.memory_space<vmem>>
        %get3A_933 = arith.constant 48 : index
        %get3A_934 = tpu.vector_load %get3A_932[%get3A_933] {strides = array<i32>} : memref<128xf32, #tpu.memory_space<vmem>>, vector<16xf32>,
        %eq3A_935 = arith.constant 0 : i32
        %eq3A_936 = vector.broadcast %eq3A_935 : i32 to vector<16xi32>
        %eq3A_937 = arith.cmpi eq, %get3A_931, %eq3A_936 : vector<16xi32>
        %jit3A_938 = arith.constant 0.000000e+00 : f32
        %broadcast_in_dim3A_939 = vector.broadcast %jit3A_938 : f32 to vector<16xf32>
        %select_n3A_940 = arith.select %eq3A_937, %broadcast_in_dim3A_939, %get3A_934 : vector<16xi1>, vector<16xf32>
        %ne3A_941 = arith.constant 1.000000e+00 : f32
        %ne3A_942 = vector.broadcast %ne3A_941 : f32 to vector<16xf32>
        %ne3A_943 = arith.cmpf one, %select_n3A_940, %ne3A_942 : vector<16xf32>
        %all_reduce_population_count3A_944 = tpu.all_reduce %ne3A_943 {dim = 0 : i64, kind = #tpu.reduction_kind<sum>} : vector<16xi1> -> vector<16xi32>
        %slice3A_945 = vector.extract_strided_slice %all_reduce_population_count3A_944 {offsets = [0], sizes = [1], strides = [1]} : vector<16xi32> to vector<1xi32>
        %squeeze3A_946 = vector.extract %slice3A_945[0] : i32 from vector<1xi32>
        %gt3A_947 = arith.constant 0 : i32
        %gt3A_948 = arith.cmpi sgt, %squeeze3A_946, %gt3A_947 : i32
        %convert_element_type3A_949 = arith.extui %gt3A_948 : i1 to i32
        %cond3A_950 = arith.constant 0 : i32
        %cond3A_951 = arith.cmpi ne, %convert_element_type3A_949, %cond3A_950 : i32
        scf.if %cond3A_951 {
          %iota3A = tpu.iota {dimensions = array<i32: 0>} : vector<16xi32>
          %add3A_1044 = arith.constant 48 : i32
          %add3A_1045 = vector.broadcast %add3A_1044 : i32 to vector<16xi32>
          %add3A_1046 = arith.addi %add3A_1045, %iota3A : vector<16xi32>
          %scan3A_1047 = arith.constant 0 : i32
          %scan3A_1048 = arith.constant 0 : i32
          %scan3A_1049 = arith.constant 128 : i32
          %scan3A_1050 = arith.addi %scan3A_1048, %scan3A_1049 : i32
          %scan3A_1051 = arith.constant 1 : i32
          scf.for %scan3A_1053 = %scan3A_1048 to %scan3A_1050 step %scan3A_1051  : i32 {
            %broadcast_in_dim3A_1054 = vector.broadcast %scan3A_1053 : i32 to vector<16xi32>
            %gather3A = tpu.vector_load_idx %arg9[%add3A_1046, %broadcast_in_dim3A_1054] : memref<128x128xf32, #tpu.memory_space<vmem>>[vector<16xi32>, vector<16xi32>], vector<16xf32>,
            %mul3A_1055 = arith.mulf %gather3A, %select_n3A_940 : vector<16xf32>
            tpu.vector_store_idx %arg9[%add3A_1046, %broadcast_in_dim3A_1054], %mul3A_1055 masked %ne3A_943 : memref<128x128xf32, #tpu.memory_space<vmem>>[vector<16xi32>, vector<16xi32>], vector<16xf32>, vector<16xi1>
          }
          %scan3A_1052 = arith.constant 128 : i32
        } else {
        }
        %get3A_952 = tpu.memref_slice %arg6[%mul3A_226] : memref<6400xi32, #tpu.memory_space<vmem>> -> memref<128xi32, #tpu.memory_space<vmem>>
        %get3A_953 = arith.constant 64 : index
        %get3A_954 = tpu.vector_load %get3A_952[%get3A_953] {strides = array<i32>} : memref<128xi32, #tpu.memory_space<vmem>>, vector<16xi32>,
        %get3A_955 = tpu.memref_slice %arg7[%mul3A_228] : memref<6400xf32, #tpu.memory_space<vmem>> -> memref<128xf32, #tpu.memory_space<vmem>>
        %get3A_956 = arith.constant 64 : index
        %get3A_957 = tpu.vector_load %get3A_955[%get3A_956] {strides = array<i32>} : memref<128xf32, #tpu.memory_space<vmem>>, vector<16xf32>,
        %eq3A_958 = arith.constant 0 : i32
        %eq3A_959 = vector.broadcast %eq3A_958 : i32 to vector<16xi32>
        %eq3A_960 = arith.cmpi eq, %get3A_954, %eq3A_959 : vector<16xi32>
        %jit3A_961 = arith.constant 0.000000e+00 : f32
        %broadcast_in_dim3A_962 = vector.broadcast %jit3A_961 : f32 to vector<16xf32>
        %select_n3A_963 = arith.select %eq3A_960, %broadcast_in_dim3A_962, %get3A_957 : vector<16xi1>, vector<16xf32>
        %ne3A_964 = arith.constant 1.000000e+00 : f32
        %ne3A_965 = vector.broadcast %ne3A_964 : f32 to vector<16xf32>
        %ne3A_966 = arith.cmpf one, %select_n3A_963, %ne3A_965 : vector<16xf32>
        %all_reduce_population_count3A_967 = tpu.all_reduce %ne3A_966 {dim = 0 : i64, kind = #tpu.reduction_kind<sum>} : vector<16xi1> -> vector<16xi32>
        %slice3A_968 = vector.extract_strided_slice %all_reduce_population_count3A_967 {offsets = [0], sizes = [1], strides = [1]} : vector<16xi32> to vector<1xi32>
        %squeeze3A_969 = vector.extract %slice3A_968[0] : i32 from vector<1xi32>
        %gt3A_970 = arith.constant 0 : i32
        %gt3A_971 = arith.cmpi sgt, %squeeze3A_969, %gt3A_970 : i32
        %convert_element_type3A_972 = arith.extui %gt3A_971 : i1 to i32
        %cond3A_973 = arith.constant 0 : i32
        %cond3A_974 = arith.cmpi ne, %convert_element_type3A_972, %cond3A_973 : i32
        scf.if %cond3A_974 {
          %iota3A = tpu.iota {dimensions = array<i32: 0>} : vector<16xi32>
          %add3A_1044 = arith.constant 64 : i32
          %add3A_1045 = vector.broadcast %add3A_1044 : i32 to vector<16xi32>
          %add3A_1046 = arith.addi %add3A_1045, %iota3A : vector<16xi32>
          %scan3A_1047 = arith.constant 0 : i32
          %scan3A_1048 = arith.constant 0 : i32
          %scan3A_1049 = arith.constant 128 : i32
          %scan3A_1050 = arith.addi %scan3A_1048, %scan3A_1049 : i32
          %scan3A_1051 = arith.constant 1 : i32
          scf.for %scan3A_1053 = %scan3A_1048 to %scan3A_1050 step %scan3A_1051  : i32 {
            %broadcast_in_dim3A_1054 = vector.broadcast %scan3A_1053 : i32 to vector<16xi32>
            %gather3A = tpu.vector_load_idx %arg9[%add3A_1046, %broadcast_in_dim3A_1054] : memref<128x128xf32, #tpu.memory_space<vmem>>[vector<16xi32>, vector<16xi32>], vector<16xf32>,
            %mul3A_1055 = arith.mulf %gather3A, %select_n3A_963 : vector<16xf32>
            tpu.vector_store_idx %arg9[%add3A_1046, %broadcast_in_dim3A_1054], %mul3A_1055 masked %ne3A_966 : memref<128x128xf32, #tpu.memory_space<vmem>>[vector<16xi32>, vector<16xi32>], vector<16xf32>, vector<16xi1>
          }
          %scan3A_1052 = arith.constant 128 : i32
        } else {
        }
        %get3A_975 = tpu.memref_slice %arg6[%mul3A_226] : memref<6400xi32, #tpu.memory_space<vmem>> -> memref<128xi32, #tpu.memory_space<vmem>>
        %get3A_976 = arith.constant 80 : index
        %get3A_977 = tpu.vector_load %get3A_975[%get3A_976] {strides = array<i32>} : memref<128xi32, #tpu.memory_space<vmem>>, vector<16xi32>,
        %get3A_978 = tpu.memref_slice %arg7[%mul3A_228] : memref<6400xf32, #tpu.memory_space<vmem>> -> memref<128xf32, #tpu.memory_space<vmem>>
        %get3A_979 = arith.constant 80 : index
        %get3A_980 = tpu.vector_load %get3A_978[%get3A_979] {strides = array<i32>} : memref<128xf32, #tpu.memory_space<vmem>>, vector<16xf32>,
        %eq3A_981 = arith.constant 0 : i32
        %eq3A_982 = vector.broadcast %eq3A_981 : i32 to vector<16xi32>
        %eq3A_983 = arith.cmpi eq, %get3A_977, %eq3A_982 : vector<16xi32>
        %jit3A_984 = arith.constant 0.000000e+00 : f32
        %broadcast_in_dim3A_985 = vector.broadcast %jit3A_984 : f32 to vector<16xf32>
        %select_n3A_986 = arith.select %eq3A_983, %broadcast_in_dim3A_985, %get3A_980 : vector<16xi1>, vector<16xf32>
        %ne3A_987 = arith.constant 1.000000e+00 : f32
        %ne3A_988 = vector.broadcast %ne3A_987 : f32 to vector<16xf32>
        %ne3A_989 = arith.cmpf one, %select_n3A_986, %ne3A_988 : vector<16xf32>
        %all_reduce_population_count3A_990 = tpu.all_reduce %ne3A_989 {dim = 0 : i64, kind = #tpu.reduction_kind<sum>} : vector<16xi1> -> vector<16xi32>
        %slice3A_991 = vector.extract_strided_slice %all_reduce_population_count3A_990 {offsets = [0], sizes = [1], strides = [1]} : vector<16xi32> to vector<1xi32>
        %squeeze3A_992 = vector.extract %slice3A_991[0] : i32 from vector<1xi32>
        %gt3A_993 = arith.constant 0 : i32
        %gt3A_994 = arith.cmpi sgt, %squeeze3A_992, %gt3A_993 : i32
        %convert_element_type3A_995 = arith.extui %gt3A_994 : i1 to i32
        %cond3A_996 = arith.constant 0 : i32
        %cond3A_997 = arith.cmpi ne, %convert_element_type3A_995, %cond3A_996 : i32
        scf.if %cond3A_997 {
          %iota3A = tpu.iota {dimensions = array<i32: 0>} : vector<16xi32>
          %add3A_1044 = arith.constant 80 : i32
          %add3A_1045 = vector.broadcast %add3A_1044 : i32 to vector<16xi32>
          %add3A_1046 = arith.addi %add3A_1045, %iota3A : vector<16xi32>
          %scan3A_1047 = arith.constant 0 : i32
          %scan3A_1048 = arith.constant 0 : i32
          %scan3A_1049 = arith.constant 128 : i32
          %scan3A_1050 = arith.addi %scan3A_1048, %scan3A_1049 : i32
          %scan3A_1051 = arith.constant 1 : i32
          scf.for %scan3A_1053 = %scan3A_1048 to %scan3A_1050 step %scan3A_1051  : i32 {
            %broadcast_in_dim3A_1054 = vector.broadcast %scan3A_1053 : i32 to vector<16xi32>
            %gather3A = tpu.vector_load_idx %arg9[%add3A_1046, %broadcast_in_dim3A_1054] : memref<128x128xf32, #tpu.memory_space<vmem>>[vector<16xi32>, vector<16xi32>], vector<16xf32>,
            %mul3A_1055 = arith.mulf %gather3A, %select_n3A_986 : vector<16xf32>
            tpu.vector_store_idx %arg9[%add3A_1046, %broadcast_in_dim3A_1054], %mul3A_1055 masked %ne3A_989 : memref<128x128xf32, #tpu.memory_space<vmem>>[vector<16xi32>, vector<16xi32>], vector<16xf32>, vector<16xi1>
          }
          %scan3A_1052 = arith.constant 128 : i32
        } else {
        }
        %get3A_998 = tpu.memref_slice %arg6[%mul3A_226] : memref<6400xi32, #tpu.memory_space<vmem>> -> memref<128xi32, #tpu.memory_space<vmem>>
        %get3A_999 = arith.constant 96 : index
        %get3A_1000 = tpu.vector_load %get3A_998[%get3A_999] {strides = array<i32>} : memref<128xi32, #tpu.memory_space<vmem>>, vector<16xi32>,
        %get3A_1001 = tpu.memref_slice %arg7[%mul3A_228] : memref<6400xf32, #tpu.memory_space<vmem>> -> memref<128xf32, #tpu.memory_space<vmem>>
        %get3A_1002 = arith.constant 96 : index
        %get3A_1003 = tpu.vector_load %get3A_1001[%get3A_1002] {strides = array<i32>} : memref<128xf32, #tpu.memory_space<vmem>>, vector<16xf32>,
        %eq3A_1004 = arith.constant 0 : i32
        %eq3A_1005 = vector.broadcast %eq3A_1004 : i32 to vector<16xi32>
        %eq3A_1006 = arith.cmpi eq, %get3A_1000, %eq3A_1005 : vector<16xi32>
        %jit3A_1007 = arith.constant 0.000000e+00 : f32
        %broadcast_in_dim3A_1008 = vector.broadcast %jit3A_1007 : f32 to vector<16xf32>
        %select_n3A_1009 = arith.select %eq3A_1006, %broadcast_in_dim3A_1008, %get3A_1003 : vector<16xi1>, vector<16xf32>
        %ne3A_1010 = arith.constant 1.000000e+00 : f32
        %ne3A_1011 = vector.broadcast %ne3A_1010 : f32 to vector<16xf32>
        %ne3A_1012 = arith.cmpf one, %select_n3A_1009, %ne3A_1011 : vector<16xf32>
        %all_reduce_population_count3A_1013 = tpu.all_reduce %ne3A_1012 {dim = 0 : i64, kind = #tpu.reduction_kind<sum>} : vector<16xi1> -> vector<16xi32>
        %slice3A_1014 = vector.extract_strided_slice %all_reduce_population_count3A_1013 {offsets = [0], sizes = [1], strides = [1]} : vector<16xi32> to vector<1xi32>
        %squeeze3A_1015 = vector.extract %slice3A_1014[0] : i32 from vector<1xi32>
        %gt3A_1016 = arith.constant 0 : i32
        %gt3A_1017 = arith.cmpi sgt, %squeeze3A_1015, %gt3A_1016 : i32
        %convert_element_type3A_1018 = arith.extui %gt3A_1017 : i1 to i32
        %cond3A_1019 = arith.constant 0 : i32
        %cond3A_1020 = arith.cmpi ne, %convert_element_type3A_1018, %cond3A_1019 : i32
        scf.if %cond3A_1020 {
          %iota3A = tpu.iota {dimensions = array<i32: 0>} : vector<16xi32>
          %add3A_1044 = arith.constant 96 : i32
          %add3A_1045 = vector.broadcast %add3A_1044 : i32 to vector<16xi32>
          %add3A_1046 = arith.addi %add3A_1045, %iota3A : vector<16xi32>
          %scan3A_1047 = arith.constant 0 : i32
          %scan3A_1048 = arith.constant 0 : i32
          %scan3A_1049 = arith.constant 128 : i32
          %scan3A_1050 = arith.addi %scan3A_1048, %scan3A_1049 : i32
          %scan3A_1051 = arith.constant 1 : i32
          scf.for %scan3A_1053 = %scan3A_1048 to %scan3A_1050 step %scan3A_1051  : i32 {
            %broadcast_in_dim3A_1054 = vector.broadcast %scan3A_1053 : i32 to vector<16xi32>
            %gather3A = tpu.vector_load_idx %arg9[%add3A_1046, %broadcast_in_dim3A_1054] : memref<128x128xf32, #tpu.memory_space<vmem>>[vector<16xi32>, vector<16xi32>], vector<16xf32>,
            %mul3A_1055 = arith.mulf %gather3A, %select_n3A_1009 : vector<16xf32>
            tpu.vector_store_idx %arg9[%add3A_1046, %broadcast_in_dim3A_1054], %mul3A_1055 masked %ne3A_1012 : memref<128x128xf32, #tpu.memory_space<vmem>>[vector<16xi32>, vector<16xi32>], vector<16xf32>, vector<16xi1>
          }
          %scan3A_1052 = arith.constant 128 : i32
        } else {
        }
        %get3A_1021 = tpu.memref_slice %arg6[%mul3A_226] : memref<6400xi32, #tpu.memory_space<vmem>> -> memref<128xi32, #tpu.memory_space<vmem>>
        %get3A_1022 = arith.constant 112 : index
        %get3A_1023 = tpu.vector_load %get3A_1021[%get3A_1022] {strides = array<i32>} : memref<128xi32, #tpu.memory_space<vmem>>, vector<16xi32>,
        %get3A_1024 = tpu.memref_slice %arg7[%mul3A_228] : memref<6400xf32, #tpu.memory_space<vmem>> -> memref<128xf32, #tpu.memory_space<vmem>>
        %get3A_1025 = arith.constant 112 : index
        %get3A_1026 = tpu.vector_load %get3A_1024[%get3A_1025] {strides = array<i32>} : memref<128xf32, #tpu.memory_space<vmem>>, vector<16xf32>,
        %eq3A_1027 = arith.constant 0 : i32
        %eq3A_1028 = vector.broadcast %eq3A_1027 : i32 to vector<16xi32>
        %eq3A_1029 = arith.cmpi eq, %get3A_1023, %eq3A_1028 : vector<16xi32>
        %jit3A_1030 = arith.constant 0.000000e+00 : f32
        %broadcast_in_dim3A_1031 = vector.broadcast %jit3A_1030 : f32 to vector<16xf32>
        %select_n3A_1032 = arith.select %eq3A_1029, %broadcast_in_dim3A_1031, %get3A_1026 : vector<16xi1>, vector<16xf32>
        %ne3A_1033 = arith.constant 1.000000e+00 : f32
        %ne3A_1034 = vector.broadcast %ne3A_1033 : f32 to vector<16xf32>
        %ne3A_1035 = arith.cmpf one, %select_n3A_1032, %ne3A_1034 : vector<16xf32>
        %all_reduce_population_count3A_1036 = tpu.all_reduce %ne3A_1035 {dim = 0 : i64, kind = #tpu.reduction_kind<sum>} : vector<16xi1> -> vector<16xi32>
        %slice3A_1037 = vector.extract_strided_slice %all_reduce_population_count3A_1036 {offsets = [0], sizes = [1], strides = [1]} : vector<16xi32> to vector<1xi32>
        %squeeze3A_1038 = vector.extract %slice3A_1037[0] : i32 from vector<1xi32>
        %gt3A_1039 = arith.constant 0 : i32
        %gt3A_1040 = arith.cmpi sgt, %squeeze3A_1038, %gt3A_1039 : i32
        %convert_element_type3A_1041 = arith.extui %gt3A_1040 : i1 to i32
        %cond3A_1042 = arith.constant 0 : i32
        %cond3A_1043 = arith.cmpi ne, %convert_element_type3A_1041, %cond3A_1042 : i32
        scf.if %cond3A_1043 {
          %iota3A = tpu.iota {dimensions = array<i32: 0>} : vector<16xi32>
          %add3A_1044 = arith.constant 112 : i32
          %add3A_1045 = vector.broadcast %add3A_1044 : i32 to vector<16xi32>
          %add3A_1046 = arith.addi %add3A_1045, %iota3A : vector<16xi32>
          %scan3A_1047 = arith.constant 0 : i32
          %scan3A_1048 = arith.constant 0 : i32
          %scan3A_1049 = arith.constant 128 : i32
          %scan3A_1050 = arith.addi %scan3A_1048, %scan3A_1049 : i32
          %scan3A_1051 = arith.constant 1 : i32
          scf.for %scan3A_1053 = %scan3A_1048 to %scan3A_1050 step %scan3A_1051  : i32 {
            %broadcast_in_dim3A_1054 = vector.broadcast %scan3A_1053 : i32 to vector<16xi32>
            %gather3A = tpu.vector_load_idx %arg9[%add3A_1046, %broadcast_in_dim3A_1054] : memref<128x128xf32, #tpu.memory_space<vmem>>[vector<16xi32>, vector<16xi32>], vector<16xf32>,
            %mul3A_1055 = arith.mulf %gather3A, %select_n3A_1032 : vector<16xf32>
            tpu.vector_store_idx %arg9[%add3A_1046, %broadcast_in_dim3A_1054], %mul3A_1055 masked %ne3A_1035 : memref<128x128xf32, #tpu.memory_space<vmem>>[vector<16xi32>, vector<16xi32>], vector<16xf32>, vector<16xi1>
          }
          %scan3A_1052 = arith.constant 128 : i32
        } else {
        }
      } else {
      }
      %mul3A_364 = arith.constant 128 : i32
      %mul3A_365 = arith.muli %add3A_209, %mul3A_364 : i32
      %add3A_366 = arith.addi %mul3A_2, %mul3A_365 : i32
      %dma_start3A_367 = arith.constant 0 : i32
      %dma_start3A_368 = tpu.memref_slice %arg5[%add3A_366, %dma_start3A_367] : memref<204800x128xf32, #tpu.memory_space<hbm>> -> memref<128x128xf32, #tpu.memory_space<hbm>>
      %dma_start3A_369 = arith.constant 0 : i32
      %dma_start3A_370 = tpu.memref_slice %arg5[%add3A_366, %dma_start3A_369] : memref<204800x128xf32, #tpu.memory_space<hbm>> -> memref<128x128xf32, #tpu.memory_space<hbm>>
      tpu.enqueue_dma source(%arg9 : memref<128x128xf32, #tpu.memory_space<vmem>>) target(%dma_start3A_370 : memref<128x128xf32, #tpu.memory_space<hbm>>) target_semaphore(%arg19 : memref<!tpu.dma_semaphore, #tpu.memory_space<semaphore_mem>>)
      %add3A_371 = arith.constant 2 : i32
      %add3A_372 = arith.addi %add3A_59, %add3A_371 : i32
      %add3A_373 = arith.constant 5 : i32
      %add3A_374 = arith.addi %add3A_372, %add3A_373 : i32
      %sub3A_375 = arith.constant 1 : i32
      %sub3A_376 = arith.subi %add3A_374, %sub3A_375 : i32
      %lt3A_377 = arith.constant 50 : i32
      %lt3A_378 = arith.cmpi slt, %sub3A_376, %lt3A_377 : i32
      %convert_element_type3A_379 = arith.extui %lt3A_378 : i1 to i32
      %cond3A_380 = arith.constant 0 : i32
      %cond3A_381 = arith.cmpi ne, %convert_element_type3A_379, %cond3A_380 : i32
      scf.if %cond3A_381 {
        %ge3A = arith.constant 1 : i32
        %ge3A_860 = arith.cmpi sge, %add3A_372, %ge3A : i32
        %convert_element_type3A_861 = arith.extui %ge3A_860 : i1 to i32
        %cond3A_862 = arith.constant 0 : i32
        %cond3A_863 = arith.cmpi ne, %convert_element_type3A_861, %cond3A_862 : i32
        scf.if %cond3A_863 {
          %sub3A_874 = arith.constant 1 : i32
          %sub3A_875 = arith.subi %add3A_372, %sub3A_874 : i32
          %mul3A_876 = arith.constant 128 : i32
          %mul3A_877 = arith.muli %sub3A_875, %mul3A_876 : i32
          %add3A_878 = arith.addi %mul3A_2, %mul3A_877 : i32
          %dma_wait3A_879 = arith.constant 0 : i32
          %dma_wait3A_880 = tpu.memref_slice %arg5[%add3A_878, %dma_wait3A_879] : memref<204800x128xf32, #tpu.memory_space<hbm>> -> memref<128x128xf32, #tpu.memory_space<hbm>>
          %dma_wait3A_881 = arith.constant 0 : i32
          %dma_wait3A_882 = tpu.memref_slice %arg5[%add3A_878, %dma_wait3A_881] : memref<204800x128xf32, #tpu.memory_space<hbm>> -> memref<128x128xf32, #tpu.memory_space<hbm>>
          tpu.wait_dma2 semaphore(%arg19 : memref<!tpu.dma_semaphore, #tpu.memory_space<semaphore_mem>>) src(%arg9 : memref<128x128xf32, #tpu.memory_space<vmem>>) dst(%dma_wait3A_882 : memref<128x128xf32, #tpu.memory_space<hbm>>)
        } else {
        }
        %add3A_864 = arith.constant 5 : i32
        %add3A_865 = arith.addi %add3A_372, %add3A_864 : i32
        %sub3A_866 = arith.constant 1 : i32
        %sub3A_867 = arith.subi %add3A_865, %sub3A_866 : i32
        %mul3A_868 = arith.constant 128 : i32
        %mul3A_869 = arith.muli %sub3A_867, %mul3A_868 : i32
        %dma_start3A_870 = tpu.memref_slice %arg6[%mul3A_869] : memref<6400xi32, #tpu.memory_space<vmem>> -> memref<128xi32, #tpu.memory_space<vmem>>
        %dma_start3A_871 = arith.constant 0 : i32
        %dma_start3A_872 = arith.constant 0 : i32
        %dma_start3A_873 = tpu.memref_slice %arg2[%dma_start3A_871, %dma_start3A_872] : memref<100000x128xf32, #tpu.memory_space<hbm>> -> memref<100000x128xf32, #tpu.memory_space<hbm>>
        tpu.enqueue_indirect_dma source(%dma_start3A_873 : memref<100000x128xf32, #tpu.memory_space<hbm>>) target(%arg9 : memref<128x128xf32, #tpu.memory_space<vmem>>) offsets(%dma_start3A_870 : memref<128xi32, #tpu.memory_space<vmem>>) semaphore(%arg14 : memref<!tpu.dma_semaphore, #tpu.memory_space<semaphore_mem>>)
      } else {
      }
      %mul3A_382 = arith.constant 128 : i32
      %mul3A_383 = arith.muli %add3A_372, %mul3A_382 : i32
      %dma_wait3A_384 = tpu.memref_slice %arg6[%mul3A_383] : memref<6400xi32, #tpu.memory_space<vmem>> -> memref<128xi32, #tpu.memory_space<vmem>>
      %dma_wait3A_385 = arith.constant 0 : i32
      %dma_wait3A_386 = arith.constant 0 : i32
      %dma_wait3A_387 = tpu.memref_slice %arg2[%dma_wait3A_385, %dma_wait3A_386] : memref<100000x128xf32, #tpu.memory_space<hbm>> -> memref<100000x128xf32, #tpu.memory_space<hbm>>
      tpu.wait_indirect_dma semaphore(%arg15 : memref<!tpu.dma_semaphore, #tpu.memory_space<semaphore_mem>>) src(%dma_wait3A_387 : memref<100000x128xf32, #tpu.memory_space<hbm>>) dst(%arg10 : memref<128x128xf32, #tpu.memory_space<vmem>>)
      %mul3A_388 = arith.constant 128 : i32
      %mul3A_389 = arith.muli %add3A_372, %mul3A_388 : i32
      %mul3A_390 = arith.constant 128 : i32
      %mul3A_391 = arith.muli %add3A_372, %mul3A_390 : i32
      %get3A_392 = tpu.memref_slice %arg6[%mul3A_389] : memref<6400xi32, #tpu.memory_space<vmem>> -> memref<128xi32, #tpu.memory_space<vmem>>
      %get3A_393 = arith.constant 0 : index
      %get3A_394 = tpu.vector_load %get3A_392[%get3A_393] {strides = array<i32>} : memref<128xi32, #tpu.memory_space<vmem>>, vector<16xi32>,
      %get3A_395 = tpu.memref_slice %arg7[%mul3A_391] : memref<6400xf32, #tpu.memory_space<vmem>> -> memref<128xf32, #tpu.memory_space<vmem>>
      %get3A_396 = arith.constant 0 : index
      %get3A_397 = tpu.vector_load %get3A_395[%get3A_396] {strides = array<i32>} : memref<128xf32, #tpu.memory_space<vmem>>, vector<16xf32>,
      %eq3A_398 = arith.constant 0 : i32
      %eq3A_399 = vector.broadcast %eq3A_398 : i32 to vector<16xi32>
      %eq3A_400 = arith.cmpi eq, %get3A_394, %eq3A_399 : vector<16xi32>
      %jit3A_401 = arith.constant 0.000000e+00 : f32
      %broadcast_in_dim3A_402 = vector.broadcast %jit3A_401 : f32 to vector<16xf32>
      %select_n3A_403 = arith.select %eq3A_400, %broadcast_in_dim3A_402, %get3A_397 : vector<16xi1>, vector<16xf32>
      %ne3A_404 = arith.constant 1.000000e+00 : f32
      %ne3A_405 = vector.broadcast %ne3A_404 : f32 to vector<16xf32>
      %ne3A_406 = arith.cmpf one, %select_n3A_403, %ne3A_405 : vector<16xf32>
      %get3A_407 = tpu.memref_slice %arg6[%mul3A_389] : memref<6400xi32, #tpu.memory_space<vmem>> -> memref<128xi32, #tpu.memory_space<vmem>>
      %get3A_408 = arith.constant 16 : index
      %get3A_409 = tpu.vector_load %get3A_407[%get3A_408] {strides = array<i32>} : memref<128xi32, #tpu.memory_space<vmem>>, vector<16xi32>,
      %get3A_410 = tpu.memref_slice %arg7[%mul3A_391] : memref<6400xf32, #tpu.memory_space<vmem>> -> memref<128xf32, #tpu.memory_space<vmem>>
      %get3A_411 = arith.constant 16 : index
      %get3A_412 = tpu.vector_load %get3A_410[%get3A_411] {strides = array<i32>} : memref<128xf32, #tpu.memory_space<vmem>>, vector<16xf32>,
      %eq3A_413 = arith.constant 0 : i32
      %eq3A_414 = vector.broadcast %eq3A_413 : i32 to vector<16xi32>
      %eq3A_415 = arith.cmpi eq, %get3A_409, %eq3A_414 : vector<16xi32>
      %jit3A_416 = arith.constant 0.000000e+00 : f32
      %broadcast_in_dim3A_417 = vector.broadcast %jit3A_416 : f32 to vector<16xf32>
      %select_n3A_418 = arith.select %eq3A_415, %broadcast_in_dim3A_417, %get3A_412 : vector<16xi1>, vector<16xf32>
      %ne3A_419 = arith.constant 1.000000e+00 : f32
      %ne3A_420 = vector.broadcast %ne3A_419 : f32 to vector<16xf32>
      %ne3A_421 = arith.cmpf one, %select_n3A_418, %ne3A_420 : vector<16xf32>
      %or3A_422 = arith.ori %ne3A_406, %ne3A_421 : vector<16xi1>
      %get3A_423 = tpu.memref_slice %arg6[%mul3A_389] : memref<6400xi32, #tpu.memory_space<vmem>> -> memref<128xi32, #tpu.memory_space<vmem>>
      %get3A_424 = arith.constant 32 : index
      %get3A_425 = tpu.vector_load %get3A_423[%get3A_424] {strides = array<i32>} : memref<128xi32, #tpu.memory_space<vmem>>, vector<16xi32>,
      %get3A_426 = tpu.memref_slice %arg7[%mul3A_391] : memref<6400xf32, #tpu.memory_space<vmem>> -> memref<128xf32, #tpu.memory_space<vmem>>
      %get3A_427 = arith.constant 32 : index
      %get3A_428 = tpu.vector_load %get3A_426[%get3A_427] {strides = array<i32>} : memref<128xf32, #tpu.memory_space<vmem>>, vector<16xf32>,
      %eq3A_429 = arith.constant 0 : i32
      %eq3A_430 = vector.broadcast %eq3A_429 : i32 to vector<16xi32>
      %eq3A_431 = arith.cmpi eq, %get3A_425, %eq3A_430 : vector<16xi32>
      %jit3A_432 = arith.constant 0.000000e+00 : f32
      %broadcast_in_dim3A_433 = vector.broadcast %jit3A_432 : f32 to vector<16xf32>
      %select_n3A_434 = arith.select %eq3A_431, %broadcast_in_dim3A_433, %get3A_428 : vector<16xi1>, vector<16xf32>
      %ne3A_435 = arith.constant 1.000000e+00 : f32
      %ne3A_436 = vector.broadcast %ne3A_435 : f32 to vector<16xf32>
      %ne3A_437 = arith.cmpf one, %select_n3A_434, %ne3A_436 : vector<16xf32>
      %or3A_438 = arith.ori %or3A_422, %ne3A_437 : vector<16xi1>
      %get3A_439 = tpu.memref_slice %arg6[%mul3A_389] : memref<6400xi32, #tpu.memory_space<vmem>> -> memref<128xi32, #tpu.memory_space<vmem>>
      %get3A_440 = arith.constant 48 : index
      %get3A_441 = tpu.vector_load %get3A_439[%get3A_440] {strides = array<i32>} : memref<128xi32, #tpu.memory_space<vmem>>, vector<16xi32>,
      %get3A_442 = tpu.memref_slice %arg7[%mul3A_391] : memref<6400xf32, #tpu.memory_space<vmem>> -> memref<128xf32, #tpu.memory_space<vmem>>
      %get3A_443 = arith.constant 48 : index
      %get3A_444 = tpu.vector_load %get3A_442[%get3A_443] {strides = array<i32>} : memref<128xf32, #tpu.memory_space<vmem>>, vector<16xf32>,
      %eq3A_445 = arith.constant 0 : i32
      %eq3A_446 = vector.broadcast %eq3A_445 : i32 to vector<16xi32>
      %eq3A_447 = arith.cmpi eq, %get3A_441, %eq3A_446 : vector<16xi32>
      %jit3A_448 = arith.constant 0.000000e+00 : f32
      %broadcast_in_dim3A_449 = vector.broadcast %jit3A_448 : f32 to vector<16xf32>
      %select_n3A_450 = arith.select %eq3A_447, %broadcast_in_dim3A_449, %get3A_444 : vector<16xi1>, vector<16xf32>
      %ne3A_451 = arith.constant 1.000000e+00 : f32
      %ne3A_452 = vector.broadcast %ne3A_451 : f32 to vector<16xf32>
      %ne3A_453 = arith.cmpf one, %select_n3A_450, %ne3A_452 : vector<16xf32>
      %or3A_454 = arith.ori %or3A_438, %ne3A_453 : vector<16xi1>
      %get3A_455 = tpu.memref_slice %arg6[%mul3A_389] : memref<6400xi32, #tpu.memory_space<vmem>> -> memref<128xi32, #tpu.memory_space<vmem>>
      %get3A_456 = arith.constant 64 : index
      %get3A_457 = tpu.vector_load %get3A_455[%get3A_456] {strides = array<i32>} : memref<128xi32, #tpu.memory_space<vmem>>, vector<16xi32>,
      %get3A_458 = tpu.memref_slice %arg7[%mul3A_391] : memref<6400xf32, #tpu.memory_space<vmem>> -> memref<128xf32, #tpu.memory_space<vmem>>
      %get3A_459 = arith.constant 64 : index
      %get3A_460 = tpu.vector_load %get3A_458[%get3A_459] {strides = array<i32>} : memref<128xf32, #tpu.memory_space<vmem>>, vector<16xf32>,
      %eq3A_461 = arith.constant 0 : i32
      %eq3A_462 = vector.broadcast %eq3A_461 : i32 to vector<16xi32>
      %eq3A_463 = arith.cmpi eq, %get3A_457, %eq3A_462 : vector<16xi32>
      %jit3A_464 = arith.constant 0.000000e+00 : f32
      %broadcast_in_dim3A_465 = vector.broadcast %jit3A_464 : f32 to vector<16xf32>
      %select_n3A_466 = arith.select %eq3A_463, %broadcast_in_dim3A_465, %get3A_460 : vector<16xi1>, vector<16xf32>
      %ne3A_467 = arith.constant 1.000000e+00 : f32
      %ne3A_468 = vector.broadcast %ne3A_467 : f32 to vector<16xf32>
      %ne3A_469 = arith.cmpf one, %select_n3A_466, %ne3A_468 : vector<16xf32>
      %or3A_470 = arith.ori %or3A_454, %ne3A_469 : vector<16xi1>
      %get3A_471 = tpu.memref_slice %arg6[%mul3A_389] : memref<6400xi32, #tpu.memory_space<vmem>> -> memref<128xi32, #tpu.memory_space<vmem>>
      %get3A_472 = arith.constant 80 : index
      %get3A_473 = tpu.vector_load %get3A_471[%get3A_472] {strides = array<i32>} : memref<128xi32, #tpu.memory_space<vmem>>, vector<16xi32>,
      %get3A_474 = tpu.memref_slice %arg7[%mul3A_391] : memref<6400xf32, #tpu.memory_space<vmem>> -> memref<128xf32, #tpu.memory_space<vmem>>
      %get3A_475 = arith.constant 80 : index
      %get3A_476 = tpu.vector_load %get3A_474[%get3A_475] {strides = array<i32>} : memref<128xf32, #tpu.memory_space<vmem>>, vector<16xf32>,
      %eq3A_477 = arith.constant 0 : i32
      %eq3A_478 = vector.broadcast %eq3A_477 : i32 to vector<16xi32>
      %eq3A_479 = arith.cmpi eq, %get3A_473, %eq3A_478 : vector<16xi32>
      %jit3A_480 = arith.constant 0.000000e+00 : f32
      %broadcast_in_dim3A_481 = vector.broadcast %jit3A_480 : f32 to vector<16xf32>
      %select_n3A_482 = arith.select %eq3A_479, %broadcast_in_dim3A_481, %get3A_476 : vector<16xi1>, vector<16xf32>
      %ne3A_483 = arith.constant 1.000000e+00 : f32
      %ne3A_484 = vector.broadcast %ne3A_483 : f32 to vector<16xf32>
      %ne3A_485 = arith.cmpf one, %select_n3A_482, %ne3A_484 : vector<16xf32>
      %or3A_486 = arith.ori %or3A_470, %ne3A_485 : vector<16xi1>
      %get3A_487 = tpu.memref_slice %arg6[%mul3A_389] : memref<6400xi32, #tpu.memory_space<vmem>> -> memref<128xi32, #tpu.memory_space<vmem>>
      %get3A_488 = arith.constant 96 : index
      %get3A_489 = tpu.vector_load %get3A_487[%get3A_488] {strides = array<i32>} : memref<128xi32, #tpu.memory_space<vmem>>, vector<16xi32>,
      %get3A_490 = tpu.memref_slice %arg7[%mul3A_391] : memref<6400xf32, #tpu.memory_space<vmem>> -> memref<128xf32, #tpu.memory_space<vmem>>
      %get3A_491 = arith.constant 96 : index
      %get3A_492 = tpu.vector_load %get3A_490[%get3A_491] {strides = array<i32>} : memref<128xf32, #tpu.memory_space<vmem>>, vector<16xf32>,
      %eq3A_493 = arith.constant 0 : i32
      %eq3A_494 = vector.broadcast %eq3A_493 : i32 to vector<16xi32>
      %eq3A_495 = arith.cmpi eq, %get3A_489, %eq3A_494 : vector<16xi32>
      %jit3A_496 = arith.constant 0.000000e+00 : f32
      %broadcast_in_dim3A_497 = vector.broadcast %jit3A_496 : f32 to vector<16xf32>
      %select_n3A_498 = arith.select %eq3A_495, %broadcast_in_dim3A_497, %get3A_492 : vector<16xi1>, vector<16xf32>
      %ne3A_499 = arith.constant 1.000000e+00 : f32
      %ne3A_500 = vector.broadcast %ne3A_499 : f32 to vector<16xf32>
      %ne3A_501 = arith.cmpf one, %select_n3A_498, %ne3A_500 : vector<16xf32>
      %or3A_502 = arith.ori %or3A_486, %ne3A_501 : vector<16xi1>
      %get3A_503 = tpu.memref_slice %arg6[%mul3A_389] : memref<6400xi32, #tpu.memory_space<vmem>> -> memref<128xi32, #tpu.memory_space<vmem>>
      %get3A_504 = arith.constant 112 : index
      %get3A_505 = tpu.vector_load %get3A_503[%get3A_504] {strides = array<i32>} : memref<128xi32, #tpu.memory_space<vmem>>, vector<16xi32>,
      %get3A_506 = tpu.memref_slice %arg7[%mul3A_391] : memref<6400xf32, #tpu.memory_space<vmem>> -> memref<128xf32, #tpu.memory_space<vmem>>
      %get3A_507 = arith.constant 112 : index
      %get3A_508 = tpu.vector_load %get3A_506[%get3A_507] {strides = array<i32>} : memref<128xf32, #tpu.memory_space<vmem>>, vector<16xf32>,
      %eq3A_509 = arith.constant 0 : i32
      %eq3A_510 = vector.broadcast %eq3A_509 : i32 to vector<16xi32>
      %eq3A_511 = arith.cmpi eq, %get3A_505, %eq3A_510 : vector<16xi32>
      %jit3A_512 = arith.constant 0.000000e+00 : f32
      %broadcast_in_dim3A_513 = vector.broadcast %jit3A_512 : f32 to vector<16xf32>
      %select_n3A_514 = arith.select %eq3A_511, %broadcast_in_dim3A_513, %get3A_508 : vector<16xi1>, vector<16xf32>
      %ne3A_515 = arith.constant 1.000000e+00 : f32
      %ne3A_516 = vector.broadcast %ne3A_515 : f32 to vector<16xf32>
      %ne3A_517 = arith.cmpf one, %select_n3A_514, %ne3A_516 : vector<16xf32>
      %or3A_518 = arith.ori %or3A_502, %ne3A_517 : vector<16xi1>
      %all_reduce_population_count3A_519 = tpu.all_reduce %or3A_518 {dim = 0 : i64, kind = #tpu.reduction_kind<sum>} : vector<16xi1> -> vector<16xi32>
      %slice3A_520 = vector.extract_strided_slice %all_reduce_population_count3A_519 {offsets = [0], sizes = [1], strides = [1]} : vector<16xi32> to vector<1xi32>
      %squeeze3A_521 = vector.extract %slice3A_520[0] : i32 from vector<1xi32>
      %gt3A_522 = arith.constant 0 : i32
      %gt3A_523 = arith.cmpi sgt, %squeeze3A_521, %gt3A_522 : i32
      %convert_element_type3A_524 = arith.extui %gt3A_523 : i1 to i32
      %cond3A_525 = arith.constant 0 : i32
      %cond3A_526 = arith.cmpi ne, %convert_element_type3A_524, %cond3A_525 : i32
      scf.if %cond3A_526 {
        %get3A_860 = tpu.memref_slice %arg6[%mul3A_389] : memref<6400xi32, #tpu.memory_space<vmem>> -> memref<128xi32, #tpu.memory_space<vmem>>
        %get3A_861 = arith.constant 0 : index
        %get3A_862 = tpu.vector_load %get3A_860[%get3A_861] {strides = array<i32>} : memref<128xi32, #tpu.memory_space<vmem>>, vector<16xi32>,
        %get3A_863 = tpu.memref_slice %arg7[%mul3A_391] : memref<6400xf32, #tpu.memory_space<vmem>> -> memref<128xf32, #tpu.memory_space<vmem>>
        %get3A_864 = arith.constant 0 : index
        %get3A_865 = tpu.vector_load %get3A_863[%get3A_864] {strides = array<i32>} : memref<128xf32, #tpu.memory_space<vmem>>, vector<16xf32>,
        %eq3A_866 = arith.constant 0 : i32
        %eq3A_867 = vector.broadcast %eq3A_866 : i32 to vector<16xi32>
        %eq3A_868 = arith.cmpi eq, %get3A_862, %eq3A_867 : vector<16xi32>
        %jit3A_869 = arith.constant 0.000000e+00 : f32
        %broadcast_in_dim3A_870 = vector.broadcast %jit3A_869 : f32 to vector<16xf32>
        %select_n3A_871 = arith.select %eq3A_868, %broadcast_in_dim3A_870, %get3A_865 : vector<16xi1>, vector<16xf32>
        %ne3A_872 = arith.constant 1.000000e+00 : f32
        %ne3A_873 = vector.broadcast %ne3A_872 : f32 to vector<16xf32>
        %ne3A_874 = arith.cmpf one, %select_n3A_871, %ne3A_873 : vector<16xf32>
        %all_reduce_population_count3A_875 = tpu.all_reduce %ne3A_874 {dim = 0 : i64, kind = #tpu.reduction_kind<sum>} : vector<16xi1> -> vector<16xi32>
        %slice3A_876 = vector.extract_strided_slice %all_reduce_population_count3A_875 {offsets = [0], sizes = [1], strides = [1]} : vector<16xi32> to vector<1xi32>
        %squeeze3A_877 = vector.extract %slice3A_876[0] : i32 from vector<1xi32>
        %gt3A_878 = arith.constant 0 : i32
        %gt3A_879 = arith.cmpi sgt, %squeeze3A_877, %gt3A_878 : i32
        %convert_element_type3A_880 = arith.extui %gt3A_879 : i1 to i32
        %cond3A_881 = arith.constant 0 : i32
        %cond3A_882 = arith.cmpi ne, %convert_element_type3A_880, %cond3A_881 : i32
        scf.if %cond3A_882 {
          %iota3A = tpu.iota {dimensions = array<i32: 0>} : vector<16xi32>
          %add3A_1044 = arith.constant 0 : i32
          %add3A_1045 = vector.broadcast %add3A_1044 : i32 to vector<16xi32>
          %add3A_1046 = arith.addi %add3A_1045, %iota3A : vector<16xi32>
          %scan3A_1047 = arith.constant 0 : i32
          %scan3A_1048 = arith.constant 0 : i32
          %scan3A_1049 = arith.constant 128 : i32
          %scan3A_1050 = arith.addi %scan3A_1048, %scan3A_1049 : i32
          %scan3A_1051 = arith.constant 1 : i32
          scf.for %scan3A_1053 = %scan3A_1048 to %scan3A_1050 step %scan3A_1051  : i32 {
            %broadcast_in_dim3A_1054 = vector.broadcast %scan3A_1053 : i32 to vector<16xi32>
            %gather3A = tpu.vector_load_idx %arg10[%add3A_1046, %broadcast_in_dim3A_1054] : memref<128x128xf32, #tpu.memory_space<vmem>>[vector<16xi32>, vector<16xi32>], vector<16xf32>,
            %mul3A_1055 = arith.mulf %gather3A, %select_n3A_871 : vector<16xf32>
            tpu.vector_store_idx %arg10[%add3A_1046, %broadcast_in_dim3A_1054], %mul3A_1055 masked %ne3A_874 : memref<128x128xf32, #tpu.memory_space<vmem>>[vector<16xi32>, vector<16xi32>], vector<16xf32>, vector<16xi1>
          }
          %scan3A_1052 = arith.constant 128 : i32
        } else {
        }
        %get3A_883 = tpu.memref_slice %arg6[%mul3A_389] : memref<6400xi32, #tpu.memory_space<vmem>> -> memref<128xi32, #tpu.memory_space<vmem>>
        %get3A_884 = arith.constant 16 : index
        %get3A_885 = tpu.vector_load %get3A_883[%get3A_884] {strides = array<i32>} : memref<128xi32, #tpu.memory_space<vmem>>, vector<16xi32>,
        %get3A_886 = tpu.memref_slice %arg7[%mul3A_391] : memref<6400xf32, #tpu.memory_space<vmem>> -> memref<128xf32, #tpu.memory_space<vmem>>
        %get3A_887 = arith.constant 16 : index
        %get3A_888 = tpu.vector_load %get3A_886[%get3A_887] {strides = array<i32>} : memref<128xf32, #tpu.memory_space<vmem>>, vector<16xf32>,
        %eq3A_889 = arith.constant 0 : i32
        %eq3A_890 = vector.broadcast %eq3A_889 : i32 to vector<16xi32>
        %eq3A_891 = arith.cmpi eq, %get3A_885, %eq3A_890 : vector<16xi32>
        %jit3A_892 = arith.constant 0.000000e+00 : f32
        %broadcast_in_dim3A_893 = vector.broadcast %jit3A_892 : f32 to vector<16xf32>
        %select_n3A_894 = arith.select %eq3A_891, %broadcast_in_dim3A_893, %get3A_888 : vector<16xi1>, vector<16xf32>
        %ne3A_895 = arith.constant 1.000000e+00 : f32
        %ne3A_896 = vector.broadcast %ne3A_895 : f32 to vector<16xf32>
        %ne3A_897 = arith.cmpf one, %select_n3A_894, %ne3A_896 : vector<16xf32>
        %all_reduce_population_count3A_898 = tpu.all_reduce %ne3A_897 {dim = 0 : i64, kind = #tpu.reduction_kind<sum>} : vector<16xi1> -> vector<16xi32>
        %slice3A_899 = vector.extract_strided_slice %all_reduce_population_count3A_898 {offsets = [0], sizes = [1], strides = [1]} : vector<16xi32> to vector<1xi32>
        %squeeze3A_900 = vector.extract %slice3A_899[0] : i32 from vector<1xi32>
        %gt3A_901 = arith.constant 0 : i32
        %gt3A_902 = arith.cmpi sgt, %squeeze3A_900, %gt3A_901 : i32
        %convert_element_type3A_903 = arith.extui %gt3A_902 : i1 to i32
        %cond3A_904 = arith.constant 0 : i32
        %cond3A_905 = arith.cmpi ne, %convert_element_type3A_903, %cond3A_904 : i32
        scf.if %cond3A_905 {
          %iota3A = tpu.iota {dimensions = array<i32: 0>} : vector<16xi32>
          %add3A_1044 = arith.constant 16 : i32
          %add3A_1045 = vector.broadcast %add3A_1044 : i32 to vector<16xi32>
          %add3A_1046 = arith.addi %add3A_1045, %iota3A : vector<16xi32>
          %scan3A_1047 = arith.constant 0 : i32
          %scan3A_1048 = arith.constant 0 : i32
          %scan3A_1049 = arith.constant 128 : i32
          %scan3A_1050 = arith.addi %scan3A_1048, %scan3A_1049 : i32
          %scan3A_1051 = arith.constant 1 : i32
          scf.for %scan3A_1053 = %scan3A_1048 to %scan3A_1050 step %scan3A_1051  : i32 {
            %broadcast_in_dim3A_1054 = vector.broadcast %scan3A_1053 : i32 to vector<16xi32>
            %gather3A = tpu.vector_load_idx %arg10[%add3A_1046, %broadcast_in_dim3A_1054] : memref<128x128xf32, #tpu.memory_space<vmem>>[vector<16xi32>, vector<16xi32>], vector<16xf32>,
            %mul3A_1055 = arith.mulf %gather3A, %select_n3A_894 : vector<16xf32>
            tpu.vector_store_idx %arg10[%add3A_1046, %broadcast_in_dim3A_1054], %mul3A_1055 masked %ne3A_897 : memref<128x128xf32, #tpu.memory_space<vmem>>[vector<16xi32>, vector<16xi32>], vector<16xf32>, vector<16xi1>
          }
          %scan3A_1052 = arith.constant 128 : i32
        } else {
        }
        %get3A_906 = tpu.memref_slice %arg6[%mul3A_389] : memref<6400xi32, #tpu.memory_space<vmem>> -> memref<128xi32, #tpu.memory_space<vmem>>
        %get3A_907 = arith.constant 32 : index
        %get3A_908 = tpu.vector_load %get3A_906[%get3A_907] {strides = array<i32>} : memref<128xi32, #tpu.memory_space<vmem>>, vector<16xi32>,
        %get3A_909 = tpu.memref_slice %arg7[%mul3A_391] : memref<6400xf32, #tpu.memory_space<vmem>> -> memref<128xf32, #tpu.memory_space<vmem>>
        %get3A_910 = arith.constant 32 : index
        %get3A_911 = tpu.vector_load %get3A_909[%get3A_910] {strides = array<i32>} : memref<128xf32, #tpu.memory_space<vmem>>, vector<16xf32>,
        %eq3A_912 = arith.constant 0 : i32
        %eq3A_913 = vector.broadcast %eq3A_912 : i32 to vector<16xi32>
        %eq3A_914 = arith.cmpi eq, %get3A_908, %eq3A_913 : vector<16xi32>
        %jit3A_915 = arith.constant 0.000000e+00 : f32
        %broadcast_in_dim3A_916 = vector.broadcast %jit3A_915 : f32 to vector<16xf32>
        %select_n3A_917 = arith.select %eq3A_914, %broadcast_in_dim3A_916, %get3A_911 : vector<16xi1>, vector<16xf32>
        %ne3A_918 = arith.constant 1.000000e+00 : f32
        %ne3A_919 = vector.broadcast %ne3A_918 : f32 to vector<16xf32>
        %ne3A_920 = arith.cmpf one, %select_n3A_917, %ne3A_919 : vector<16xf32>
        %all_reduce_population_count3A_921 = tpu.all_reduce %ne3A_920 {dim = 0 : i64, kind = #tpu.reduction_kind<sum>} : vector<16xi1> -> vector<16xi32>
        %slice3A_922 = vector.extract_strided_slice %all_reduce_population_count3A_921 {offsets = [0], sizes = [1], strides = [1]} : vector<16xi32> to vector<1xi32>
        %squeeze3A_923 = vector.extract %slice3A_922[0] : i32 from vector<1xi32>
        %gt3A_924 = arith.constant 0 : i32
        %gt3A_925 = arith.cmpi sgt, %squeeze3A_923, %gt3A_924 : i32
        %convert_element_type3A_926 = arith.extui %gt3A_925 : i1 to i32
        %cond3A_927 = arith.constant 0 : i32
        %cond3A_928 = arith.cmpi ne, %convert_element_type3A_926, %cond3A_927 : i32
        scf.if %cond3A_928 {
          %iota3A = tpu.iota {dimensions = array<i32: 0>} : vector<16xi32>
          %add3A_1044 = arith.constant 32 : i32
          %add3A_1045 = vector.broadcast %add3A_1044 : i32 to vector<16xi32>
          %add3A_1046 = arith.addi %add3A_1045, %iota3A : vector<16xi32>
          %scan3A_1047 = arith.constant 0 : i32
          %scan3A_1048 = arith.constant 0 : i32
          %scan3A_1049 = arith.constant 128 : i32
          %scan3A_1050 = arith.addi %scan3A_1048, %scan3A_1049 : i32
          %scan3A_1051 = arith.constant 1 : i32
          scf.for %scan3A_1053 = %scan3A_1048 to %scan3A_1050 step %scan3A_1051  : i32 {
            %broadcast_in_dim3A_1054 = vector.broadcast %scan3A_1053 : i32 to vector<16xi32>
            %gather3A = tpu.vector_load_idx %arg10[%add3A_1046, %broadcast_in_dim3A_1054] : memref<128x128xf32, #tpu.memory_space<vmem>>[vector<16xi32>, vector<16xi32>], vector<16xf32>,
            %mul3A_1055 = arith.mulf %gather3A, %select_n3A_917 : vector<16xf32>
            tpu.vector_store_idx %arg10[%add3A_1046, %broadcast_in_dim3A_1054], %mul3A_1055 masked %ne3A_920 : memref<128x128xf32, #tpu.memory_space<vmem>>[vector<16xi32>, vector<16xi32>], vector<16xf32>, vector<16xi1>
          }
          %scan3A_1052 = arith.constant 128 : i32
        } else {
        }
        %get3A_929 = tpu.memref_slice %arg6[%mul3A_389] : memref<6400xi32, #tpu.memory_space<vmem>> -> memref<128xi32, #tpu.memory_space<vmem>>
        %get3A_930 = arith.constant 48 : index
        %get3A_931 = tpu.vector_load %get3A_929[%get3A_930] {strides = array<i32>} : memref<128xi32, #tpu.memory_space<vmem>>, vector<16xi32>,
        %get3A_932 = tpu.memref_slice %arg7[%mul3A_391] : memref<6400xf32, #tpu.memory_space<vmem>> -> memref<128xf32, #tpu.memory_space<vmem>>
        %get3A_933 = arith.constant 48 : index
        %get3A_934 = tpu.vector_load %get3A_932[%get3A_933] {strides = array<i32>} : memref<128xf32, #tpu.memory_space<vmem>>, vector<16xf32>,
        %eq3A_935 = arith.constant 0 : i32
        %eq3A_936 = vector.broadcast %eq3A_935 : i32 to vector<16xi32>
        %eq3A_937 = arith.cmpi eq, %get3A_931, %eq3A_936 : vector<16xi32>
        %jit3A_938 = arith.constant 0.000000e+00 : f32
        %broadcast_in_dim3A_939 = vector.broadcast %jit3A_938 : f32 to vector<16xf32>
        %select_n3A_940 = arith.select %eq3A_937, %broadcast_in_dim3A_939, %get3A_934 : vector<16xi1>, vector<16xf32>
        %ne3A_941 = arith.constant 1.000000e+00 : f32
        %ne3A_942 = vector.broadcast %ne3A_941 : f32 to vector<16xf32>
        %ne3A_943 = arith.cmpf one, %select_n3A_940, %ne3A_942 : vector<16xf32>
        %all_reduce_population_count3A_944 = tpu.all_reduce %ne3A_943 {dim = 0 : i64, kind = #tpu.reduction_kind<sum>} : vector<16xi1> -> vector<16xi32>
        %slice3A_945 = vector.extract_strided_slice %all_reduce_population_count3A_944 {offsets = [0], sizes = [1], strides = [1]} : vector<16xi32> to vector<1xi32>
        %squeeze3A_946 = vector.extract %slice3A_945[0] : i32 from vector<1xi32>
        %gt3A_947 = arith.constant 0 : i32
        %gt3A_948 = arith.cmpi sgt, %squeeze3A_946, %gt3A_947 : i32
        %convert_element_type3A_949 = arith.extui %gt3A_948 : i1 to i32
        %cond3A_950 = arith.constant 0 : i32
        %cond3A_951 = arith.cmpi ne, %convert_element_type3A_949, %cond3A_950 : i32
        scf.if %cond3A_951 {
          %iota3A = tpu.iota {dimensions = array<i32: 0>} : vector<16xi32>
          %add3A_1044 = arith.constant 48 : i32
          %add3A_1045 = vector.broadcast %add3A_1044 : i32 to vector<16xi32>
          %add3A_1046 = arith.addi %add3A_1045, %iota3A : vector<16xi32>
          %scan3A_1047 = arith.constant 0 : i32
          %scan3A_1048 = arith.constant 0 : i32
          %scan3A_1049 = arith.constant 128 : i32
          %scan3A_1050 = arith.addi %scan3A_1048, %scan3A_1049 : i32
          %scan3A_1051 = arith.constant 1 : i32
          scf.for %scan3A_1053 = %scan3A_1048 to %scan3A_1050 step %scan3A_1051  : i32 {
            %broadcast_in_dim3A_1054 = vector.broadcast %scan3A_1053 : i32 to vector<16xi32>
            %gather3A = tpu.vector_load_idx %arg10[%add3A_1046, %broadcast_in_dim3A_1054] : memref<128x128xf32, #tpu.memory_space<vmem>>[vector<16xi32>, vector<16xi32>], vector<16xf32>,
            %mul3A_1055 = arith.mulf %gather3A, %select_n3A_940 : vector<16xf32>
            tpu.vector_store_idx %arg10[%add3A_1046, %broadcast_in_dim3A_1054], %mul3A_1055 masked %ne3A_943 : memref<128x128xf32, #tpu.memory_space<vmem>>[vector<16xi32>, vector<16xi32>], vector<16xf32>, vector<16xi1>
          }
          %scan3A_1052 = arith.constant 128 : i32
        } else {
        }
        %get3A_952 = tpu.memref_slice %arg6[%mul3A_389] : memref<6400xi32, #tpu.memory_space<vmem>> -> memref<128xi32, #tpu.memory_space<vmem>>
        %get3A_953 = arith.constant 64 : index
        %get3A_954 = tpu.vector_load %get3A_952[%get3A_953] {strides = array<i32>} : memref<128xi32, #tpu.memory_space<vmem>>, vector<16xi32>,
        %get3A_955 = tpu.memref_slice %arg7[%mul3A_391] : memref<6400xf32, #tpu.memory_space<vmem>> -> memref<128xf32, #tpu.memory_space<vmem>>
        %get3A_956 = arith.constant 64 : index
        %get3A_957 = tpu.vector_load %get3A_955[%get3A_956] {strides = array<i32>} : memref<128xf32, #tpu.memory_space<vmem>>, vector<16xf32>,
        %eq3A_958 = arith.constant 0 : i32
        %eq3A_959 = vector.broadcast %eq3A_958 : i32 to vector<16xi32>
        %eq3A_960 = arith.cmpi eq, %get3A_954, %eq3A_959 : vector<16xi32>
        %jit3A_961 = arith.constant 0.000000e+00 : f32
        %broadcast_in_dim3A_962 = vector.broadcast %jit3A_961 : f32 to vector<16xf32>
        %select_n3A_963 = arith.select %eq3A_960, %broadcast_in_dim3A_962, %get3A_957 : vector<16xi1>, vector<16xf32>
        %ne3A_964 = arith.constant 1.000000e+00 : f32
        %ne3A_965 = vector.broadcast %ne3A_964 : f32 to vector<16xf32>
        %ne3A_966 = arith.cmpf one, %select_n3A_963, %ne3A_965 : vector<16xf32>
        %all_reduce_population_count3A_967 = tpu.all_reduce %ne3A_966 {dim = 0 : i64, kind = #tpu.reduction_kind<sum>} : vector<16xi1> -> vector<16xi32>
        %slice3A_968 = vector.extract_strided_slice %all_reduce_population_count3A_967 {offsets = [0], sizes = [1], strides = [1]} : vector<16xi32> to vector<1xi32>
        %squeeze3A_969 = vector.extract %slice3A_968[0] : i32 from vector<1xi32>
        %gt3A_970 = arith.constant 0 : i32
        %gt3A_971 = arith.cmpi sgt, %squeeze3A_969, %gt3A_970 : i32
        %convert_element_type3A_972 = arith.extui %gt3A_971 : i1 to i32
        %cond3A_973 = arith.constant 0 : i32
        %cond3A_974 = arith.cmpi ne, %convert_element_type3A_972, %cond3A_973 : i32
        scf.if %cond3A_974 {
          %iota3A = tpu.iota {dimensions = array<i32: 0>} : vector<16xi32>
          %add3A_1044 = arith.constant 64 : i32
          %add3A_1045 = vector.broadcast %add3A_1044 : i32 to vector<16xi32>
          %add3A_1046 = arith.addi %add3A_1045, %iota3A : vector<16xi32>
          %scan3A_1047 = arith.constant 0 : i32
          %scan3A_1048 = arith.constant 0 : i32
          %scan3A_1049 = arith.constant 128 : i32
          %scan3A_1050 = arith.addi %scan3A_1048, %scan3A_1049 : i32
          %scan3A_1051 = arith.constant 1 : i32
          scf.for %scan3A_1053 = %scan3A_1048 to %scan3A_1050 step %scan3A_1051  : i32 {
            %broadcast_in_dim3A_1054 = vector.broadcast %scan3A_1053 : i32 to vector<16xi32>
            %gather3A = tpu.vector_load_idx %arg10[%add3A_1046, %broadcast_in_dim3A_1054] : memref<128x128xf32, #tpu.memory_space<vmem>>[vector<16xi32>, vector<16xi32>], vector<16xf32>,
            %mul3A_1055 = arith.mulf %gather3A, %select_n3A_963 : vector<16xf32>
            tpu.vector_store_idx %arg10[%add3A_1046, %broadcast_in_dim3A_1054], %mul3A_1055 masked %ne3A_966 : memref<128x128xf32, #tpu.memory_space<vmem>>[vector<16xi32>, vector<16xi32>], vector<16xf32>, vector<16xi1>
          }
          %scan3A_1052 = arith.constant 128 : i32
        } else {
        }
        %get3A_975 = tpu.memref_slice %arg6[%mul3A_389] : memref<6400xi32, #tpu.memory_space<vmem>> -> memref<128xi32, #tpu.memory_space<vmem>>
        %get3A_976 = arith.constant 80 : index
        %get3A_977 = tpu.vector_load %get3A_975[%get3A_976] {strides = array<i32>} : memref<128xi32, #tpu.memory_space<vmem>>, vector<16xi32>,
        %get3A_978 = tpu.memref_slice %arg7[%mul3A_391] : memref<6400xf32, #tpu.memory_space<vmem>> -> memref<128xf32, #tpu.memory_space<vmem>>
        %get3A_979 = arith.constant 80 : index
        %get3A_980 = tpu.vector_load %get3A_978[%get3A_979] {strides = array<i32>} : memref<128xf32, #tpu.memory_space<vmem>>, vector<16xf32>,
        %eq3A_981 = arith.constant 0 : i32
        %eq3A_982 = vector.broadcast %eq3A_981 : i32 to vector<16xi32>
        %eq3A_983 = arith.cmpi eq, %get3A_977, %eq3A_982 : vector<16xi32>
        %jit3A_984 = arith.constant 0.000000e+00 : f32
        %broadcast_in_dim3A_985 = vector.broadcast %jit3A_984 : f32 to vector<16xf32>
        %select_n3A_986 = arith.select %eq3A_983, %broadcast_in_dim3A_985, %get3A_980 : vector<16xi1>, vector<16xf32>
        %ne3A_987 = arith.constant 1.000000e+00 : f32
        %ne3A_988 = vector.broadcast %ne3A_987 : f32 to vector<16xf32>
        %ne3A_989 = arith.cmpf one, %select_n3A_986, %ne3A_988 : vector<16xf32>
        %all_reduce_population_count3A_990 = tpu.all_reduce %ne3A_989 {dim = 0 : i64, kind = #tpu.reduction_kind<sum>} : vector<16xi1> -> vector<16xi32>
        %slice3A_991 = vector.extract_strided_slice %all_reduce_population_count3A_990 {offsets = [0], sizes = [1], strides = [1]} : vector<16xi32> to vector<1xi32>
        %squeeze3A_992 = vector.extract %slice3A_991[0] : i32 from vector<1xi32>
        %gt3A_993 = arith.constant 0 : i32
        %gt3A_994 = arith.cmpi sgt, %squeeze3A_992, %gt3A_993 : i32
        %convert_element_type3A_995 = arith.extui %gt3A_994 : i1 to i32
        %cond3A_996 = arith.constant 0 : i32
        %cond3A_997 = arith.cmpi ne, %convert_element_type3A_995, %cond3A_996 : i32
        scf.if %cond3A_997 {
          %iota3A = tpu.iota {dimensions = array<i32: 0>} : vector<16xi32>
          %add3A_1044 = arith.constant 80 : i32
          %add3A_1045 = vector.broadcast %add3A_1044 : i32 to vector<16xi32>
          %add3A_1046 = arith.addi %add3A_1045, %iota3A : vector<16xi32>
          %scan3A_1047 = arith.constant 0 : i32
          %scan3A_1048 = arith.constant 0 : i32
          %scan3A_1049 = arith.constant 128 : i32
          %scan3A_1050 = arith.addi %scan3A_1048, %scan3A_1049 : i32
          %scan3A_1051 = arith.constant 1 : i32
          scf.for %scan3A_1053 = %scan3A_1048 to %scan3A_1050 step %scan3A_1051  : i32 {
            %broadcast_in_dim3A_1054 = vector.broadcast %scan3A_1053 : i32 to vector<16xi32>
            %gather3A = tpu.vector_load_idx %arg10[%add3A_1046, %broadcast_in_dim3A_1054] : memref<128x128xf32, #tpu.memory_space<vmem>>[vector<16xi32>, vector<16xi32>], vector<16xf32>,
            %mul3A_1055 = arith.mulf %gather3A, %select_n3A_986 : vector<16xf32>
            tpu.vector_store_idx %arg10[%add3A_1046, %broadcast_in_dim3A_1054], %mul3A_1055 masked %ne3A_989 : memref<128x128xf32, #tpu.memory_space<vmem>>[vector<16xi32>, vector<16xi32>], vector<16xf32>, vector<16xi1>
          }
          %scan3A_1052 = arith.constant 128 : i32
        } else {
        }
        %get3A_998 = tpu.memref_slice %arg6[%mul3A_389] : memref<6400xi32, #tpu.memory_space<vmem>> -> memref<128xi32, #tpu.memory_space<vmem>>
        %get3A_999 = arith.constant 96 : index
        %get3A_1000 = tpu.vector_load %get3A_998[%get3A_999] {strides = array<i32>} : memref<128xi32, #tpu.memory_space<vmem>>, vector<16xi32>,
        %get3A_1001 = tpu.memref_slice %arg7[%mul3A_391] : memref<6400xf32, #tpu.memory_space<vmem>> -> memref<128xf32, #tpu.memory_space<vmem>>
        %get3A_1002 = arith.constant 96 : index
        %get3A_1003 = tpu.vector_load %get3A_1001[%get3A_1002] {strides = array<i32>} : memref<128xf32, #tpu.memory_space<vmem>>, vector<16xf32>,
        %eq3A_1004 = arith.constant 0 : i32
        %eq3A_1005 = vector.broadcast %eq3A_1004 : i32 to vector<16xi32>
        %eq3A_1006 = arith.cmpi eq, %get3A_1000, %eq3A_1005 : vector<16xi32>
        %jit3A_1007 = arith.constant 0.000000e+00 : f32
        %broadcast_in_dim3A_1008 = vector.broadcast %jit3A_1007 : f32 to vector<16xf32>
        %select_n3A_1009 = arith.select %eq3A_1006, %broadcast_in_dim3A_1008, %get3A_1003 : vector<16xi1>, vector<16xf32>
        %ne3A_1010 = arith.constant 1.000000e+00 : f32
        %ne3A_1011 = vector.broadcast %ne3A_1010 : f32 to vector<16xf32>
        %ne3A_1012 = arith.cmpf one, %select_n3A_1009, %ne3A_1011 : vector<16xf32>
        %all_reduce_population_count3A_1013 = tpu.all_reduce %ne3A_1012 {dim = 0 : i64, kind = #tpu.reduction_kind<sum>} : vector<16xi1> -> vector<16xi32>
        %slice3A_1014 = vector.extract_strided_slice %all_reduce_population_count3A_1013 {offsets = [0], sizes = [1], strides = [1]} : vector<16xi32> to vector<1xi32>
        %squeeze3A_1015 = vector.extract %slice3A_1014[0] : i32 from vector<1xi32>
        %gt3A_1016 = arith.constant 0 : i32
        %gt3A_1017 = arith.cmpi sgt, %squeeze3A_1015, %gt3A_1016 : i32
        %convert_element_type3A_1018 = arith.extui %gt3A_1017 : i1 to i32
        %cond3A_1019 = arith.constant 0 : i32
        %cond3A_1020 = arith.cmpi ne, %convert_element_type3A_1018, %cond3A_1019 : i32
        scf.if %cond3A_1020 {
          %iota3A = tpu.iota {dimensions = array<i32: 0>} : vector<16xi32>
          %add3A_1044 = arith.constant 96 : i32
          %add3A_1045 = vector.broadcast %add3A_1044 : i32 to vector<16xi32>
          %add3A_1046 = arith.addi %add3A_1045, %iota3A : vector<16xi32>
          %scan3A_1047 = arith.constant 0 : i32
          %scan3A_1048 = arith.constant 0 : i32
          %scan3A_1049 = arith.constant 128 : i32
          %scan3A_1050 = arith.addi %scan3A_1048, %scan3A_1049 : i32
          %scan3A_1051 = arith.constant 1 : i32
          scf.for %scan3A_1053 = %scan3A_1048 to %scan3A_1050 step %scan3A_1051  : i32 {
            %broadcast_in_dim3A_1054 = vector.broadcast %scan3A_1053 : i32 to vector<16xi32>
            %gather3A = tpu.vector_load_idx %arg10[%add3A_1046, %broadcast_in_dim3A_1054] : memref<128x128xf32, #tpu.memory_space<vmem>>[vector<16xi32>, vector<16xi32>], vector<16xf32>,
            %mul3A_1055 = arith.mulf %gather3A, %select_n3A_1009 : vector<16xf32>
            tpu.vector_store_idx %arg10[%add3A_1046, %broadcast_in_dim3A_1054], %mul3A_1055 masked %ne3A_1012 : memref<128x128xf32, #tpu.memory_space<vmem>>[vector<16xi32>, vector<16xi32>], vector<16xf32>, vector<16xi1>
          }
          %scan3A_1052 = arith.constant 128 : i32
        } else {
        }
        %get3A_1021 = tpu.memref_slice %arg6[%mul3A_389] : memref<6400xi32, #tpu.memory_space<vmem>> -> memref<128xi32, #tpu.memory_space<vmem>>
        %get3A_1022 = arith.constant 112 : index
        %get3A_1023 = tpu.vector_load %get3A_1021[%get3A_1022] {strides = array<i32>} : memref<128xi32, #tpu.memory_space<vmem>>, vector<16xi32>,
        %get3A_1024 = tpu.memref_slice %arg7[%mul3A_391] : memref<6400xf32, #tpu.memory_space<vmem>> -> memref<128xf32, #tpu.memory_space<vmem>>
        %get3A_1025 = arith.constant 112 : index
        %get3A_1026 = tpu.vector_load %get3A_1024[%get3A_1025] {strides = array<i32>} : memref<128xf32, #tpu.memory_space<vmem>>, vector<16xf32>,
        %eq3A_1027 = arith.constant 0 : i32
        %eq3A_1028 = vector.broadcast %eq3A_1027 : i32 to vector<16xi32>
        %eq3A_1029 = arith.cmpi eq, %get3A_1023, %eq3A_1028 : vector<16xi32>
        %jit3A_1030 = arith.constant 0.000000e+00 : f32
        %broadcast_in_dim3A_1031 = vector.broadcast %jit3A_1030 : f32 to vector<16xf32>
        %select_n3A_1032 = arith.select %eq3A_1029, %broadcast_in_dim3A_1031, %get3A_1026 : vector<16xi1>, vector<16xf32>
        %ne3A_1033 = arith.constant 1.000000e+00 : f32
        %ne3A_1034 = vector.broadcast %ne3A_1033 : f32 to vector<16xf32>
        %ne3A_1035 = arith.cmpf one, %select_n3A_1032, %ne3A_1034 : vector<16xf32>
        %all_reduce_population_count3A_1036 = tpu.all_reduce %ne3A_1035 {dim = 0 : i64, kind = #tpu.reduction_kind<sum>} : vector<16xi1> -> vector<16xi32>
        %slice3A_1037 = vector.extract_strided_slice %all_reduce_population_count3A_1036 {offsets = [0], sizes = [1], strides = [1]} : vector<16xi32> to vector<1xi32>
        %squeeze3A_1038 = vector.extract %slice3A_1037[0] : i32 from vector<1xi32>
        %gt3A_1039 = arith.constant 0 : i32
        %gt3A_1040 = arith.cmpi sgt, %squeeze3A_1038, %gt3A_1039 : i32
        %convert_element_type3A_1041 = arith.extui %gt3A_1040 : i1 to i32
        %cond3A_1042 = arith.constant 0 : i32
        %cond3A_1043 = arith.cmpi ne, %convert_element_type3A_1041, %cond3A_1042 : i32
        scf.if %cond3A_1043 {
          %iota3A = tpu.iota {dimensions = array<i32: 0>} : vector<16xi32>
          %add3A_1044 = arith.constant 112 : i32
          %add3A_1045 = vector.broadcast %add3A_1044 : i32 to vector<16xi32>
          %add3A_1046 = arith.addi %add3A_1045, %iota3A : vector<16xi32>
          %scan3A_1047 = arith.constant 0 : i32
          %scan3A_1048 = arith.constant 0 : i32
          %scan3A_1049 = arith.constant 128 : i32
          %scan3A_1050 = arith.addi %scan3A_1048, %scan3A_1049 : i32
          %scan3A_1051 = arith.constant 1 : i32
          scf.for %scan3A_1053 = %scan3A_1048 to %scan3A_1050 step %scan3A_1051  : i32 {
            %broadcast_in_dim3A_1054 = vector.broadcast %scan3A_1053 : i32 to vector<16xi32>
            %gather3A = tpu.vector_load_idx %arg10[%add3A_1046, %broadcast_in_dim3A_1054] : memref<128x128xf32, #tpu.memory_space<vmem>>[vector<16xi32>, vector<16xi32>], vector<16xf32>,
            %mul3A_1055 = arith.mulf %gather3A, %select_n3A_1032 : vector<16xf32>
            tpu.vector_store_idx %arg10[%add3A_1046, %broadcast_in_dim3A_1054], %mul3A_1055 masked %ne3A_1035 : memref<128x128xf32, #tpu.memory_space<vmem>>[vector<16xi32>, vector<16xi32>], vector<16xf32>, vector<16xi1>
          }
          %scan3A_1052 = arith.constant 128 : i32
        } else {
        }
      } else {
      }
      %mul3A_527 = arith.constant 128 : i32
      %mul3A_528 = arith.muli %add3A_372, %mul3A_527 : i32
      %add3A_529 = arith.addi %mul3A_2, %mul3A_528 : i32
      %dma_start3A_530 = arith.constant 0 : i32
      %dma_start3A_531 = tpu.memref_slice %arg5[%add3A_529, %dma_start3A_530] : memref<204800x128xf32, #tpu.memory_space<hbm>> -> memref<128x128xf32, #tpu.memory_space<hbm>>
      %dma_start3A_532 = arith.constant 0 : i32
      %dma_start3A_533 = tpu.memref_slice %arg5[%add3A_529, %dma_start3A_532] : memref<204800x128xf32, #tpu.memory_space<hbm>> -> memref<128x128xf32, #tpu.memory_space<hbm>>
      tpu.enqueue_dma source(%arg10 : memref<128x128xf32, #tpu.memory_space<vmem>>) target(%dma_start3A_533 : memref<128x128xf32, #tpu.memory_space<hbm>>) target_semaphore(%arg20 : memref<!tpu.dma_semaphore, #tpu.memory_space<semaphore_mem>>)
      %add3A_534 = arith.constant 3 : i32
      %add3A_535 = arith.addi %add3A_59, %add3A_534 : i32
      %add3A_536 = arith.constant 5 : i32
      %add3A_537 = arith.addi %add3A_535, %add3A_536 : i32
      %sub3A_538 = arith.constant 1 : i32
      %sub3A_539 = arith.subi %add3A_537, %sub3A_538 : i32
      %lt3A_540 = arith.constant 50 : i32
      %lt3A_541 = arith.cmpi slt, %sub3A_539, %lt3A_540 : i32
      %convert_element_type3A_542 = arith.extui %lt3A_541 : i1 to i32
      %cond3A_543 = arith.constant 0 : i32
      %cond3A_544 = arith.cmpi ne, %convert_element_type3A_542, %cond3A_543 : i32
      scf.if %cond3A_544 {
        %ge3A = arith.constant 1 : i32
        %ge3A_860 = arith.cmpi sge, %add3A_535, %ge3A : i32
        %convert_element_type3A_861 = arith.extui %ge3A_860 : i1 to i32
        %cond3A_862 = arith.constant 0 : i32
        %cond3A_863 = arith.cmpi ne, %convert_element_type3A_861, %cond3A_862 : i32
        scf.if %cond3A_863 {
          %sub3A_874 = arith.constant 1 : i32
          %sub3A_875 = arith.subi %add3A_535, %sub3A_874 : i32
          %mul3A_876 = arith.constant 128 : i32
          %mul3A_877 = arith.muli %sub3A_875, %mul3A_876 : i32
          %add3A_878 = arith.addi %mul3A_2, %mul3A_877 : i32
          %dma_wait3A_879 = arith.constant 0 : i32
          %dma_wait3A_880 = tpu.memref_slice %arg5[%add3A_878, %dma_wait3A_879] : memref<204800x128xf32, #tpu.memory_space<hbm>> -> memref<128x128xf32, #tpu.memory_space<hbm>>
          %dma_wait3A_881 = arith.constant 0 : i32
          %dma_wait3A_882 = tpu.memref_slice %arg5[%add3A_878, %dma_wait3A_881] : memref<204800x128xf32, #tpu.memory_space<hbm>> -> memref<128x128xf32, #tpu.memory_space<hbm>>
          tpu.wait_dma2 semaphore(%arg20 : memref<!tpu.dma_semaphore, #tpu.memory_space<semaphore_mem>>) src(%arg10 : memref<128x128xf32, #tpu.memory_space<vmem>>) dst(%dma_wait3A_882 : memref<128x128xf32, #tpu.memory_space<hbm>>)
        } else {
        }
        %add3A_864 = arith.constant 5 : i32
        %add3A_865 = arith.addi %add3A_535, %add3A_864 : i32
        %sub3A_866 = arith.constant 1 : i32
        %sub3A_867 = arith.subi %add3A_865, %sub3A_866 : i32
        %mul3A_868 = arith.constant 128 : i32
        %mul3A_869 = arith.muli %sub3A_867, %mul3A_868 : i32
        %dma_start3A_870 = tpu.memref_slice %arg6[%mul3A_869] : memref<6400xi32, #tpu.memory_space<vmem>> -> memref<128xi32, #tpu.memory_space<vmem>>
        %dma_start3A_871 = arith.constant 0 : i32
        %dma_start3A_872 = arith.constant 0 : i32
        %dma_start3A_873 = tpu.memref_slice %arg2[%dma_start3A_871, %dma_start3A_872] : memref<100000x128xf32, #tpu.memory_space<hbm>> -> memref<100000x128xf32, #tpu.memory_space<hbm>>
        tpu.enqueue_indirect_dma source(%dma_start3A_873 : memref<100000x128xf32, #tpu.memory_space<hbm>>) target(%arg10 : memref<128x128xf32, #tpu.memory_space<vmem>>) offsets(%dma_start3A_870 : memref<128xi32, #tpu.memory_space<vmem>>) semaphore(%arg15 : memref<!tpu.dma_semaphore, #tpu.memory_space<semaphore_mem>>)
      } else {
      }
      %mul3A_545 = arith.constant 128 : i32
      %mul3A_546 = arith.muli %add3A_535, %mul3A_545 : i32
      %dma_wait3A_547 = tpu.memref_slice %arg6[%mul3A_546] : memref<6400xi32, #tpu.memory_space<vmem>> -> memref<128xi32, #tpu.memory_space<vmem>>
      %dma_wait3A_548 = arith.constant 0 : i32
      %dma_wait3A_549 = arith.constant 0 : i32
      %dma_wait3A_550 = tpu.memref_slice %arg2[%dma_wait3A_548, %dma_wait3A_549] : memref<100000x128xf32, #tpu.memory_space<hbm>> -> memref<100000x128xf32, #tpu.memory_space<hbm>>
      tpu.wait_indirect_dma semaphore(%arg16 : memref<!tpu.dma_semaphore, #tpu.memory_space<semaphore_mem>>) src(%dma_wait3A_550 : memref<100000x128xf32, #tpu.memory_space<hbm>>) dst(%arg11 : memref<128x128xf32, #tpu.memory_space<vmem>>)
      %mul3A_551 = arith.constant 128 : i32
      %mul3A_552 = arith.muli %add3A_535, %mul3A_551 : i32
      %mul3A_553 = arith.constant 128 : i32
      %mul3A_554 = arith.muli %add3A_535, %mul3A_553 : i32
      %get3A_555 = tpu.memref_slice %arg6[%mul3A_552] : memref<6400xi32, #tpu.memory_space<vmem>> -> memref<128xi32, #tpu.memory_space<vmem>>
      %get3A_556 = arith.constant 0 : index
      %get3A_557 = tpu.vector_load %get3A_555[%get3A_556] {strides = array<i32>} : memref<128xi32, #tpu.memory_space<vmem>>, vector<16xi32>,
      %get3A_558 = tpu.memref_slice %arg7[%mul3A_554] : memref<6400xf32, #tpu.memory_space<vmem>> -> memref<128xf32, #tpu.memory_space<vmem>>
      %get3A_559 = arith.constant 0 : index
      %get3A_560 = tpu.vector_load %get3A_558[%get3A_559] {strides = array<i32>} : memref<128xf32, #tpu.memory_space<vmem>>, vector<16xf32>,
      %eq3A_561 = arith.constant 0 : i32
      %eq3A_562 = vector.broadcast %eq3A_561 : i32 to vector<16xi32>
      %eq3A_563 = arith.cmpi eq, %get3A_557, %eq3A_562 : vector<16xi32>
      %jit3A_564 = arith.constant 0.000000e+00 : f32
      %broadcast_in_dim3A_565 = vector.broadcast %jit3A_564 : f32 to vector<16xf32>
      %select_n3A_566 = arith.select %eq3A_563, %broadcast_in_dim3A_565, %get3A_560 : vector<16xi1>, vector<16xf32>
      %ne3A_567 = arith.constant 1.000000e+00 : f32
      %ne3A_568 = vector.broadcast %ne3A_567 : f32 to vector<16xf32>
      %ne3A_569 = arith.cmpf one, %select_n3A_566, %ne3A_568 : vector<16xf32>
      %get3A_570 = tpu.memref_slice %arg6[%mul3A_552] : memref<6400xi32, #tpu.memory_space<vmem>> -> memref<128xi32, #tpu.memory_space<vmem>>
      %get3A_571 = arith.constant 16 : index
      %get3A_572 = tpu.vector_load %get3A_570[%get3A_571] {strides = array<i32>} : memref<128xi32, #tpu.memory_space<vmem>>, vector<16xi32>,
      %get3A_573 = tpu.memref_slice %arg7[%mul3A_554] : memref<6400xf32, #tpu.memory_space<vmem>> -> memref<128xf32, #tpu.memory_space<vmem>>
      %get3A_574 = arith.constant 16 : index
      %get3A_575 = tpu.vector_load %get3A_573[%get3A_574] {strides = array<i32>} : memref<128xf32, #tpu.memory_space<vmem>>, vector<16xf32>,
      %eq3A_576 = arith.constant 0 : i32
      %eq3A_577 = vector.broadcast %eq3A_576 : i32 to vector<16xi32>
      %eq3A_578 = arith.cmpi eq, %get3A_572, %eq3A_577 : vector<16xi32>
      %jit3A_579 = arith.constant 0.000000e+00 : f32
      %broadcast_in_dim3A_580 = vector.broadcast %jit3A_579 : f32 to vector<16xf32>
      %select_n3A_581 = arith.select %eq3A_578, %broadcast_in_dim3A_580, %get3A_575 : vector<16xi1>, vector<16xf32>
      %ne3A_582 = arith.constant 1.000000e+00 : f32
      %ne3A_583 = vector.broadcast %ne3A_582 : f32 to vector<16xf32>
      %ne3A_584 = arith.cmpf one, %select_n3A_581, %ne3A_583 : vector<16xf32>
      %or3A_585 = arith.ori %ne3A_569, %ne3A_584 : vector<16xi1>
      %get3A_586 = tpu.memref_slice %arg6[%mul3A_552] : memref<6400xi32, #tpu.memory_space<vmem>> -> memref<128xi32, #tpu.memory_space<vmem>>
      %get3A_587 = arith.constant 32 : index
      %get3A_588 = tpu.vector_load %get3A_586[%get3A_587] {strides = array<i32>} : memref<128xi32, #tpu.memory_space<vmem>>, vector<16xi32>,
      %get3A_589 = tpu.memref_slice %arg7[%mul3A_554] : memref<6400xf32, #tpu.memory_space<vmem>> -> memref<128xf32, #tpu.memory_space<vmem>>
      %get3A_590 = arith.constant 32 : index
      %get3A_591 = tpu.vector_load %get3A_589[%get3A_590] {strides = array<i32>} : memref<128xf32, #tpu.memory_space<vmem>>, vector<16xf32>,
      %eq3A_592 = arith.constant 0 : i32
      %eq3A_593 = vector.broadcast %eq3A_592 : i32 to vector<16xi32>
      %eq3A_594 = arith.cmpi eq, %get3A_588, %eq3A_593 : vector<16xi32>
      %jit3A_595 = arith.constant 0.000000e+00 : f32
      %broadcast_in_dim3A_596 = vector.broadcast %jit3A_595 : f32 to vector<16xf32>
      %select_n3A_597 = arith.select %eq3A_594, %broadcast_in_dim3A_596, %get3A_591 : vector<16xi1>, vector<16xf32>
      %ne3A_598 = arith.constant 1.000000e+00 : f32
      %ne3A_599 = vector.broadcast %ne3A_598 : f32 to vector<16xf32>
      %ne3A_600 = arith.cmpf one, %select_n3A_597, %ne3A_599 : vector<16xf32>
      %or3A_601 = arith.ori %or3A_585, %ne3A_600 : vector<16xi1>
      %get3A_602 = tpu.memref_slice %arg6[%mul3A_552] : memref<6400xi32, #tpu.memory_space<vmem>> -> memref<128xi32, #tpu.memory_space<vmem>>
      %get3A_603 = arith.constant 48 : index
      %get3A_604 = tpu.vector_load %get3A_602[%get3A_603] {strides = array<i32>} : memref<128xi32, #tpu.memory_space<vmem>>, vector<16xi32>,
      %get3A_605 = tpu.memref_slice %arg7[%mul3A_554] : memref<6400xf32, #tpu.memory_space<vmem>> -> memref<128xf32, #tpu.memory_space<vmem>>
      %get3A_606 = arith.constant 48 : index
      %get3A_607 = tpu.vector_load %get3A_605[%get3A_606] {strides = array<i32>} : memref<128xf32, #tpu.memory_space<vmem>>, vector<16xf32>,
      %eq3A_608 = arith.constant 0 : i32
      %eq3A_609 = vector.broadcast %eq3A_608 : i32 to vector<16xi32>
      %eq3A_610 = arith.cmpi eq, %get3A_604, %eq3A_609 : vector<16xi32>
      %jit3A_611 = arith.constant 0.000000e+00 : f32
      %broadcast_in_dim3A_612 = vector.broadcast %jit3A_611 : f32 to vector<16xf32>
      %select_n3A_613 = arith.select %eq3A_610, %broadcast_in_dim3A_612, %get3A_607 : vector<16xi1>, vector<16xf32>
      %ne3A_614 = arith.constant 1.000000e+00 : f32
      %ne3A_615 = vector.broadcast %ne3A_614 : f32 to vector<16xf32>
      %ne3A_616 = arith.cmpf one, %select_n3A_613, %ne3A_615 : vector<16xf32>
      %or3A_617 = arith.ori %or3A_601, %ne3A_616 : vector<16xi1>
      %get3A_618 = tpu.memref_slice %arg6[%mul3A_552] : memref<6400xi32, #tpu.memory_space<vmem>> -> memref<128xi32, #tpu.memory_space<vmem>>
      %get3A_619 = arith.constant 64 : index
      %get3A_620 = tpu.vector_load %get3A_618[%get3A_619] {strides = array<i32>} : memref<128xi32, #tpu.memory_space<vmem>>, vector<16xi32>,
      %get3A_621 = tpu.memref_slice %arg7[%mul3A_554] : memref<6400xf32, #tpu.memory_space<vmem>> -> memref<128xf32, #tpu.memory_space<vmem>>
      %get3A_622 = arith.constant 64 : index
      %get3A_623 = tpu.vector_load %get3A_621[%get3A_622] {strides = array<i32>} : memref<128xf32, #tpu.memory_space<vmem>>, vector<16xf32>,
      %eq3A_624 = arith.constant 0 : i32
      %eq3A_625 = vector.broadcast %eq3A_624 : i32 to vector<16xi32>
      %eq3A_626 = arith.cmpi eq, %get3A_620, %eq3A_625 : vector<16xi32>
      %jit3A_627 = arith.constant 0.000000e+00 : f32
      %broadcast_in_dim3A_628 = vector.broadcast %jit3A_627 : f32 to vector<16xf32>
      %select_n3A_629 = arith.select %eq3A_626, %broadcast_in_dim3A_628, %get3A_623 : vector<16xi1>, vector<16xf32>
      %ne3A_630 = arith.constant 1.000000e+00 : f32
      %ne3A_631 = vector.broadcast %ne3A_630 : f32 to vector<16xf32>
      %ne3A_632 = arith.cmpf one, %select_n3A_629, %ne3A_631 : vector<16xf32>
      %or3A_633 = arith.ori %or3A_617, %ne3A_632 : vector<16xi1>
      %get3A_634 = tpu.memref_slice %arg6[%mul3A_552] : memref<6400xi32, #tpu.memory_space<vmem>> -> memref<128xi32, #tpu.memory_space<vmem>>
      %get3A_635 = arith.constant 80 : index
      %get3A_636 = tpu.vector_load %get3A_634[%get3A_635] {strides = array<i32>} : memref<128xi32, #tpu.memory_space<vmem>>, vector<16xi32>,
      %get3A_637 = tpu.memref_slice %arg7[%mul3A_554] : memref<6400xf32, #tpu.memory_space<vmem>> -> memref<128xf32, #tpu.memory_space<vmem>>
      %get3A_638 = arith.constant 80 : index
      %get3A_639 = tpu.vector_load %get3A_637[%get3A_638] {strides = array<i32>} : memref<128xf32, #tpu.memory_space<vmem>>, vector<16xf32>,
      %eq3A_640 = arith.constant 0 : i32
      %eq3A_641 = vector.broadcast %eq3A_640 : i32 to vector<16xi32>
      %eq3A_642 = arith.cmpi eq, %get3A_636, %eq3A_641 : vector<16xi32>
      %jit3A_643 = arith.constant 0.000000e+00 : f32
      %broadcast_in_dim3A_644 = vector.broadcast %jit3A_643 : f32 to vector<16xf32>
      %select_n3A_645 = arith.select %eq3A_642, %broadcast_in_dim3A_644, %get3A_639 : vector<16xi1>, vector<16xf32>
      %ne3A_646 = arith.constant 1.000000e+00 : f32
      %ne3A_647 = vector.broadcast %ne3A_646 : f32 to vector<16xf32>
      %ne3A_648 = arith.cmpf one, %select_n3A_645, %ne3A_647 : vector<16xf32>
      %or3A_649 = arith.ori %or3A_633, %ne3A_648 : vector<16xi1>
      %get3A_650 = tpu.memref_slice %arg6[%mul3A_552] : memref<6400xi32, #tpu.memory_space<vmem>> -> memref<128xi32, #tpu.memory_space<vmem>>
      %get3A_651 = arith.constant 96 : index
      %get3A_652 = tpu.vector_load %get3A_650[%get3A_651] {strides = array<i32>} : memref<128xi32, #tpu.memory_space<vmem>>, vector<16xi32>,
      %get3A_653 = tpu.memref_slice %arg7[%mul3A_554] : memref<6400xf32, #tpu.memory_space<vmem>> -> memref<128xf32, #tpu.memory_space<vmem>>
      %get3A_654 = arith.constant 96 : index
      %get3A_655 = tpu.vector_load %get3A_653[%get3A_654] {strides = array<i32>} : memref<128xf32, #tpu.memory_space<vmem>>, vector<16xf32>,
      %eq3A_656 = arith.constant 0 : i32
      %eq3A_657 = vector.broadcast %eq3A_656 : i32 to vector<16xi32>
      %eq3A_658 = arith.cmpi eq, %get3A_652, %eq3A_657 : vector<16xi32>
      %jit3A_659 = arith.constant 0.000000e+00 : f32
      %broadcast_in_dim3A_660 = vector.broadcast %jit3A_659 : f32 to vector<16xf32>
      %select_n3A_661 = arith.select %eq3A_658, %broadcast_in_dim3A_660, %get3A_655 : vector<16xi1>, vector<16xf32>
      %ne3A_662 = arith.constant 1.000000e+00 : f32
      %ne3A_663 = vector.broadcast %ne3A_662 : f32 to vector<16xf32>
      %ne3A_664 = arith.cmpf one, %select_n3A_661, %ne3A_663 : vector<16xf32>
      %or3A_665 = arith.ori %or3A_649, %ne3A_664 : vector<16xi1>
      %get3A_666 = tpu.memref_slice %arg6[%mul3A_552] : memref<6400xi32, #tpu.memory_space<vmem>> -> memref<128xi32, #tpu.memory_space<vmem>>
      %get3A_667 = arith.constant 112 : index
      %get3A_668 = tpu.vector_load %get3A_666[%get3A_667] {strides = array<i32>} : memref<128xi32, #tpu.memory_space<vmem>>, vector<16xi32>,
      %get3A_669 = tpu.memref_slice %arg7[%mul3A_554] : memref<6400xf32, #tpu.memory_space<vmem>> -> memref<128xf32, #tpu.memory_space<vmem>>
      %get3A_670 = arith.constant 112 : index
      %get3A_671 = tpu.vector_load %get3A_669[%get3A_670] {strides = array<i32>} : memref<128xf32, #tpu.memory_space<vmem>>, vector<16xf32>,
      %eq3A_672 = arith.constant 0 : i32
      %eq3A_673 = vector.broadcast %eq3A_672 : i32 to vector<16xi32>
      %eq3A_674 = arith.cmpi eq, %get3A_668, %eq3A_673 : vector<16xi32>
      %jit3A_675 = arith.constant 0.000000e+00 : f32
      %broadcast_in_dim3A_676 = vector.broadcast %jit3A_675 : f32 to vector<16xf32>
      %select_n3A_677 = arith.select %eq3A_674, %broadcast_in_dim3A_676, %get3A_671 : vector<16xi1>, vector<16xf32>
      %ne3A_678 = arith.constant 1.000000e+00 : f32
      %ne3A_679 = vector.broadcast %ne3A_678 : f32 to vector<16xf32>
      %ne3A_680 = arith.cmpf one, %select_n3A_677, %ne3A_679 : vector<16xf32>
      %or3A_681 = arith.ori %or3A_665, %ne3A_680 : vector<16xi1>
      %all_reduce_population_count3A_682 = tpu.all_reduce %or3A_681 {dim = 0 : i64, kind = #tpu.reduction_kind<sum>} : vector<16xi1> -> vector<16xi32>
      %slice3A_683 = vector.extract_strided_slice %all_reduce_population_count3A_682 {offsets = [0], sizes = [1], strides = [1]} : vector<16xi32> to vector<1xi32>
      %squeeze3A_684 = vector.extract %slice3A_683[0] : i32 from vector<1xi32>
      %gt3A_685 = arith.constant 0 : i32
      %gt3A_686 = arith.cmpi sgt, %squeeze3A_684, %gt3A_685 : i32
      %convert_element_type3A_687 = arith.extui %gt3A_686 : i1 to i32
      %cond3A_688 = arith.constant 0 : i32
      %cond3A_689 = arith.cmpi ne, %convert_element_type3A_687, %cond3A_688 : i32
      scf.if %cond3A_689 {
        %get3A_860 = tpu.memref_slice %arg6[%mul3A_552] : memref<6400xi32, #tpu.memory_space<vmem>> -> memref<128xi32, #tpu.memory_space<vmem>>
        %get3A_861 = arith.constant 0 : index
        %get3A_862 = tpu.vector_load %get3A_860[%get3A_861] {strides = array<i32>} : memref<128xi32, #tpu.memory_space<vmem>>, vector<16xi32>,
        %get3A_863 = tpu.memref_slice %arg7[%mul3A_554] : memref<6400xf32, #tpu.memory_space<vmem>> -> memref<128xf32, #tpu.memory_space<vmem>>
        %get3A_864 = arith.constant 0 : index
        %get3A_865 = tpu.vector_load %get3A_863[%get3A_864] {strides = array<i32>} : memref<128xf32, #tpu.memory_space<vmem>>, vector<16xf32>,
        %eq3A_866 = arith.constant 0 : i32
        %eq3A_867 = vector.broadcast %eq3A_866 : i32 to vector<16xi32>
        %eq3A_868 = arith.cmpi eq, %get3A_862, %eq3A_867 : vector<16xi32>
        %jit3A_869 = arith.constant 0.000000e+00 : f32
        %broadcast_in_dim3A_870 = vector.broadcast %jit3A_869 : f32 to vector<16xf32>
        %select_n3A_871 = arith.select %eq3A_868, %broadcast_in_dim3A_870, %get3A_865 : vector<16xi1>, vector<16xf32>
        %ne3A_872 = arith.constant 1.000000e+00 : f32
        %ne3A_873 = vector.broadcast %ne3A_872 : f32 to vector<16xf32>
        %ne3A_874 = arith.cmpf one, %select_n3A_871, %ne3A_873 : vector<16xf32>
        %all_reduce_population_count3A_875 = tpu.all_reduce %ne3A_874 {dim = 0 : i64, kind = #tpu.reduction_kind<sum>} : vector<16xi1> -> vector<16xi32>
        %slice3A_876 = vector.extract_strided_slice %all_reduce_population_count3A_875 {offsets = [0], sizes = [1], strides = [1]} : vector<16xi32> to vector<1xi32>
        %squeeze3A_877 = vector.extract %slice3A_876[0] : i32 from vector<1xi32>
        %gt3A_878 = arith.constant 0 : i32
        %gt3A_879 = arith.cmpi sgt, %squeeze3A_877, %gt3A_878 : i32
        %convert_element_type3A_880 = arith.extui %gt3A_879 : i1 to i32
        %cond3A_881 = arith.constant 0 : i32
        %cond3A_882 = arith.cmpi ne, %convert_element_type3A_880, %cond3A_881 : i32
        scf.if %cond3A_882 {
          %iota3A = tpu.iota {dimensions = array<i32: 0>} : vector<16xi32>
          %add3A_1044 = arith.constant 0 : i32
          %add3A_1045 = vector.broadcast %add3A_1044 : i32 to vector<16xi32>
          %add3A_1046 = arith.addi %add3A_1045, %iota3A : vector<16xi32>
          %scan3A_1047 = arith.constant 0 : i32
          %scan3A_1048 = arith.constant 0 : i32
          %scan3A_1049 = arith.constant 128 : i32
          %scan3A_1050 = arith.addi %scan3A_1048, %scan3A_1049 : i32
          %scan3A_1051 = arith.constant 1 : i32
          scf.for %scan3A_1053 = %scan3A_1048 to %scan3A_1050 step %scan3A_1051  : i32 {
            %broadcast_in_dim3A_1054 = vector.broadcast %scan3A_1053 : i32 to vector<16xi32>
            %gather3A = tpu.vector_load_idx %arg11[%add3A_1046, %broadcast_in_dim3A_1054] : memref<128x128xf32, #tpu.memory_space<vmem>>[vector<16xi32>, vector<16xi32>], vector<16xf32>,
            %mul3A_1055 = arith.mulf %gather3A, %select_n3A_871 : vector<16xf32>
            tpu.vector_store_idx %arg11[%add3A_1046, %broadcast_in_dim3A_1054], %mul3A_1055 masked %ne3A_874 : memref<128x128xf32, #tpu.memory_space<vmem>>[vector<16xi32>, vector<16xi32>], vector<16xf32>, vector<16xi1>
          }
          %scan3A_1052 = arith.constant 128 : i32
        } else {
        }
        %get3A_883 = tpu.memref_slice %arg6[%mul3A_552] : memref<6400xi32, #tpu.memory_space<vmem>> -> memref<128xi32, #tpu.memory_space<vmem>>
        %get3A_884 = arith.constant 16 : index
        %get3A_885 = tpu.vector_load %get3A_883[%get3A_884] {strides = array<i32>} : memref<128xi32, #tpu.memory_space<vmem>>, vector<16xi32>,
        %get3A_886 = tpu.memref_slice %arg7[%mul3A_554] : memref<6400xf32, #tpu.memory_space<vmem>> -> memref<128xf32, #tpu.memory_space<vmem>>
        %get3A_887 = arith.constant 16 : index
        %get3A_888 = tpu.vector_load %get3A_886[%get3A_887] {strides = array<i32>} : memref<128xf32, #tpu.memory_space<vmem>>, vector<16xf32>,
        %eq3A_889 = arith.constant 0 : i32
        %eq3A_890 = vector.broadcast %eq3A_889 : i32 to vector<16xi32>
        %eq3A_891 = arith.cmpi eq, %get3A_885, %eq3A_890 : vector<16xi32>
        %jit3A_892 = arith.constant 0.000000e+00 : f32
        %broadcast_in_dim3A_893 = vector.broadcast %jit3A_892 : f32 to vector<16xf32>
        %select_n3A_894 = arith.select %eq3A_891, %broadcast_in_dim3A_893, %get3A_888 : vector<16xi1>, vector<16xf32>
        %ne3A_895 = arith.constant 1.000000e+00 : f32
        %ne3A_896 = vector.broadcast %ne3A_895 : f32 to vector<16xf32>
        %ne3A_897 = arith.cmpf one, %select_n3A_894, %ne3A_896 : vector<16xf32>
        %all_reduce_population_count3A_898 = tpu.all_reduce %ne3A_897 {dim = 0 : i64, kind = #tpu.reduction_kind<sum>} : vector<16xi1> -> vector<16xi32>
        %slice3A_899 = vector.extract_strided_slice %all_reduce_population_count3A_898 {offsets = [0], sizes = [1], strides = [1]} : vector<16xi32> to vector<1xi32>
        %squeeze3A_900 = vector.extract %slice3A_899[0] : i32 from vector<1xi32>
        %gt3A_901 = arith.constant 0 : i32
        %gt3A_902 = arith.cmpi sgt, %squeeze3A_900, %gt3A_901 : i32
        %convert_element_type3A_903 = arith.extui %gt3A_902 : i1 to i32
        %cond3A_904 = arith.constant 0 : i32
        %cond3A_905 = arith.cmpi ne, %convert_element_type3A_903, %cond3A_904 : i32
        scf.if %cond3A_905 {
          %iota3A = tpu.iota {dimensions = array<i32: 0>} : vector<16xi32>
          %add3A_1044 = arith.constant 16 : i32
          %add3A_1045 = vector.broadcast %add3A_1044 : i32 to vector<16xi32>
          %add3A_1046 = arith.addi %add3A_1045, %iota3A : vector<16xi32>
          %scan3A_1047 = arith.constant 0 : i32
          %scan3A_1048 = arith.constant 0 : i32
          %scan3A_1049 = arith.constant 128 : i32
          %scan3A_1050 = arith.addi %scan3A_1048, %scan3A_1049 : i32
          %scan3A_1051 = arith.constant 1 : i32
          scf.for %scan3A_1053 = %scan3A_1048 to %scan3A_1050 step %scan3A_1051  : i32 {
            %broadcast_in_dim3A_1054 = vector.broadcast %scan3A_1053 : i32 to vector<16xi32>
            %gather3A = tpu.vector_load_idx %arg11[%add3A_1046, %broadcast_in_dim3A_1054] : memref<128x128xf32, #tpu.memory_space<vmem>>[vector<16xi32>, vector<16xi32>], vector<16xf32>,
            %mul3A_1055 = arith.mulf %gather3A, %select_n3A_894 : vector<16xf32>
            tpu.vector_store_idx %arg11[%add3A_1046, %broadcast_in_dim3A_1054], %mul3A_1055 masked %ne3A_897 : memref<128x128xf32, #tpu.memory_space<vmem>>[vector<16xi32>, vector<16xi32>], vector<16xf32>, vector<16xi1>
          }
          %scan3A_1052 = arith.constant 128 : i32
        } else {
        }
        %get3A_906 = tpu.memref_slice %arg6[%mul3A_552] : memref<6400xi32, #tpu.memory_space<vmem>> -> memref<128xi32, #tpu.memory_space<vmem>>
        %get3A_907 = arith.constant 32 : index
        %get3A_908 = tpu.vector_load %get3A_906[%get3A_907] {strides = array<i32>} : memref<128xi32, #tpu.memory_space<vmem>>, vector<16xi32>,
        %get3A_909 = tpu.memref_slice %arg7[%mul3A_554] : memref<6400xf32, #tpu.memory_space<vmem>> -> memref<128xf32, #tpu.memory_space<vmem>>
        %get3A_910 = arith.constant 32 : index
        %get3A_911 = tpu.vector_load %get3A_909[%get3A_910] {strides = array<i32>} : memref<128xf32, #tpu.memory_space<vmem>>, vector<16xf32>,
        %eq3A_912 = arith.constant 0 : i32
        %eq3A_913 = vector.broadcast %eq3A_912 : i32 to vector<16xi32>
        %eq3A_914 = arith.cmpi eq, %get3A_908, %eq3A_913 : vector<16xi32>
        %jit3A_915 = arith.constant 0.000000e+00 : f32
        %broadcast_in_dim3A_916 = vector.broadcast %jit3A_915 : f32 to vector<16xf32>
        %select_n3A_917 = arith.select %eq3A_914, %broadcast_in_dim3A_916, %get3A_911 : vector<16xi1>, vector<16xf32>
        %ne3A_918 = arith.constant 1.000000e+00 : f32
        %ne3A_919 = vector.broadcast %ne3A_918 : f32 to vector<16xf32>
        %ne3A_920 = arith.cmpf one, %select_n3A_917, %ne3A_919 : vector<16xf32>
        %all_reduce_population_count3A_921 = tpu.all_reduce %ne3A_920 {dim = 0 : i64, kind = #tpu.reduction_kind<sum>} : vector<16xi1> -> vector<16xi32>
        %slice3A_922 = vector.extract_strided_slice %all_reduce_population_count3A_921 {offsets = [0], sizes = [1], strides = [1]} : vector<16xi32> to vector<1xi32>
        %squeeze3A_923 = vector.extract %slice3A_922[0] : i32 from vector<1xi32>
        %gt3A_924 = arith.constant 0 : i32
        %gt3A_925 = arith.cmpi sgt, %squeeze3A_923, %gt3A_924 : i32
        %convert_element_type3A_926 = arith.extui %gt3A_925 : i1 to i32
        %cond3A_927 = arith.constant 0 : i32
        %cond3A_928 = arith.cmpi ne, %convert_element_type3A_926, %cond3A_927 : i32
        scf.if %cond3A_928 {
          %iota3A = tpu.iota {dimensions = array<i32: 0>} : vector<16xi32>
          %add3A_1044 = arith.constant 32 : i32
          %add3A_1045 = vector.broadcast %add3A_1044 : i32 to vector<16xi32>
          %add3A_1046 = arith.addi %add3A_1045, %iota3A : vector<16xi32>
          %scan3A_1047 = arith.constant 0 : i32
          %scan3A_1048 = arith.constant 0 : i32
          %scan3A_1049 = arith.constant 128 : i32
          %scan3A_1050 = arith.addi %scan3A_1048, %scan3A_1049 : i32
          %scan3A_1051 = arith.constant 1 : i32
          scf.for %scan3A_1053 = %scan3A_1048 to %scan3A_1050 step %scan3A_1051  : i32 {
            %broadcast_in_dim3A_1054 = vector.broadcast %scan3A_1053 : i32 to vector<16xi32>
            %gather3A = tpu.vector_load_idx %arg11[%add3A_1046, %broadcast_in_dim3A_1054] : memref<128x128xf32, #tpu.memory_space<vmem>>[vector<16xi32>, vector<16xi32>], vector<16xf32>,
            %mul3A_1055 = arith.mulf %gather3A, %select_n3A_917 : vector<16xf32>
            tpu.vector_store_idx %arg11[%add3A_1046, %broadcast_in_dim3A_1054], %mul3A_1055 masked %ne3A_920 : memref<128x128xf32, #tpu.memory_space<vmem>>[vector<16xi32>, vector<16xi32>], vector<16xf32>, vector<16xi1>
          }
          %scan3A_1052 = arith.constant 128 : i32
        } else {
        }
        %get3A_929 = tpu.memref_slice %arg6[%mul3A_552] : memref<6400xi32, #tpu.memory_space<vmem>> -> memref<128xi32, #tpu.memory_space<vmem>>
        %get3A_930 = arith.constant 48 : index
        %get3A_931 = tpu.vector_load %get3A_929[%get3A_930] {strides = array<i32>} : memref<128xi32, #tpu.memory_space<vmem>>, vector<16xi32>,
        %get3A_932 = tpu.memref_slice %arg7[%mul3A_554] : memref<6400xf32, #tpu.memory_space<vmem>> -> memref<128xf32, #tpu.memory_space<vmem>>
        %get3A_933 = arith.constant 48 : index
        %get3A_934 = tpu.vector_load %get3A_932[%get3A_933] {strides = array<i32>} : memref<128xf32, #tpu.memory_space<vmem>>, vector<16xf32>,
        %eq3A_935 = arith.constant 0 : i32
        %eq3A_936 = vector.broadcast %eq3A_935 : i32 to vector<16xi32>
        %eq3A_937 = arith.cmpi eq, %get3A_931, %eq3A_936 : vector<16xi32>
        %jit3A_938 = arith.constant 0.000000e+00 : f32
        %broadcast_in_dim3A_939 = vector.broadcast %jit3A_938 : f32 to vector<16xf32>
        %select_n3A_940 = arith.select %eq3A_937, %broadcast_in_dim3A_939, %get3A_934 : vector<16xi1>, vector<16xf32>
        %ne3A_941 = arith.constant 1.000000e+00 : f32
        %ne3A_942 = vector.broadcast %ne3A_941 : f32 to vector<16xf32>
        %ne3A_943 = arith.cmpf one, %select_n3A_940, %ne3A_942 : vector<16xf32>
        %all_reduce_population_count3A_944 = tpu.all_reduce %ne3A_943 {dim = 0 : i64, kind = #tpu.reduction_kind<sum>} : vector<16xi1> -> vector<16xi32>
        %slice3A_945 = vector.extract_strided_slice %all_reduce_population_count3A_944 {offsets = [0], sizes = [1], strides = [1]} : vector<16xi32> to vector<1xi32>
        %squeeze3A_946 = vector.extract %slice3A_945[0] : i32 from vector<1xi32>
        %gt3A_947 = arith.constant 0 : i32
        %gt3A_948 = arith.cmpi sgt, %squeeze3A_946, %gt3A_947 : i32
        %convert_element_type3A_949 = arith.extui %gt3A_948 : i1 to i32
        %cond3A_950 = arith.constant 0 : i32
        %cond3A_951 = arith.cmpi ne, %convert_element_type3A_949, %cond3A_950 : i32
        scf.if %cond3A_951 {
          %iota3A = tpu.iota {dimensions = array<i32: 0>} : vector<16xi32>
          %add3A_1044 = arith.constant 48 : i32
          %add3A_1045 = vector.broadcast %add3A_1044 : i32 to vector<16xi32>
          %add3A_1046 = arith.addi %add3A_1045, %iota3A : vector<16xi32>
          %scan3A_1047 = arith.constant 0 : i32
          %scan3A_1048 = arith.constant 0 : i32
          %scan3A_1049 = arith.constant 128 : i32
          %scan3A_1050 = arith.addi %scan3A_1048, %scan3A_1049 : i32
          %scan3A_1051 = arith.constant 1 : i32
          scf.for %scan3A_1053 = %scan3A_1048 to %scan3A_1050 step %scan3A_1051  : i32 {
            %broadcast_in_dim3A_1054 = vector.broadcast %scan3A_1053 : i32 to vector<16xi32>
            %gather3A = tpu.vector_load_idx %arg11[%add3A_1046, %broadcast_in_dim3A_1054] : memref<128x128xf32, #tpu.memory_space<vmem>>[vector<16xi32>, vector<16xi32>], vector<16xf32>,
            %mul3A_1055 = arith.mulf %gather3A, %select_n3A_940 : vector<16xf32>
            tpu.vector_store_idx %arg11[%add3A_1046, %broadcast_in_dim3A_1054], %mul3A_1055 masked %ne3A_943 : memref<128x128xf32, #tpu.memory_space<vmem>>[vector<16xi32>, vector<16xi32>], vector<16xf32>, vector<16xi1>
          }
          %scan3A_1052 = arith.constant 128 : i32
        } else {
        }
        %get3A_952 = tpu.memref_slice %arg6[%mul3A_552] : memref<6400xi32, #tpu.memory_space<vmem>> -> memref<128xi32, #tpu.memory_space<vmem>>
        %get3A_953 = arith.constant 64 : index
        %get3A_954 = tpu.vector_load %get3A_952[%get3A_953] {strides = array<i32>} : memref<128xi32, #tpu.memory_space<vmem>>, vector<16xi32>,
        %get3A_955 = tpu.memref_slice %arg7[%mul3A_554] : memref<6400xf32, #tpu.memory_space<vmem>> -> memref<128xf32, #tpu.memory_space<vmem>>
        %get3A_956 = arith.constant 64 : index
        %get3A_957 = tpu.vector_load %get3A_955[%get3A_956] {strides = array<i32>} : memref<128xf32, #tpu.memory_space<vmem>>, vector<16xf32>,
        %eq3A_958 = arith.constant 0 : i32
        %eq3A_959 = vector.broadcast %eq3A_958 : i32 to vector<16xi32>
        %eq3A_960 = arith.cmpi eq, %get3A_954, %eq3A_959 : vector<16xi32>
        %jit3A_961 = arith.constant 0.000000e+00 : f32
        %broadcast_in_dim3A_962 = vector.broadcast %jit3A_961 : f32 to vector<16xf32>
        %select_n3A_963 = arith.select %eq3A_960, %broadcast_in_dim3A_962, %get3A_957 : vector<16xi1>, vector<16xf32>
        %ne3A_964 = arith.constant 1.000000e+00 : f32
        %ne3A_965 = vector.broadcast %ne3A_964 : f32 to vector<16xf32>
        %ne3A_966 = arith.cmpf one, %select_n3A_963, %ne3A_965 : vector<16xf32>
        %all_reduce_population_count3A_967 = tpu.all_reduce %ne3A_966 {dim = 0 : i64, kind = #tpu.reduction_kind<sum>} : vector<16xi1> -> vector<16xi32>
        %slice3A_968 = vector.extract_strided_slice %all_reduce_population_count3A_967 {offsets = [0], sizes = [1], strides = [1]} : vector<16xi32> to vector<1xi32>
        %squeeze3A_969 = vector.extract %slice3A_968[0] : i32 from vector<1xi32>
        %gt3A_970 = arith.constant 0 : i32
        %gt3A_971 = arith.cmpi sgt, %squeeze3A_969, %gt3A_970 : i32
        %convert_element_type3A_972 = arith.extui %gt3A_971 : i1 to i32
        %cond3A_973 = arith.constant 0 : i32
        %cond3A_974 = arith.cmpi ne, %convert_element_type3A_972, %cond3A_973 : i32
        scf.if %cond3A_974 {
          %iota3A = tpu.iota {dimensions = array<i32: 0>} : vector<16xi32>
          %add3A_1044 = arith.constant 64 : i32
          %add3A_1045 = vector.broadcast %add3A_1044 : i32 to vector<16xi32>
          %add3A_1046 = arith.addi %add3A_1045, %iota3A : vector<16xi32>
          %scan3A_1047 = arith.constant 0 : i32
          %scan3A_1048 = arith.constant 0 : i32
          %scan3A_1049 = arith.constant 128 : i32
          %scan3A_1050 = arith.addi %scan3A_1048, %scan3A_1049 : i32
          %scan3A_1051 = arith.constant 1 : i32
          scf.for %scan3A_1053 = %scan3A_1048 to %scan3A_1050 step %scan3A_1051  : i32 {
            %broadcast_in_dim3A_1054 = vector.broadcast %scan3A_1053 : i32 to vector<16xi32>
            %gather3A = tpu.vector_load_idx %arg11[%add3A_1046, %broadcast_in_dim3A_1054] : memref<128x128xf32, #tpu.memory_space<vmem>>[vector<16xi32>, vector<16xi32>], vector<16xf32>,
            %mul3A_1055 = arith.mulf %gather3A, %select_n3A_963 : vector<16xf32>
            tpu.vector_store_idx %arg11[%add3A_1046, %broadcast_in_dim3A_1054], %mul3A_1055 masked %ne3A_966 : memref<128x128xf32, #tpu.memory_space<vmem>>[vector<16xi32>, vector<16xi32>], vector<16xf32>, vector<16xi1>
          }
          %scan3A_1052 = arith.constant 128 : i32
        } else {
        }
        %get3A_975 = tpu.memref_slice %arg6[%mul3A_552] : memref<6400xi32, #tpu.memory_space<vmem>> -> memref<128xi32, #tpu.memory_space<vmem>>
        %get3A_976 = arith.constant 80 : index
        %get3A_977 = tpu.vector_load %get3A_975[%get3A_976] {strides = array<i32>} : memref<128xi32, #tpu.memory_space<vmem>>, vector<16xi32>,
        %get3A_978 = tpu.memref_slice %arg7[%mul3A_554] : memref<6400xf32, #tpu.memory_space<vmem>> -> memref<128xf32, #tpu.memory_space<vmem>>
        %get3A_979 = arith.constant 80 : index
        %get3A_980 = tpu.vector_load %get3A_978[%get3A_979] {strides = array<i32>} : memref<128xf32, #tpu.memory_space<vmem>>, vector<16xf32>,
        %eq3A_981 = arith.constant 0 : i32
        %eq3A_982 = vector.broadcast %eq3A_981 : i32 to vector<16xi32>
        %eq3A_983 = arith.cmpi eq, %get3A_977, %eq3A_982 : vector<16xi32>
        %jit3A_984 = arith.constant 0.000000e+00 : f32
        %broadcast_in_dim3A_985 = vector.broadcast %jit3A_984 : f32 to vector<16xf32>
        %select_n3A_986 = arith.select %eq3A_983, %broadcast_in_dim3A_985, %get3A_980 : vector<16xi1>, vector<16xf32>
        %ne3A_987 = arith.constant 1.000000e+00 : f32
        %ne3A_988 = vector.broadcast %ne3A_987 : f32 to vector<16xf32>
        %ne3A_989 = arith.cmpf one, %select_n3A_986, %ne3A_988 : vector<16xf32>
        %all_reduce_population_count3A_990 = tpu.all_reduce %ne3A_989 {dim = 0 : i64, kind = #tpu.reduction_kind<sum>} : vector<16xi1> -> vector<16xi32>
        %slice3A_991 = vector.extract_strided_slice %all_reduce_population_count3A_990 {offsets = [0], sizes = [1], strides = [1]} : vector<16xi32> to vector<1xi32>
        %squeeze3A_992 = vector.extract %slice3A_991[0] : i32 from vector<1xi32>
        %gt3A_993 = arith.constant 0 : i32
        %gt3A_994 = arith.cmpi sgt, %squeeze3A_992, %gt3A_993 : i32
        %convert_element_type3A_995 = arith.extui %gt3A_994 : i1 to i32
        %cond3A_996 = arith.constant 0 : i32
        %cond3A_997 = arith.cmpi ne, %convert_element_type3A_995, %cond3A_996 : i32
        scf.if %cond3A_997 {
          %iota3A = tpu.iota {dimensions = array<i32: 0>} : vector<16xi32>
          %add3A_1044 = arith.constant 80 : i32
          %add3A_1045 = vector.broadcast %add3A_1044 : i32 to vector<16xi32>
          %add3A_1046 = arith.addi %add3A_1045, %iota3A : vector<16xi32>
          %scan3A_1047 = arith.constant 0 : i32
          %scan3A_1048 = arith.constant 0 : i32
          %scan3A_1049 = arith.constant 128 : i32
          %scan3A_1050 = arith.addi %scan3A_1048, %scan3A_1049 : i32
          %scan3A_1051 = arith.constant 1 : i32
          scf.for %scan3A_1053 = %scan3A_1048 to %scan3A_1050 step %scan3A_1051  : i32 {
            %broadcast_in_dim3A_1054 = vector.broadcast %scan3A_1053 : i32 to vector<16xi32>
            %gather3A = tpu.vector_load_idx %arg11[%add3A_1046, %broadcast_in_dim3A_1054] : memref<128x128xf32, #tpu.memory_space<vmem>>[vector<16xi32>, vector<16xi32>], vector<16xf32>,
            %mul3A_1055 = arith.mulf %gather3A, %select_n3A_986 : vector<16xf32>
            tpu.vector_store_idx %arg11[%add3A_1046, %broadcast_in_dim3A_1054], %mul3A_1055 masked %ne3A_989 : memref<128x128xf32, #tpu.memory_space<vmem>>[vector<16xi32>, vector<16xi32>], vector<16xf32>, vector<16xi1>
          }
          %scan3A_1052 = arith.constant 128 : i32
        } else {
        }
        %get3A_998 = tpu.memref_slice %arg6[%mul3A_552] : memref<6400xi32, #tpu.memory_space<vmem>> -> memref<128xi32, #tpu.memory_space<vmem>>
        %get3A_999 = arith.constant 96 : index
        %get3A_1000 = tpu.vector_load %get3A_998[%get3A_999] {strides = array<i32>} : memref<128xi32, #tpu.memory_space<vmem>>, vector<16xi32>,
        %get3A_1001 = tpu.memref_slice %arg7[%mul3A_554] : memref<6400xf32, #tpu.memory_space<vmem>> -> memref<128xf32, #tpu.memory_space<vmem>>
        %get3A_1002 = arith.constant 96 : index
        %get3A_1003 = tpu.vector_load %get3A_1001[%get3A_1002] {strides = array<i32>} : memref<128xf32, #tpu.memory_space<vmem>>, vector<16xf32>,
        %eq3A_1004 = arith.constant 0 : i32
        %eq3A_1005 = vector.broadcast %eq3A_1004 : i32 to vector<16xi32>
        %eq3A_1006 = arith.cmpi eq, %get3A_1000, %eq3A_1005 : vector<16xi32>
        %jit3A_1007 = arith.constant 0.000000e+00 : f32
        %broadcast_in_dim3A_1008 = vector.broadcast %jit3A_1007 : f32 to vector<16xf32>
        %select_n3A_1009 = arith.select %eq3A_1006, %broadcast_in_dim3A_1008, %get3A_1003 : vector<16xi1>, vector<16xf32>
        %ne3A_1010 = arith.constant 1.000000e+00 : f32
        %ne3A_1011 = vector.broadcast %ne3A_1010 : f32 to vector<16xf32>
        %ne3A_1012 = arith.cmpf one, %select_n3A_1009, %ne3A_1011 : vector<16xf32>
        %all_reduce_population_count3A_1013 = tpu.all_reduce %ne3A_1012 {dim = 0 : i64, kind = #tpu.reduction_kind<sum>} : vector<16xi1> -> vector<16xi32>
        %slice3A_1014 = vector.extract_strided_slice %all_reduce_population_count3A_1013 {offsets = [0], sizes = [1], strides = [1]} : vector<16xi32> to vector<1xi32>
        %squeeze3A_1015 = vector.extract %slice3A_1014[0] : i32 from vector<1xi32>
        %gt3A_1016 = arith.constant 0 : i32
        %gt3A_1017 = arith.cmpi sgt, %squeeze3A_1015, %gt3A_1016 : i32
        %convert_element_type3A_1018 = arith.extui %gt3A_1017 : i1 to i32
        %cond3A_1019 = arith.constant 0 : i32
        %cond3A_1020 = arith.cmpi ne, %convert_element_type3A_1018, %cond3A_1019 : i32
        scf.if %cond3A_1020 {
          %iota3A = tpu.iota {dimensions = array<i32: 0>} : vector<16xi32>
          %add3A_1044 = arith.constant 96 : i32
          %add3A_1045 = vector.broadcast %add3A_1044 : i32 to vector<16xi32>
          %add3A_1046 = arith.addi %add3A_1045, %iota3A : vector<16xi32>
          %scan3A_1047 = arith.constant 0 : i32
          %scan3A_1048 = arith.constant 0 : i32
          %scan3A_1049 = arith.constant 128 : i32
          %scan3A_1050 = arith.addi %scan3A_1048, %scan3A_1049 : i32
          %scan3A_1051 = arith.constant 1 : i32
          scf.for %scan3A_1053 = %scan3A_1048 to %scan3A_1050 step %scan3A_1051  : i32 {
            %broadcast_in_dim3A_1054 = vector.broadcast %scan3A_1053 : i32 to vector<16xi32>
            %gather3A = tpu.vector_load_idx %arg11[%add3A_1046, %broadcast_in_dim3A_1054] : memref<128x128xf32, #tpu.memory_space<vmem>>[vector<16xi32>, vector<16xi32>], vector<16xf32>,
            %mul3A_1055 = arith.mulf %gather3A, %select_n3A_1009 : vector<16xf32>
            tpu.vector_store_idx %arg11[%add3A_1046, %broadcast_in_dim3A_1054], %mul3A_1055 masked %ne3A_1012 : memref<128x128xf32, #tpu.memory_space<vmem>>[vector<16xi32>, vector<16xi32>], vector<16xf32>, vector<16xi1>
          }
          %scan3A_1052 = arith.constant 128 : i32
        } else {
        }
        %get3A_1021 = tpu.memref_slice %arg6[%mul3A_552] : memref<6400xi32, #tpu.memory_space<vmem>> -> memref<128xi32, #tpu.memory_space<vmem>>
        %get3A_1022 = arith.constant 112 : index
        %get3A_1023 = tpu.vector_load %get3A_1021[%get3A_1022] {strides = array<i32>} : memref<128xi32, #tpu.memory_space<vmem>>, vector<16xi32>,
        %get3A_1024 = tpu.memref_slice %arg7[%mul3A_554] : memref<6400xf32, #tpu.memory_space<vmem>> -> memref<128xf32, #tpu.memory_space<vmem>>
        %get3A_1025 = arith.constant 112 : index
        %get3A_1026 = tpu.vector_load %get3A_1024[%get3A_1025] {strides = array<i32>} : memref<128xf32, #tpu.memory_space<vmem>>, vector<16xf32>,
        %eq3A_1027 = arith.constant 0 : i32
        %eq3A_1028 = vector.broadcast %eq3A_1027 : i32 to vector<16xi32>
        %eq3A_1029 = arith.cmpi eq, %get3A_1023, %eq3A_1028 : vector<16xi32>
        %jit3A_1030 = arith.constant 0.000000e+00 : f32
        %broadcast_in_dim3A_1031 = vector.broadcast %jit3A_1030 : f32 to vector<16xf32>
        %select_n3A_1032 = arith.select %eq3A_1029, %broadcast_in_dim3A_1031, %get3A_1026 : vector<16xi1>, vector<16xf32>
        %ne3A_1033 = arith.constant 1.000000e+00 : f32
        %ne3A_1034 = vector.broadcast %ne3A_1033 : f32 to vector<16xf32>
        %ne3A_1035 = arith.cmpf one, %select_n3A_1032, %ne3A_1034 : vector<16xf32>
        %all_reduce_population_count3A_1036 = tpu.all_reduce %ne3A_1035 {dim = 0 : i64, kind = #tpu.reduction_kind<sum>} : vector<16xi1> -> vector<16xi32>
        %slice3A_1037 = vector.extract_strided_slice %all_reduce_population_count3A_1036 {offsets = [0], sizes = [1], strides = [1]} : vector<16xi32> to vector<1xi32>
        %squeeze3A_1038 = vector.extract %slice3A_1037[0] : i32 from vector<1xi32>
        %gt3A_1039 = arith.constant 0 : i32
        %gt3A_1040 = arith.cmpi sgt, %squeeze3A_1038, %gt3A_1039 : i32
        %convert_element_type3A_1041 = arith.extui %gt3A_1040 : i1 to i32
        %cond3A_1042 = arith.constant 0 : i32
        %cond3A_1043 = arith.cmpi ne, %convert_element_type3A_1041, %cond3A_1042 : i32
        scf.if %cond3A_1043 {
          %iota3A = tpu.iota {dimensions = array<i32: 0>} : vector<16xi32>
          %add3A_1044 = arith.constant 112 : i32
          %add3A_1045 = vector.broadcast %add3A_1044 : i32 to vector<16xi32>
          %add3A_1046 = arith.addi %add3A_1045, %iota3A : vector<16xi32>
          %scan3A_1047 = arith.constant 0 : i32
          %scan3A_1048 = arith.constant 0 : i32
          %scan3A_1049 = arith.constant 128 : i32
          %scan3A_1050 = arith.addi %scan3A_1048, %scan3A_1049 : i32
          %scan3A_1051 = arith.constant 1 : i32
          scf.for %scan3A_1053 = %scan3A_1048 to %scan3A_1050 step %scan3A_1051  : i32 {
            %broadcast_in_dim3A_1054 = vector.broadcast %scan3A_1053 : i32 to vector<16xi32>
            %gather3A = tpu.vector_load_idx %arg11[%add3A_1046, %broadcast_in_dim3A_1054] : memref<128x128xf32, #tpu.memory_space<vmem>>[vector<16xi32>, vector<16xi32>], vector<16xf32>,
            %mul3A_1055 = arith.mulf %gather3A, %select_n3A_1032 : vector<16xf32>
            tpu.vector_store_idx %arg11[%add3A_1046, %broadcast_in_dim3A_1054], %mul3A_1055 masked %ne3A_1035 : memref<128x128xf32, #tpu.memory_space<vmem>>[vector<16xi32>, vector<16xi32>], vector<16xf32>, vector<16xi1>
          }
          %scan3A_1052 = arith.constant 128 : i32
        } else {
        }
      } else {
      }
      %mul3A_690 = arith.constant 128 : i32
      %mul3A_691 = arith.muli %add3A_535, %mul3A_690 : i32
      %add3A_692 = arith.addi %mul3A_2, %mul3A_691 : i32
      %dma_start3A_693 = arith.constant 0 : i32
      %dma_start3A_694 = tpu.memref_slice %arg5[%add3A_692, %dma_start3A_693] : memref<204800x128xf32, #tpu.memory_space<hbm>> -> memref<128x128xf32, #tpu.memory_space<hbm>>
      %dma_start3A_695 = arith.constant 0 : i32
      %dma_start3A_696 = tpu.memref_slice %arg5[%add3A_692, %dma_start3A_695] : memref<204800x128xf32, #tpu.memory_space<hbm>> -> memref<128x128xf32, #tpu.memory_space<hbm>>
      tpu.enqueue_dma source(%arg11 : memref<128x128xf32, #tpu.memory_space<vmem>>) target(%dma_start3A_696 : memref<128x128xf32, #tpu.memory_space<hbm>>) target_semaphore(%arg21 : memref<!tpu.dma_semaphore, #tpu.memory_space<semaphore_mem>>)
      %add3A_697 = arith.constant 4 : i32
      %add3A_698 = arith.addi %add3A_59, %add3A_697 : i32
      %add3A_699 = arith.constant 5 : i32
      %add3A_700 = arith.addi %add3A_698, %add3A_699 : i32
      %sub3A_701 = arith.constant 1 : i32
      %sub3A_702 = arith.subi %add3A_700, %sub3A_701 : i32
      %lt3A_703 = arith.constant 50 : i32
      %lt3A_704 = arith.cmpi slt, %sub3A_702, %lt3A_703 : i32
      %convert_element_type3A_705 = arith.extui %lt3A_704 : i1 to i32
      %cond3A_706 = arith.constant 0 : i32
      %cond3A_707 = arith.cmpi ne, %convert_element_type3A_705, %cond3A_706 : i32
      scf.if %cond3A_707 {
        %ge3A = arith.constant 1 : i32
        %ge3A_860 = arith.cmpi sge, %add3A_698, %ge3A : i32
        %convert_element_type3A_861 = arith.extui %ge3A_860 : i1 to i32
        %cond3A_862 = arith.constant 0 : i32
        %cond3A_863 = arith.cmpi ne, %convert_element_type3A_861, %cond3A_862 : i32
        scf.if %cond3A_863 {
          %sub3A_874 = arith.constant 1 : i32
          %sub3A_875 = arith.subi %add3A_698, %sub3A_874 : i32
          %mul3A_876 = arith.constant 128 : i32
          %mul3A_877 = arith.muli %sub3A_875, %mul3A_876 : i32
          %add3A_878 = arith.addi %mul3A_2, %mul3A_877 : i32
          %dma_wait3A_879 = arith.constant 0 : i32
          %dma_wait3A_880 = tpu.memref_slice %arg5[%add3A_878, %dma_wait3A_879] : memref<204800x128xf32, #tpu.memory_space<hbm>> -> memref<128x128xf32, #tpu.memory_space<hbm>>
          %dma_wait3A_881 = arith.constant 0 : i32
          %dma_wait3A_882 = tpu.memref_slice %arg5[%add3A_878, %dma_wait3A_881] : memref<204800x128xf32, #tpu.memory_space<hbm>> -> memref<128x128xf32, #tpu.memory_space<hbm>>
          tpu.wait_dma2 semaphore(%arg21 : memref<!tpu.dma_semaphore, #tpu.memory_space<semaphore_mem>>) src(%arg11 : memref<128x128xf32, #tpu.memory_space<vmem>>) dst(%dma_wait3A_882 : memref<128x128xf32, #tpu.memory_space<hbm>>)
        } else {
        }
        %add3A_864 = arith.constant 5 : i32
        %add3A_865 = arith.addi %add3A_698, %add3A_864 : i32
        %sub3A_866 = arith.constant 1 : i32
        %sub3A_867 = arith.subi %add3A_865, %sub3A_866 : i32
        %mul3A_868 = arith.constant 128 : i32
        %mul3A_869 = arith.muli %sub3A_867, %mul3A_868 : i32
        %dma_start3A_870 = tpu.memref_slice %arg6[%mul3A_869] : memref<6400xi32, #tpu.memory_space<vmem>> -> memref<128xi32, #tpu.memory_space<vmem>>
        %dma_start3A_871 = arith.constant 0 : i32
        %dma_start3A_872 = arith.constant 0 : i32
        %dma_start3A_873 = tpu.memref_slice %arg2[%dma_start3A_871, %dma_start3A_872] : memref<100000x128xf32, #tpu.memory_space<hbm>> -> memref<100000x128xf32, #tpu.memory_space<hbm>>
        tpu.enqueue_indirect_dma source(%dma_start3A_873 : memref<100000x128xf32, #tpu.memory_space<hbm>>) target(%arg11 : memref<128x128xf32, #tpu.memory_space<vmem>>) offsets(%dma_start3A_870 : memref<128xi32, #tpu.memory_space<vmem>>) semaphore(%arg16 : memref<!tpu.dma_semaphore, #tpu.memory_space<semaphore_mem>>)
      } else {
      }
      %mul3A_708 = arith.constant 128 : i32
      %mul3A_709 = arith.muli %add3A_698, %mul3A_708 : i32
      %dma_wait3A_710 = tpu.memref_slice %arg6[%mul3A_709] : memref<6400xi32, #tpu.memory_space<vmem>> -> memref<128xi32, #tpu.memory_space<vmem>>
      %dma_wait3A_711 = arith.constant 0 : i32
      %dma_wait3A_712 = arith.constant 0 : i32
      %dma_wait3A_713 = tpu.memref_slice %arg2[%dma_wait3A_711, %dma_wait3A_712] : memref<100000x128xf32, #tpu.memory_space<hbm>> -> memref<100000x128xf32, #tpu.memory_space<hbm>>
      tpu.wait_indirect_dma semaphore(%arg17 : memref<!tpu.dma_semaphore, #tpu.memory_space<semaphore_mem>>) src(%dma_wait3A_713 : memref<100000x128xf32, #tpu.memory_space<hbm>>) dst(%arg12 : memref<128x128xf32, #tpu.memory_space<vmem>>)
      %mul3A_714 = arith.constant 128 : i32
      %mul3A_715 = arith.muli %add3A_698, %mul3A_714 : i32
      %mul3A_716 = arith.constant 128 : i32
      %mul3A_717 = arith.muli %add3A_698, %mul3A_716 : i32
      %get3A_718 = tpu.memref_slice %arg6[%mul3A_715] : memref<6400xi32, #tpu.memory_space<vmem>> -> memref<128xi32, #tpu.memory_space<vmem>>
      %get3A_719 = arith.constant 0 : index
      %get3A_720 = tpu.vector_load %get3A_718[%get3A_719] {strides = array<i32>} : memref<128xi32, #tpu.memory_space<vmem>>, vector<16xi32>,
      %get3A_721 = tpu.memref_slice %arg7[%mul3A_717] : memref<6400xf32, #tpu.memory_space<vmem>> -> memref<128xf32, #tpu.memory_space<vmem>>
      %get3A_722 = arith.constant 0 : index
      %get3A_723 = tpu.vector_load %get3A_721[%get3A_722] {strides = array<i32>} : memref<128xf32, #tpu.memory_space<vmem>>, vector<16xf32>,
      %eq3A_724 = arith.constant 0 : i32
      %eq3A_725 = vector.broadcast %eq3A_724 : i32 to vector<16xi32>
      %eq3A_726 = arith.cmpi eq, %get3A_720, %eq3A_725 : vector<16xi32>
      %jit3A_727 = arith.constant 0.000000e+00 : f32
      %broadcast_in_dim3A_728 = vector.broadcast %jit3A_727 : f32 to vector<16xf32>
      %select_n3A_729 = arith.select %eq3A_726, %broadcast_in_dim3A_728, %get3A_723 : vector<16xi1>, vector<16xf32>
      %ne3A_730 = arith.constant 1.000000e+00 : f32
      %ne3A_731 = vector.broadcast %ne3A_730 : f32 to vector<16xf32>
      %ne3A_732 = arith.cmpf one, %select_n3A_729, %ne3A_731 : vector<16xf32>
      %get3A_733 = tpu.memref_slice %arg6[%mul3A_715] : memref<6400xi32, #tpu.memory_space<vmem>> -> memref<128xi32, #tpu.memory_space<vmem>>
      %get3A_734 = arith.constant 16 : index
      %get3A_735 = tpu.vector_load %get3A_733[%get3A_734] {strides = array<i32>} : memref<128xi32, #tpu.memory_space<vmem>>, vector<16xi32>,
      %get3A_736 = tpu.memref_slice %arg7[%mul3A_717] : memref<6400xf32, #tpu.memory_space<vmem>> -> memref<128xf32, #tpu.memory_space<vmem>>
      %get3A_737 = arith.constant 16 : index
      %get3A_738 = tpu.vector_load %get3A_736[%get3A_737] {strides = array<i32>} : memref<128xf32, #tpu.memory_space<vmem>>, vector<16xf32>,
      %eq3A_739 = arith.constant 0 : i32
      %eq3A_740 = vector.broadcast %eq3A_739 : i32 to vector<16xi32>
      %eq3A_741 = arith.cmpi eq, %get3A_735, %eq3A_740 : vector<16xi32>
      %jit3A_742 = arith.constant 0.000000e+00 : f32
      %broadcast_in_dim3A_743 = vector.broadcast %jit3A_742 : f32 to vector<16xf32>
      %select_n3A_744 = arith.select %eq3A_741, %broadcast_in_dim3A_743, %get3A_738 : vector<16xi1>, vector<16xf32>
      %ne3A_745 = arith.constant 1.000000e+00 : f32
      %ne3A_746 = vector.broadcast %ne3A_745 : f32 to vector<16xf32>
      %ne3A_747 = arith.cmpf one, %select_n3A_744, %ne3A_746 : vector<16xf32>
      %or3A_748 = arith.ori %ne3A_732, %ne3A_747 : vector<16xi1>
      %get3A_749 = tpu.memref_slice %arg6[%mul3A_715] : memref<6400xi32, #tpu.memory_space<vmem>> -> memref<128xi32, #tpu.memory_space<vmem>>
      %get3A_750 = arith.constant 32 : index
      %get3A_751 = tpu.vector_load %get3A_749[%get3A_750] {strides = array<i32>} : memref<128xi32, #tpu.memory_space<vmem>>, vector<16xi32>,
      %get3A_752 = tpu.memref_slice %arg7[%mul3A_717] : memref<6400xf32, #tpu.memory_space<vmem>> -> memref<128xf32, #tpu.memory_space<vmem>>
      %get3A_753 = arith.constant 32 : index
      %get3A_754 = tpu.vector_load %get3A_752[%get3A_753] {strides = array<i32>} : memref<128xf32, #tpu.memory_space<vmem>>, vector<16xf32>,
      %eq3A_755 = arith.constant 0 : i32
      %eq3A_756 = vector.broadcast %eq3A_755 : i32 to vector<16xi32>
      %eq3A_757 = arith.cmpi eq, %get3A_751, %eq3A_756 : vector<16xi32>
      %jit3A_758 = arith.constant 0.000000e+00 : f32
      %broadcast_in_dim3A_759 = vector.broadcast %jit3A_758 : f32 to vector<16xf32>
      %select_n3A_760 = arith.select %eq3A_757, %broadcast_in_dim3A_759, %get3A_754 : vector<16xi1>, vector<16xf32>
      %ne3A_761 = arith.constant 1.000000e+00 : f32
      %ne3A_762 = vector.broadcast %ne3A_761 : f32 to vector<16xf32>
      %ne3A_763 = arith.cmpf one, %select_n3A_760, %ne3A_762 : vector<16xf32>
      %or3A_764 = arith.ori %or3A_748, %ne3A_763 : vector<16xi1>
      %get3A_765 = tpu.memref_slice %arg6[%mul3A_715] : memref<6400xi32, #tpu.memory_space<vmem>> -> memref<128xi32, #tpu.memory_space<vmem>>
      %get3A_766 = arith.constant 48 : index
      %get3A_767 = tpu.vector_load %get3A_765[%get3A_766] {strides = array<i32>} : memref<128xi32, #tpu.memory_space<vmem>>, vector<16xi32>,
      %get3A_768 = tpu.memref_slice %arg7[%mul3A_717] : memref<6400xf32, #tpu.memory_space<vmem>> -> memref<128xf32, #tpu.memory_space<vmem>>
      %get3A_769 = arith.constant 48 : index
      %get3A_770 = tpu.vector_load %get3A_768[%get3A_769] {strides = array<i32>} : memref<128xf32, #tpu.memory_space<vmem>>, vector<16xf32>,
      %eq3A_771 = arith.constant 0 : i32
      %eq3A_772 = vector.broadcast %eq3A_771 : i32 to vector<16xi32>
      %eq3A_773 = arith.cmpi eq, %get3A_767, %eq3A_772 : vector<16xi32>
      %jit3A_774 = arith.constant 0.000000e+00 : f32
      %broadcast_in_dim3A_775 = vector.broadcast %jit3A_774 : f32 to vector<16xf32>
      %select_n3A_776 = arith.select %eq3A_773, %broadcast_in_dim3A_775, %get3A_770 : vector<16xi1>, vector<16xf32>
      %ne3A_777 = arith.constant 1.000000e+00 : f32
      %ne3A_778 = vector.broadcast %ne3A_777 : f32 to vector<16xf32>
      %ne3A_779 = arith.cmpf one, %select_n3A_776, %ne3A_778 : vector<16xf32>
      %or3A_780 = arith.ori %or3A_764, %ne3A_779 : vector<16xi1>
      %get3A_781 = tpu.memref_slice %arg6[%mul3A_715] : memref<6400xi32, #tpu.memory_space<vmem>> -> memref<128xi32, #tpu.memory_space<vmem>>
      %get3A_782 = arith.constant 64 : index
      %get3A_783 = tpu.vector_load %get3A_781[%get3A_782] {strides = array<i32>} : memref<128xi32, #tpu.memory_space<vmem>>, vector<16xi32>,
      %get3A_784 = tpu.memref_slice %arg7[%mul3A_717] : memref<6400xf32, #tpu.memory_space<vmem>> -> memref<128xf32, #tpu.memory_space<vmem>>
      %get3A_785 = arith.constant 64 : index
      %get3A_786 = tpu.vector_load %get3A_784[%get3A_785] {strides = array<i32>} : memref<128xf32, #tpu.memory_space<vmem>>, vector<16xf32>,
      %eq3A_787 = arith.constant 0 : i32
      %eq3A_788 = vector.broadcast %eq3A_787 : i32 to vector<16xi32>
      %eq3A_789 = arith.cmpi eq, %get3A_783, %eq3A_788 : vector<16xi32>
      %jit3A_790 = arith.constant 0.000000e+00 : f32
      %broadcast_in_dim3A_791 = vector.broadcast %jit3A_790 : f32 to vector<16xf32>
      %select_n3A_792 = arith.select %eq3A_789, %broadcast_in_dim3A_791, %get3A_786 : vector<16xi1>, vector<16xf32>
      %ne3A_793 = arith.constant 1.000000e+00 : f32
      %ne3A_794 = vector.broadcast %ne3A_793 : f32 to vector<16xf32>
      %ne3A_795 = arith.cmpf one, %select_n3A_792, %ne3A_794 : vector<16xf32>
      %or3A_796 = arith.ori %or3A_780, %ne3A_795 : vector<16xi1>
      %get3A_797 = tpu.memref_slice %arg6[%mul3A_715] : memref<6400xi32, #tpu.memory_space<vmem>> -> memref<128xi32, #tpu.memory_space<vmem>>
      %get3A_798 = arith.constant 80 : index
      %get3A_799 = tpu.vector_load %get3A_797[%get3A_798] {strides = array<i32>} : memref<128xi32, #tpu.memory_space<vmem>>, vector<16xi32>,
      %get3A_800 = tpu.memref_slice %arg7[%mul3A_717] : memref<6400xf32, #tpu.memory_space<vmem>> -> memref<128xf32, #tpu.memory_space<vmem>>
      %get3A_801 = arith.constant 80 : index
      %get3A_802 = tpu.vector_load %get3A_800[%get3A_801] {strides = array<i32>} : memref<128xf32, #tpu.memory_space<vmem>>, vector<16xf32>,
      %eq3A_803 = arith.constant 0 : i32
      %eq3A_804 = vector.broadcast %eq3A_803 : i32 to vector<16xi32>
      %eq3A_805 = arith.cmpi eq, %get3A_799, %eq3A_804 : vector<16xi32>
      %jit3A_806 = arith.constant 0.000000e+00 : f32
      %broadcast_in_dim3A_807 = vector.broadcast %jit3A_806 : f32 to vector<16xf32>
      %select_n3A_808 = arith.select %eq3A_805, %broadcast_in_dim3A_807, %get3A_802 : vector<16xi1>, vector<16xf32>
      %ne3A_809 = arith.constant 1.000000e+00 : f32
      %ne3A_810 = vector.broadcast %ne3A_809 : f32 to vector<16xf32>
      %ne3A_811 = arith.cmpf one, %select_n3A_808, %ne3A_810 : vector<16xf32>
      %or3A_812 = arith.ori %or3A_796, %ne3A_811 : vector<16xi1>
      %get3A_813 = tpu.memref_slice %arg6[%mul3A_715] : memref<6400xi32, #tpu.memory_space<vmem>> -> memref<128xi32, #tpu.memory_space<vmem>>
      %get3A_814 = arith.constant 96 : index
      %get3A_815 = tpu.vector_load %get3A_813[%get3A_814] {strides = array<i32>} : memref<128xi32, #tpu.memory_space<vmem>>, vector<16xi32>,
      %get3A_816 = tpu.memref_slice %arg7[%mul3A_717] : memref<6400xf32, #tpu.memory_space<vmem>> -> memref<128xf32, #tpu.memory_space<vmem>>
      %get3A_817 = arith.constant 96 : index
      %get3A_818 = tpu.vector_load %get3A_816[%get3A_817] {strides = array<i32>} : memref<128xf32, #tpu.memory_space<vmem>>, vector<16xf32>,
      %eq3A_819 = arith.constant 0 : i32
      %eq3A_820 = vector.broadcast %eq3A_819 : i32 to vector<16xi32>
      %eq3A_821 = arith.cmpi eq, %get3A_815, %eq3A_820 : vector<16xi32>
      %jit3A_822 = arith.constant 0.000000e+00 : f32
      %broadcast_in_dim3A_823 = vector.broadcast %jit3A_822 : f32 to vector<16xf32>
      %select_n3A_824 = arith.select %eq3A_821, %broadcast_in_dim3A_823, %get3A_818 : vector<16xi1>, vector<16xf32>
      %ne3A_825 = arith.constant 1.000000e+00 : f32
      %ne3A_826 = vector.broadcast %ne3A_825 : f32 to vector<16xf32>
      %ne3A_827 = arith.cmpf one, %select_n3A_824, %ne3A_826 : vector<16xf32>
      %or3A_828 = arith.ori %or3A_812, %ne3A_827 : vector<16xi1>
      %get3A_829 = tpu.memref_slice %arg6[%mul3A_715] : memref<6400xi32, #tpu.memory_space<vmem>> -> memref<128xi32, #tpu.memory_space<vmem>>
      %get3A_830 = arith.constant 112 : index
      %get3A_831 = tpu.vector_load %get3A_829[%get3A_830] {strides = array<i32>} : memref<128xi32, #tpu.memory_space<vmem>>, vector<16xi32>,
      %get3A_832 = tpu.memref_slice %arg7[%mul3A_717] : memref<6400xf32, #tpu.memory_space<vmem>> -> memref<128xf32, #tpu.memory_space<vmem>>
      %get3A_833 = arith.constant 112 : index
      %get3A_834 = tpu.vector_load %get3A_832[%get3A_833] {strides = array<i32>} : memref<128xf32, #tpu.memory_space<vmem>>, vector<16xf32>,
      %eq3A_835 = arith.constant 0 : i32
      %eq3A_836 = vector.broadcast %eq3A_835 : i32 to vector<16xi32>
      %eq3A_837 = arith.cmpi eq, %get3A_831, %eq3A_836 : vector<16xi32>
      %jit3A_838 = arith.constant 0.000000e+00 : f32
      %broadcast_in_dim3A_839 = vector.broadcast %jit3A_838 : f32 to vector<16xf32>
      %select_n3A_840 = arith.select %eq3A_837, %broadcast_in_dim3A_839, %get3A_834 : vector<16xi1>, vector<16xf32>
      %ne3A_841 = arith.constant 1.000000e+00 : f32
      %ne3A_842 = vector.broadcast %ne3A_841 : f32 to vector<16xf32>
      %ne3A_843 = arith.cmpf one, %select_n3A_840, %ne3A_842 : vector<16xf32>
      %or3A_844 = arith.ori %or3A_828, %ne3A_843 : vector<16xi1>
      %all_reduce_population_count3A_845 = tpu.all_reduce %or3A_844 {dim = 0 : i64, kind = #tpu.reduction_kind<sum>} : vector<16xi1> -> vector<16xi32>
      %slice3A_846 = vector.extract_strided_slice %all_reduce_population_count3A_845 {offsets = [0], sizes = [1], strides = [1]} : vector<16xi32> to vector<1xi32>
      %squeeze3A_847 = vector.extract %slice3A_846[0] : i32 from vector<1xi32>
      %gt3A_848 = arith.constant 0 : i32
      %gt3A_849 = arith.cmpi sgt, %squeeze3A_847, %gt3A_848 : i32
      %convert_element_type3A_850 = arith.extui %gt3A_849 : i1 to i32
      %cond3A_851 = arith.constant 0 : i32
      %cond3A_852 = arith.cmpi ne, %convert_element_type3A_850, %cond3A_851 : i32
      scf.if %cond3A_852 {
        %get3A_860 = tpu.memref_slice %arg6[%mul3A_715] : memref<6400xi32, #tpu.memory_space<vmem>> -> memref<128xi32, #tpu.memory_space<vmem>>
        %get3A_861 = arith.constant 0 : index
        %get3A_862 = tpu.vector_load %get3A_860[%get3A_861] {strides = array<i32>} : memref<128xi32, #tpu.memory_space<vmem>>, vector<16xi32>,
        %get3A_863 = tpu.memref_slice %arg7[%mul3A_717] : memref<6400xf32, #tpu.memory_space<vmem>> -> memref<128xf32, #tpu.memory_space<vmem>>
        %get3A_864 = arith.constant 0 : index
        %get3A_865 = tpu.vector_load %get3A_863[%get3A_864] {strides = array<i32>} : memref<128xf32, #tpu.memory_space<vmem>>, vector<16xf32>,
        %eq3A_866 = arith.constant 0 : i32
        %eq3A_867 = vector.broadcast %eq3A_866 : i32 to vector<16xi32>
        %eq3A_868 = arith.cmpi eq, %get3A_862, %eq3A_867 : vector<16xi32>
        %jit3A_869 = arith.constant 0.000000e+00 : f32
        %broadcast_in_dim3A_870 = vector.broadcast %jit3A_869 : f32 to vector<16xf32>
        %select_n3A_871 = arith.select %eq3A_868, %broadcast_in_dim3A_870, %get3A_865 : vector<16xi1>, vector<16xf32>
        %ne3A_872 = arith.constant 1.000000e+00 : f32
        %ne3A_873 = vector.broadcast %ne3A_872 : f32 to vector<16xf32>
        %ne3A_874 = arith.cmpf one, %select_n3A_871, %ne3A_873 : vector<16xf32>
        %all_reduce_population_count3A_875 = tpu.all_reduce %ne3A_874 {dim = 0 : i64, kind = #tpu.reduction_kind<sum>} : vector<16xi1> -> vector<16xi32>
        %slice3A_876 = vector.extract_strided_slice %all_reduce_population_count3A_875 {offsets = [0], sizes = [1], strides = [1]} : vector<16xi32> to vector<1xi32>
        %squeeze3A_877 = vector.extract %slice3A_876[0] : i32 from vector<1xi32>
        %gt3A_878 = arith.constant 0 : i32
        %gt3A_879 = arith.cmpi sgt, %squeeze3A_877, %gt3A_878 : i32
        %convert_element_type3A_880 = arith.extui %gt3A_879 : i1 to i32
        %cond3A_881 = arith.constant 0 : i32
        %cond3A_882 = arith.cmpi ne, %convert_element_type3A_880, %cond3A_881 : i32
        scf.if %cond3A_882 {
          %iota3A = tpu.iota {dimensions = array<i32: 0>} : vector<16xi32>
          %add3A_1044 = arith.constant 0 : i32
          %add3A_1045 = vector.broadcast %add3A_1044 : i32 to vector<16xi32>
          %add3A_1046 = arith.addi %add3A_1045, %iota3A : vector<16xi32>
          %scan3A_1047 = arith.constant 0 : i32
          %scan3A_1048 = arith.constant 0 : i32
          %scan3A_1049 = arith.constant 128 : i32
          %scan3A_1050 = arith.addi %scan3A_1048, %scan3A_1049 : i32
          %scan3A_1051 = arith.constant 1 : i32
          scf.for %scan3A_1053 = %scan3A_1048 to %scan3A_1050 step %scan3A_1051  : i32 {
            %broadcast_in_dim3A_1054 = vector.broadcast %scan3A_1053 : i32 to vector<16xi32>
            %gather3A = tpu.vector_load_idx %arg12[%add3A_1046, %broadcast_in_dim3A_1054] : memref<128x128xf32, #tpu.memory_space<vmem>>[vector<16xi32>, vector<16xi32>], vector<16xf32>,
            %mul3A_1055 = arith.mulf %gather3A, %select_n3A_871 : vector<16xf32>
            tpu.vector_store_idx %arg12[%add3A_1046, %broadcast_in_dim3A_1054], %mul3A_1055 masked %ne3A_874 : memref<128x128xf32, #tpu.memory_space<vmem>>[vector<16xi32>, vector<16xi32>], vector<16xf32>, vector<16xi1>
          }
          %scan3A_1052 = arith.constant 128 : i32
        } else {
        }
        %get3A_883 = tpu.memref_slice %arg6[%mul3A_715] : memref<6400xi32, #tpu.memory_space<vmem>> -> memref<128xi32, #tpu.memory_space<vmem>>
        %get3A_884 = arith.constant 16 : index
        %get3A_885 = tpu.vector_load %get3A_883[%get3A_884] {strides = array<i32>} : memref<128xi32, #tpu.memory_space<vmem>>, vector<16xi32>,
        %get3A_886 = tpu.memref_slice %arg7[%mul3A_717] : memref<6400xf32, #tpu.memory_space<vmem>> -> memref<128xf32, #tpu.memory_space<vmem>>
        %get3A_887 = arith.constant 16 : index
        %get3A_888 = tpu.vector_load %get3A_886[%get3A_887] {strides = array<i32>} : memref<128xf32, #tpu.memory_space<vmem>>, vector<16xf32>,
        %eq3A_889 = arith.constant 0 : i32
        %eq3A_890 = vector.broadcast %eq3A_889 : i32 to vector<16xi32>
        %eq3A_891 = arith.cmpi eq, %get3A_885, %eq3A_890 : vector<16xi32>
        %jit3A_892 = arith.constant 0.000000e+00 : f32
        %broadcast_in_dim3A_893 = vector.broadcast %jit3A_892 : f32 to vector<16xf32>
        %select_n3A_894 = arith.select %eq3A_891, %broadcast_in_dim3A_893, %get3A_888 : vector<16xi1>, vector<16xf32>
        %ne3A_895 = arith.constant 1.000000e+00 : f32
        %ne3A_896 = vector.broadcast %ne3A_895 : f32 to vector<16xf32>
        %ne3A_897 = arith.cmpf one, %select_n3A_894, %ne3A_896 : vector<16xf32>
        %all_reduce_population_count3A_898 = tpu.all_reduce %ne3A_897 {dim = 0 : i64, kind = #tpu.reduction_kind<sum>} : vector<16xi1> -> vector<16xi32>
        %slice3A_899 = vector.extract_strided_slice %all_reduce_population_count3A_898 {offsets = [0], sizes = [1], strides = [1]} : vector<16xi32> to vector<1xi32>
        %squeeze3A_900 = vector.extract %slice3A_899[0] : i32 from vector<1xi32>
        %gt3A_901 = arith.constant 0 : i32
        %gt3A_902 = arith.cmpi sgt, %squeeze3A_900, %gt3A_901 : i32
        %convert_element_type3A_903 = arith.extui %gt3A_902 : i1 to i32
        %cond3A_904 = arith.constant 0 : i32
        %cond3A_905 = arith.cmpi ne, %convert_element_type3A_903, %cond3A_904 : i32
        scf.if %cond3A_905 {
          %iota3A = tpu.iota {dimensions = array<i32: 0>} : vector<16xi32>
          %add3A_1044 = arith.constant 16 : i32
          %add3A_1045 = vector.broadcast %add3A_1044 : i32 to vector<16xi32>
          %add3A_1046 = arith.addi %add3A_1045, %iota3A : vector<16xi32>
          %scan3A_1047 = arith.constant 0 : i32
          %scan3A_1048 = arith.constant 0 : i32
          %scan3A_1049 = arith.constant 128 : i32
          %scan3A_1050 = arith.addi %scan3A_1048, %scan3A_1049 : i32
          %scan3A_1051 = arith.constant 1 : i32
          scf.for %scan3A_1053 = %scan3A_1048 to %scan3A_1050 step %scan3A_1051  : i32 {
            %broadcast_in_dim3A_1054 = vector.broadcast %scan3A_1053 : i32 to vector<16xi32>
            %gather3A = tpu.vector_load_idx %arg12[%add3A_1046, %broadcast_in_dim3A_1054] : memref<128x128xf32, #tpu.memory_space<vmem>>[vector<16xi32>, vector<16xi32>], vector<16xf32>,
            %mul3A_1055 = arith.mulf %gather3A, %select_n3A_894 : vector<16xf32>
            tpu.vector_store_idx %arg12[%add3A_1046, %broadcast_in_dim3A_1054], %mul3A_1055 masked %ne3A_897 : memref<128x128xf32, #tpu.memory_space<vmem>>[vector<16xi32>, vector<16xi32>], vector<16xf32>, vector<16xi1>
          }
          %scan3A_1052 = arith.constant 128 : i32
        } else {
        }
        %get3A_906 = tpu.memref_slice %arg6[%mul3A_715] : memref<6400xi32, #tpu.memory_space<vmem>> -> memref<128xi32, #tpu.memory_space<vmem>>
        %get3A_907 = arith.constant 32 : index
        %get3A_908 = tpu.vector_load %get3A_906[%get3A_907] {strides = array<i32>} : memref<128xi32, #tpu.memory_space<vmem>>, vector<16xi32>,
        %get3A_909 = tpu.memref_slice %arg7[%mul3A_717] : memref<6400xf32, #tpu.memory_space<vmem>> -> memref<128xf32, #tpu.memory_space<vmem>>
        %get3A_910 = arith.constant 32 : index
        %get3A_911 = tpu.vector_load %get3A_909[%get3A_910] {strides = array<i32>} : memref<128xf32, #tpu.memory_space<vmem>>, vector<16xf32>,
        %eq3A_912 = arith.constant 0 : i32
        %eq3A_913 = vector.broadcast %eq3A_912 : i32 to vector<16xi32>
        %eq3A_914 = arith.cmpi eq, %get3A_908, %eq3A_913 : vector<16xi32>
        %jit3A_915 = arith.constant 0.000000e+00 : f32
        %broadcast_in_dim3A_916 = vector.broadcast %jit3A_915 : f32 to vector<16xf32>
        %select_n3A_917 = arith.select %eq3A_914, %broadcast_in_dim3A_916, %get3A_911 : vector<16xi1>, vector<16xf32>
        %ne3A_918 = arith.constant 1.000000e+00 : f32
        %ne3A_919 = vector.broadcast %ne3A_918 : f32 to vector<16xf32>
        %ne3A_920 = arith.cmpf one, %select_n3A_917, %ne3A_919 : vector<16xf32>
        %all_reduce_population_count3A_921 = tpu.all_reduce %ne3A_920 {dim = 0 : i64, kind = #tpu.reduction_kind<sum>} : vector<16xi1> -> vector<16xi32>
        %slice3A_922 = vector.extract_strided_slice %all_reduce_population_count3A_921 {offsets = [0], sizes = [1], strides = [1]} : vector<16xi32> to vector<1xi32>
        %squeeze3A_923 = vector.extract %slice3A_922[0] : i32 from vector<1xi32>
        %gt3A_924 = arith.constant 0 : i32
        %gt3A_925 = arith.cmpi sgt, %squeeze3A_923, %gt3A_924 : i32
        %convert_element_type3A_926 = arith.extui %gt3A_925 : i1 to i32
        %cond3A_927 = arith.constant 0 : i32
        %cond3A_928 = arith.cmpi ne, %convert_element_type3A_926, %cond3A_927 : i32
        scf.if %cond3A_928 {
          %iota3A = tpu.iota {dimensions = array<i32: 0>} : vector<16xi32>
          %add3A_1044 = arith.constant 32 : i32
          %add3A_1045 = vector.broadcast %add3A_1044 : i32 to vector<16xi32>
          %add3A_1046 = arith.addi %add3A_1045, %iota3A : vector<16xi32>
          %scan3A_1047 = arith.constant 0 : i32
          %scan3A_1048 = arith.constant 0 : i32
          %scan3A_1049 = arith.constant 128 : i32
          %scan3A_1050 = arith.addi %scan3A_1048, %scan3A_1049 : i32
          %scan3A_1051 = arith.constant 1 : i32
          scf.for %scan3A_1053 = %scan3A_1048 to %scan3A_1050 step %scan3A_1051  : i32 {
            %broadcast_in_dim3A_1054 = vector.broadcast %scan3A_1053 : i32 to vector<16xi32>
            %gather3A = tpu.vector_load_idx %arg12[%add3A_1046, %broadcast_in_dim3A_1054] : memref<128x128xf32, #tpu.memory_space<vmem>>[vector<16xi32>, vector<16xi32>], vector<16xf32>,
            %mul3A_1055 = arith.mulf %gather3A, %select_n3A_917 : vector<16xf32>
            tpu.vector_store_idx %arg12[%add3A_1046, %broadcast_in_dim3A_1054], %mul3A_1055 masked %ne3A_920 : memref<128x128xf32, #tpu.memory_space<vmem>>[vector<16xi32>, vector<16xi32>], vector<16xf32>, vector<16xi1>
          }
          %scan3A_1052 = arith.constant 128 : i32
        } else {
        }
        %get3A_929 = tpu.memref_slice %arg6[%mul3A_715] : memref<6400xi32, #tpu.memory_space<vmem>> -> memref<128xi32, #tpu.memory_space<vmem>>
        %get3A_930 = arith.constant 48 : index
        %get3A_931 = tpu.vector_load %get3A_929[%get3A_930] {strides = array<i32>} : memref<128xi32, #tpu.memory_space<vmem>>, vector<16xi32>,
        %get3A_932 = tpu.memref_slice %arg7[%mul3A_717] : memref<6400xf32, #tpu.memory_space<vmem>> -> memref<128xf32, #tpu.memory_space<vmem>>
        %get3A_933 = arith.constant 48 : index
        %get3A_934 = tpu.vector_load %get3A_932[%get3A_933] {strides = array<i32>} : memref<128xf32, #tpu.memory_space<vmem>>, vector<16xf32>,
        %eq3A_935 = arith.constant 0 : i32
        %eq3A_936 = vector.broadcast %eq3A_935 : i32 to vector<16xi32>
        %eq3A_937 = arith.cmpi eq, %get3A_931, %eq3A_936 : vector<16xi32>
        %jit3A_938 = arith.constant 0.000000e+00 : f32
        %broadcast_in_dim3A_939 = vector.broadcast %jit3A_938 : f32 to vector<16xf32>
        %select_n3A_940 = arith.select %eq3A_937, %broadcast_in_dim3A_939, %get3A_934 : vector<16xi1>, vector<16xf32>
        %ne3A_941 = arith.constant 1.000000e+00 : f32
        %ne3A_942 = vector.broadcast %ne3A_941 : f32 to vector<16xf32>
        %ne3A_943 = arith.cmpf one, %select_n3A_940, %ne3A_942 : vector<16xf32>
        %all_reduce_population_count3A_944 = tpu.all_reduce %ne3A_943 {dim = 0 : i64, kind = #tpu.reduction_kind<sum>} : vector<16xi1> -> vector<16xi32>
        %slice3A_945 = vector.extract_strided_slice %all_reduce_population_count3A_944 {offsets = [0], sizes = [1], strides = [1]} : vector<16xi32> to vector<1xi32>
        %squeeze3A_946 = vector.extract %slice3A_945[0] : i32 from vector<1xi32>
        %gt3A_947 = arith.constant 0 : i32
        %gt3A_948 = arith.cmpi sgt, %squeeze3A_946, %gt3A_947 : i32
        %convert_element_type3A_949 = arith.extui %gt3A_948 : i1 to i32
        %cond3A_950 = arith.constant 0 : i32
        %cond3A_951 = arith.cmpi ne, %convert_element_type3A_949, %cond3A_950 : i32
        scf.if %cond3A_951 {
          %iota3A = tpu.iota {dimensions = array<i32: 0>} : vector<16xi32>
          %add3A_1044 = arith.constant 48 : i32
          %add3A_1045 = vector.broadcast %add3A_1044 : i32 to vector<16xi32>
          %add3A_1046 = arith.addi %add3A_1045, %iota3A : vector<16xi32>
          %scan3A_1047 = arith.constant 0 : i32
          %scan3A_1048 = arith.constant 0 : i32
          %scan3A_1049 = arith.constant 128 : i32
          %scan3A_1050 = arith.addi %scan3A_1048, %scan3A_1049 : i32
          %scan3A_1051 = arith.constant 1 : i32
          scf.for %scan3A_1053 = %scan3A_1048 to %scan3A_1050 step %scan3A_1051  : i32 {
            %broadcast_in_dim3A_1054 = vector.broadcast %scan3A_1053 : i32 to vector<16xi32>
            %gather3A = tpu.vector_load_idx %arg12[%add3A_1046, %broadcast_in_dim3A_1054] : memref<128x128xf32, #tpu.memory_space<vmem>>[vector<16xi32>, vector<16xi32>], vector<16xf32>,
            %mul3A_1055 = arith.mulf %gather3A, %select_n3A_940 : vector<16xf32>
            tpu.vector_store_idx %arg12[%add3A_1046, %broadcast_in_dim3A_1054], %mul3A_1055 masked %ne3A_943 : memref<128x128xf32, #tpu.memory_space<vmem>>[vector<16xi32>, vector<16xi32>], vector<16xf32>, vector<16xi1>
          }
          %scan3A_1052 = arith.constant 128 : i32
        } else {
        }
        %get3A_952 = tpu.memref_slice %arg6[%mul3A_715] : memref<6400xi32, #tpu.memory_space<vmem>> -> memref<128xi32, #tpu.memory_space<vmem>>
        %get3A_953 = arith.constant 64 : index
        %get3A_954 = tpu.vector_load %get3A_952[%get3A_953] {strides = array<i32>} : memref<128xi32, #tpu.memory_space<vmem>>, vector<16xi32>,
        %get3A_955 = tpu.memref_slice %arg7[%mul3A_717] : memref<6400xf32, #tpu.memory_space<vmem>> -> memref<128xf32, #tpu.memory_space<vmem>>
        %get3A_956 = arith.constant 64 : index
        %get3A_957 = tpu.vector_load %get3A_955[%get3A_956] {strides = array<i32>} : memref<128xf32, #tpu.memory_space<vmem>>, vector<16xf32>,
        %eq3A_958 = arith.constant 0 : i32
        %eq3A_959 = vector.broadcast %eq3A_958 : i32 to vector<16xi32>
        %eq3A_960 = arith.cmpi eq, %get3A_954, %eq3A_959 : vector<16xi32>
        %jit3A_961 = arith.constant 0.000000e+00 : f32
        %broadcast_in_dim3A_962 = vector.broadcast %jit3A_961 : f32 to vector<16xf32>
        %select_n3A_963 = arith.select %eq3A_960, %broadcast_in_dim3A_962, %get3A_957 : vector<16xi1>, vector<16xf32>
        %ne3A_964 = arith.constant 1.000000e+00 : f32
        %ne3A_965 = vector.broadcast %ne3A_964 : f32 to vector<16xf32>
        %ne3A_966 = arith.cmpf one, %select_n3A_963, %ne3A_965 : vector<16xf32>
        %all_reduce_population_count3A_967 = tpu.all_reduce %ne3A_966 {dim = 0 : i64, kind = #tpu.reduction_kind<sum>} : vector<16xi1> -> vector<16xi32>
        %slice3A_968 = vector.extract_strided_slice %all_reduce_population_count3A_967 {offsets = [0], sizes = [1], strides = [1]} : vector<16xi32> to vector<1xi32>
        %squeeze3A_969 = vector.extract %slice3A_968[0] : i32 from vector<1xi32>
        %gt3A_970 = arith.constant 0 : i32
        %gt3A_971 = arith.cmpi sgt, %squeeze3A_969, %gt3A_970 : i32
        %convert_element_type3A_972 = arith.extui %gt3A_971 : i1 to i32
        %cond3A_973 = arith.constant 0 : i32
        %cond3A_974 = arith.cmpi ne, %convert_element_type3A_972, %cond3A_973 : i32
        scf.if %cond3A_974 {
          %iota3A = tpu.iota {dimensions = array<i32: 0>} : vector<16xi32>
          %add3A_1044 = arith.constant 64 : i32
          %add3A_1045 = vector.broadcast %add3A_1044 : i32 to vector<16xi32>
          %add3A_1046 = arith.addi %add3A_1045, %iota3A : vector<16xi32>
          %scan3A_1047 = arith.constant 0 : i32
          %scan3A_1048 = arith.constant 0 : i32
          %scan3A_1049 = arith.constant 128 : i32
          %scan3A_1050 = arith.addi %scan3A_1048, %scan3A_1049 : i32
          %scan3A_1051 = arith.constant 1 : i32
          scf.for %scan3A_1053 = %scan3A_1048 to %scan3A_1050 step %scan3A_1051  : i32 {
            %broadcast_in_dim3A_1054 = vector.broadcast %scan3A_1053 : i32 to vector<16xi32>
            %gather3A = tpu.vector_load_idx %arg12[%add3A_1046, %broadcast_in_dim3A_1054] : memref<128x128xf32, #tpu.memory_space<vmem>>[vector<16xi32>, vector<16xi32>], vector<16xf32>,
            %mul3A_1055 = arith.mulf %gather3A, %select_n3A_963 : vector<16xf32>
            tpu.vector_store_idx %arg12[%add3A_1046, %broadcast_in_dim3A_1054], %mul3A_1055 masked %ne3A_966 : memref<128x128xf32, #tpu.memory_space<vmem>>[vector<16xi32>, vector<16xi32>], vector<16xf32>, vector<16xi1>
          }
          %scan3A_1052 = arith.constant 128 : i32
        } else {
        }
        %get3A_975 = tpu.memref_slice %arg6[%mul3A_715] : memref<6400xi32, #tpu.memory_space<vmem>> -> memref<128xi32, #tpu.memory_space<vmem>>
        %get3A_976 = arith.constant 80 : index
        %get3A_977 = tpu.vector_load %get3A_975[%get3A_976] {strides = array<i32>} : memref<128xi32, #tpu.memory_space<vmem>>, vector<16xi32>,
        %get3A_978 = tpu.memref_slice %arg7[%mul3A_717] : memref<6400xf32, #tpu.memory_space<vmem>> -> memref<128xf32, #tpu.memory_space<vmem>>
        %get3A_979 = arith.constant 80 : index
        %get3A_980 = tpu.vector_load %get3A_978[%get3A_979] {strides = array<i32>} : memref<128xf32, #tpu.memory_space<vmem>>, vector<16xf32>,
        %eq3A_981 = arith.constant 0 : i32
        %eq3A_982 = vector.broadcast %eq3A_981 : i32 to vector<16xi32>
        %eq3A_983 = arith.cmpi eq, %get3A_977, %eq3A_982 : vector<16xi32>
        %jit3A_984 = arith.constant 0.000000e+00 : f32
        %broadcast_in_dim3A_985 = vector.broadcast %jit3A_984 : f32 to vector<16xf32>
        %select_n3A_986 = arith.select %eq3A_983, %broadcast_in_dim3A_985, %get3A_980 : vector<16xi1>, vector<16xf32>
        %ne3A_987 = arith.constant 1.000000e+00 : f32
        %ne3A_988 = vector.broadcast %ne3A_987 : f32 to vector<16xf32>
        %ne3A_989 = arith.cmpf one, %select_n3A_986, %ne3A_988 : vector<16xf32>
        %all_reduce_population_count3A_990 = tpu.all_reduce %ne3A_989 {dim = 0 : i64, kind = #tpu.reduction_kind<sum>} : vector<16xi1> -> vector<16xi32>
        %slice3A_991 = vector.extract_strided_slice %all_reduce_population_count3A_990 {offsets = [0], sizes = [1], strides = [1]} : vector<16xi32> to vector<1xi32>
        %squeeze3A_992 = vector.extract %slice3A_991[0] : i32 from vector<1xi32>
        %gt3A_993 = arith.constant 0 : i32
        %gt3A_994 = arith.cmpi sgt, %squeeze3A_992, %gt3A_993 : i32
        %convert_element_type3A_995 = arith.extui %gt3A_994 : i1 to i32
        %cond3A_996 = arith.constant 0 : i32
        %cond3A_997 = arith.cmpi ne, %convert_element_type3A_995, %cond3A_996 : i32
        scf.if %cond3A_997 {
          %iota3A = tpu.iota {dimensions = array<i32: 0>} : vector<16xi32>
          %add3A_1044 = arith.constant 80 : i32
          %add3A_1045 = vector.broadcast %add3A_1044 : i32 to vector<16xi32>
          %add3A_1046 = arith.addi %add3A_1045, %iota3A : vector<16xi32>
          %scan3A_1047 = arith.constant 0 : i32
          %scan3A_1048 = arith.constant 0 : i32
          %scan3A_1049 = arith.constant 128 : i32
          %scan3A_1050 = arith.addi %scan3A_1048, %scan3A_1049 : i32
          %scan3A_1051 = arith.constant 1 : i32
          scf.for %scan3A_1053 = %scan3A_1048 to %scan3A_1050 step %scan3A_1051  : i32 {
            %broadcast_in_dim3A_1054 = vector.broadcast %scan3A_1053 : i32 to vector<16xi32>
            %gather3A = tpu.vector_load_idx %arg12[%add3A_1046, %broadcast_in_dim3A_1054] : memref<128x128xf32, #tpu.memory_space<vmem>>[vector<16xi32>, vector<16xi32>], vector<16xf32>,
            %mul3A_1055 = arith.mulf %gather3A, %select_n3A_986 : vector<16xf32>
            tpu.vector_store_idx %arg12[%add3A_1046, %broadcast_in_dim3A_1054], %mul3A_1055 masked %ne3A_989 : memref<128x128xf32, #tpu.memory_space<vmem>>[vector<16xi32>, vector<16xi32>], vector<16xf32>, vector<16xi1>
          }
          %scan3A_1052 = arith.constant 128 : i32
        } else {
        }
        %get3A_998 = tpu.memref_slice %arg6[%mul3A_715] : memref<6400xi32, #tpu.memory_space<vmem>> -> memref<128xi32, #tpu.memory_space<vmem>>
        %get3A_999 = arith.constant 96 : index
        %get3A_1000 = tpu.vector_load %get3A_998[%get3A_999] {strides = array<i32>} : memref<128xi32, #tpu.memory_space<vmem>>, vector<16xi32>,
        %get3A_1001 = tpu.memref_slice %arg7[%mul3A_717] : memref<6400xf32, #tpu.memory_space<vmem>> -> memref<128xf32, #tpu.memory_space<vmem>>
        %get3A_1002 = arith.constant 96 : index
        %get3A_1003 = tpu.vector_load %get3A_1001[%get3A_1002] {strides = array<i32>} : memref<128xf32, #tpu.memory_space<vmem>>, vector<16xf32>,
        %eq3A_1004 = arith.constant 0 : i32
        %eq3A_1005 = vector.broadcast %eq3A_1004 : i32 to vector<16xi32>
        %eq3A_1006 = arith.cmpi eq, %get3A_1000, %eq3A_1005 : vector<16xi32>
        %jit3A_1007 = arith.constant 0.000000e+00 : f32
        %broadcast_in_dim3A_1008 = vector.broadcast %jit3A_1007 : f32 to vector<16xf32>
        %select_n3A_1009 = arith.select %eq3A_1006, %broadcast_in_dim3A_1008, %get3A_1003 : vector<16xi1>, vector<16xf32>
        %ne3A_1010 = arith.constant 1.000000e+00 : f32
        %ne3A_1011 = vector.broadcast %ne3A_1010 : f32 to vector<16xf32>
        %ne3A_1012 = arith.cmpf one, %select_n3A_1009, %ne3A_1011 : vector<16xf32>
        %all_reduce_population_count3A_1013 = tpu.all_reduce %ne3A_1012 {dim = 0 : i64, kind = #tpu.reduction_kind<sum>} : vector<16xi1> -> vector<16xi32>
        %slice3A_1014 = vector.extract_strided_slice %all_reduce_population_count3A_1013 {offsets = [0], sizes = [1], strides = [1]} : vector<16xi32> to vector<1xi32>
        %squeeze3A_1015 = vector.extract %slice3A_1014[0] : i32 from vector<1xi32>
        %gt3A_1016 = arith.constant 0 : i32
        %gt3A_1017 = arith.cmpi sgt, %squeeze3A_1015, %gt3A_1016 : i32
        %convert_element_type3A_1018 = arith.extui %gt3A_1017 : i1 to i32
        %cond3A_1019 = arith.constant 0 : i32
        %cond3A_1020 = arith.cmpi ne, %convert_element_type3A_1018, %cond3A_1019 : i32
        scf.if %cond3A_1020 {
          %iota3A = tpu.iota {dimensions = array<i32: 0>} : vector<16xi32>
          %add3A_1044 = arith.constant 96 : i32
          %add3A_1045 = vector.broadcast %add3A_1044 : i32 to vector<16xi32>
          %add3A_1046 = arith.addi %add3A_1045, %iota3A : vector<16xi32>
          %scan3A_1047 = arith.constant 0 : i32
          %scan3A_1048 = arith.constant 0 : i32
          %scan3A_1049 = arith.constant 128 : i32
          %scan3A_1050 = arith.addi %scan3A_1048, %scan3A_1049 : i32
          %scan3A_1051 = arith.constant 1 : i32
          scf.for %scan3A_1053 = %scan3A_1048 to %scan3A_1050 step %scan3A_1051  : i32 {
            %broadcast_in_dim3A_1054 = vector.broadcast %scan3A_1053 : i32 to vector<16xi32>
            %gather3A = tpu.vector_load_idx %arg12[%add3A_1046, %broadcast_in_dim3A_1054] : memref<128x128xf32, #tpu.memory_space<vmem>>[vector<16xi32>, vector<16xi32>], vector<16xf32>,
            %mul3A_1055 = arith.mulf %gather3A, %select_n3A_1009 : vector<16xf32>
            tpu.vector_store_idx %arg12[%add3A_1046, %broadcast_in_dim3A_1054], %mul3A_1055 masked %ne3A_1012 : memref<128x128xf32, #tpu.memory_space<vmem>>[vector<16xi32>, vector<16xi32>], vector<16xf32>, vector<16xi1>
          }
          %scan3A_1052 = arith.constant 128 : i32
        } else {
        }
        %get3A_1021 = tpu.memref_slice %arg6[%mul3A_715] : memref<6400xi32, #tpu.memory_space<vmem>> -> memref<128xi32, #tpu.memory_space<vmem>>
        %get3A_1022 = arith.constant 112 : index
        %get3A_1023 = tpu.vector_load %get3A_1021[%get3A_1022] {strides = array<i32>} : memref<128xi32, #tpu.memory_space<vmem>>, vector<16xi32>,
        %get3A_1024 = tpu.memref_slice %arg7[%mul3A_717] : memref<6400xf32, #tpu.memory_space<vmem>> -> memref<128xf32, #tpu.memory_space<vmem>>
        %get3A_1025 = arith.constant 112 : index
        %get3A_1026 = tpu.vector_load %get3A_1024[%get3A_1025] {strides = array<i32>} : memref<128xf32, #tpu.memory_space<vmem>>, vector<16xf32>,
        %eq3A_1027 = arith.constant 0 : i32
        %eq3A_1028 = vector.broadcast %eq3A_1027 : i32 to vector<16xi32>
        %eq3A_1029 = arith.cmpi eq, %get3A_1023, %eq3A_1028 : vector<16xi32>
        %jit3A_1030 = arith.constant 0.000000e+00 : f32
        %broadcast_in_dim3A_1031 = vector.broadcast %jit3A_1030 : f32 to vector<16xf32>
        %select_n3A_1032 = arith.select %eq3A_1029, %broadcast_in_dim3A_1031, %get3A_1026 : vector<16xi1>, vector<16xf32>
        %ne3A_1033 = arith.constant 1.000000e+00 : f32
        %ne3A_1034 = vector.broadcast %ne3A_1033 : f32 to vector<16xf32>
        %ne3A_1035 = arith.cmpf one, %select_n3A_1032, %ne3A_1034 : vector<16xf32>
        %all_reduce_population_count3A_1036 = tpu.all_reduce %ne3A_1035 {dim = 0 : i64, kind = #tpu.reduction_kind<sum>} : vector<16xi1> -> vector<16xi32>
        %slice3A_1037 = vector.extract_strided_slice %all_reduce_population_count3A_1036 {offsets = [0], sizes = [1], strides = [1]} : vector<16xi32> to vector<1xi32>
        %squeeze3A_1038 = vector.extract %slice3A_1037[0] : i32 from vector<1xi32>
        %gt3A_1039 = arith.constant 0 : i32
        %gt3A_1040 = arith.cmpi sgt, %squeeze3A_1038, %gt3A_1039 : i32
        %convert_element_type3A_1041 = arith.extui %gt3A_1040 : i1 to i32
        %cond3A_1042 = arith.constant 0 : i32
        %cond3A_1043 = arith.cmpi ne, %convert_element_type3A_1041, %cond3A_1042 : i32
        scf.if %cond3A_1043 {
          %iota3A = tpu.iota {dimensions = array<i32: 0>} : vector<16xi32>
          %add3A_1044 = arith.constant 112 : i32
          %add3A_1045 = vector.broadcast %add3A_1044 : i32 to vector<16xi32>
          %add3A_1046 = arith.addi %add3A_1045, %iota3A : vector<16xi32>
          %scan3A_1047 = arith.constant 0 : i32
          %scan3A_1048 = arith.constant 0 : i32
          %scan3A_1049 = arith.constant 128 : i32
          %scan3A_1050 = arith.addi %scan3A_1048, %scan3A_1049 : i32
          %scan3A_1051 = arith.constant 1 : i32
          scf.for %scan3A_1053 = %scan3A_1048 to %scan3A_1050 step %scan3A_1051  : i32 {
            %broadcast_in_dim3A_1054 = vector.broadcast %scan3A_1053 : i32 to vector<16xi32>
            %gather3A = tpu.vector_load_idx %arg12[%add3A_1046, %broadcast_in_dim3A_1054] : memref<128x128xf32, #tpu.memory_space<vmem>>[vector<16xi32>, vector<16xi32>], vector<16xf32>,
            %mul3A_1055 = arith.mulf %gather3A, %select_n3A_1032 : vector<16xf32>
            tpu.vector_store_idx %arg12[%add3A_1046, %broadcast_in_dim3A_1054], %mul3A_1055 masked %ne3A_1035 : memref<128x128xf32, #tpu.memory_space<vmem>>[vector<16xi32>, vector<16xi32>], vector<16xf32>, vector<16xi1>
          }
          %scan3A_1052 = arith.constant 128 : i32
        } else {
        }
      } else {
      }
      %mul3A_853 = arith.constant 128 : i32
      %mul3A_854 = arith.muli %add3A_698, %mul3A_853 : i32
      %add3A_855 = arith.addi %mul3A_2, %mul3A_854 : i32
      %dma_start3A_856 = arith.constant 0 : i32
      %dma_start3A_857 = tpu.memref_slice %arg5[%add3A_855, %dma_start3A_856] : memref<204800x128xf32, #tpu.memory_space<hbm>> -> memref<128x128xf32, #tpu.memory_space<hbm>>
      %dma_start3A_858 = arith.constant 0 : i32
      %dma_start3A_859 = tpu.memref_slice %arg5[%add3A_855, %dma_start3A_858] : memref<204800x128xf32, #tpu.memory_space<hbm>> -> memref<128x128xf32, #tpu.memory_space<hbm>>
      tpu.enqueue_dma source(%arg12 : memref<128x128xf32, #tpu.memory_space<vmem>>) target(%dma_start3A_859 : memref<128x128xf32, #tpu.memory_space<hbm>>) target_semaphore(%arg22 : memref<!tpu.dma_semaphore, #tpu.memory_space<semaphore_mem>>)
    }
    %scan3A_25 = arith.constant 10 : i32
    %add3A_26 = arith.constant 5760 : i32
    %add3A_27 = arith.addi %mul3A_2, %add3A_26 : i32
    %dma_wait3A = arith.constant 0 : i32
    %dma_wait3A_28 = tpu.memref_slice %arg5[%add3A_27, %dma_wait3A] : memref<204800x128xf32, #tpu.memory_space<hbm>> -> memref<128x128xf32, #tpu.memory_space<hbm>>
    %dma_wait3A_29 = arith.constant 0 : i32
    %dma_wait3A_30 = tpu.memref_slice %arg5[%add3A_27, %dma_wait3A_29] : memref<204800x128xf32, #tpu.memory_space<hbm>> -> memref<128x128xf32, #tpu.memory_space<hbm>>
    tpu.wait_dma2 semaphore(%arg18 : memref<!tpu.dma_semaphore, #tpu.memory_space<semaphore_mem>>) src(%arg8 : memref<128x128xf32, #tpu.memory_space<vmem>>) dst(%dma_wait3A_30 : memref<128x128xf32, #tpu.memory_space<hbm>>)
    %add3A_31 = arith.constant 5888 : i32
    %add3A_32 = arith.addi %mul3A_2, %add3A_31 : i32
    %dma_wait3A_33 = arith.constant 0 : i32
    %dma_wait3A_34 = tpu.memref_slice %arg5[%add3A_32, %dma_wait3A_33] : memref<204800x128xf32, #tpu.memory_space<hbm>> -> memref<128x128xf32, #tpu.memory_space<hbm>>
    %dma_wait3A_35 = arith.constant 0 : i32
    %dma_wait3A_36 = tpu.memref_slice %arg5[%add3A_32, %dma_wait3A_35] : memref<204800x128xf32, #tpu.memory_space<hbm>> -> memref<128x128xf32, #tpu.memory_space<hbm>>
    tpu.wait_dma2 semaphore(%arg19 : memref<!tpu.dma_semaphore, #tpu.memory_space<semaphore_mem>>) src(%arg9 : memref<128x128xf32, #tpu.memory_space<vmem>>) dst(%dma_wait3A_36 : memref<128x128xf32, #tpu.memory_space<hbm>>)
    %add3A_37 = arith.constant 6016 : i32
    %add3A_38 = arith.addi %mul3A_2, %add3A_37 : i32
    %dma_wait3A_39 = arith.constant 0 : i32
    %dma_wait3A_40 = tpu.memref_slice %arg5[%add3A_38, %dma_wait3A_39] : memref<204800x128xf32, #tpu.memory_space<hbm>> -> memref<128x128xf32, #tpu.memory_space<hbm>>
    %dma_wait3A_41 = arith.constant 0 : i32
    %dma_wait3A_42 = tpu.memref_slice %arg5[%add3A_38, %dma_wait3A_41] : memref<204800x128xf32, #tpu.memory_space<hbm>> -> memref<128x128xf32, #tpu.memory_space<hbm>>
    tpu.wait_dma2 semaphore(%arg20 : memref<!tpu.dma_semaphore, #tpu.memory_space<semaphore_mem>>) src(%arg10 : memref<128x128xf32, #tpu.memory_space<vmem>>) dst(%dma_wait3A_42 : memref<128x128xf32, #tpu.memory_space<hbm>>)
    %add3A_43 = arith.constant 6144 : i32
    %add3A_44 = arith.addi %mul3A_2, %add3A_43 : i32
    %dma_wait3A_45 = arith.constant 0 : i32
    %dma_wait3A_46 = tpu.memref_slice %arg5[%add3A_44, %dma_wait3A_45] : memref<204800x128xf32, #tpu.memory_space<hbm>> -> memref<128x128xf32, #tpu.memory_space<hbm>>
    %dma_wait3A_47 = arith.constant 0 : i32
    %dma_wait3A_48 = tpu.memref_slice %arg5[%add3A_44, %dma_wait3A_47] : memref<204800x128xf32, #tpu.memory_space<hbm>> -> memref<128x128xf32, #tpu.memory_space<hbm>>
    tpu.wait_dma2 semaphore(%arg21 : memref<!tpu.dma_semaphore, #tpu.memory_space<semaphore_mem>>) src(%arg11 : memref<128x128xf32, #tpu.memory_space<vmem>>) dst(%dma_wait3A_48 : memref<128x128xf32, #tpu.memory_space<hbm>>)
    %add3A_49 = arith.constant 6272 : i32
    %add3A_50 = arith.addi %mul3A_2, %add3A_49 : i32
    %dma_wait3A_51 = arith.constant 0 : i32
    %dma_wait3A_52 = tpu.memref_slice %arg5[%add3A_50, %dma_wait3A_51] : memref<204800x128xf32, #tpu.memory_space<hbm>> -> memref<128x128xf32, #tpu.memory_space<hbm>>
    %dma_wait3A_53 = arith.constant 0 : i32
    %dma_wait3A_54 = tpu.memref_slice %arg5[%add3A_50, %dma_wait3A_53] : memref<204800x128xf32, #tpu.memory_space<hbm>> -> memref<128x128xf32, #tpu.memory_space<hbm>>
    tpu.wait_dma2 semaphore(%arg22 : memref<!tpu.dma_semaphore, #tpu.memory_space<semaphore_mem>>) src(%arg12 : memref<128x128xf32, #tpu.memory_space<vmem>>) dst(%dma_wait3A_54 : memref<128x128xf32, #tpu.memory_space<hbm>>)
    return
  }
}

</mosaic_0001>

<sc_bundles>
// kernel: _gather_call.3.cloned.1.call-start
scs
__scs_entry_jumppad:
0x0: {  	(pc) =	sbr.rel $0x88, $3  }
0x1: {  	(tag) =	ssettag $0x0;
	lr =	simm.s32 $0x1  }
0x2: {  	[smem:$0x3F9E] =	sst lr;
	_ =	strace $0xD0000000  }
0x3: {  	_ = 	snop  }
0x4: {  	_ = 	snop  }
0x5: {  	_ = 	snop  }
0x6: {  	_ = 	snop  }
0x7: {  	_ = 	snop  }
__scs_overlays_trampoline_lowered:
0x8: {  	[smem:$0x3FAD] =	sst s0  }
0x9: {  	[smem:$0x3FAE] =	sst s1  }
0xa: {  	[smem:$0x3FAF] =	sst s2  }
0xb: {  	[smem:$0x3FB0] =	sst s3  }
0xc: {  	[smem:$0x3FB1] =	sst s4  }
0xd: {  	[smem:$0x3FB2] =	sst s5  }
0xe: {  	[smem:$0x3FB3] =	sst s6  }
0xf: {  	[smem:$0x3FB4] =	sst s7  }
0x10: {  	[smem:$0x3FB5] =	sst s8  }
0x11: {  	[smem:$0x3FB6] =	sst s9;
	s0 =	simm.s32 @!p0 $0x0  }
0x12: {  	s1 =	sld [smem:$0x3F9C];
	s0 =	simm.s32 @p0 $0x1  }
0x13: {  	[smem:$0x3FB7] =	sst s0;
	s0 =	simm.s32 @!p1 $0x0  }
0x14: {  	s2 =	sld [smem:$0x3F9B];
	s0 =	simm.s32 @p1 $0x1  }
0x15: {  	[smem:$0x3FB8] =	sst s0;
	s0 =	simm.s32 @!p2 $0x0  }
0x16: {  	s3 =	sld [smem:$0x3FDB];
	s0 =	simm.s32 @p2 $0x1  }
0x17: {  	s4 =	simm.s32 $0x1BF5;
	[smem:$0x3FBA] =	sst s0  }
0x18: {  	s0 =	sld [smem:$0x3F9D];
	_ =	swait.ge [sflag:s4], $0x0  }
0x19: {  	s7 =	sld [smem:$0x3F9E]  }
0x1a: {  	s8 =	sadd.s32 $0xFFFFE003, lr  }
0x1b: {  	s9 =	sadd.s32 $0xFFFFFEF7, lr;
	s5 =	simm.s32 $0xFFFFFFFF;
	p2 =	slt.u32 s8, $0xFFFFF086  }
0x1c: {  	p1 =	slt.u32 s9, $0xF7A;
	s5 =	simm.s32 @!p2 $0x0  }
0x1d: {  	s5 =	simm.s32 @p1 $0x1;
	p0 =	seq.s32 s7, s2  }
0x1e: {  	s7 =	smul.u32 @!p0 $0xF7A, s2;
	p2 =	seq.s32 @!p0 s5, $0x0  }
0x1f: {  	s9 =	smul.u32 $0xF7A, s1;
	s8 =	simm.s32 @!p0 $0x1BF5;
	p2 =	por !p2, p0  }
0x20: {  	[sflag:s8] =	ssyncset.s32 @!p0 $0xFFFFF086;
	s6 =	sadd.s32 @!p0 s3, s7;
	s7 =	simm.s32 @!p0 $0x108  }
0x21: {  	s3 =	sadd.s32 s3, s9;
	s6 =	sadd.s32 @!p0 $0x88, s6;
	s7 =	simm.s32 @p2 $0x1082  }
0x22: {  	[simem:s7], [sflag:s8] =	dma.local @!p0 [hbm:s6], $0xF7A  }
0x23: {  	s9 =	sor.u32 $0xD0000000, s2;
	s6 =	simm.s32 $0x108;
	_ =	swait.ge @!p0 [sflag:s8], $0x0  }
0x24: {  	s3 =	sadd.s32 $0x88, s3;
	s6 =	simm.s32 @!p1 $0x1082;
	[sflag:s4] =	ssyncset.s32 $0xFFFFF086  }
0x25: {  	[simem:s6], [sflag:s4] =	dma.local [hbm:s3], $0xF7A  }
0x26: {  	[smem:$0x3F9E] =	sst s1;
	(tag) =	ssettag s2;
	_ =	strace s9  }
0x27: {  	s1 =	sld [smem:$0x3FAE]  }
0x28: {  	s2 =	sld [smem:$0x3FAF]  }
0x29: {  	s4 =	sld [smem:$0x3FB1]  }
0x2a: {  	p0 =	seq.s32 s5, $0x0;
	s5 =	sld [smem:$0x3FB2]  }
0x2b: {  	s6 =	sld [smem:$0x3FB3]  }
0x2c: {  	s7 =	sld [smem:$0x3FB4]  }
0x2d: {  	s3 =	simm.s32 $0x108;
	s8 =	sld [smem:$0x3FB5]  }
0x2e: {  	s3 =	simm.s32 @!p0 $0x1082;
	s9 =	sld [smem:$0x3FB6]  }
0x2f: {  	lr =	sadd.s32 s0, s3;
	s0 =	sld [smem:$0x3FAD]  }
0x30: {  	s3 =	sld [smem:$0x3FB0]  }
0x31: {  	[smem:$0x3FB9] =	sst s10  }
0x32: {  	s10 =	sld [smem:$0x3FB7];
	_ =	sdelay $0x3  }
0x33: {  	p0 =	seq.s32 s10, $0x1;
	s10 =	sld [smem:$0x3FB9];
	_ =	sdelay $0x3  }
0x34: {  	[smem:$0x3FB9] =	sst s10  }
0x35: {  	s10 =	sld [smem:$0x3FB8];
	_ =	sdelay $0x3  }
0x36: {  	p1 =	seq.s32 s10, $0x1;
	s10 =	sld [smem:$0x3FB9];
	_ =	sdelay $0x3  }
0x37: {  	[smem:$0x3FB9] =	sst s10  }
0x38: {  	s10 =	sld [smem:$0x3FBA]  }
0x39: {  	_ = 	snop;
	(pc) =	sbr.ind lr, $3  }
0x3a: {  	_ = 	snop  }
0x3b: {  	_ = 	snop  }
0x3c: {  	p2 =	seq.s32 s10, $0x1;
	s10 =	sld [smem:$0x3FB9]  }
0x3d: {  	_ =	shalt  }
0x3e: {  	_ =	shalt  }
0x3f: {  	_ =	shalt  }
0x40: {  	_ =	shalt  }
0x41: {  	_ =	shalt  }
0x42: {  	_ =	shalt  }
0x43: {  	_ =	shalt  }
0x44: {  	_ =	shalt  }
0x45: {  	_ =	shalt  }
0x46: {  	_ =	shalt  }
0x47: {  	_ =	shalt  }
0x48: {  	_ =	shalt  }
0x49: {  	_ =	shalt  }
0x4a: {  	_ =	shalt  }
0x4b: {  	_ =	shalt  }
0x4c: {  	_ =	shalt  }
0x4d: {  	_ =	shalt  }
0x4e: {  	_ =	shalt  }
0x4f: {  	_ =	shalt  }
0x50: {  	_ =	shalt  }
0x51: {  	_ =	shalt  }
0x52: {  	_ =	shalt  }
0x53: {  	_ =	shalt  }
0x54: {  	_ =	shalt  }
0x55: {  	_ =	shalt  }
0x56: {  	_ =	shalt  }
0x57: {  	_ =	shalt  }
0x58: {  	_ =	shalt  }
0x59: {  	_ =	shalt  }
0x5a: {  	_ =	shalt  }
0x5b: {  	_ =	shalt  }
0x5c: {  	_ =	shalt  }
0x5d: {  	_ =	shalt  }
0x5e: {  	_ =	shalt  }
0x5f: {  	_ =	shalt  }
0x60: {  	_ =	shalt  }
0x61: {  	_ =	shalt  }
0x62: {  	_ =	shalt  }
0x63: {  	_ =	shalt  }
0x64: {  	_ =	shalt  }
0x65: {  	_ =	shalt  }
0x66: {  	_ =	shalt  }
0x67: {  	_ =	shalt  }
0x68: {  	_ =	shalt  }
0x69: {  	_ =	shalt  }
0x6a: {  	_ =	shalt  }
0x6b: {  	_ =	shalt  }
0x6c: {  	_ =	shalt  }
0x6d: {  	_ =	shalt  }
0x6e: {  	_ =	shalt  }
0x6f: {  	_ =	shalt  }
0x70: {  	_ =	shalt  }
0x71: {  	_ =	shalt  }
0x72: {  	_ =	shalt  }
0x73: {  	_ =	shalt  }
0x74: {  	_ =	shalt  }
0x75: {  	_ =	shalt  }
0x76: {  	_ =	shalt  }
0x77: {  	_ =	shalt  }
0x78: {  	_ =	shalt  }
0x79: {  	_ =	shalt  }
0x7a: {  	_ =	shalt  }
0x7b: {  	_ =	shalt  }
0x7c: {  	_ =	shalt  }
0x7d: {  	_ =	shalt  }
0x7e: {  	_ =	shalt  }
0x7f: {  	_ =	shalt  }
0x80: {  	_ =	shalt  }
0x81: {  	_ =	shalt  }
0x82: {  	_ =	shalt  }
0x83: {  	_ =	shalt  }
0x84: {  	_ =	shalt  }
0x85: {  	_ =	shalt  }
0x86: {  	_ =	shalt  }
0x87: {  	_ =	shalt  }
.Lfunc_end0:
.L_simem_size_0:
called_computation_lowered:
.L_overlay_start_0:
0x88: {  	s2 =	sld [smem:$0x3FD9]  }
0x89: {  	s3 =	sld [smem:$0x3FFE];
	_ =	sdelay $0x1  }
0x8a: {  	s1 =	srdreg.scid  }
0x8b: {  	s0 =	sand.u32 $0x1, s1  }
0x8c: {  	s18 =	sshll.u32 s0, $0xA;
	s2 =	sadd.s32 s3, s2  }
0x8d: {  	s2 =	sadd.s32 s2, s18  }
0x8e: {  	[smem:$0x3FC5] =	sst s2  }
0x8f: {  	_ = 	snop  }
0x90: {  	s2 =	sld [smem:$0x3FC9]  }
0x91: {  	s19 =	sld [smem:$0x3FC8]  }
0x92: {  	s4 =	sld [smem:$0x3FC7]  }
0x93: {  	s5 =	sld [smem:$0x3FD0];
	(tm) =	ssettm $0x1  }
0x94: {  	s6 =	sld [smem:$0x3FFB];
	_ =	sdelay $0x3  }
0x95: {  	_ =	strace s6  }
0x96: {  	s6 =	sld [smem:$0x3FFC];
	_ =	sdelay $0x3  }
0x97: {  	_ =	strace s6  }
0x98: {  	s6 =	sld [smem:$0x3FFD];
	_ =	sdelay $0x3  }
0x99: {  	_ =	strace s6  }
0x9a: {  	_ =	strace $0x8FFFFFFF  }
0x9b: {  	s20 =	sld [smem:$0x3FDB];
	_ =	sdelay $0x1  }
0x9c: {  	s7 =	simm.s32 $_scs_section_size  }
0x9d: {  	s8 =	simm.s32 $_size__tile_overlayer_lowered;
	s9 =	simm.s32 $_tile_overlayer_lowered  }
0x9e: {  	s23 =	simm.s32 $0x1BFF;
	s22 =	sshll.u32 s9, $0x1;
	s6 =	sadd.s32 s7, s20  }
0x9f: {  	s10 =	simm.s32 $0x0;
	s21 =	sshll.u32 s8, $0x1;
	s8 =	sadd.s32 s22, s6  }
0xa0: {  	[timem:s10], [sflag:s23] =	dma.local [hbm:s8], s21  }
0xa1: {  	_ =	swait.ge [sflag:s23], s21  }
0xa2: {  	s7 =	ssub.s32 $0x0, s21;
	[sflag:s23] =	ssyncset.done $0x0  }
0xa3: {  	[sflag:s23] =	ssyncadd.s32 s7;
	_ =	sdelay $0x1  }
0xa4: {  	s24 =	simm.s32 $0x1B8B  }
0xa5: {  	_ =	swait.ge [sflag:s24], $0x1  }
0xa6: {  	[sflag:s24] =	ssyncset.done $0x0  }
0xa7: {  	s25 =	simm.s32 $0x1B8E;
	[sflag:s24] =	ssyncadd.s32 $0xFFFFFFFF  }
0xa8: {  	s26 =	simm.s32 $execute0_lowered;
	[smem:$0x3FD2] =	sst s25  }
0xa9: {  	s7 =	sshll.u32 s26, $0x1;
	_ =	strace $0x80000046;
	[dreg:$0x1] =	wrdreg $0xFFFFFFFF  }
0xaa: {  	s28 =	simm.s32 $_size_execute0_lowered;
	s6 =	sadd.s32 s6, s7;
	[dreg:$0x0] =	wrdreg $0x0  }
0xab: {  	s7 =	sshll.u32 s28, $0x1;
	[dreg:$0x2] =	wrdreg s6  }
0xac: {  	[dreg:$0x3] =	wrdreg s7  }
0xad: {  	[dreg:$0x4] =	wrdreg $0xC0  }
0xae: {  	_ =	task [dreg:s10], $0x5FFFF  }
0xaf: {  	[dreg:$0x1] =	wrdreg $0xFFFFFFFF  }
0xb0: {  	[dreg:$0x0] =	wrdreg $0x60  }
0xb1: {  	[dreg:$0x2] =	wrdreg s2  }
0xb2: {  	[dreg:$0x3] =	wrdreg s19  }
0xb3: {  	[dreg:$0x4] =	wrdreg s4  }
0xb4: {  	[dreg:$0x5] =	wrdreg s5  }
0xb5: {  	[dreg:$0x6] =	wrdreg $0x9  }
0xb6: {  	_ =	task.clear_ibuf [dreg:s10], $0x7FFFF;
	_ =	strace $0x90000046  }
0xb7: {  	s29 =	simm.s32 $0x9;
	_ =	strace $0x80000048  }
0xb8: {  	_ =	swait.ge [sflag:s29], $0x1  }
0xb9: {  	[sflag:s29] =	ssyncadd.s32 $0xFFFFFFFF  }
0xba: {  	_ =	strace $0x90000048  }
0xbb: {  	_ =	sfence  }
0xbc: {  	s30 =	sld [smem:$0x0];
	_ =	sdelay $0x2  }
0xbd: {  	s31 =	sshll.u32 s1, $0xD;
	s1 =	sshrl.u32 s1, $0x2  }
0xbe: {  	s3 =	sand.u32 $0x4000, s31;
	s1 =	sadd.s32 s1, s30  }
0xbf: {  	s0 =	sor.u32 s3, s0;
	s1 =	sshll.u32 s1, $0x11  }
0xc0: {  	s0 =	sor.u32 s1, s0  }
0xc1: {  	s0 =	sadd.s32 $0x8F2B, s0  }
0xc2: {  	[sflag:s0] =	ssyncadd.remote.s32 $0x1  }
0xc3: {  	_ =	sfence.sel $0xFFFF  }
0xc4: {  	[dreg:$0x0] =	wrdreg $0xFFFFFFFF;
	(pc) =	sbr.abs _section_cstart, $3  }
0xc5: {  	[dreg:$0x1] =	wrdreg $0xFFFFFFFF  }
0xc6: {  	_ =	task.clear_ibuf [dreg:s10], $0x2FFFF;
	_ =	strace $0x9FFFFFFF  }
0xc7: {  	(tm) =	ssettm $0x7FFFFFFF  }
tec
execute0_lowered:
.L_overlay_start_1:
0x0: {  	(tag) =	ssettag $0x1  }
0x1: {  	s1 =	rddreg [dreg:$0x0]  }
0x2: {  	s0 =	srdreg.scid;
	s2 =	rddreg [dreg:$0x1]  }
0x3: {  	s4 =	stileid.u32;
	s6 =	rddreg [dreg:$0x2];
	s5 =	simm.s32 $0x0  }
0x4: {  	s10 =	simm.s32 $0xB;
	s12 =	simm.s32 $0x80;
	s13 =	simm.s32 $0x3200  }
0x5: {  	s14 =	simm.s32 $0x7200;
	s16 =	simm.s32 $0xB200;
	s18 =	simm.s32 $0xF200  }
0x6: {  	s19 =	simm.s32 $0x13200;
	s20 =	simm.s32 $0x1;
	s21 =	simm.s32 $0x2  }
0x7: {  	s22 =	simm.s32 $0x3;
	s23 =	simm.s32 $0x4;
	s0 =	sand.u32 $0x1, s0  }
0x8: {  	s24 =	simm.s32 $0x5;
	s28 =	simm.s32 $0x8;
	s3 =	sshll.u32 s0, $0x4  }
0x9: {  	s29 =	simm.s32 $0x9;
	s0 =	ssub.s32 $0x2, s0;
	s7 =	sor.u32 s4, s3  }
0xa: {  	v0 =	vlaneseq.u32;
	s30 =	simm.s32 $0xA;
	s8 =	sshrl.u32 s0, $0x1;
	s4 =	smul.u32 $0x1900, s7  }
.Ltmp0:
0xb: {  	[smem:$0x7FF] =	sst s5;
	v0 =	vmul.u32 $0x80, v0;
	s0 =	ssub.s32 s0, s8;
	(pc) =	sbr.rel .LBB2_1-.Ltmp0, $4  }
0xc: {  	s3 =	rddreg [dreg:$0x3];
	s0 =	smax.u32 s0, $0x1;
	s9 =	sshrl.u32 s4, $0x3  }
0xd: {  	_ =	strace $0x80000047;
	v1 =	vor.u32 $0x800, v0;
	[dreg:$0x7] =	wrdreg s0;
	s2 =	sadd.s32 s2, s9  }
0xe: {  	s31 =	simm.s32 $0x0;
	v2 =	vor.u32 $0x1000, v0;
	v3 =	vor.u32 $0x1800, v0;
	v4 =	vor.u32 $0x2000, v0;
	s26 =	sadd.s32 s6, s9;
	[dreg:$0x5] =	wrdreg s2  }
0xf: {  	v5 =	vor.u32 $0x2800, v0;
	v6 =	vor.u32 $0x3000, v0;
	v7 =	vor.u32 $0x3800, v0;
	s8 =	smul.u32 $0xC8000, s7;
	[dreg:$0x6] =	wrdreg s26;
	s26 =	simm.s32 $0x7  }
.LBB2_168:
0x10: {  	s0 =	simm.s32 $0x6  }
0x11: {  	_ =	swait.ge [sflag:s0], $0x4000  }
0x12: {  	[sflag:s0] =	ssyncset.done $0x0  }
0x13: {  	[sflag:s0] =	ssyncadd.s32 $0xFFFFC000  }
0x14: {  	_ =	swait.ge [sflag:s26], $0x4000  }
0x15: {  	[sflag:s26] =	ssyncset.done $0x0  }
0x16: {  	[sflag:s26] =	ssyncadd.s32 $0xFFFFC000  }
0x17: {  	_ =	swait.ge [sflag:s28], $0x4000  }
0x18: {  	[sflag:s28] =	ssyncset.done $0x0  }
0x19: {  	[sflag:s28] =	ssyncadd.s32 $0xFFFFC000  }
0x1a: {  	_ =	swait.ge [sflag:s29], $0x4000  }
0x1b: {  	[sflag:s29] =	ssyncset.done $0x0  }
0x1c: {  	[sflag:s29] =	ssyncadd.s32 $0xFFFFC000  }
0x1d: {  	_ =	swait.ge [sflag:s30], $0x4000  }
0x1e: {  	s31 =	sadd.s32 $0x1, s31;
	s25 =	rddreg [dreg:$0x7]  }
0x1f: {  	p0 =	sne.s32 s31, s25  }
.Ltmp1:
0x20: {  	_ = 	snop;
	(pc) =	sbr.rel @!p0 .LBB2_169-.Ltmp1, $3  }
0x21: {  	_ =	sdelay $0x1  }
0x22: {  	[sflag:s30] =	ssyncset.done $0x0  }
0x23: {  	[sflag:s30] =	ssyncadd.s32 $0xFFFFC000  }
.LBB2_1:
0x24: {  	s0 =	rddreg [dreg:$0x5]  }
0x25: {  	[tilespmem:s5], [sflag:$0xB] =	stream.linear.gather [hbm4b:s0+s5], $0x1900, $0x38;
	[tilespmem:$0x17200] =	vst v63  }
0x26: {  	_ =	swait.ge [sflag:s10], $0x1900  }
0x27: {  	[sflag:s10] =	ssyncset.done $0x0  }
0x28: {  	s2 =	simm.s32 $0x1900;
	s15 =	rddreg [dreg:$0x6];
	[sflag:s10] =	ssyncadd.s32 $0xFFFFE700  }
0x29: {  	[tilespmem:s2], [sflag:$0xB] =	stream.linear.gather [hbm4b:s15+s5], $0x1900, $0x38;
	[tilespmem:$0x17200] =	vst v63  }
0x2a: {  	_ =	swait.ge [sflag:s10], $0x1900  }
0x2b: {  	[sflag:s10] =	ssyncset.done $0x0  }
0x2c: {  	[sflag:s10] =	ssyncadd.s32 $0xFFFFE700  }
0x2d: {  	[tilespmem:s13], [sflag:$0x1] =	stream.indirect.gather [hbm4b:s1+s12], $0x80, s5, s12, $0xb8;
	[tilespmem:$0x17200] =	vst v63  }
0x2e: {  	_ = 	snop  }
0x2f: {  	[tilespmem:s14], [sflag:$0x2] =	stream.indirect.gather [hbm4b:s1+s12], $0x80, s12, s12, $0xb8;
	[tilespmem:$0x17200] =	vst v63  }
.Ltmp2:
0x30: {  	_ = 	snop;
	(pc) =	sbr.rel .LBB2_2-.Ltmp2, $4  }
0x31: {  	s17 =	simm.s32 $0x100  }
0x32: {  	[tilespmem:s16], [sflag:$0x3] =	stream.indirect.gather [hbm4b:s1+s12], $0x80, s17, s12, $0xb8;
	[tilespmem:$0x17200] =	vst v63  }
0x33: {  	s25 =	simm.s32 $0x180;
	s2 =	simm.s32 $0x0  }
0x34: {  	[tilespmem:s18], [sflag:$0x4] =	stream.indirect.gather [hbm4b:s1+s12], $0x80, s25, s12, $0xb8;
	[tilespmem:$0x17200] =	vst v63  }
.LBB2_167:
0x35: {  	s2 =	sadd.s32 $0x1, s2  }
0x36: {  	p0 =	sne.s32 s2, $0xA  }
.Ltmp3:
0x37: {  	s0 =	sshll.u32 s0, $0xE;
	(pc) =	sbr.rel @!p0 .LBB2_168-.Ltmp3, $4  }
0x38: {  	s0 =	sadd.s32 s8, s0  }
0x39: {  	s0 =	sshrl.u32 s0, $0x3  }
0x3a: {  	s0 =	sadd.s32 s3, s0  }
0x3b: {  	[hbm4b:s0+s5] =	stream.linear.scatter [tilespmem:s19], [sflag:$0xA], $0x4000, $0x38;
	[tilespmem:$0x17200] =	vst v63  }
.LBB2_2:
0x3c: {  	s15 =	smul.u32 $0x5, s2;
	p0 =	seq.s32 s2, $0x0  }
0x3d: {  	s6 =	simm.s32 @!p0 $0xA  }
0x3e: {  	s0 =	sadd.s32 $0x4, s15;
	_ =	swait.ge @!p0 [sflag:s6], $0x4000  }
0x3f: {  	[sflag:s6] =	ssyncset.done @!p0 $0x0;
	s11 =	sshll.u32 s0, $0x7  }
0x40: {  	[sflag:s6] =	ssyncadd.s32 @!p0 $0xFFFFC000;
	s25 =	sand.u32 $0x3FFFFF80, s11  }
0x41: {  	[tilespmem:s19], [sflag:$0x5] =	stream.indirect.gather [hbm4b:s1+s12], $0x80, s25, s12, $0xb8;
	[tilespmem:$0x17200] =	vst v63  }
0x42: {  	_ =	swait.ge [sflag:s20], $0x4000  }
0x43: {  	s6 =	smul.u32 $0x280, s2;
	[sflag:s20] =	ssyncset.done $0x0  }
0x44: {  	[sflag:s20] =	ssyncadd.s32 $0xFFFFC000  }
0x45: {  	v8 =	vld [tilespmem:s6+$0x0]  }
0x46: {  	v9 =	vld [tilespmem:s6+$0x1900]  }
0x47: {  	v10 =	vld [tilespmem:s6+$0x10]  }
0x48: {  	v11 =	vld [tilespmem:s6+$0x1910]  }
0x49: {  	v12 =	vld [tilespmem:s6+$0x1920]  }
0x4a: {  	v13 =	vld [tilespmem:s6+$0x20]  }
0x4b: {  	v14 =	vld [tilespmem:s6+$0x1930]  }
0x4c: {  	v61 =	vld [tilespmem:s6+$0x1950]  }
0x4d: {  	vm0 =	veq.s32 v8, $0x0;
	vm1 =	veq.s32 v10, $0x0;
	v10 =	vld [tilespmem:s6+$0x30]  }
0x4e: {  	vm2 =	vgt.f32 v11, $1.000000000e+00;
	v8 =	vsel vm0, $0x0, v9;
	vm0 =	vlt.f32 v11, $1.000000000e+00;
	v9 =	vld [tilespmem:s6+$0x1940]  }
0x4f: {  	vm3 =	vgt.f32 v12, $1.000000000e+00;
	v11 =	vld [tilespmem:s6+$0x40];
	vm0 =	vmor vm2, vm0;
	vm2 =	vlt.f32 v12, $1.000000000e+00  }
0x50: {  	v62 =	vld [tilespmem:s6+$0x50];
	vm0 =	vmor vm1, vm0;
	vm1 =	veq.s32 v13, $0x0;
	vm2 =	vmor vm3, vm2  }
0x51: {  	v63 =	vld [tilespmem:s6+$0x70];
	vm3 =	vgt.f32 v14, $1.000000000e+00;
	vm1 =	vmor vm1, vm2;
	vm2 =	vlt.f32 v14, $1.000000000e+00  }
0x52: {  	vm0 =	vmor vm0, vm1;
	vm1 =	veq.s32 v10, $0x0;
	vm2 =	vmor vm3, vm2;
	v10 =	vld [tilespmem:s6+$0x1960]  }
0x53: {  	vm1 =	vmor vm1, vm2;
	vm2 =	vlt.f32 v9, $1.000000000e+00;
	vm3 =	vgt.f32 v9, $1.000000000e+00;
	v9 =	vld [tilespmem:s6+$0x60]  }
0x54: {  	vm0 =	vmor vm0, vm1;
	vm1 =	veq.s32 v11, $0x0;
	vm2 =	vmor vm3, vm2;
	v11 =	vld [tilespmem:s6+$0x1970]  }
0x55: {  	vm3 =	vgt.f32 v61, $1.000000000e+00;
	vm1 =	vmor vm1, vm2;
	vm2 =	vlt.f32 v61, $1.000000000e+00  }
0x56: {  	vm4 =	veq.s32 v62, $0x0;
	vm0 =	vmor vm0, vm1;
	vm1 =	vmor vm3, vm2  }
0x57: {  	vm15 =	veq.s32 v63, $0x0;
	vm2 =	vlt.f32 v10, $1.000000000e+00;
	vm1 =	vmor vm4, vm1  }
0x58: {  	vm3 =	vgt.f32 v10, $1.000000000e+00;
	vm14 =	veq.s32 v9, $0x0;
	vm0 =	vmor vm0, vm1  }
0x59: {  	vm1 =	vmor vm3, vm2;
	vm2 =	vlt.f32 v11, $1.000000000e+00;
	vm3 =	vgt.f32 v11, $1.000000000e+00  }
0x5a: {  	vm1 =	vmor vm14, vm1;
	vm2 =	vmor vm3, vm2;
	vm3 =	vlt.f32 v8, $1.000000000e+00  }
0x5b: {  	vm1 =	vmor vm0, vm1;
	vm0 =	vgt.f32 v8, $1.000000000e+00;
	vm2 =	vmor vm15, vm2  }
0x5c: {  	vm0 =	vmor vm0, vm3;
	vm1 =	vmor vm1, vm2  }
0x5d: {  	vm1 =	vmor vm0, vm1  }
0x5e: {  	v9 =	vmpcnt.ones.xlane vm1;
	_ =	sdelay $0x1  }
0x5f: {  	(v2sf) =	vpush v9, $0x0;
	_ =	sdelay $0xe  }
0x60: {  	s7 =	spop (v2sf)  }
0x61: {  	p0 =	slt.s32 s7, $0x1  }
.Ltmp4:
0x62: {  	_ = 	snop;
	(pc) =	sbr.rel @p0 .LBB2_35-.Ltmp4, $1  }
0x63: {  	_ =	sdelay $0x3  }
0x64: {  	v9 =	vmpcnt.ones.xlane vm0;
	_ =	sdelay $0x1  }
0x65: {  	(v2sf) =	vpush v9, $0x0;
	_ =	sdelay $0xe  }
0x66: {  	s7 =	spop (v2sf)  }
0x67: {  	p0 =	slt.s32 s7, $0x1  }
.Ltmp5:
0x68: {  	_ = 	snop;
	(pc) =	sbr.rel @p0 .LBB2_7-.Ltmp5, $2  }
0x69: {  	_ =	sdelay $0x2  }
0x6a: {  	s7 =	simm.s32 $0x0  }
0x6b: {  	v9 =	vmov s7  }
0x6c: {  	v9 =	vand.u32 $0x7F, v9  }
0x6d: {  	v9 =	vbroadcast v9, $0x0;
	_ =	sdelay $0x1  }
0x6e: {  	v9 =	vor.u32 v0, v9;
	_ =	sdelay $0x3  }
0x6f: {  	s9 =	simm.s32 $0x1  }
0x70: {  	v11 =	vmov s9;
	s9 =	simm.s32 $0x2;
	v10 =	vld.idx.msk [tilespmem:v9+s13+$0x0], $0xffff  }
.LBB2_5:
0x71: {  	p0 =	sne.s32 s9, $0x7F;
	v11 =	vand.u32 $0x7F, v11  }
0x72: {  	v11 =	vbroadcast v11, $0x0;
	_ =	sdelay $0x1  }
0x73: {  	v12 =	vor.u32 v0, v11  }
.Ltmp6:
0x74: {  	(pc) =	sbr.rel @p0 .LBB2_5-.Ltmp6, $3  }
0x75: {  	v10 =	vmul.f32 v10, v8;
	_ =	sdelay $0x1  }
0x76: {  	[tilespmem:v9+s13+$0x0] =	vst.idx.msk vm0, v10;
	v9 =	vmov v12  }
0x77: {  	v11 =	vmov s9;
	s9 =	sadd.s32 $0x1, s9;
	v10 =	vld.idx.msk [tilespmem:v12+s13+$0x0], $0xffff  }
0x78: {  	v11 =	vand.u32 $0x7F, v11  }
0x79: {  	v11 =	vbroadcast v11, $0x0;
	_ =	sdelay $0x1  }
0x7a: {  	v11 =	vor.u32 v0, v11;
	_ =	sdelay $0x1  }
0x7b: {  	v10 =	vmul.f32 v10, v8;
	_ =	sdelay $0x1  }
0x7c: {  	[tilespmem:v9+s13+$0x0] =	vst.idx.msk vm0, v10  }
0x7d: {  	v9 =	vld.idx.msk [tilespmem:v11+s13+$0x0], $0xffff;
	_ =	sdelay $0x4  }
0x7e: {  	v8 =	vmul.f32 v9, v8;
	_ =	sdelay $0x1  }
0x7f: {  	[tilespmem:v11+s13+$0x0] =	vst.idx.msk vm0, v8  }
.LBB2_7:
0x80: {  	v8 =	vld [tilespmem:s6+$0x10]  }
0x81: {  	v9 =	vld [tilespmem:s6+$0x1910];
	_ =	sdelay $0x3  }
0x82: {  	vm0 =	veq.s32 v8, $0x0  }
0x83: {  	v8 =	vsel vm0, $0x0, v9  }
0x84: {  	vm0 =	vlt.f32 v8, $1.000000000e+00;
	vm1 =	vgt.f32 v8, $1.000000000e+00  }
0x85: {  	vm0 =	vmor vm1, vm0  }
0x86: {  	v9 =	vmpcnt.ones.xlane vm0;
	_ =	sdelay $0x1  }
0x87: {  	(v2sf) =	vpush v9, $0x0;
	_ =	sdelay $0xe  }
0x88: {  	s9 =	spop (v2sf)  }
0x89: {  	p0 =	slt.s32 s9, $0x1  }
.Ltmp7:
0x8a: {  	_ = 	snop;
	(pc) =	sbr.rel @p0 .LBB2_11-.Ltmp7, $1  }
0x8b: {  	_ =	sdelay $0x3  }
0x8c: {  	v9 =	vmov s7  }
0x8d: {  	v9 =	vand.u32 $0x7F, v9  }
0x8e: {  	v9 =	vbroadcast v9, $0x0;
	_ =	sdelay $0x1  }
0x8f: {  	v9 =	vor.u32 v1, v9;
	_ =	sdelay $0x3  }
0x90: {  	s25 =	simm.s32 $0x1  }
0x91: {  	s7 =	simm.s32 $0x2;
	v11 =	vmov s25;
	v10 =	vld.idx.msk [tilespmem:v9+s13+$0x0], $0xffff  }
.LBB2_9:
0x92: {  	p0 =	sne.s32 s7, $0x7F;
	v11 =	vand.u32 $0x7F, v11  }
0x93: {  	v11 =	vbroadcast v11, $0x0;
	_ =	sdelay $0x1  }
0x94: {  	v12 =	vor.u32 v1, v11  }
.Ltmp8:
0x95: {  	(pc) =	sbr.rel @p0 .LBB2_9-.Ltmp8, $3  }
0x96: {  	v10 =	vmul.f32 v10, v8;
	_ =	sdelay $0x1  }
0x97: {  	[tilespmem:v9+s13+$0x0] =	vst.idx.msk vm0, v10;
	v9 =	vmov v12  }
0x98: {  	v11 =	vmov s7;
	s7 =	sadd.s32 $0x1, s7;
	v10 =	vld.idx.msk [tilespmem:v12+s13+$0x0], $0xffff  }
0x99: {  	v11 =	vand.u32 $0x7F, v11  }
0x9a: {  	v11 =	vbroadcast v11, $0x0;
	_ =	sdelay $0x1  }
0x9b: {  	v11 =	vor.u32 v1, v11;
	_ =	sdelay $0x1  }
0x9c: {  	v10 =	vmul.f32 v10, v8;
	_ =	sdelay $0x1  }
0x9d: {  	[tilespmem:v9+s13+$0x0] =	vst.idx.msk vm0, v10  }
0x9e: {  	v9 =	vld.idx.msk [tilespmem:v11+s13+$0x0], $0xffff;
	_ =	sdelay $0x4  }
0x9f: {  	v8 =	vmul.f32 v9, v8;
	_ =	sdelay $0x1  }
0xa0: {  	[tilespmem:v11+s13+$0x0] =	vst.idx.msk vm0, v8  }
.LBB2_11:
0xa1: {  	v8 =	vld [tilespmem:s6+$0x20]  }
0xa2: {  	v9 =	vld [tilespmem:s6+$0x1920];
	_ =	sdelay $0x3  }
0xa3: {  	vm0 =	veq.s32 v8, $0x0  }
0xa4: {  	v8 =	vsel vm0, $0x0, v9  }
0xa5: {  	vm0 =	vlt.f32 v8, $1.000000000e+00;
	vm1 =	vgt.f32 v8, $1.000000000e+00  }
0xa6: {  	vm0 =	vmor vm1, vm0  }
0xa7: {  	v9 =	vmpcnt.ones.xlane vm0;
	_ =	sdelay $0x1  }
0xa8: {  	(v2sf) =	vpush v9, $0x0;
	_ =	sdelay $0xe  }
0xa9: {  	s7 =	spop (v2sf)  }
0xaa: {  	p0 =	slt.s32 s7, $0x1  }
.Ltmp9:
0xab: {  	_ = 	snop;
	(pc) =	sbr.rel @p0 .LBB2_15-.Ltmp9, $2  }
0xac: {  	_ =	sdelay $0x2  }
0xad: {  	s7 =	simm.s32 $0x0  }
0xae: {  	v9 =	vmov s7  }
0xaf: {  	v9 =	vand.u32 $0x7F, v9  }
0xb0: {  	v9 =	vbroadcast v9, $0x0;
	_ =	sdelay $0x1  }
0xb1: {  	v9 =	vor.u32 v2, v9;
	_ =	sdelay $0x3  }
0xb2: {  	s9 =	simm.s32 $0x1  }
0xb3: {  	v11 =	vmov s9;
	s9 =	simm.s32 $0x2;
	v10 =	vld.idx.msk [tilespmem:v9+s13+$0x0], $0xffff  }
.LBB2_13:
0xb4: {  	p0 =	sne.s32 s9, $0x7F;
	v11 =	vand.u32 $0x7F, v11  }
0xb5: {  	v11 =	vbroadcast v11, $0x0;
	_ =	sdelay $0x1  }
0xb6: {  	v12 =	vor.u32 v2, v11  }
.Ltmp10:
0xb7: {  	(pc) =	sbr.rel @p0 .LBB2_13-.Ltmp10, $3  }
0xb8: {  	v10 =	vmul.f32 v10, v8;
	_ =	sdelay $0x1  }
0xb9: {  	[tilespmem:v9+s13+$0x0] =	vst.idx.msk vm0, v10;
	v9 =	vmov v12  }
0xba: {  	v11 =	vmov s9;
	s9 =	sadd.s32 $0x1, s9;
	v10 =	vld.idx.msk [tilespmem:v12+s13+$0x0], $0xffff  }
0xbb: {  	v11 =	vand.u32 $0x7F, v11  }
0xbc: {  	v11 =	vbroadcast v11, $0x0;
	_ =	sdelay $0x1  }
0xbd: {  	v11 =	vor.u32 v2, v11;
	_ =	sdelay $0x1  }
0xbe: {  	v10 =	vmul.f32 v10, v8;
	_ =	sdelay $0x1  }
0xbf: {  	[tilespmem:v9+s13+$0x0] =	vst.idx.msk vm0, v10  }
0xc0: {  	v9 =	vld.idx.msk [tilespmem:v11+s13+$0x0], $0xffff;
	_ =	sdelay $0x4  }
0xc1: {  	v8 =	vmul.f32 v9, v8;
	_ =	sdelay $0x1  }
0xc2: {  	[tilespmem:v11+s13+$0x0] =	vst.idx.msk vm0, v8  }
.LBB2_15:
0xc3: {  	v8 =	vld [tilespmem:s6+$0x30]  }
0xc4: {  	v9 =	vld [tilespmem:s6+$0x1930];
	_ =	sdelay $0x3  }
0xc5: {  	vm0 =	veq.s32 v8, $0x0  }
0xc6: {  	v8 =	vsel vm0, $0x0, v9  }
0xc7: {  	vm0 =	vlt.f32 v8, $1.000000000e+00;
	vm1 =	vgt.f32 v8, $1.000000000e+00  }
0xc8: {  	vm0 =	vmor vm1, vm0  }
0xc9: {  	v9 =	vmpcnt.ones.xlane vm0;
	_ =	sdelay $0x1  }
0xca: {  	(v2sf) =	vpush v9, $0x0;
	_ =	sdelay $0xe  }
0xcb: {  	s9 =	spop (v2sf)  }
0xcc: {  	p0 =	slt.s32 s9, $0x1  }
.Ltmp11:
0xcd: {  	_ = 	snop;
	(pc) =	sbr.rel @p0 .LBB2_19-.Ltmp11, $1  }
0xce: {  	_ =	sdelay $0x3  }
0xcf: {  	v9 =	vmov s7  }
0xd0: {  	v9 =	vand.u32 $0x7F, v9  }
0xd1: {  	v9 =	vbroadcast v9, $0x0;
	_ =	sdelay $0x1  }
0xd2: {  	v9 =	vor.u32 v3, v9;
	_ =	sdelay $0x3  }
0xd3: {  	s25 =	simm.s32 $0x1  }
0xd4: {  	s7 =	simm.s32 $0x2;
	v11 =	vmov s25;
	v10 =	vld.idx.msk [tilespmem:v9+s13+$0x0], $0xffff  }
.LBB2_17:
0xd5: {  	p0 =	sne.s32 s7, $0x7F;
	v11 =	vand.u32 $0x7F, v11  }
0xd6: {  	v11 =	vbroadcast v11, $0x0;
	_ =	sdelay $0x1  }
0xd7: {  	v12 =	vor.u32 v3, v11  }
.Ltmp12:
0xd8: {  	(pc) =	sbr.rel @p0 .LBB2_17-.Ltmp12, $3  }
0xd9: {  	v10 =	vmul.f32 v10, v8;
	_ =	sdelay $0x1  }
0xda: {  	[tilespmem:v9+s13+$0x0] =	vst.idx.msk vm0, v10;
	v9 =	vmov v12  }
0xdb: {  	v11 =	vmov s7;
	s7 =	sadd.s32 $0x1, s7;
	v10 =	vld.idx.msk [tilespmem:v12+s13+$0x0], $0xffff  }
0xdc: {  	v11 =	vand.u32 $0x7F, v11  }
0xdd: {  	v11 =	vbroadcast v11, $0x0;
	_ =	sdelay $0x1  }
0xde: {  	v11 =	vor.u32 v3, v11;
	_ =	sdelay $0x1  }
0xdf: {  	v10 =	vmul.f32 v10, v8;
	_ =	sdelay $0x1  }
0xe0: {  	[tilespmem:v9+s13+$0x0] =	vst.idx.msk vm0, v10  }
0xe1: {  	v9 =	vld.idx.msk [tilespmem:v11+s13+$0x0], $0xffff;
	_ =	sdelay $0x4  }
0xe2: {  	v8 =	vmul.f32 v9, v8;
	_ =	sdelay $0x1  }
0xe3: {  	[tilespmem:v11+s13+$0x0] =	vst.idx.msk vm0, v8  }
.LBB2_19:
0xe4: {  	v8 =	vld [tilespmem:s6+$0x40]  }
0xe5: {  	v9 =	vld [tilespmem:s6+$0x1940];
	_ =	sdelay $0x3  }
0xe6: {  	vm0 =	veq.s32 v8, $0x0  }
0xe7: {  	v8 =	vsel vm0, $0x0, v9  }
0xe8: {  	vm0 =	vlt.f32 v8, $1.000000000e+00;
	vm1 =	vgt.f32 v8, $1.000000000e+00  }
0xe9: {  	vm0 =	vmor vm1, vm0  }
0xea: {  	v9 =	vmpcnt.ones.xlane vm0;
	_ =	sdelay $0x1  }
0xeb: {  	(v2sf) =	vpush v9, $0x0;
	_ =	sdelay $0xe  }
0xec: {  	s7 =	spop (v2sf)  }
0xed: {  	p0 =	slt.s32 s7, $0x1  }
.Ltmp13:
0xee: {  	_ = 	snop;
	(pc) =	sbr.rel @p0 .LBB2_23-.Ltmp13, $2  }
0xef: {  	_ =	sdelay $0x2  }
0xf0: {  	s7 =	simm.s32 $0x0  }
0xf1: {  	v9 =	vmov s7  }
0xf2: {  	v9 =	vand.u32 $0x7F, v9  }
0xf3: {  	v9 =	vbroadcast v9, $0x0;
	_ =	sdelay $0x1  }
0xf4: {  	v9 =	vor.u32 v4, v9;
	_ =	sdelay $0x3  }
0xf5: {  	s9 =	simm.s32 $0x1  }
0xf6: {  	v11 =	vmov s9;
	s9 =	simm.s32 $0x2;
	v10 =	vld.idx.msk [tilespmem:v9+s13+$0x0], $0xffff  }
.LBB2_21:
0xf7: {  	p0 =	sne.s32 s9, $0x7F;
	v11 =	vand.u32 $0x7F, v11  }
0xf8: {  	v11 =	vbroadcast v11, $0x0;
	_ =	sdelay $0x1  }
0xf9: {  	v12 =	vor.u32 v4, v11  }
.Ltmp14:
0xfa: {  	(pc) =	sbr.rel @p0 .LBB2_21-.Ltmp14, $3  }
0xfb: {  	v10 =	vmul.f32 v10, v8;
	_ =	sdelay $0x1  }
0xfc: {  	[tilespmem:v9+s13+$0x0] =	vst.idx.msk vm0, v10;
	v9 =	vmov v12  }
0xfd: {  	v11 =	vmov s9;
	s9 =	sadd.s32 $0x1, s9;
	v10 =	vld.idx.msk [tilespmem:v12+s13+$0x0], $0xffff  }
0xfe: {  	v11 =	vand.u32 $0x7F, v11  }
0xff: {  	v11 =	vbroadcast v11, $0x0;
	_ =	sdelay $0x1  }
0x100: {  	v11 =	vor.u32 v4, v11;
	_ =	sdelay $0x1  }
0x101: {  	v10 =	vmul.f32 v10, v8;
	_ =	sdelay $0x1  }
0x102: {  	[tilespmem:v9+s13+$0x0] =	vst.idx.msk vm0, v10  }
0x103: {  	v9 =	vld.idx.msk [tilespmem:v11+s13+$0x0], $0xffff;
	_ =	sdelay $0x4  }
0x104: {  	v8 =	vmul.f32 v9, v8;
	_ =	sdelay $0x1  }
0x105: {  	[tilespmem:v11+s13+$0x0] =	vst.idx.msk vm0, v8  }
.LBB2_23:
0x106: {  	v8 =	vld [tilespmem:s6+$0x50]  }
0x107: {  	v9 =	vld [tilespmem:s6+$0x1950];
	_ =	sdelay $0x3  }
0x108: {  	vm0 =	veq.s32 v8, $0x0  }
0x109: {  	v8 =	vsel vm0, $0x0, v9  }
0x10a: {  	vm0 =	vlt.f32 v8, $1.000000000e+00;
	vm1 =	vgt.f32 v8, $1.000000000e+00  }
0x10b: {  	vm0 =	vmor vm1, vm0  }
0x10c: {  	v9 =	vmpcnt.ones.xlane vm0;
	_ =	sdelay $0x1  }
0x10d: {  	(v2sf) =	vpush v9, $0x0;
	_ =	sdelay $0xe  }
0x10e: {  	s9 =	spop (v2sf)  }
0x10f: {  	p0 =	slt.s32 s9, $0x1  }
.Ltmp15:
0x110: {  	_ = 	snop;
	(pc) =	sbr.rel @p0 .LBB2_27-.Ltmp15, $1  }
0x111: {  	_ =	sdelay $0x3  }
0x112: {  	v9 =	vmov s7  }
0x113: {  	v9 =	vand.u32 $0x7F, v9  }
0x114: {  	v9 =	vbroadcast v9, $0x0;
	_ =	sdelay $0x1  }
0x115: {  	v9 =	vor.u32 v5, v9;
	_ =	sdelay $0x3  }
0x116: {  	s25 =	simm.s32 $0x1  }
0x117: {  	s7 =	simm.s32 $0x2;
	v11 =	vmov s25;
	v10 =	vld.idx.msk [tilespmem:v9+s13+$0x0], $0xffff  }
.LBB2_25:
0x118: {  	p0 =	sne.s32 s7, $0x7F;
	v11 =	vand.u32 $0x7F, v11  }
0x119: {  	v11 =	vbroadcast v11, $0x0;
	_ =	sdelay $0x1  }
0x11a: {  	v12 =	vor.u32 v5, v11  }
.Ltmp16:
0x11b: {  	(pc) =	sbr.rel @p0 .LBB2_25-.Ltmp16, $3  }
0x11c: {  	v10 =	vmul.f32 v10, v8;
	_ =	sdelay $0x1  }
0x11d: {  	[tilespmem:v9+s13+$0x0] =	vst.idx.msk vm0, v10;
	v9 =	vmov v12  }
0x11e: {  	v11 =	vmov s7;
	s7 =	sadd.s32 $0x1, s7;
	v10 =	vld.idx.msk [tilespmem:v12+s13+$0x0], $0xffff  }
0x11f: {  	v11 =	vand.u32 $0x7F, v11  }
0x120: {  	v11 =	vbroadcast v11, $0x0;
	_ =	sdelay $0x1  }
0x121: {  	v11 =	vor.u32 v5, v11;
	_ =	sdelay $0x1  }
0x122: {  	v10 =	vmul.f32 v10, v8;
	_ =	sdelay $0x1  }
0x123: {  	[tilespmem:v9+s13+$0x0] =	vst.idx.msk vm0, v10  }
0x124: {  	v9 =	vld.idx.msk [tilespmem:v11+s13+$0x0], $0xffff;
	_ =	sdelay $0x4  }
0x125: {  	v8 =	vmul.f32 v9, v8;
	_ =	sdelay $0x1  }
0x126: {  	[tilespmem:v11+s13+$0x0] =	vst.idx.msk vm0, v8  }
.LBB2_27:
0x127: {  	v8 =	vld [tilespmem:s6+$0x60]  }
0x128: {  	v9 =	vld [tilespmem:s6+$0x1960];
	_ =	sdelay $0x3  }
0x129: {  	vm0 =	veq.s32 v8, $0x0  }
0x12a: {  	v8 =	vsel vm0, $0x0, v9  }
0x12b: {  	vm0 =	vlt.f32 v8, $1.000000000e+00;
	vm1 =	vgt.f32 v8, $1.000000000e+00  }
0x12c: {  	vm0 =	vmor vm1, vm0  }
0x12d: {  	v9 =	vmpcnt.ones.xlane vm0;
	_ =	sdelay $0x1  }
0x12e: {  	(v2sf) =	vpush v9, $0x0;
	_ =	sdelay $0xe  }
0x12f: {  	s7 =	spop (v2sf)  }
0x130: {  	p0 =	slt.s32 s7, $0x1  }
.Ltmp17:
0x131: {  	_ = 	snop;
	(pc) =	sbr.rel @p0 .LBB2_31-.Ltmp17, $2  }
0x132: {  	_ =	sdelay $0x2  }
0x133: {  	s7 =	simm.s32 $0x0  }
0x134: {  	v9 =	vmov s7  }
0x135: {  	v9 =	vand.u32 $0x7F, v9  }
0x136: {  	v9 =	vbroadcast v9, $0x0;
	_ =	sdelay $0x1  }
0x137: {  	v9 =	vor.u32 v6, v9;
	_ =	sdelay $0x3  }
0x138: {  	s9 =	simm.s32 $0x1  }
0x139: {  	v11 =	vmov s9;
	s9 =	simm.s32 $0x2;
	v10 =	vld.idx.msk [tilespmem:v9+s13+$0x0], $0xffff  }
.LBB2_29:
0x13a: {  	p0 =	sne.s32 s9, $0x7F;
	v11 =	vand.u32 $0x7F, v11  }
0x13b: {  	v11 =	vbroadcast v11, $0x0;
	_ =	sdelay $0x1  }
0x13c: {  	v12 =	vor.u32 v6, v11  }
.Ltmp18:
0x13d: {  	(pc) =	sbr.rel @p0 .LBB2_29-.Ltmp18, $3  }
0x13e: {  	v10 =	vmul.f32 v10, v8;
	_ =	sdelay $0x1  }
0x13f: {  	[tilespmem:v9+s13+$0x0] =	vst.idx.msk vm0, v10;
	v9 =	vmov v12  }
0x140: {  	v11 =	vmov s9;
	s9 =	sadd.s32 $0x1, s9;
	v10 =	vld.idx.msk [tilespmem:v12+s13+$0x0], $0xffff  }
0x141: {  	v11 =	vand.u32 $0x7F, v11  }
0x142: {  	v11 =	vbroadcast v11, $0x0;
	_ =	sdelay $0x1  }
0x143: {  	v11 =	vor.u32 v6, v11;
	_ =	sdelay $0x1  }
0x144: {  	v10 =	vmul.f32 v10, v8;
	_ =	sdelay $0x1  }
0x145: {  	[tilespmem:v9+s13+$0x0] =	vst.idx.msk vm0, v10  }
0x146: {  	v9 =	vld.idx.msk [tilespmem:v11+s13+$0x0], $0xffff;
	_ =	sdelay $0x4  }
0x147: {  	v8 =	vmul.f32 v9, v8;
	_ =	sdelay $0x1  }
0x148: {  	[tilespmem:v11+s13+$0x0] =	vst.idx.msk vm0, v8  }
.LBB2_31:
0x149: {  	v8 =	vld [tilespmem:s6+$0x70]  }
0x14a: {  	v9 =	vld [tilespmem:s6+$0x1970];
	_ =	sdelay $0x3  }
0x14b: {  	vm0 =	veq.s32 v8, $0x0  }
0x14c: {  	v8 =	vsel vm0, $0x0, v9  }
0x14d: {  	vm0 =	vlt.f32 v8, $1.000000000e+00;
	vm1 =	vgt.f32 v8, $1.000000000e+00  }
0x14e: {  	vm0 =	vmor vm1, vm0  }
0x14f: {  	v9 =	vmpcnt.ones.xlane vm0;
	_ =	sdelay $0x1  }
0x150: {  	(v2sf) =	vpush v9, $0x0;
	_ =	sdelay $0xe  }
0x151: {  	s9 =	spop (v2sf)  }
0x152: {  	p0 =	slt.s32 s9, $0x1  }
.Ltmp19:
0x153: {  	_ = 	snop;
	(pc) =	sbr.rel @p0 .LBB2_35-.Ltmp19, $1  }
0x154: {  	_ =	sdelay $0x3  }
0x155: {  	v9 =	vmov s7  }
0x156: {  	v9 =	vand.u32 $0x7F, v9  }
0x157: {  	v9 =	vbroadcast v9, $0x0;
	_ =	sdelay $0x1  }
0x158: {  	v9 =	vor.u32 v7, v9;
	_ =	sdelay $0x3  }
0x159: {  	s25 =	simm.s32 $0x1  }
0x15a: {  	s7 =	simm.s32 $0x2;
	v11 =	vmov s25;
	v10 =	vld.idx.msk [tilespmem:v9+s13+$0x0], $0xffff  }
.LBB2_33:
0x15b: {  	p0 =	sne.s32 s7, $0x7F;
	v11 =	vand.u32 $0x7F, v11  }
0x15c: {  	v11 =	vbroadcast v11, $0x0;
	_ =	sdelay $0x1  }
0x15d: {  	v12 =	vor.u32 v7, v11  }
.Ltmp20:
0x15e: {  	(pc) =	sbr.rel @p0 .LBB2_33-.Ltmp20, $3  }
0x15f: {  	v10 =	vmul.f32 v10, v8;
	_ =	sdelay $0x1  }
0x160: {  	[tilespmem:v9+s13+$0x0] =	vst.idx.msk vm0, v10;
	v9 =	vmov v12  }
0x161: {  	v11 =	vmov s7;
	s7 =	sadd.s32 $0x1, s7;
	v10 =	vld.idx.msk [tilespmem:v12+s13+$0x0], $0xffff  }
0x162: {  	v11 =	vand.u32 $0x7F, v11  }
0x163: {  	v11 =	vbroadcast v11, $0x0;
	_ =	sdelay $0x1  }
0x164: {  	v11 =	vor.u32 v7, v11;
	_ =	sdelay $0x1  }
0x165: {  	v10 =	vmul.f32 v10, v8;
	_ =	sdelay $0x1  }
0x166: {  	[tilespmem:v9+s13+$0x0] =	vst.idx.msk vm0, v10  }
0x167: {  	v9 =	vld.idx.msk [tilespmem:v11+s13+$0x0], $0xffff;
	_ =	sdelay $0x4  }
0x168: {  	v8 =	vmul.f32 v9, v8;
	_ =	sdelay $0x1  }
0x169: {  	[tilespmem:v11+s13+$0x0] =	vst.idx.msk vm0, v8  }
.LBB2_35:
0x16a: {  	s7 =	sadd.s32 s4, s6  }
0x16b: {  	s7 =	sshll.u32 s7, $0x4  }
0x16c: {  	p0 =	seq.s32 s2, $0x9;
	s7 =	sadd.s32 s3, s7  }
0x16d: {  	[hbm4b:s7+s5] =	stream.linear.scatter [tilespmem:s13], [sflag:$0x6], $0x4000, $0x38;
	[tilespmem:$0x17200] =	vst v63  }
0x16e: {  	s9 =	smul.u32 @!p0 $0xA00, s2;
	s7 =	simm.s32 @!p0 $0x6  }
0x16f: {  	_ =	swait.ge @!p0 [sflag:s7], $0x4000  }
0x170: {  	s25 =	simm.s32 @!p0 $0x3200;
	s17 =	sshra.s32 @!p0 s9, $0x2;
	[sflag:s7] =	ssyncset.done @!p0 $0x0  }
0x171: {  	s9 =	sadd.s32 @!p0 $0x280, s17;
	[sflag:s7] =	ssyncadd.s32 @!p0 $0xFFFFC000;
	s7 =	simm.s32 @!p0 $0x80  }
0x172: {  	[tilespmem:s25], [sflag:$0x1] =	stream.indirect.gather @!p0 [hbm4b:s1+s7], $0x80, s9, s7, $0xb8;
	[tilespmem:$0x17200] =	vst v63  }
0x173: {  	_ =	swait.ge [sflag:s21], $0x4000  }
0x174: {  	[sflag:s21] =	ssyncset.done $0x0  }
0x175: {  	[sflag:s21] =	ssyncadd.s32 $0xFFFFC000  }
0x176: {  	v8 =	vld [tilespmem:s6+$0x80]  }
0x177: {  	v9 =	vld [tilespmem:s6+$0x1980]  }
0x178: {  	v10 =	vld [tilespmem:s6+$0x90]  }
0x179: {  	v11 =	vld [tilespmem:s6+$0x1990]  }
0x17a: {  	v12 =	vld [tilespmem:s6+$0x19A0]  }
0x17b: {  	v13 =	vld [tilespmem:s6+$0xA0]  }
0x17c: {  	v14 =	vld [tilespmem:s6+$0x19B0]  }
0x17d: {  	v61 =	vld [tilespmem:s6+$0x19D0]  }
0x17e: {  	vm0 =	veq.s32 v8, $0x0;
	vm1 =	veq.s32 v10, $0x0;
	v10 =	vld [tilespmem:s6+$0xB0]  }
0x17f: {  	vm2 =	vgt.f32 v11, $1.000000000e+00;
	v8 =	vsel vm0, $0x0, v9;
	vm0 =	vlt.f32 v11, $1.000000000e+00;
	v9 =	vld [tilespmem:s6+$0x19C0]  }
0x180: {  	vm3 =	vgt.f32 v12, $1.000000000e+00;
	v11 =	vld [tilespmem:s6+$0xC0];
	vm0 =	vmor vm2, vm0;
	vm2 =	vlt.f32 v12, $1.000000000e+00  }
0x181: {  	v62 =	vld [tilespmem:s6+$0xD0];
	vm0 =	vmor vm1, vm0;
	vm1 =	veq.s32 v13, $0x0;
	vm2 =	vmor vm3, vm2  }
0x182: {  	v63 =	vld [tilespmem:s6+$0xF0];
	vm3 =	vgt.f32 v14, $1.000000000e+00;
	vm1 =	vmor vm1, vm2;
	vm2 =	vlt.f32 v14, $1.000000000e+00  }
0x183: {  	vm0 =	vmor vm0, vm1;
	vm1 =	veq.s32 v10, $0x0;
	vm2 =	vmor vm3, vm2;
	v10 =	vld [tilespmem:s6+$0x19E0]  }
0x184: {  	vm1 =	vmor vm1, vm2;
	vm2 =	vlt.f32 v9, $1.000000000e+00;
	vm3 =	vgt.f32 v9, $1.000000000e+00;
	v9 =	vld [tilespmem:s6+$0xE0]  }
0x185: {  	vm0 =	vmor vm0, vm1;
	vm1 =	veq.s32 v11, $0x0;
	vm2 =	vmor vm3, vm2;
	v11 =	vld [tilespmem:s6+$0x19F0]  }
0x186: {  	vm3 =	vgt.f32 v61, $1.000000000e+00;
	vm1 =	vmor vm1, vm2;
	vm2 =	vlt.f32 v61, $1.000000000e+00  }
0x187: {  	vm4 =	veq.s32 v62, $0x0;
	vm0 =	vmor vm0, vm1;
	vm1 =	vmor vm3, vm2  }
0x188: {  	vm15 =	veq.s32 v63, $0x0;
	vm2 =	vlt.f32 v10, $1.000000000e+00;
	vm1 =	vmor vm4, vm1  }
0x189: {  	vm3 =	vgt.f32 v10, $1.000000000e+00;
	vm14 =	veq.s32 v9, $0x0;
	vm0 =	vmor vm0, vm1  }
0x18a: {  	vm1 =	vmor vm3, vm2;
	vm2 =	vlt.f32 v11, $1.000000000e+00;
	vm3 =	vgt.f32 v11, $1.000000000e+00  }
0x18b: {  	vm1 =	vmor vm14, vm1;
	vm2 =	vmor vm3, vm2;
	vm3 =	vlt.f32 v8, $1.000000000e+00  }
0x18c: {  	vm1 =	vmor vm0, vm1;
	vm0 =	vgt.f32 v8, $1.000000000e+00;
	vm2 =	vmor vm15, vm2  }
0x18d: {  	vm0 =	vmor vm0, vm3;
	vm1 =	vmor vm1, vm2  }
0x18e: {  	vm1 =	vmor vm0, vm1  }
0x18f: {  	v9 =	vmpcnt.ones.xlane vm1;
	_ =	sdelay $0x1  }
0x190: {  	(v2sf) =	vpush v9, $0x0;
	_ =	sdelay $0xe  }
0x191: {  	s25 =	spop (v2sf)  }
0x192: {  	p1 =	slt.s32 s25, $0x1  }
.Ltmp21:
0x193: {  	_ = 	snop;
	(pc) =	sbr.rel @p1 .LBB2_68-.Ltmp21, $2  }
0x194: {  	_ =	sdelay $0x2  }
0x195: {  	s6 =	sadd.s32 $0x80, s6  }
0x196: {  	v9 =	vmpcnt.ones.xlane vm0;
	_ =	sdelay $0x1  }
0x197: {  	(v2sf) =	vpush v9, $0x0;
	_ =	sdelay $0xe  }
0x198: {  	s9 =	spop (v2sf)  }
0x199: {  	p1 =	slt.s32 s9, $0x1  }
.Ltmp22:
0x19a: {  	_ = 	snop;
	(pc) =	sbr.rel @p1 .LBB2_40-.Ltmp22, $2  }
0x19b: {  	_ =	sdelay $0x2  }
0x19c: {  	s9 =	simm.s32 $0x0  }
0x19d: {  	v9 =	vmov s9  }
0x19e: {  	v9 =	vand.u32 $0x7F, v9  }
0x19f: {  	v9 =	vbroadcast v9, $0x0;
	_ =	sdelay $0x1  }
0x1a0: {  	v9 =	vor.u32 v0, v9;
	_ =	sdelay $0x3  }
0x1a1: {  	s25 =	simm.s32 $0x1  }
0x1a2: {  	v11 =	vmov s25;
	s25 =	simm.s32 $0x2;
	v10 =	vld.idx.msk [tilespmem:v9+s14+$0x0], $0xffff  }
.LBB2_38:
0x1a3: {  	p1 =	sne.s32 s25, $0x7F;
	v11 =	vand.u32 $0x7F, v11  }
0x1a4: {  	v11 =	vbroadcast v11, $0x0;
	_ =	sdelay $0x1  }
0x1a5: {  	v12 =	vor.u32 v0, v11  }
.Ltmp23:
0x1a6: {  	(pc) =	sbr.rel @p1 .LBB2_38-.Ltmp23, $3  }
0x1a7: {  	v10 =	vmul.f32 v10, v8;
	_ =	sdelay $0x1  }
0x1a8: {  	[tilespmem:v9+s14+$0x0] =	vst.idx.msk vm0, v10;
	v9 =	vmov v12  }
0x1a9: {  	v11 =	vmov s25;
	s25 =	sadd.s32 $0x1, s25;
	v10 =	vld.idx.msk [tilespmem:v12+s14+$0x0], $0xffff  }
0x1aa: {  	v11 =	vand.u32 $0x7F, v11  }
0x1ab: {  	v11 =	vbroadcast v11, $0x0;
	_ =	sdelay $0x1  }
0x1ac: {  	v11 =	vor.u32 v0, v11;
	_ =	sdelay $0x1  }
0x1ad: {  	v10 =	vmul.f32 v10, v8;
	_ =	sdelay $0x1  }
0x1ae: {  	[tilespmem:v9+s14+$0x0] =	vst.idx.msk vm0, v10  }
0x1af: {  	v9 =	vld.idx.msk [tilespmem:v11+s14+$0x0], $0xffff;
	_ =	sdelay $0x4  }
0x1b0: {  	v8 =	vmul.f32 v9, v8;
	_ =	sdelay $0x1  }
0x1b1: {  	[tilespmem:v11+s14+$0x0] =	vst.idx.msk vm0, v8  }
.LBB2_40:
0x1b2: {  	v8 =	vld [tilespmem:s6+$0x10]  }
0x1b3: {  	v9 =	vld [tilespmem:s6+$0x1910];
	_ =	sdelay $0x3  }
0x1b4: {  	vm0 =	veq.s32 v8, $0x0  }
0x1b5: {  	v8 =	vsel vm0, $0x0, v9  }
0x1b6: {  	vm0 =	vlt.f32 v8, $1.000000000e+00;
	vm1 =	vgt.f32 v8, $1.000000000e+00  }
0x1b7: {  	vm0 =	vmor vm1, vm0  }
0x1b8: {  	v9 =	vmpcnt.ones.xlane vm0;
	_ =	sdelay $0x1  }
0x1b9: {  	(v2sf) =	vpush v9, $0x0;
	_ =	sdelay $0xe  }
0x1ba: {  	s25 =	spop (v2sf)  }
0x1bb: {  	p1 =	slt.s32 s25, $0x1  }
.Ltmp24:
0x1bc: {  	_ = 	snop;
	(pc) =	sbr.rel @p1 .LBB2_44-.Ltmp24, $1  }
0x1bd: {  	_ =	sdelay $0x3  }
0x1be: {  	v9 =	vmov s9  }
0x1bf: {  	v9 =	vand.u32 $0x7F, v9  }
0x1c0: {  	v9 =	vbroadcast v9, $0x0;
	_ =	sdelay $0x1  }
0x1c1: {  	v9 =	vor.u32 v1, v9;
	_ =	sdelay $0x3  }
0x1c2: {  	s25 =	simm.s32 $0x1  }
0x1c3: {  	s9 =	simm.s32 $0x2;
	v11 =	vmov s25;
	v10 =	vld.idx.msk [tilespmem:v9+s14+$0x0], $0xffff  }
.LBB2_42:
0x1c4: {  	p1 =	sne.s32 s9, $0x7F;
	v11 =	vand.u32 $0x7F, v11  }
0x1c5: {  	v11 =	vbroadcast v11, $0x0;
	_ =	sdelay $0x1  }
0x1c6: {  	v12 =	vor.u32 v1, v11  }
.Ltmp25:
0x1c7: {  	(pc) =	sbr.rel @p1 .LBB2_42-.Ltmp25, $3  }
0x1c8: {  	v10 =	vmul.f32 v10, v8;
	_ =	sdelay $0x1  }
0x1c9: {  	[tilespmem:v9+s14+$0x0] =	vst.idx.msk vm0, v10;
	v9 =	vmov v12  }
0x1ca: {  	v11 =	vmov s9;
	s9 =	sadd.s32 $0x1, s9;
	v10 =	vld.idx.msk [tilespmem:v12+s14+$0x0], $0xffff  }
0x1cb: {  	v11 =	vand.u32 $0x7F, v11  }
0x1cc: {  	v11 =	vbroadcast v11, $0x0;
	_ =	sdelay $0x1  }
0x1cd: {  	v11 =	vor.u32 v1, v11;
	_ =	sdelay $0x1  }
0x1ce: {  	v10 =	vmul.f32 v10, v8;
	_ =	sdelay $0x1  }
0x1cf: {  	[tilespmem:v9+s14+$0x0] =	vst.idx.msk vm0, v10  }
0x1d0: {  	v9 =	vld.idx.msk [tilespmem:v11+s14+$0x0], $0xffff;
	_ =	sdelay $0x4  }
0x1d1: {  	v8 =	vmul.f32 v9, v8;
	_ =	sdelay $0x1  }
0x1d2: {  	[tilespmem:v11+s14+$0x0] =	vst.idx.msk vm0, v8  }
.LBB2_44:
0x1d3: {  	v8 =	vld [tilespmem:s6+$0x20]  }
0x1d4: {  	v9 =	vld [tilespmem:s6+$0x1920];
	_ =	sdelay $0x3  }
0x1d5: {  	vm0 =	veq.s32 v8, $0x0  }
0x1d6: {  	v8 =	vsel vm0, $0x0, v9  }
0x1d7: {  	vm0 =	vlt.f32 v8, $1.000000000e+00;
	vm1 =	vgt.f32 v8, $1.000000000e+00  }
0x1d8: {  	vm0 =	vmor vm1, vm0  }
0x1d9: {  	v9 =	vmpcnt.ones.xlane vm0;
	_ =	sdelay $0x1  }
0x1da: {  	(v2sf) =	vpush v9, $0x0;
	_ =	sdelay $0xe  }
0x1db: {  	s9 =	spop (v2sf)  }
0x1dc: {  	p1 =	slt.s32 s9, $0x1  }
.Ltmp26:
0x1dd: {  	_ = 	snop;
	(pc) =	sbr.rel @p1 .LBB2_48-.Ltmp26, $2  }
0x1de: {  	_ =	sdelay $0x2  }
0x1df: {  	s9 =	simm.s32 $0x0  }
0x1e0: {  	v9 =	vmov s9  }
0x1e1: {  	v9 =	vand.u32 $0x7F, v9  }
0x1e2: {  	v9 =	vbroadcast v9, $0x0;
	_ =	sdelay $0x1  }
0x1e3: {  	v9 =	vor.u32 v2, v9;
	_ =	sdelay $0x3  }
0x1e4: {  	s25 =	simm.s32 $0x1  }
0x1e5: {  	v11 =	vmov s25;
	s25 =	simm.s32 $0x2;
	v10 =	vld.idx.msk [tilespmem:v9+s14+$0x0], $0xffff  }
.LBB2_46:
0x1e6: {  	p1 =	sne.s32 s25, $0x7F;
	v11 =	vand.u32 $0x7F, v11  }
0x1e7: {  	v11 =	vbroadcast v11, $0x0;
	_ =	sdelay $0x1  }
0x1e8: {  	v12 =	vor.u32 v2, v11  }
.Ltmp27:
0x1e9: {  	(pc) =	sbr.rel @p1 .LBB2_46-.Ltmp27, $3  }
0x1ea: {  	v10 =	vmul.f32 v10, v8;
	_ =	sdelay $0x1  }
0x1eb: {  	[tilespmem:v9+s14+$0x0] =	vst.idx.msk vm0, v10;
	v9 =	vmov v12  }
0x1ec: {  	v11 =	vmov s25;
	s25 =	sadd.s32 $0x1, s25;
	v10 =	vld.idx.msk [tilespmem:v12+s14+$0x0], $0xffff  }
0x1ed: {  	v11 =	vand.u32 $0x7F, v11  }
0x1ee: {  	v11 =	vbroadcast v11, $0x0;
	_ =	sdelay $0x1  }
0x1ef: {  	v11 =	vor.u32 v2, v11;
	_ =	sdelay $0x1  }
0x1f0: {  	v10 =	vmul.f32 v10, v8;
	_ =	sdelay $0x1  }
0x1f1: {  	[tilespmem:v9+s14+$0x0] =	vst.idx.msk vm0, v10  }
0x1f2: {  	v9 =	vld.idx.msk [tilespmem:v11+s14+$0x0], $0xffff;
	_ =	sdelay $0x4  }
0x1f3: {  	v8 =	vmul.f32 v9, v8;
	_ =	sdelay $0x1  }
0x1f4: {  	[tilespmem:v11+s14+$0x0] =	vst.idx.msk vm0, v8  }
.LBB2_48:
0x1f5: {  	v8 =	vld [tilespmem:s6+$0x30]  }
0x1f6: {  	v9 =	vld [tilespmem:s6+$0x1930];
	_ =	sdelay $0x3  }
0x1f7: {  	vm0 =	veq.s32 v8, $0x0  }
0x1f8: {  	v8 =	vsel vm0, $0x0, v9  }
0x1f9: {  	vm0 =	vlt.f32 v8, $1.000000000e+00;
	vm1 =	vgt.f32 v8, $1.000000000e+00  }
0x1fa: {  	vm0 =	vmor vm1, vm0  }
0x1fb: {  	v9 =	vmpcnt.ones.xlane vm0;
	_ =	sdelay $0x1  }
0x1fc: {  	(v2sf) =	vpush v9, $0x0;
	_ =	sdelay $0xe  }
0x1fd: {  	s25 =	spop (v2sf)  }
0x1fe: {  	p1 =	slt.s32 s25, $0x1  }
.Ltmp28:
0x1ff: {  	_ = 	snop;
	(pc) =	sbr.rel @p1 .LBB2_52-.Ltmp28, $1  }
0x200: {  	_ =	sdelay $0x3  }
0x201: {  	v9 =	vmov s9  }
0x202: {  	v9 =	vand.u32 $0x7F, v9  }
0x203: {  	v9 =	vbroadcast v9, $0x0;
	_ =	sdelay $0x1  }
0x204: {  	v9 =	vor.u32 v3, v9;
	_ =	sdelay $0x3  }
0x205: {  	s25 =	simm.s32 $0x1  }
0x206: {  	s9 =	simm.s32 $0x2;
	v11 =	vmov s25;
	v10 =	vld.idx.msk [tilespmem:v9+s14+$0x0], $0xffff  }
.LBB2_50:
0x207: {  	p1 =	sne.s32 s9, $0x7F;
	v11 =	vand.u32 $0x7F, v11  }
0x208: {  	v11 =	vbroadcast v11, $0x0;
	_ =	sdelay $0x1  }
0x209: {  	v12 =	vor.u32 v3, v11  }
.Ltmp29:
0x20a: {  	(pc) =	sbr.rel @p1 .LBB2_50-.Ltmp29, $3  }
0x20b: {  	v10 =	vmul.f32 v10, v8;
	_ =	sdelay $0x1  }
0x20c: {  	[tilespmem:v9+s14+$0x0] =	vst.idx.msk vm0, v10;
	v9 =	vmov v12  }
0x20d: {  	v11 =	vmov s9;
	s9 =	sadd.s32 $0x1, s9;
	v10 =	vld.idx.msk [tilespmem:v12+s14+$0x0], $0xffff  }
0x20e: {  	v11 =	vand.u32 $0x7F, v11  }
0x20f: {  	v11 =	vbroadcast v11, $0x0;
	_ =	sdelay $0x1  }
0x210: {  	v11 =	vor.u32 v3, v11;
	_ =	sdelay $0x1  }
0x211: {  	v10 =	vmul.f32 v10, v8;
	_ =	sdelay $0x1  }
0x212: {  	[tilespmem:v9+s14+$0x0] =	vst.idx.msk vm0, v10  }
0x213: {  	v9 =	vld.idx.msk [tilespmem:v11+s14+$0x0], $0xffff;
	_ =	sdelay $0x4  }
0x214: {  	v8 =	vmul.f32 v9, v8;
	_ =	sdelay $0x1  }
0x215: {  	[tilespmem:v11+s14+$0x0] =	vst.idx.msk vm0, v8  }
.LBB2_52:
0x216: {  	v8 =	vld [tilespmem:s6+$0x40]  }
0x217: {  	v9 =	vld [tilespmem:s6+$0x1940];
	_ =	sdelay $0x3  }
0x218: {  	vm0 =	veq.s32 v8, $0x0  }
0x219: {  	v8 =	vsel vm0, $0x0, v9  }
0x21a: {  	vm0 =	vlt.f32 v8, $1.000000000e+00;
	vm1 =	vgt.f32 v8, $1.000000000e+00  }
0x21b: {  	vm0 =	vmor vm1, vm0  }
0x21c: {  	v9 =	vmpcnt.ones.xlane vm0;
	_ =	sdelay $0x1  }
0x21d: {  	(v2sf) =	vpush v9, $0x0;
	_ =	sdelay $0xe  }
0x21e: {  	s9 =	spop (v2sf)  }
0x21f: {  	p1 =	slt.s32 s9, $0x1  }
.Ltmp30:
0x220: {  	_ = 	snop;
	(pc) =	sbr.rel @p1 .LBB2_56-.Ltmp30, $2  }
0x221: {  	_ =	sdelay $0x2  }
0x222: {  	s9 =	simm.s32 $0x0  }
0x223: {  	v9 =	vmov s9  }
0x224: {  	v9 =	vand.u32 $0x7F, v9  }
0x225: {  	v9 =	vbroadcast v9, $0x0;
	_ =	sdelay $0x1  }
0x226: {  	v9 =	vor.u32 v4, v9;
	_ =	sdelay $0x3  }
0x227: {  	s25 =	simm.s32 $0x1  }
0x228: {  	v11 =	vmov s25;
	s25 =	simm.s32 $0x2;
	v10 =	vld.idx.msk [tilespmem:v9+s14+$0x0], $0xffff  }
.LBB2_54:
0x229: {  	p1 =	sne.s32 s25, $0x7F;
	v11 =	vand.u32 $0x7F, v11  }
0x22a: {  	v11 =	vbroadcast v11, $0x0;
	_ =	sdelay $0x1  }
0x22b: {  	v12 =	vor.u32 v4, v11  }
.Ltmp31:
0x22c: {  	(pc) =	sbr.rel @p1 .LBB2_54-.Ltmp31, $3  }
0x22d: {  	v10 =	vmul.f32 v10, v8;
	_ =	sdelay $0x1  }
0x22e: {  	[tilespmem:v9+s14+$0x0] =	vst.idx.msk vm0, v10;
	v9 =	vmov v12  }
0x22f: {  	v11 =	vmov s25;
	s25 =	sadd.s32 $0x1, s25;
	v10 =	vld.idx.msk [tilespmem:v12+s14+$0x0], $0xffff  }
0x230: {  	v11 =	vand.u32 $0x7F, v11  }
0x231: {  	v11 =	vbroadcast v11, $0x0;
	_ =	sdelay $0x1  }
0x232: {  	v11 =	vor.u32 v4, v11;
	_ =	sdelay $0x1  }
0x233: {  	v10 =	vmul.f32 v10, v8;
	_ =	sdelay $0x1  }
0x234: {  	[tilespmem:v9+s14+$0x0] =	vst.idx.msk vm0, v10  }
0x235: {  	v9 =	vld.idx.msk [tilespmem:v11+s14+$0x0], $0xffff;
	_ =	sdelay $0x4  }
0x236: {  	v8 =	vmul.f32 v9, v8;
	_ =	sdelay $0x1  }
0x237: {  	[tilespmem:v11+s14+$0x0] =	vst.idx.msk vm0, v8  }
.LBB2_56:
0x238: {  	v8 =	vld [tilespmem:s6+$0x50]  }
0x239: {  	v9 =	vld [tilespmem:s6+$0x1950];
	_ =	sdelay $0x3  }
0x23a: {  	vm0 =	veq.s32 v8, $0x0  }
0x23b: {  	v8 =	vsel vm0, $0x0, v9  }
0x23c: {  	vm0 =	vlt.f32 v8, $1.000000000e+00;
	vm1 =	vgt.f32 v8, $1.000000000e+00  }
0x23d: {  	vm0 =	vmor vm1, vm0  }
0x23e: {  	v9 =	vmpcnt.ones.xlane vm0;
	_ =	sdelay $0x1  }
0x23f: {  	(v2sf) =	vpush v9, $0x0;
	_ =	sdelay $0xe  }
0x240: {  	s25 =	spop (v2sf)  }
0x241: {  	p1 =	slt.s32 s25, $0x1  }
.Ltmp32:
0x242: {  	_ = 	snop;
	(pc) =	sbr.rel @p1 .LBB2_60-.Ltmp32, $1  }
0x243: {  	_ =	sdelay $0x3  }
0x244: {  	v9 =	vmov s9  }
0x245: {  	v9 =	vand.u32 $0x7F, v9  }
0x246: {  	v9 =	vbroadcast v9, $0x0;
	_ =	sdelay $0x1  }
0x247: {  	v9 =	vor.u32 v5, v9;
	_ =	sdelay $0x3  }
0x248: {  	s25 =	simm.s32 $0x1  }
0x249: {  	s9 =	simm.s32 $0x2;
	v11 =	vmov s25;
	v10 =	vld.idx.msk [tilespmem:v9+s14+$0x0], $0xffff  }
.LBB2_58:
0x24a: {  	p1 =	sne.s32 s9, $0x7F;
	v11 =	vand.u32 $0x7F, v11  }
0x24b: {  	v11 =	vbroadcast v11, $0x0;
	_ =	sdelay $0x1  }
0x24c: {  	v12 =	vor.u32 v5, v11  }
.Ltmp33:
0x24d: {  	(pc) =	sbr.rel @p1 .LBB2_58-.Ltmp33, $3  }
0x24e: {  	v10 =	vmul.f32 v10, v8;
	_ =	sdelay $0x1  }
0x24f: {  	[tilespmem:v9+s14+$0x0] =	vst.idx.msk vm0, v10;
	v9 =	vmov v12  }
0x250: {  	v11 =	vmov s9;
	s9 =	sadd.s32 $0x1, s9;
	v10 =	vld.idx.msk [tilespmem:v12+s14+$0x0], $0xffff  }
0x251: {  	v11 =	vand.u32 $0x7F, v11  }
0x252: {  	v11 =	vbroadcast v11, $0x0;
	_ =	sdelay $0x1  }
0x253: {  	v11 =	vor.u32 v5, v11;
	_ =	sdelay $0x1  }
0x254: {  	v10 =	vmul.f32 v10, v8;
	_ =	sdelay $0x1  }
0x255: {  	[tilespmem:v9+s14+$0x0] =	vst.idx.msk vm0, v10  }
0x256: {  	v9 =	vld.idx.msk [tilespmem:v11+s14+$0x0], $0xffff;
	_ =	sdelay $0x4  }
0x257: {  	v8 =	vmul.f32 v9, v8;
	_ =	sdelay $0x1  }
0x258: {  	[tilespmem:v11+s14+$0x0] =	vst.idx.msk vm0, v8  }
.LBB2_60:
0x259: {  	v8 =	vld [tilespmem:s6+$0x60]  }
0x25a: {  	v9 =	vld [tilespmem:s6+$0x1960];
	_ =	sdelay $0x3  }
0x25b: {  	vm0 =	veq.s32 v8, $0x0  }
0x25c: {  	v8 =	vsel vm0, $0x0, v9  }
0x25d: {  	vm0 =	vlt.f32 v8, $1.000000000e+00;
	vm1 =	vgt.f32 v8, $1.000000000e+00  }
0x25e: {  	vm0 =	vmor vm1, vm0  }
0x25f: {  	v9 =	vmpcnt.ones.xlane vm0;
	_ =	sdelay $0x1  }
0x260: {  	(v2sf) =	vpush v9, $0x0;
	_ =	sdelay $0xe  }
0x261: {  	s9 =	spop (v2sf)  }
0x262: {  	p1 =	slt.s32 s9, $0x1  }
.Ltmp34:
0x263: {  	_ = 	snop;
	(pc) =	sbr.rel @p1 .LBB2_64-.Ltmp34, $2  }
0x264: {  	_ =	sdelay $0x2  }
0x265: {  	s9 =	simm.s32 $0x0  }
0x266: {  	v9 =	vmov s9  }
0x267: {  	v9 =	vand.u32 $0x7F, v9  }
0x268: {  	v9 =	vbroadcast v9, $0x0;
	_ =	sdelay $0x1  }
0x269: {  	v9 =	vor.u32 v6, v9;
	_ =	sdelay $0x3  }
0x26a: {  	s25 =	simm.s32 $0x1  }
0x26b: {  	v11 =	vmov s25;
	s25 =	simm.s32 $0x2;
	v10 =	vld.idx.msk [tilespmem:v9+s14+$0x0], $0xffff  }
.LBB2_62:
0x26c: {  	p1 =	sne.s32 s25, $0x7F;
	v11 =	vand.u32 $0x7F, v11  }
0x26d: {  	v11 =	vbroadcast v11, $0x0;
	_ =	sdelay $0x1  }
0x26e: {  	v12 =	vor.u32 v6, v11  }
.Ltmp35:
0x26f: {  	(pc) =	sbr.rel @p1 .LBB2_62-.Ltmp35, $3  }
0x270: {  	v10 =	vmul.f32 v10, v8;
	_ =	sdelay $0x1  }
0x271: {  	[tilespmem:v9+s14+$0x0] =	vst.idx.msk vm0, v10;
	v9 =	vmov v12  }
0x272: {  	v11 =	vmov s25;
	s25 =	sadd.s32 $0x1, s25;
	v10 =	vld.idx.msk [tilespmem:v12+s14+$0x0], $0xffff  }
0x273: {  	v11 =	vand.u32 $0x7F, v11  }
0x274: {  	v11 =	vbroadcast v11, $0x0;
	_ =	sdelay $0x1  }
0x275: {  	v11 =	vor.u32 v6, v11;
	_ =	sdelay $0x1  }
0x276: {  	v10 =	vmul.f32 v10, v8;
	_ =	sdelay $0x1  }
0x277: {  	[tilespmem:v9+s14+$0x0] =	vst.idx.msk vm0, v10  }
0x278: {  	v9 =	vld.idx.msk [tilespmem:v11+s14+$0x0], $0xffff;
	_ =	sdelay $0x4  }
0x279: {  	v8 =	vmul.f32 v9, v8;
	_ =	sdelay $0x1  }
0x27a: {  	[tilespmem:v11+s14+$0x0] =	vst.idx.msk vm0, v8  }
.LBB2_64:
0x27b: {  	v8 =	vld [tilespmem:s6+$0x70]  }
0x27c: {  	v9 =	vld [tilespmem:s6+$0x1970];
	_ =	sdelay $0x3  }
0x27d: {  	vm0 =	veq.s32 v8, $0x0  }
0x27e: {  	v8 =	vsel vm0, $0x0, v9  }
0x27f: {  	vm0 =	vlt.f32 v8, $1.000000000e+00;
	vm1 =	vgt.f32 v8, $1.000000000e+00  }
0x280: {  	vm0 =	vmor vm1, vm0  }
0x281: {  	v9 =	vmpcnt.ones.xlane vm0;
	_ =	sdelay $0x1  }
0x282: {  	(v2sf) =	vpush v9, $0x0;
	_ =	sdelay $0xe  }
0x283: {  	s25 =	spop (v2sf)  }
0x284: {  	p1 =	slt.s32 s25, $0x1  }
.Ltmp36:
0x285: {  	_ = 	snop;
	(pc) =	sbr.rel @p1 .LBB2_68-.Ltmp36, $1  }
0x286: {  	_ =	sdelay $0x3  }
0x287: {  	v9 =	vmov s9  }
0x288: {  	v9 =	vand.u32 $0x7F, v9  }
0x289: {  	v9 =	vbroadcast v9, $0x0;
	_ =	sdelay $0x1  }
0x28a: {  	v9 =	vor.u32 v7, v9;
	_ =	sdelay $0x3  }
0x28b: {  	s25 =	simm.s32 $0x1  }
0x28c: {  	s9 =	simm.s32 $0x2;
	v11 =	vmov s25;
	v10 =	vld.idx.msk [tilespmem:v9+s14+$0x0], $0xffff  }
.LBB2_66:
0x28d: {  	p1 =	sne.s32 s9, $0x7F;
	v11 =	vand.u32 $0x7F, v11  }
0x28e: {  	v11 =	vbroadcast v11, $0x0;
	_ =	sdelay $0x1  }
0x28f: {  	v12 =	vor.u32 v7, v11  }
.Ltmp37:
0x290: {  	(pc) =	sbr.rel @p1 .LBB2_66-.Ltmp37, $3  }
0x291: {  	v10 =	vmul.f32 v10, v8;
	_ =	sdelay $0x1  }
0x292: {  	[tilespmem:v9+s14+$0x0] =	vst.idx.msk vm0, v10;
	v9 =	vmov v12  }
0x293: {  	v11 =	vmov s9;
	s9 =	sadd.s32 $0x1, s9;
	v10 =	vld.idx.msk [tilespmem:v12+s14+$0x0], $0xffff  }
0x294: {  	v11 =	vand.u32 $0x7F, v11  }
0x295: {  	v11 =	vbroadcast v11, $0x0;
	_ =	sdelay $0x1  }
0x296: {  	v11 =	vor.u32 v7, v11;
	_ =	sdelay $0x1  }
0x297: {  	v10 =	vmul.f32 v10, v8;
	_ =	sdelay $0x1  }
0x298: {  	[tilespmem:v9+s14+$0x0] =	vst.idx.msk vm0, v10  }
0x299: {  	v9 =	vld.idx.msk [tilespmem:v11+s14+$0x0], $0xffff;
	_ =	sdelay $0x4  }
0x29a: {  	v8 =	vmul.f32 v9, v8;
	_ =	sdelay $0x1  }
0x29b: {  	[tilespmem:v11+s14+$0x0] =	vst.idx.msk vm0, v8  }
.LBB2_68:
0x29c: {  	s6 =	sadd.s32 s4, s6  }
0x29d: {  	s6 =	sshll.u32 s6, $0x4  }
0x29e: {  	s6 =	sadd.s32 s3, s6  }
0x29f: {  	[hbm4b:s6+s5] =	stream.linear.scatter [tilespmem:s14], [sflag:$0x7], $0x4000, $0x38;
	[tilespmem:$0x17200] =	vst v63  }
0x2a0: {  	s6 =	simm.s32 @!p0 $0x7  }
0x2a1: {  	_ =	swait.ge @!p0 [sflag:s6], $0x4000  }
0x2a2: {  	[sflag:s6] =	ssyncset.done @!p0 $0x0  }
0x2a3: {  	s9 =	simm.s32 @!p0 $0x7200;
	[sflag:s6] =	ssyncadd.s32 @!p0 $0xFFFFC000;
	s6 =	sadd.s32 @!p0 $0x300, s17  }
0x2a4: {  	[tilespmem:s9], [sflag:$0x2] =	stream.indirect.gather @!p0 [hbm4b:s1+s7], $0x80, s6, s7, $0xb8;
	[tilespmem:$0x17200] =	vst v63  }
0x2a5: {  	_ =	swait.ge [sflag:s22], $0x4000  }
0x2a6: {  	s6 =	sadd.s32 $0x2, s15;
	[sflag:s22] =	ssyncset.done $0x0  }
0x2a7: {  	s7 =	sshll.u32 s6, $0x7;
	[sflag:s22] =	ssyncadd.s32 $0xFFFFC000  }
0x2a8: {  	v8 =	vld [tilespmem:s7+$0x0]  }
0x2a9: {  	v9 =	vld [tilespmem:s7+$0x1900]  }
0x2aa: {  	v10 =	vld [tilespmem:s7+$0x10]  }
0x2ab: {  	v11 =	vld [tilespmem:s7+$0x1910]  }
0x2ac: {  	v12 =	vld [tilespmem:s7+$0x1920]  }
0x2ad: {  	v13 =	vld [tilespmem:s7+$0x20]  }
0x2ae: {  	v14 =	vld [tilespmem:s7+$0x1930]  }
0x2af: {  	v61 =	vld [tilespmem:s7+$0x1950]  }
0x2b0: {  	vm0 =	veq.s32 v8, $0x0;
	vm1 =	veq.s32 v10, $0x0;
	v10 =	vld [tilespmem:s7+$0x30]  }
0x2b1: {  	vm2 =	vgt.f32 v11, $1.000000000e+00;
	v8 =	vsel vm0, $0x0, v9;
	vm0 =	vlt.f32 v11, $1.000000000e+00;
	v9 =	vld [tilespmem:s7+$0x1940]  }
0x2b2: {  	vm3 =	vgt.f32 v12, $1.000000000e+00;
	v11 =	vld [tilespmem:s7+$0x40];
	vm0 =	vmor vm2, vm0;
	vm2 =	vlt.f32 v12, $1.000000000e+00  }
0x2b3: {  	v62 =	vld [tilespmem:s7+$0x50];
	vm0 =	vmor vm1, vm0;
	vm1 =	veq.s32 v13, $0x0;
	vm2 =	vmor vm3, vm2  }
0x2b4: {  	v63 =	vld [tilespmem:s7+$0x70];
	vm3 =	vgt.f32 v14, $1.000000000e+00;
	vm1 =	vmor vm1, vm2;
	vm2 =	vlt.f32 v14, $1.000000000e+00  }
0x2b5: {  	vm0 =	vmor vm0, vm1;
	vm1 =	veq.s32 v10, $0x0;
	vm2 =	vmor vm3, vm2;
	v10 =	vld [tilespmem:s7+$0x1960]  }
0x2b6: {  	vm1 =	vmor vm1, vm2;
	vm2 =	vlt.f32 v9, $1.000000000e+00;
	vm3 =	vgt.f32 v9, $1.000000000e+00;
	v9 =	vld [tilespmem:s7+$0x60]  }
0x2b7: {  	vm0 =	vmor vm0, vm1;
	vm1 =	veq.s32 v11, $0x0;
	vm2 =	vmor vm3, vm2;
	v11 =	vld [tilespmem:s7+$0x1970]  }
0x2b8: {  	vm3 =	vgt.f32 v61, $1.000000000e+00;
	vm1 =	vmor vm1, vm2;
	vm2 =	vlt.f32 v61, $1.000000000e+00  }
0x2b9: {  	vm4 =	veq.s32 v62, $0x0;
	vm0 =	vmor vm0, vm1;
	vm1 =	vmor vm3, vm2  }
0x2ba: {  	vm15 =	veq.s32 v63, $0x0;
	vm2 =	vlt.f32 v10, $1.000000000e+00;
	vm1 =	vmor vm4, vm1  }
0x2bb: {  	vm3 =	vgt.f32 v10, $1.000000000e+00;
	vm14 =	veq.s32 v9, $0x0;
	vm0 =	vmor vm0, vm1  }
0x2bc: {  	vm1 =	vmor vm3, vm2;
	vm2 =	vlt.f32 v11, $1.000000000e+00;
	vm3 =	vgt.f32 v11, $1.000000000e+00  }
0x2bd: {  	vm1 =	vmor vm14, vm1;
	vm2 =	vmor vm3, vm2;
	vm3 =	vlt.f32 v8, $1.000000000e+00  }
0x2be: {  	vm1 =	vmor vm0, vm1;
	vm0 =	vgt.f32 v8, $1.000000000e+00;
	vm2 =	vmor vm15, vm2  }
0x2bf: {  	vm0 =	vmor vm0, vm3;
	vm1 =	vmor vm1, vm2  }
0x2c0: {  	vm1 =	vmor vm0, vm1  }
0x2c1: {  	v9 =	vmpcnt.ones.xlane vm1;
	_ =	sdelay $0x1  }
0x2c2: {  	(v2sf) =	vpush v9, $0x0;
	_ =	sdelay $0xe  }
0x2c3: {  	s25 =	spop (v2sf)  }
0x2c4: {  	p1 =	slt.s32 s25, $0x1  }
.Ltmp38:
0x2c5: {  	_ = 	snop;
	(pc) =	sbr.rel @p1 .LBB2_101-.Ltmp38, $1  }
0x2c6: {  	_ =	sdelay $0x3  }
0x2c7: {  	v9 =	vmpcnt.ones.xlane vm0;
	_ =	sdelay $0x1  }
0x2c8: {  	(v2sf) =	vpush v9, $0x0;
	_ =	sdelay $0xe  }
0x2c9: {  	s9 =	spop (v2sf)  }
0x2ca: {  	p1 =	slt.s32 s9, $0x1  }
.Ltmp39:
0x2cb: {  	_ = 	snop;
	(pc) =	sbr.rel @p1 .LBB2_73-.Ltmp39, $2  }
0x2cc: {  	_ =	sdelay $0x2  }
0x2cd: {  	s9 =	simm.s32 $0x0  }
0x2ce: {  	v9 =	vmov s9  }
0x2cf: {  	v9 =	vand.u32 $0x7F, v9  }
0x2d0: {  	v9 =	vbroadcast v9, $0x0;
	_ =	sdelay $0x1  }
0x2d1: {  	v9 =	vor.u32 v0, v9;
	_ =	sdelay $0x3  }
0x2d2: {  	s25 =	simm.s32 $0x1  }
0x2d3: {  	v11 =	vmov s25;
	s25 =	simm.s32 $0x2;
	v10 =	vld.idx.msk [tilespmem:v9+s16+$0x0], $0xffff  }
.LBB2_71:
0x2d4: {  	p1 =	sne.s32 s25, $0x7F;
	v11 =	vand.u32 $0x7F, v11  }
0x2d5: {  	v11 =	vbroadcast v11, $0x0;
	_ =	sdelay $0x1  }
0x2d6: {  	v12 =	vor.u32 v0, v11  }
.Ltmp40:
0x2d7: {  	(pc) =	sbr.rel @p1 .LBB2_71-.Ltmp40, $3  }
0x2d8: {  	v10 =	vmul.f32 v10, v8;
	_ =	sdelay $0x1  }
0x2d9: {  	[tilespmem:v9+s16+$0x0] =	vst.idx.msk vm0, v10;
	v9 =	vmov v12  }
0x2da: {  	v11 =	vmov s25;
	s25 =	sadd.s32 $0x1, s25;
	v10 =	vld.idx.msk [tilespmem:v12+s16+$0x0], $0xffff  }
0x2db: {  	v11 =	vand.u32 $0x7F, v11  }
0x2dc: {  	v11 =	vbroadcast v11, $0x0;
	_ =	sdelay $0x1  }
0x2dd: {  	v11 =	vor.u32 v0, v11;
	_ =	sdelay $0x1  }
0x2de: {  	v10 =	vmul.f32 v10, v8;
	_ =	sdelay $0x1  }
0x2df: {  	[tilespmem:v9+s16+$0x0] =	vst.idx.msk vm0, v10  }
0x2e0: {  	v9 =	vld.idx.msk [tilespmem:v11+s16+$0x0], $0xffff;
	_ =	sdelay $0x4  }
0x2e1: {  	v8 =	vmul.f32 v9, v8;
	_ =	sdelay $0x1  }
0x2e2: {  	[tilespmem:v11+s16+$0x0] =	vst.idx.msk vm0, v8  }
.LBB2_73:
0x2e3: {  	v8 =	vld [tilespmem:s7+$0x10]  }
0x2e4: {  	v9 =	vld [tilespmem:s7+$0x1910];
	_ =	sdelay $0x3  }
0x2e5: {  	vm0 =	veq.s32 v8, $0x0  }
0x2e6: {  	v8 =	vsel vm0, $0x0, v9  }
0x2e7: {  	vm0 =	vlt.f32 v8, $1.000000000e+00;
	vm1 =	vgt.f32 v8, $1.000000000e+00  }
0x2e8: {  	vm0 =	vmor vm1, vm0  }
0x2e9: {  	v9 =	vmpcnt.ones.xlane vm0;
	_ =	sdelay $0x1  }
0x2ea: {  	(v2sf) =	vpush v9, $0x0;
	_ =	sdelay $0xe  }
0x2eb: {  	s25 =	spop (v2sf)  }
0x2ec: {  	p1 =	slt.s32 s25, $0x1  }
.Ltmp41:
0x2ed: {  	_ = 	snop;
	(pc) =	sbr.rel @p1 .LBB2_77-.Ltmp41, $1  }
0x2ee: {  	_ =	sdelay $0x3  }
0x2ef: {  	v9 =	vmov s9  }
0x2f0: {  	v9 =	vand.u32 $0x7F, v9  }
0x2f1: {  	v9 =	vbroadcast v9, $0x0;
	_ =	sdelay $0x1  }
0x2f2: {  	v9 =	vor.u32 v1, v9;
	_ =	sdelay $0x3  }
0x2f3: {  	s25 =	simm.s32 $0x1  }
0x2f4: {  	s9 =	simm.s32 $0x2;
	v11 =	vmov s25;
	v10 =	vld.idx.msk [tilespmem:v9+s16+$0x0], $0xffff  }
.LBB2_75:
0x2f5: {  	p1 =	sne.s32 s9, $0x7F;
	v11 =	vand.u32 $0x7F, v11  }
0x2f6: {  	v11 =	vbroadcast v11, $0x0;
	_ =	sdelay $0x1  }
0x2f7: {  	v12 =	vor.u32 v1, v11  }
.Ltmp42:
0x2f8: {  	(pc) =	sbr.rel @p1 .LBB2_75-.Ltmp42, $3  }
0x2f9: {  	v10 =	vmul.f32 v10, v8;
	_ =	sdelay $0x1  }
0x2fa: {  	[tilespmem:v9+s16+$0x0] =	vst.idx.msk vm0, v10;
	v9 =	vmov v12  }
0x2fb: {  	v11 =	vmov s9;
	s9 =	sadd.s32 $0x1, s9;
	v10 =	vld.idx.msk [tilespmem:v12+s16+$0x0], $0xffff  }
0x2fc: {  	v11 =	vand.u32 $0x7F, v11  }
0x2fd: {  	v11 =	vbroadcast v11, $0x0;
	_ =	sdelay $0x1  }
0x2fe: {  	v11 =	vor.u32 v1, v11;
	_ =	sdelay $0x1  }
0x2ff: {  	v10 =	vmul.f32 v10, v8;
	_ =	sdelay $0x1  }
0x300: {  	[tilespmem:v9+s16+$0x0] =	vst.idx.msk vm0, v10  }
0x301: {  	v9 =	vld.idx.msk [tilespmem:v11+s16+$0x0], $0xffff;
	_ =	sdelay $0x4  }
0x302: {  	v8 =	vmul.f32 v9, v8;
	_ =	sdelay $0x1  }
0x303: {  	[tilespmem:v11+s16+$0x0] =	vst.idx.msk vm0, v8  }
.LBB2_77:
0x304: {  	v8 =	vld [tilespmem:s7+$0x20]  }
0x305: {  	v9 =	vld [tilespmem:s7+$0x1920];
	_ =	sdelay $0x3  }
0x306: {  	vm0 =	veq.s32 v8, $0x0  }
0x307: {  	v8 =	vsel vm0, $0x0, v9  }
0x308: {  	vm0 =	vlt.f32 v8, $1.000000000e+00;
	vm1 =	vgt.f32 v8, $1.000000000e+00  }
0x309: {  	vm0 =	vmor vm1, vm0  }
0x30a: {  	v9 =	vmpcnt.ones.xlane vm0;
	_ =	sdelay $0x1  }
0x30b: {  	(v2sf) =	vpush v9, $0x0;
	_ =	sdelay $0xe  }
0x30c: {  	s9 =	spop (v2sf)  }
0x30d: {  	p1 =	slt.s32 s9, $0x1  }
.Ltmp43:
0x30e: {  	_ = 	snop;
	(pc) =	sbr.rel @p1 .LBB2_81-.Ltmp43, $2  }
0x30f: {  	_ =	sdelay $0x2  }
0x310: {  	s9 =	simm.s32 $0x0  }
0x311: {  	v9 =	vmov s9  }
0x312: {  	v9 =	vand.u32 $0x7F, v9  }
0x313: {  	v9 =	vbroadcast v9, $0x0;
	_ =	sdelay $0x1  }
0x314: {  	v9 =	vor.u32 v2, v9;
	_ =	sdelay $0x3  }
0x315: {  	s25 =	simm.s32 $0x1  }
0x316: {  	v11 =	vmov s25;
	s25 =	simm.s32 $0x2;
	v10 =	vld.idx.msk [tilespmem:v9+s16+$0x0], $0xffff  }
.LBB2_79:
0x317: {  	p1 =	sne.s32 s25, $0x7F;
	v11 =	vand.u32 $0x7F, v11  }
0x318: {  	v11 =	vbroadcast v11, $0x0;
	_ =	sdelay $0x1  }
0x319: {  	v12 =	vor.u32 v2, v11  }
.Ltmp44:
0x31a: {  	(pc) =	sbr.rel @p1 .LBB2_79-.Ltmp44, $3  }
0x31b: {  	v10 =	vmul.f32 v10, v8;
	_ =	sdelay $0x1  }
0x31c: {  	[tilespmem:v9+s16+$0x0] =	vst.idx.msk vm0, v10;
	v9 =	vmov v12  }
0x31d: {  	v11 =	vmov s25;
	s25 =	sadd.s32 $0x1, s25;
	v10 =	vld.idx.msk [tilespmem:v12+s16+$0x0], $0xffff  }
0x31e: {  	v11 =	vand.u32 $0x7F, v11  }
0x31f: {  	v11 =	vbroadcast v11, $0x0;
	_ =	sdelay $0x1  }
0x320: {  	v11 =	vor.u32 v2, v11;
	_ =	sdelay $0x1  }
0x321: {  	v10 =	vmul.f32 v10, v8;
	_ =	sdelay $0x1  }
0x322: {  	[tilespmem:v9+s16+$0x0] =	vst.idx.msk vm0, v10  }
0x323: {  	v9 =	vld.idx.msk [tilespmem:v11+s16+$0x0], $0xffff;
	_ =	sdelay $0x4  }
0x324: {  	v8 =	vmul.f32 v9, v8;
	_ =	sdelay $0x1  }
0x325: {  	[tilespmem:v11+s16+$0x0] =	vst.idx.msk vm0, v8  }
.LBB2_81:
0x326: {  	v8 =	vld [tilespmem:s7+$0x30]  }
0x327: {  	v9 =	vld [tilespmem:s7+$0x1930];
	_ =	sdelay $0x3  }
0x328: {  	vm0 =	veq.s32 v8, $0x0  }
0x329: {  	v8 =	vsel vm0, $0x0, v9  }
0x32a: {  	vm0 =	vlt.f32 v8, $1.000000000e+00;
	vm1 =	vgt.f32 v8, $1.000000000e+00  }
0x32b: {  	vm0 =	vmor vm1, vm0  }
0x32c: {  	v9 =	vmpcnt.ones.xlane vm0;
	_ =	sdelay $0x1  }
0x32d: {  	(v2sf) =	vpush v9, $0x0;
	_ =	sdelay $0xe  }
0x32e: {  	s25 =	spop (v2sf)  }
0x32f: {  	p1 =	slt.s32 s25, $0x1  }
.Ltmp45:
0x330: {  	_ = 	snop;
	(pc) =	sbr.rel @p1 .LBB2_85-.Ltmp45, $1  }
0x331: {  	_ =	sdelay $0x3  }
0x332: {  	v9 =	vmov s9  }
0x333: {  	v9 =	vand.u32 $0x7F, v9  }
0x334: {  	v9 =	vbroadcast v9, $0x0;
	_ =	sdelay $0x1  }
0x335: {  	v9 =	vor.u32 v3, v9;
	_ =	sdelay $0x3  }
0x336: {  	s25 =	simm.s32 $0x1  }
0x337: {  	s9 =	simm.s32 $0x2;
	v11 =	vmov s25;
	v10 =	vld.idx.msk [tilespmem:v9+s16+$0x0], $0xffff  }
.LBB2_83:
0x338: {  	p1 =	sne.s32 s9, $0x7F;
	v11 =	vand.u32 $0x7F, v11  }
0x339: {  	v11 =	vbroadcast v11, $0x0;
	_ =	sdelay $0x1  }
0x33a: {  	v12 =	vor.u32 v3, v11  }
.Ltmp46:
0x33b: {  	(pc) =	sbr.rel @p1 .LBB2_83-.Ltmp46, $3  }
0x33c: {  	v10 =	vmul.f32 v10, v8;
	_ =	sdelay $0x1  }
0x33d: {  	[tilespmem:v9+s16+$0x0] =	vst.idx.msk vm0, v10;
	v9 =	vmov v12  }
0x33e: {  	v11 =	vmov s9;
	s9 =	sadd.s32 $0x1, s9;
	v10 =	vld.idx.msk [tilespmem:v12+s16+$0x0], $0xffff  }
0x33f: {  	v11 =	vand.u32 $0x7F, v11  }
0x340: {  	v11 =	vbroadcast v11, $0x0;
	_ =	sdelay $0x1  }
0x341: {  	v11 =	vor.u32 v3, v11;
	_ =	sdelay $0x1  }
0x342: {  	v10 =	vmul.f32 v10, v8;
	_ =	sdelay $0x1  }
0x343: {  	[tilespmem:v9+s16+$0x0] =	vst.idx.msk vm0, v10  }
0x344: {  	v9 =	vld.idx.msk [tilespmem:v11+s16+$0x0], $0xffff;
	_ =	sdelay $0x4  }
0x345: {  	v8 =	vmul.f32 v9, v8;
	_ =	sdelay $0x1  }
0x346: {  	[tilespmem:v11+s16+$0x0] =	vst.idx.msk vm0, v8  }
.LBB2_85:
0x347: {  	v8 =	vld [tilespmem:s7+$0x40]  }
0x348: {  	v9 =	vld [tilespmem:s7+$0x1940];
	_ =	sdelay $0x3  }
0x349: {  	vm0 =	veq.s32 v8, $0x0  }
0x34a: {  	v8 =	vsel vm0, $0x0, v9  }
0x34b: {  	vm0 =	vlt.f32 v8, $1.000000000e+00;
	vm1 =	vgt.f32 v8, $1.000000000e+00  }
0x34c: {  	vm0 =	vmor vm1, vm0  }
0x34d: {  	v9 =	vmpcnt.ones.xlane vm0;
	_ =	sdelay $0x1  }
0x34e: {  	(v2sf) =	vpush v9, $0x0;
	_ =	sdelay $0xe  }
0x34f: {  	s9 =	spop (v2sf)  }
0x350: {  	p1 =	slt.s32 s9, $0x1  }
.Ltmp47:
0x351: {  	_ = 	snop;
	(pc) =	sbr.rel @p1 .LBB2_89-.Ltmp47, $2  }
0x352: {  	_ =	sdelay $0x2  }
0x353: {  	s9 =	simm.s32 $0x0  }
0x354: {  	v9 =	vmov s9  }
0x355: {  	v9 =	vand.u32 $0x7F, v9  }
0x356: {  	v9 =	vbroadcast v9, $0x0;
	_ =	sdelay $0x1  }
0x357: {  	v9 =	vor.u32 v4, v9;
	_ =	sdelay $0x3  }
0x358: {  	s25 =	simm.s32 $0x1  }
0x359: {  	v11 =	vmov s25;
	s25 =	simm.s32 $0x2;
	v10 =	vld.idx.msk [tilespmem:v9+s16+$0x0], $0xffff  }
.LBB2_87:
0x35a: {  	p1 =	sne.s32 s25, $0x7F;
	v11 =	vand.u32 $0x7F, v11  }
0x35b: {  	v11 =	vbroadcast v11, $0x0;
	_ =	sdelay $0x1  }
0x35c: {  	v12 =	vor.u32 v4, v11  }
.Ltmp48:
0x35d: {  	(pc) =	sbr.rel @p1 .LBB2_87-.Ltmp48, $3  }
0x35e: {  	v10 =	vmul.f32 v10, v8;
	_ =	sdelay $0x1  }
0x35f: {  	[tilespmem:v9+s16+$0x0] =	vst.idx.msk vm0, v10;
	v9 =	vmov v12  }
0x360: {  	v11 =	vmov s25;
	s25 =	sadd.s32 $0x1, s25;
	v10 =	vld.idx.msk [tilespmem:v12+s16+$0x0], $0xffff  }
0x361: {  	v11 =	vand.u32 $0x7F, v11  }
0x362: {  	v11 =	vbroadcast v11, $0x0;
	_ =	sdelay $0x1  }
0x363: {  	v11 =	vor.u32 v4, v11;
	_ =	sdelay $0x1  }
0x364: {  	v10 =	vmul.f32 v10, v8;
	_ =	sdelay $0x1  }
0x365: {  	[tilespmem:v9+s16+$0x0] =	vst.idx.msk vm0, v10  }
0x366: {  	v9 =	vld.idx.msk [tilespmem:v11+s16+$0x0], $0xffff;
	_ =	sdelay $0x4  }
0x367: {  	v8 =	vmul.f32 v9, v8;
	_ =	sdelay $0x1  }
0x368: {  	[tilespmem:v11+s16+$0x0] =	vst.idx.msk vm0, v8  }
.LBB2_89:
0x369: {  	v8 =	vld [tilespmem:s7+$0x50]  }
0x36a: {  	v9 =	vld [tilespmem:s7+$0x1950];
	_ =	sdelay $0x3  }
0x36b: {  	vm0 =	veq.s32 v8, $0x0  }
0x36c: {  	v8 =	vsel vm0, $0x0, v9  }
0x36d: {  	vm0 =	vlt.f32 v8, $1.000000000e+00;
	vm1 =	vgt.f32 v8, $1.000000000e+00  }
0x36e: {  	vm0 =	vmor vm1, vm0  }
0x36f: {  	v9 =	vmpcnt.ones.xlane vm0;
	_ =	sdelay $0x1  }
0x370: {  	(v2sf) =	vpush v9, $0x0;
	_ =	sdelay $0xe  }
0x371: {  	s25 =	spop (v2sf)  }
0x372: {  	p1 =	slt.s32 s25, $0x1  }
.Ltmp49:
0x373: {  	_ = 	snop;
	(pc) =	sbr.rel @p1 .LBB2_93-.Ltmp49, $1  }
0x374: {  	_ =	sdelay $0x3  }
0x375: {  	v9 =	vmov s9  }
0x376: {  	v9 =	vand.u32 $0x7F, v9  }
0x377: {  	v9 =	vbroadcast v9, $0x0;
	_ =	sdelay $0x1  }
0x378: {  	v9 =	vor.u32 v5, v9;
	_ =	sdelay $0x3  }
0x379: {  	s25 =	simm.s32 $0x1  }
0x37a: {  	s9 =	simm.s32 $0x2;
	v11 =	vmov s25;
	v10 =	vld.idx.msk [tilespmem:v9+s16+$0x0], $0xffff  }
.LBB2_91:
0x37b: {  	p1 =	sne.s32 s9, $0x7F;
	v11 =	vand.u32 $0x7F, v11  }
0x37c: {  	v11 =	vbroadcast v11, $0x0;
	_ =	sdelay $0x1  }
0x37d: {  	v12 =	vor.u32 v5, v11  }
.Ltmp50:
0x37e: {  	(pc) =	sbr.rel @p1 .LBB2_91-.Ltmp50, $3  }
0x37f: {  	v10 =	vmul.f32 v10, v8;
	_ =	sdelay $0x1  }
0x380: {  	[tilespmem:v9+s16+$0x0] =	vst.idx.msk vm0, v10;
	v9 =	vmov v12  }
0x381: {  	v11 =	vmov s9;
	s9 =	sadd.s32 $0x1, s9;
	v10 =	vld.idx.msk [tilespmem:v12+s16+$0x0], $0xffff  }
0x382: {  	v11 =	vand.u32 $0x7F, v11  }
0x383: {  	v11 =	vbroadcast v11, $0x0;
	_ =	sdelay $0x1  }
0x384: {  	v11 =	vor.u32 v5, v11;
	_ =	sdelay $0x1  }
0x385: {  	v10 =	vmul.f32 v10, v8;
	_ =	sdelay $0x1  }
0x386: {  	[tilespmem:v9+s16+$0x0] =	vst.idx.msk vm0, v10  }
0x387: {  	v9 =	vld.idx.msk [tilespmem:v11+s16+$0x0], $0xffff;
	_ =	sdelay $0x4  }
0x388: {  	v8 =	vmul.f32 v9, v8;
	_ =	sdelay $0x1  }
0x389: {  	[tilespmem:v11+s16+$0x0] =	vst.idx.msk vm0, v8  }
.LBB2_93:
0x38a: {  	v8 =	vld [tilespmem:s7+$0x60]  }
0x38b: {  	v9 =	vld [tilespmem:s7+$0x1960];
	_ =	sdelay $0x3  }
0x38c: {  	vm0 =	veq.s32 v8, $0x0  }
0x38d: {  	v8 =	vsel vm0, $0x0, v9  }
0x38e: {  	vm0 =	vlt.f32 v8, $1.000000000e+00;
	vm1 =	vgt.f32 v8, $1.000000000e+00  }
0x38f: {  	vm0 =	vmor vm1, vm0  }
0x390: {  	v9 =	vmpcnt.ones.xlane vm0;
	_ =	sdelay $0x1  }
0x391: {  	(v2sf) =	vpush v9, $0x0;
	_ =	sdelay $0xe  }
0x392: {  	s9 =	spop (v2sf)  }
0x393: {  	p1 =	slt.s32 s9, $0x1  }
.Ltmp51:
0x394: {  	_ = 	snop;
	(pc) =	sbr.rel @p1 .LBB2_97-.Ltmp51, $2  }
0x395: {  	_ =	sdelay $0x2  }
0x396: {  	s9 =	simm.s32 $0x0  }
0x397: {  	v9 =	vmov s9  }
0x398: {  	v9 =	vand.u32 $0x7F, v9  }
0x399: {  	v9 =	vbroadcast v9, $0x0;
	_ =	sdelay $0x1  }
0x39a: {  	v9 =	vor.u32 v6, v9;
	_ =	sdelay $0x3  }
0x39b: {  	s25 =	simm.s32 $0x1  }
0x39c: {  	v11 =	vmov s25;
	s25 =	simm.s32 $0x2;
	v10 =	vld.idx.msk [tilespmem:v9+s16+$0x0], $0xffff  }
.LBB2_95:
0x39d: {  	p1 =	sne.s32 s25, $0x7F;
	v11 =	vand.u32 $0x7F, v11  }
0x39e: {  	v11 =	vbroadcast v11, $0x0;
	_ =	sdelay $0x1  }
0x39f: {  	v12 =	vor.u32 v6, v11  }
.Ltmp52:
0x3a0: {  	(pc) =	sbr.rel @p1 .LBB2_95-.Ltmp52, $3  }
0x3a1: {  	v10 =	vmul.f32 v10, v8;
	_ =	sdelay $0x1  }
0x3a2: {  	[tilespmem:v9+s16+$0x0] =	vst.idx.msk vm0, v10;
	v9 =	vmov v12  }
0x3a3: {  	v11 =	vmov s25;
	s25 =	sadd.s32 $0x1, s25;
	v10 =	vld.idx.msk [tilespmem:v12+s16+$0x0], $0xffff  }
0x3a4: {  	v11 =	vand.u32 $0x7F, v11  }
0x3a5: {  	v11 =	vbroadcast v11, $0x0;
	_ =	sdelay $0x1  }
0x3a6: {  	v11 =	vor.u32 v6, v11;
	_ =	sdelay $0x1  }
0x3a7: {  	v10 =	vmul.f32 v10, v8;
	_ =	sdelay $0x1  }
0x3a8: {  	[tilespmem:v9+s16+$0x0] =	vst.idx.msk vm0, v10  }
0x3a9: {  	v9 =	vld.idx.msk [tilespmem:v11+s16+$0x0], $0xffff;
	_ =	sdelay $0x4  }
0x3aa: {  	v8 =	vmul.f32 v9, v8;
	_ =	sdelay $0x1  }
0x3ab: {  	[tilespmem:v11+s16+$0x0] =	vst.idx.msk vm0, v8  }
.LBB2_97:
0x3ac: {  	v8 =	vld [tilespmem:s7+$0x70]  }
0x3ad: {  	v9 =	vld [tilespmem:s7+$0x1970];
	_ =	sdelay $0x3  }
0x3ae: {  	vm0 =	veq.s32 v8, $0x0  }
0x3af: {  	v8 =	vsel vm0, $0x0, v9  }
0x3b0: {  	vm0 =	vlt.f32 v8, $1.000000000e+00;
	vm1 =	vgt.f32 v8, $1.000000000e+00  }
0x3b1: {  	vm0 =	vmor vm1, vm0  }
0x3b2: {  	v9 =	vmpcnt.ones.xlane vm0;
	_ =	sdelay $0x1  }
0x3b3: {  	(v2sf) =	vpush v9, $0x0;
	_ =	sdelay $0xe  }
0x3b4: {  	s25 =	spop (v2sf)  }
0x3b5: {  	p1 =	slt.s32 s25, $0x1  }
.Ltmp53:
0x3b6: {  	_ = 	snop;
	(pc) =	sbr.rel @p1 .LBB2_101-.Ltmp53, $1  }
0x3b7: {  	_ =	sdelay $0x3  }
0x3b8: {  	v9 =	vmov s9  }
0x3b9: {  	v9 =	vand.u32 $0x7F, v9  }
0x3ba: {  	v9 =	vbroadcast v9, $0x0;
	_ =	sdelay $0x1  }
0x3bb: {  	v9 =	vor.u32 v7, v9;
	_ =	sdelay $0x3  }
0x3bc: {  	s7 =	simm.s32 $0x1  }
0x3bd: {  	v11 =	vmov s7;
	s7 =	simm.s32 $0x2;
	v10 =	vld.idx.msk [tilespmem:v9+s16+$0x0], $0xffff  }
.LBB2_99:
0x3be: {  	p1 =	sne.s32 s7, $0x7F;
	v11 =	vand.u32 $0x7F, v11  }
0x3bf: {  	v11 =	vbroadcast v11, $0x0;
	_ =	sdelay $0x1  }
0x3c0: {  	v12 =	vor.u32 v7, v11  }
.Ltmp54:
0x3c1: {  	(pc) =	sbr.rel @p1 .LBB2_99-.Ltmp54, $3  }
0x3c2: {  	v10 =	vmul.f32 v10, v8;
	_ =	sdelay $0x1  }
0x3c3: {  	[tilespmem:v9+s16+$0x0] =	vst.idx.msk vm0, v10;
	v9 =	vmov v12  }
0x3c4: {  	v11 =	vmov s7;
	s7 =	sadd.s32 $0x1, s7;
	v10 =	vld.idx.msk [tilespmem:v12+s16+$0x0], $0xffff  }
0x3c5: {  	v11 =	vand.u32 $0x7F, v11  }
0x3c6: {  	v11 =	vbroadcast v11, $0x0;
	_ =	sdelay $0x1  }
0x3c7: {  	v11 =	vor.u32 v7, v11;
	_ =	sdelay $0x1  }
0x3c8: {  	v10 =	vmul.f32 v10, v8;
	_ =	sdelay $0x1  }
0x3c9: {  	[tilespmem:v9+s16+$0x0] =	vst.idx.msk vm0, v10  }
0x3ca: {  	v9 =	vld.idx.msk [tilespmem:v11+s16+$0x0], $0xffff;
	_ =	sdelay $0x4  }
0x3cb: {  	v8 =	vmul.f32 v9, v8;
	_ =	sdelay $0x1  }
0x3cc: {  	[tilespmem:v11+s16+$0x0] =	vst.idx.msk vm0, v8  }
.LBB2_101:
0x3cd: {  	s6 =	sshll.u32 s6, $0xE  }
0x3ce: {  	s6 =	sadd.s32 s8, s6  }
0x3cf: {  	s6 =	sshrl.u32 s6, $0x3  }
0x3d0: {  	s6 =	sadd.s32 s3, s6  }
0x3d1: {  	[hbm4b:s6+s5] =	stream.linear.scatter [tilespmem:s16], [sflag:$0x8], $0x4000, $0x38;
	[tilespmem:$0x17200] =	vst v63  }
0x3d2: {  	s6 =	simm.s32 @!p0 $0x8  }
0x3d3: {  	_ =	swait.ge @!p0 [sflag:s6], $0x4000  }
0x3d4: {  	s7 =	sadd.s32 @!p0 $0x380, s17;
	[sflag:s6] =	ssyncset.done @!p0 $0x0  }
0x3d5: {  	s9 =	simm.s32 @!p0 $0xB200;
	[sflag:s6] =	ssyncadd.s32 @!p0 $0xFFFFC000;
	s6 =	simm.s32 @!p0 $0x80  }
0x3d6: {  	[tilespmem:s9], [sflag:$0x3] =	stream.indirect.gather @!p0 [hbm4b:s1+s6], $0x80, s7, s6, $0xb8;
	[tilespmem:$0x17200] =	vst v63  }
0x3d7: {  	_ =	swait.ge [sflag:s23], $0x4000  }
0x3d8: {  	s7 =	sadd.s32 $0x3, s15;
	[sflag:s23] =	ssyncset.done $0x0  }
0x3d9: {  	s15 =	sshll.u32 s7, $0x7;
	[sflag:s23] =	ssyncadd.s32 $0xFFFFC000  }
0x3da: {  	v8 =	vld [tilespmem:s15+$0x0]  }
0x3db: {  	v9 =	vld [tilespmem:s15+$0x1900]  }
0x3dc: {  	v10 =	vld [tilespmem:s15+$0x10]  }
0x3dd: {  	v11 =	vld [tilespmem:s15+$0x1910]  }
0x3de: {  	v12 =	vld [tilespmem:s15+$0x1920]  }
0x3df: {  	v13 =	vld [tilespmem:s15+$0x20]  }
0x3e0: {  	v14 =	vld [tilespmem:s15+$0x1930]  }
0x3e1: {  	v61 =	vld [tilespmem:s15+$0x1950]  }
0x3e2: {  	vm0 =	veq.s32 v8, $0x0;
	vm1 =	veq.s32 v10, $0x0;
	v10 =	vld [tilespmem:s15+$0x30]  }
0x3e3: {  	vm2 =	vgt.f32 v11, $1.000000000e+00;
	v8 =	vsel vm0, $0x0, v9;
	vm0 =	vlt.f32 v11, $1.000000000e+00;
	v9 =	vld [tilespmem:s15+$0x1940]  }
0x3e4: {  	vm3 =	vgt.f32 v12, $1.000000000e+00;
	v11 =	vld [tilespmem:s15+$0x40];
	vm0 =	vmor vm2, vm0;
	vm2 =	vlt.f32 v12, $1.000000000e+00  }
0x3e5: {  	v62 =	vld [tilespmem:s15+$0x50];
	vm0 =	vmor vm1, vm0;
	vm1 =	veq.s32 v13, $0x0;
	vm2 =	vmor vm3, vm2  }
0x3e6: {  	v63 =	vld [tilespmem:s15+$0x70];
	vm3 =	vgt.f32 v14, $1.000000000e+00;
	vm1 =	vmor vm1, vm2;
	vm2 =	vlt.f32 v14, $1.000000000e+00  }
0x3e7: {  	vm0 =	vmor vm0, vm1;
	vm1 =	veq.s32 v10, $0x0;
	vm2 =	vmor vm3, vm2;
	v10 =	vld [tilespmem:s15+$0x1960]  }
0x3e8: {  	vm1 =	vmor vm1, vm2;
	vm2 =	vlt.f32 v9, $1.000000000e+00;
	vm3 =	vgt.f32 v9, $1.000000000e+00;
	v9 =	vld [tilespmem:s15+$0x60]  }
0x3e9: {  	vm0 =	vmor vm0, vm1;
	vm1 =	veq.s32 v11, $0x0;
	vm2 =	vmor vm3, vm2;
	v11 =	vld [tilespmem:s15+$0x1970]  }
0x3ea: {  	vm3 =	vgt.f32 v61, $1.000000000e+00;
	vm1 =	vmor vm1, vm2;
	vm2 =	vlt.f32 v61, $1.000000000e+00  }
0x3eb: {  	vm4 =	veq.s32 v62, $0x0;
	vm0 =	vmor vm0, vm1;
	vm1 =	vmor vm3, vm2  }
0x3ec: {  	vm15 =	veq.s32 v63, $0x0;
	vm2 =	vlt.f32 v10, $1.000000000e+00;
	vm1 =	vmor vm4, vm1  }
0x3ed: {  	vm3 =	vgt.f32 v10, $1.000000000e+00;
	vm14 =	veq.s32 v9, $0x0;
	vm0 =	vmor vm0, vm1  }
0x3ee: {  	vm1 =	vmor vm3, vm2;
	vm2 =	vlt.f32 v11, $1.000000000e+00;
	vm3 =	vgt.f32 v11, $1.000000000e+00  }
0x3ef: {  	vm1 =	vmor vm14, vm1;
	vm2 =	vmor vm3, vm2;
	vm3 =	vlt.f32 v8, $1.000000000e+00  }
0x3f0: {  	vm1 =	vmor vm0, vm1;
	vm0 =	vgt.f32 v8, $1.000000000e+00;
	vm2 =	vmor vm15, vm2  }
0x3f1: {  	vm0 =	vmor vm0, vm3;
	vm1 =	vmor vm1, vm2  }
0x3f2: {  	vm1 =	vmor vm0, vm1  }
0x3f3: {  	v9 =	vmpcnt.ones.xlane vm1;
	_ =	sdelay $0x1  }
0x3f4: {  	(v2sf) =	vpush v9, $0x0;
	_ =	sdelay $0xe  }
0x3f5: {  	s25 =	spop (v2sf)  }
0x3f6: {  	p1 =	slt.s32 s25, $0x1  }
.Ltmp55:
0x3f7: {  	_ = 	snop;
	(pc) =	sbr.rel @p1 .LBB2_134-.Ltmp55, $1  }
0x3f8: {  	_ =	sdelay $0x3  }
0x3f9: {  	v9 =	vmpcnt.ones.xlane vm0;
	_ =	sdelay $0x1  }
0x3fa: {  	(v2sf) =	vpush v9, $0x0;
	_ =	sdelay $0xe  }
0x3fb: {  	s9 =	spop (v2sf)  }
0x3fc: {  	p1 =	slt.s32 s9, $0x1  }
.Ltmp56:
0x3fd: {  	_ = 	snop;
	(pc) =	sbr.rel @p1 .LBB2_106-.Ltmp56, $2  }
0x3fe: {  	_ =	sdelay $0x2  }
0x3ff: {  	s9 =	simm.s32 $0x0  }
0x400: {  	v9 =	vmov s9  }
0x401: {  	v9 =	vand.u32 $0x7F, v9  }
0x402: {  	v9 =	vbroadcast v9, $0x0;
	_ =	sdelay $0x1  }
0x403: {  	v9 =	vor.u32 v0, v9;
	_ =	sdelay $0x3  }
0x404: {  	s25 =	simm.s32 $0x1  }
0x405: {  	v11 =	vmov s25;
	s25 =	simm.s32 $0x2;
	v10 =	vld.idx.msk [tilespmem:v9+s18+$0x0], $0xffff  }
.LBB2_104:
0x406: {  	p1 =	sne.s32 s25, $0x7F;
	v11 =	vand.u32 $0x7F, v11  }
0x407: {  	v11 =	vbroadcast v11, $0x0;
	_ =	sdelay $0x1  }
0x408: {  	v12 =	vor.u32 v0, v11  }
.Ltmp57:
0x409: {  	(pc) =	sbr.rel @p1 .LBB2_104-.Ltmp57, $3  }
0x40a: {  	v10 =	vmul.f32 v10, v8;
	_ =	sdelay $0x1  }
0x40b: {  	[tilespmem:v9+s18+$0x0] =	vst.idx.msk vm0, v10;
	v9 =	vmov v12  }
0x40c: {  	v11 =	vmov s25;
	s25 =	sadd.s32 $0x1, s25;
	v10 =	vld.idx.msk [tilespmem:v12+s18+$0x0], $0xffff  }
0x40d: {  	v11 =	vand.u32 $0x7F, v11  }
0x40e: {  	v11 =	vbroadcast v11, $0x0;
	_ =	sdelay $0x1  }
0x40f: {  	v11 =	vor.u32 v0, v11;
	_ =	sdelay $0x1  }
0x410: {  	v10 =	vmul.f32 v10, v8;
	_ =	sdelay $0x1  }
0x411: {  	[tilespmem:v9+s18+$0x0] =	vst.idx.msk vm0, v10  }
0x412: {  	v9 =	vld.idx.msk [tilespmem:v11+s18+$0x0], $0xffff;
	_ =	sdelay $0x4  }
0x413: {  	v8 =	vmul.f32 v9, v8;
	_ =	sdelay $0x1  }
0x414: {  	[tilespmem:v11+s18+$0x0] =	vst.idx.msk vm0, v8  }
.LBB2_106:
0x415: {  	v8 =	vld [tilespmem:s15+$0x10]  }
0x416: {  	v9 =	vld [tilespmem:s15+$0x1910];
	_ =	sdelay $0x3  }
0x417: {  	vm0 =	veq.s32 v8, $0x0  }
0x418: {  	v8 =	vsel vm0, $0x0, v9  }
0x419: {  	vm0 =	vlt.f32 v8, $1.000000000e+00;
	vm1 =	vgt.f32 v8, $1.000000000e+00  }
0x41a: {  	vm0 =	vmor vm1, vm0  }
0x41b: {  	v9 =	vmpcnt.ones.xlane vm0;
	_ =	sdelay $0x1  }
0x41c: {  	(v2sf) =	vpush v9, $0x0;
	_ =	sdelay $0xe  }
0x41d: {  	s25 =	spop (v2sf)  }
0x41e: {  	p1 =	slt.s32 s25, $0x1  }
.Ltmp58:
0x41f: {  	_ = 	snop;
	(pc) =	sbr.rel @p1 .LBB2_110-.Ltmp58, $1  }
0x420: {  	_ =	sdelay $0x3  }
0x421: {  	v9 =	vmov s9  }
0x422: {  	v9 =	vand.u32 $0x7F, v9  }
0x423: {  	v9 =	vbroadcast v9, $0x0;
	_ =	sdelay $0x1  }
0x424: {  	v9 =	vor.u32 v1, v9;
	_ =	sdelay $0x3  }
0x425: {  	s25 =	simm.s32 $0x1  }
0x426: {  	s9 =	simm.s32 $0x2;
	v11 =	vmov s25;
	v10 =	vld.idx.msk [tilespmem:v9+s18+$0x0], $0xffff  }
.LBB2_108:
0x427: {  	p1 =	sne.s32 s9, $0x7F;
	v11 =	vand.u32 $0x7F, v11  }
0x428: {  	v11 =	vbroadcast v11, $0x0;
	_ =	sdelay $0x1  }
0x429: {  	v12 =	vor.u32 v1, v11  }
.Ltmp59:
0x42a: {  	(pc) =	sbr.rel @p1 .LBB2_108-.Ltmp59, $3  }
0x42b: {  	v10 =	vmul.f32 v10, v8;
	_ =	sdelay $0x1  }
0x42c: {  	[tilespmem:v9+s18+$0x0] =	vst.idx.msk vm0, v10;
	v9 =	vmov v12  }
0x42d: {  	v11 =	vmov s9;
	s9 =	sadd.s32 $0x1, s9;
	v10 =	vld.idx.msk [tilespmem:v12+s18+$0x0], $0xffff  }
0x42e: {  	v11 =	vand.u32 $0x7F, v11  }
0x42f: {  	v11 =	vbroadcast v11, $0x0;
	_ =	sdelay $0x1  }
0x430: {  	v11 =	vor.u32 v1, v11;
	_ =	sdelay $0x1  }
0x431: {  	v10 =	vmul.f32 v10, v8;
	_ =	sdelay $0x1  }
0x432: {  	[tilespmem:v9+s18+$0x0] =	vst.idx.msk vm0, v10  }
0x433: {  	v9 =	vld.idx.msk [tilespmem:v11+s18+$0x0], $0xffff;
	_ =	sdelay $0x4  }
0x434: {  	v8 =	vmul.f32 v9, v8;
	_ =	sdelay $0x1  }
0x435: {  	[tilespmem:v11+s18+$0x0] =	vst.idx.msk vm0, v8  }
.LBB2_110:
0x436: {  	v8 =	vld [tilespmem:s15+$0x20]  }
0x437: {  	v9 =	vld [tilespmem:s15+$0x1920];
	_ =	sdelay $0x3  }
0x438: {  	vm0 =	veq.s32 v8, $0x0  }
0x439: {  	v8 =	vsel vm0, $0x0, v9  }
0x43a: {  	vm0 =	vlt.f32 v8, $1.000000000e+00;
	vm1 =	vgt.f32 v8, $1.000000000e+00  }
0x43b: {  	vm0 =	vmor vm1, vm0  }
0x43c: {  	v9 =	vmpcnt.ones.xlane vm0;
	_ =	sdelay $0x1  }
0x43d: {  	(v2sf) =	vpush v9, $0x0;
	_ =	sdelay $0xe  }
0x43e: {  	s9 =	spop (v2sf)  }
0x43f: {  	p1 =	slt.s32 s9, $0x1  }
.Ltmp60:
0x440: {  	_ = 	snop;
	(pc) =	sbr.rel @p1 .LBB2_114-.Ltmp60, $2  }
0x441: {  	_ =	sdelay $0x2  }
0x442: {  	s9 =	simm.s32 $0x0  }
0x443: {  	v9 =	vmov s9  }
0x444: {  	v9 =	vand.u32 $0x7F, v9  }
0x445: {  	v9 =	vbroadcast v9, $0x0;
	_ =	sdelay $0x1  }
0x446: {  	v9 =	vor.u32 v2, v9;
	_ =	sdelay $0x3  }
0x447: {  	s25 =	simm.s32 $0x1  }
0x448: {  	v11 =	vmov s25;
	s25 =	simm.s32 $0x2;
	v10 =	vld.idx.msk [tilespmem:v9+s18+$0x0], $0xffff  }
.LBB2_112:
0x449: {  	p1 =	sne.s32 s25, $0x7F;
	v11 =	vand.u32 $0x7F, v11  }
0x44a: {  	v11 =	vbroadcast v11, $0x0;
	_ =	sdelay $0x1  }
0x44b: {  	v12 =	vor.u32 v2, v11  }
.Ltmp61:
0x44c: {  	(pc) =	sbr.rel @p1 .LBB2_112-.Ltmp61, $3  }
0x44d: {  	v10 =	vmul.f32 v10, v8;
	_ =	sdelay $0x1  }
0x44e: {  	[tilespmem:v9+s18+$0x0] =	vst.idx.msk vm0, v10;
	v9 =	vmov v12  }
0x44f: {  	v11 =	vmov s25;
	s25 =	sadd.s32 $0x1, s25;
	v10 =	vld.idx.msk [tilespmem:v12+s18+$0x0], $0xffff  }
0x450: {  	v11 =	vand.u32 $0x7F, v11  }
0x451: {  	v11 =	vbroadcast v11, $0x0;
	_ =	sdelay $0x1  }
0x452: {  	v11 =	vor.u32 v2, v11;
	_ =	sdelay $0x1  }
0x453: {  	v10 =	vmul.f32 v10, v8;
	_ =	sdelay $0x1  }
0x454: {  	[tilespmem:v9+s18+$0x0] =	vst.idx.msk vm0, v10  }
0x455: {  	v9 =	vld.idx.msk [tilespmem:v11+s18+$0x0], $0xffff;
	_ =	sdelay $0x4  }
0x456: {  	v8 =	vmul.f32 v9, v8;
	_ =	sdelay $0x1  }
0x457: {  	[tilespmem:v11+s18+$0x0] =	vst.idx.msk vm0, v8  }
.LBB2_114:
0x458: {  	v8 =	vld [tilespmem:s15+$0x30]  }
0x459: {  	v9 =	vld [tilespmem:s15+$0x1930];
	_ =	sdelay $0x3  }
0x45a: {  	vm0 =	veq.s32 v8, $0x0  }
0x45b: {  	v8 =	vsel vm0, $0x0, v9  }
0x45c: {  	vm0 =	vlt.f32 v8, $1.000000000e+00;
	vm1 =	vgt.f32 v8, $1.000000000e+00  }
0x45d: {  	vm0 =	vmor vm1, vm0  }
0x45e: {  	v9 =	vmpcnt.ones.xlane vm0;
	_ =	sdelay $0x1  }
0x45f: {  	(v2sf) =	vpush v9, $0x0;
	_ =	sdelay $0xe  }
0x460: {  	s25 =	spop (v2sf)  }
0x461: {  	p1 =	slt.s32 s25, $0x1  }
.Ltmp62:
0x462: {  	_ = 	snop;
	(pc) =	sbr.rel @p1 .LBB2_118-.Ltmp62, $1  }
0x463: {  	_ =	sdelay $0x3  }
0x464: {  	v9 =	vmov s9  }
0x465: {  	v9 =	vand.u32 $0x7F, v9  }
0x466: {  	v9 =	vbroadcast v9, $0x0;
	_ =	sdelay $0x1  }
0x467: {  	v9 =	vor.u32 v3, v9;
	_ =	sdelay $0x3  }
0x468: {  	s25 =	simm.s32 $0x1  }
0x469: {  	s9 =	simm.s32 $0x2;
	v11 =	vmov s25;
	v10 =	vld.idx.msk [tilespmem:v9+s18+$0x0], $0xffff  }
.LBB2_116:
0x46a: {  	p1 =	sne.s32 s9, $0x7F;
	v11 =	vand.u32 $0x7F, v11  }
0x46b: {  	v11 =	vbroadcast v11, $0x0;
	_ =	sdelay $0x1  }
0x46c: {  	v12 =	vor.u32 v3, v11  }
.Ltmp63:
0x46d: {  	(pc) =	sbr.rel @p1 .LBB2_116-.Ltmp63, $3  }
0x46e: {  	v10 =	vmul.f32 v10, v8;
	_ =	sdelay $0x1  }
0x46f: {  	[tilespmem:v9+s18+$0x0] =	vst.idx.msk vm0, v10;
	v9 =	vmov v12  }
0x470: {  	v11 =	vmov s9;
	s9 =	sadd.s32 $0x1, s9;
	v10 =	vld.idx.msk [tilespmem:v12+s18+$0x0], $0xffff  }
0x471: {  	v11 =	vand.u32 $0x7F, v11  }
0x472: {  	v11 =	vbroadcast v11, $0x0;
	_ =	sdelay $0x1  }
0x473: {  	v11 =	vor.u32 v3, v11;
	_ =	sdelay $0x1  }
0x474: {  	v10 =	vmul.f32 v10, v8;
	_ =	sdelay $0x1  }
0x475: {  	[tilespmem:v9+s18+$0x0] =	vst.idx.msk vm0, v10  }
0x476: {  	v9 =	vld.idx.msk [tilespmem:v11+s18+$0x0], $0xffff;
	_ =	sdelay $0x4  }
0x477: {  	v8 =	vmul.f32 v9, v8;
	_ =	sdelay $0x1  }
0x478: {  	[tilespmem:v11+s18+$0x0] =	vst.idx.msk vm0, v8  }
.LBB2_118:
0x479: {  	v8 =	vld [tilespmem:s15+$0x40]  }
0x47a: {  	v9 =	vld [tilespmem:s15+$0x1940];
	_ =	sdelay $0x3  }
0x47b: {  	vm0 =	veq.s32 v8, $0x0  }
0x47c: {  	v8 =	vsel vm0, $0x0, v9  }
0x47d: {  	vm0 =	vlt.f32 v8, $1.000000000e+00;
	vm1 =	vgt.f32 v8, $1.000000000e+00  }
0x47e: {  	vm0 =	vmor vm1, vm0  }
0x47f: {  	v9 =	vmpcnt.ones.xlane vm0;
	_ =	sdelay $0x1  }
0x480: {  	(v2sf) =	vpush v9, $0x0;
	_ =	sdelay $0xe  }
0x481: {  	s9 =	spop (v2sf)  }
0x482: {  	p1 =	slt.s32 s9, $0x1  }
.Ltmp64:
0x483: {  	_ = 	snop;
	(pc) =	sbr.rel @p1 .LBB2_122-.Ltmp64, $2  }
0x484: {  	_ =	sdelay $0x2  }
0x485: {  	s9 =	simm.s32 $0x0  }
0x486: {  	v9 =	vmov s9  }
0x487: {  	v9 =	vand.u32 $0x7F, v9  }
0x488: {  	v9 =	vbroadcast v9, $0x0;
	_ =	sdelay $0x1  }
0x489: {  	v9 =	vor.u32 v4, v9;
	_ =	sdelay $0x3  }
0x48a: {  	s25 =	simm.s32 $0x1  }
0x48b: {  	v11 =	vmov s25;
	s25 =	simm.s32 $0x2;
	v10 =	vld.idx.msk [tilespmem:v9+s18+$0x0], $0xffff  }
.LBB2_120:
0x48c: {  	p1 =	sne.s32 s25, $0x7F;
	v11 =	vand.u32 $0x7F, v11  }
0x48d: {  	v11 =	vbroadcast v11, $0x0;
	_ =	sdelay $0x1  }
0x48e: {  	v12 =	vor.u32 v4, v11  }
.Ltmp65:
0x48f: {  	(pc) =	sbr.rel @p1 .LBB2_120-.Ltmp65, $3  }
0x490: {  	v10 =	vmul.f32 v10, v8;
	_ =	sdelay $0x1  }
0x491: {  	[tilespmem:v9+s18+$0x0] =	vst.idx.msk vm0, v10;
	v9 =	vmov v12  }
0x492: {  	v11 =	vmov s25;
	s25 =	sadd.s32 $0x1, s25;
	v10 =	vld.idx.msk [tilespmem:v12+s18+$0x0], $0xffff  }
0x493: {  	v11 =	vand.u32 $0x7F, v11  }
0x494: {  	v11 =	vbroadcast v11, $0x0;
	_ =	sdelay $0x1  }
0x495: {  	v11 =	vor.u32 v4, v11;
	_ =	sdelay $0x1  }
0x496: {  	v10 =	vmul.f32 v10, v8;
	_ =	sdelay $0x1  }
0x497: {  	[tilespmem:v9+s18+$0x0] =	vst.idx.msk vm0, v10  }
0x498: {  	v9 =	vld.idx.msk [tilespmem:v11+s18+$0x0], $0xffff;
	_ =	sdelay $0x4  }
0x499: {  	v8 =	vmul.f32 v9, v8;
	_ =	sdelay $0x1  }
0x49a: {  	[tilespmem:v11+s18+$0x0] =	vst.idx.msk vm0, v8  }
.LBB2_122:
0x49b: {  	v8 =	vld [tilespmem:s15+$0x50]  }
0x49c: {  	v9 =	vld [tilespmem:s15+$0x1950];
	_ =	sdelay $0x3  }
0x49d: {  	vm0 =	veq.s32 v8, $0x0  }
0x49e: {  	v8 =	vsel vm0, $0x0, v9  }
0x49f: {  	vm0 =	vlt.f32 v8, $1.000000000e+00;
	vm1 =	vgt.f32 v8, $1.000000000e+00  }
0x4a0: {  	vm0 =	vmor vm1, vm0  }
0x4a1: {  	v9 =	vmpcnt.ones.xlane vm0;
	_ =	sdelay $0x1  }
0x4a2: {  	(v2sf) =	vpush v9, $0x0;
	_ =	sdelay $0xe  }
0x4a3: {  	s25 =	spop (v2sf)  }
0x4a4: {  	p1 =	slt.s32 s25, $0x1  }
.Ltmp66:
0x4a5: {  	_ = 	snop;
	(pc) =	sbr.rel @p1 .LBB2_126-.Ltmp66, $1  }
0x4a6: {  	_ =	sdelay $0x3  }
0x4a7: {  	v9 =	vmov s9  }
0x4a8: {  	v9 =	vand.u32 $0x7F, v9  }
0x4a9: {  	v9 =	vbroadcast v9, $0x0;
	_ =	sdelay $0x1  }
0x4aa: {  	v9 =	vor.u32 v5, v9;
	_ =	sdelay $0x3  }
0x4ab: {  	s25 =	simm.s32 $0x1  }
0x4ac: {  	s9 =	simm.s32 $0x2;
	v11 =	vmov s25;
	v10 =	vld.idx.msk [tilespmem:v9+s18+$0x0], $0xffff  }
.LBB2_124:
0x4ad: {  	p1 =	sne.s32 s9, $0x7F;
	v11 =	vand.u32 $0x7F, v11  }
0x4ae: {  	v11 =	vbroadcast v11, $0x0;
	_ =	sdelay $0x1  }
0x4af: {  	v12 =	vor.u32 v5, v11  }
.Ltmp67:
0x4b0: {  	(pc) =	sbr.rel @p1 .LBB2_124-.Ltmp67, $3  }
0x4b1: {  	v10 =	vmul.f32 v10, v8;
	_ =	sdelay $0x1  }
0x4b2: {  	[tilespmem:v9+s18+$0x0] =	vst.idx.msk vm0, v10;
	v9 =	vmov v12  }
0x4b3: {  	v11 =	vmov s9;
	s9 =	sadd.s32 $0x1, s9;
	v10 =	vld.idx.msk [tilespmem:v12+s18+$0x0], $0xffff  }
0x4b4: {  	v11 =	vand.u32 $0x7F, v11  }
0x4b5: {  	v11 =	vbroadcast v11, $0x0;
	_ =	sdelay $0x1  }
0x4b6: {  	v11 =	vor.u32 v5, v11;
	_ =	sdelay $0x1  }
0x4b7: {  	v10 =	vmul.f32 v10, v8;
	_ =	sdelay $0x1  }
0x4b8: {  	[tilespmem:v9+s18+$0x0] =	vst.idx.msk vm0, v10  }
0x4b9: {  	v9 =	vld.idx.msk [tilespmem:v11+s18+$0x0], $0xffff;
	_ =	sdelay $0x4  }
0x4ba: {  	v8 =	vmul.f32 v9, v8;
	_ =	sdelay $0x1  }
0x4bb: {  	[tilespmem:v11+s18+$0x0] =	vst.idx.msk vm0, v8  }
.LBB2_126:
0x4bc: {  	v8 =	vld [tilespmem:s15+$0x60]  }
0x4bd: {  	v9 =	vld [tilespmem:s15+$0x1960];
	_ =	sdelay $0x3  }
0x4be: {  	vm0 =	veq.s32 v8, $0x0  }
0x4bf: {  	v8 =	vsel vm0, $0x0, v9  }
0x4c0: {  	vm0 =	vlt.f32 v8, $1.000000000e+00;
	vm1 =	vgt.f32 v8, $1.000000000e+00  }
0x4c1: {  	vm0 =	vmor vm1, vm0  }
0x4c2: {  	v9 =	vmpcnt.ones.xlane vm0;
	_ =	sdelay $0x1  }
0x4c3: {  	(v2sf) =	vpush v9, $0x0;
	_ =	sdelay $0xe  }
0x4c4: {  	s9 =	spop (v2sf)  }
0x4c5: {  	p1 =	slt.s32 s9, $0x1  }
.Ltmp68:
0x4c6: {  	_ = 	snop;
	(pc) =	sbr.rel @p1 .LBB2_130-.Ltmp68, $2  }
0x4c7: {  	_ =	sdelay $0x2  }
0x4c8: {  	s9 =	simm.s32 $0x0  }
0x4c9: {  	v9 =	vmov s9  }
0x4ca: {  	v9 =	vand.u32 $0x7F, v9  }
0x4cb: {  	v9 =	vbroadcast v9, $0x0;
	_ =	sdelay $0x1  }
0x4cc: {  	v9 =	vor.u32 v6, v9;
	_ =	sdelay $0x3  }
0x4cd: {  	s25 =	simm.s32 $0x1  }
0x4ce: {  	v11 =	vmov s25;
	s25 =	simm.s32 $0x2;
	v10 =	vld.idx.msk [tilespmem:v9+s18+$0x0], $0xffff  }
.LBB2_128:
0x4cf: {  	p1 =	sne.s32 s25, $0x7F;
	v11 =	vand.u32 $0x7F, v11  }
0x4d0: {  	v11 =	vbroadcast v11, $0x0;
	_ =	sdelay $0x1  }
0x4d1: {  	v12 =	vor.u32 v6, v11  }
.Ltmp69:
0x4d2: {  	(pc) =	sbr.rel @p1 .LBB2_128-.Ltmp69, $3  }
0x4d3: {  	v10 =	vmul.f32 v10, v8;
	_ =	sdelay $0x1  }
0x4d4: {  	[tilespmem:v9+s18+$0x0] =	vst.idx.msk vm0, v10;
	v9 =	vmov v12  }
0x4d5: {  	v11 =	vmov s25;
	s25 =	sadd.s32 $0x1, s25;
	v10 =	vld.idx.msk [tilespmem:v12+s18+$0x0], $0xffff  }
0x4d6: {  	v11 =	vand.u32 $0x7F, v11  }
0x4d7: {  	v11 =	vbroadcast v11, $0x0;
	_ =	sdelay $0x1  }
0x4d8: {  	v11 =	vor.u32 v6, v11;
	_ =	sdelay $0x1  }
0x4d9: {  	v10 =	vmul.f32 v10, v8;
	_ =	sdelay $0x1  }
0x4da: {  	[tilespmem:v9+s18+$0x0] =	vst.idx.msk vm0, v10  }
0x4db: {  	v9 =	vld.idx.msk [tilespmem:v11+s18+$0x0], $0xffff;
	_ =	sdelay $0x4  }
0x4dc: {  	v8 =	vmul.f32 v9, v8;
	_ =	sdelay $0x1  }
0x4dd: {  	[tilespmem:v11+s18+$0x0] =	vst.idx.msk vm0, v8  }
.LBB2_130:
0x4de: {  	v8 =	vld [tilespmem:s15+$0x70]  }
0x4df: {  	v9 =	vld [tilespmem:s15+$0x1970];
	_ =	sdelay $0x3  }
0x4e0: {  	vm0 =	veq.s32 v8, $0x0  }
0x4e1: {  	v8 =	vsel vm0, $0x0, v9  }
0x4e2: {  	vm0 =	vlt.f32 v8, $1.000000000e+00;
	vm1 =	vgt.f32 v8, $1.000000000e+00  }
0x4e3: {  	vm0 =	vmor vm1, vm0  }
0x4e4: {  	v9 =	vmpcnt.ones.xlane vm0;
	_ =	sdelay $0x1  }
0x4e5: {  	(v2sf) =	vpush v9, $0x0;
	_ =	sdelay $0xe  }
0x4e6: {  	s25 =	spop (v2sf)  }
0x4e7: {  	p1 =	slt.s32 s25, $0x1  }
.Ltmp70:
0x4e8: {  	_ = 	snop;
	(pc) =	sbr.rel @p1 .LBB2_134-.Ltmp70, $1  }
0x4e9: {  	_ =	sdelay $0x3  }
0x4ea: {  	v9 =	vmov s9  }
0x4eb: {  	v9 =	vand.u32 $0x7F, v9  }
0x4ec: {  	v9 =	vbroadcast v9, $0x0;
	_ =	sdelay $0x1  }
0x4ed: {  	v9 =	vor.u32 v7, v9;
	_ =	sdelay $0x3  }
0x4ee: {  	s25 =	simm.s32 $0x1  }
0x4ef: {  	s9 =	simm.s32 $0x2;
	v11 =	vmov s25;
	v10 =	vld.idx.msk [tilespmem:v9+s18+$0x0], $0xffff  }
.LBB2_132:
0x4f0: {  	p1 =	sne.s32 s9, $0x7F;
	v11 =	vand.u32 $0x7F, v11  }
0x4f1: {  	v11 =	vbroadcast v11, $0x0;
	_ =	sdelay $0x1  }
0x4f2: {  	v12 =	vor.u32 v7, v11  }
.Ltmp71:
0x4f3: {  	(pc) =	sbr.rel @p1 .LBB2_132-.Ltmp71, $3  }
0x4f4: {  	v10 =	vmul.f32 v10, v8;
	_ =	sdelay $0x1  }
0x4f5: {  	[tilespmem:v9+s18+$0x0] =	vst.idx.msk vm0, v10;
	v9 =	vmov v12  }
0x4f6: {  	v11 =	vmov s9;
	s9 =	sadd.s32 $0x1, s9;
	v10 =	vld.idx.msk [tilespmem:v12+s18+$0x0], $0xffff  }
0x4f7: {  	v11 =	vand.u32 $0x7F, v11  }
0x4f8: {  	v11 =	vbroadcast v11, $0x0;
	_ =	sdelay $0x1  }
0x4f9: {  	v11 =	vor.u32 v7, v11;
	_ =	sdelay $0x1  }
0x4fa: {  	v10 =	vmul.f32 v10, v8;
	_ =	sdelay $0x1  }
0x4fb: {  	[tilespmem:v9+s18+$0x0] =	vst.idx.msk vm0, v10  }
0x4fc: {  	v9 =	vld.idx.msk [tilespmem:v11+s18+$0x0], $0xffff;
	_ =	sdelay $0x4  }
0x4fd: {  	v8 =	vmul.f32 v9, v8;
	_ =	sdelay $0x1  }
0x4fe: {  	[tilespmem:v11+s18+$0x0] =	vst.idx.msk vm0, v8  }
.LBB2_134:
0x4ff: {  	s7 =	sshll.u32 s7, $0xE  }
0x500: {  	s7 =	sadd.s32 s8, s7  }
0x501: {  	s7 =	sshrl.u32 s7, $0x3  }
0x502: {  	s7 =	sadd.s32 s3, s7  }
0x503: {  	[hbm4b:s7+s5] =	stream.linear.scatter [tilespmem:s18], [sflag:$0x9], $0x4000, $0x38;
	[tilespmem:$0x17200] =	vst v63  }
0x504: {  	s7 =	simm.s32 @!p0 $0x9  }
0x505: {  	_ =	swait.ge @!p0 [sflag:s7], $0x4000  }
0x506: {  	[sflag:s7] =	ssyncset.done @!p0 $0x0  }
0x507: {  	s9 =	simm.s32 @!p0 $0xF200;
	[sflag:s7] =	ssyncadd.s32 @!p0 $0xFFFFC000;
	s7 =	sadd.s32 @!p0 $0x400, s17  }
0x508: {  	[tilespmem:s9], [sflag:$0x4] =	stream.indirect.gather @!p0 [hbm4b:s1+s6], $0x80, s7, s6, $0xb8;
	[tilespmem:$0x17200] =	vst v63  }
0x509: {  	_ =	swait.ge [sflag:s24], $0x4000  }
0x50a: {  	[sflag:s24] =	ssyncset.done $0x0  }
0x50b: {  	[sflag:s24] =	ssyncadd.s32 $0xFFFFC000  }
0x50c: {  	v8 =	vld [tilespmem:s11+$0x0]  }
0x50d: {  	v9 =	vld [tilespmem:s11+$0x1900]  }
0x50e: {  	v10 =	vld [tilespmem:s11+$0x10]  }
0x50f: {  	v11 =	vld [tilespmem:s11+$0x1910]  }
0x510: {  	v12 =	vld [tilespmem:s11+$0x1920]  }
0x511: {  	v13 =	vld [tilespmem:s11+$0x20]  }
0x512: {  	v14 =	vld [tilespmem:s11+$0x1930]  }
0x513: {  	v61 =	vld [tilespmem:s11+$0x1950]  }
0x514: {  	vm0 =	veq.s32 v8, $0x0;
	vm1 =	veq.s32 v10, $0x0;
	v10 =	vld [tilespmem:s11+$0x30]  }
0x515: {  	vm2 =	vgt.f32 v11, $1.000000000e+00;
	v8 =	vsel vm0, $0x0, v9;
	vm0 =	vlt.f32 v11, $1.000000000e+00;
	v9 =	vld [tilespmem:s11+$0x1940]  }
0x516: {  	vm3 =	vgt.f32 v12, $1.000000000e+00;
	v11 =	vld [tilespmem:s11+$0x40];
	vm0 =	vmor vm2, vm0;
	vm2 =	vlt.f32 v12, $1.000000000e+00  }
0x517: {  	v62 =	vld [tilespmem:s11+$0x50];
	vm0 =	vmor vm1, vm0;
	vm1 =	veq.s32 v13, $0x0;
	vm2 =	vmor vm3, vm2  }
0x518: {  	v63 =	vld [tilespmem:s11+$0x70];
	vm3 =	vgt.f32 v14, $1.000000000e+00;
	vm1 =	vmor vm1, vm2;
	vm2 =	vlt.f32 v14, $1.000000000e+00  }
0x519: {  	vm0 =	vmor vm0, vm1;
	vm1 =	veq.s32 v10, $0x0;
	vm2 =	vmor vm3, vm2;
	v10 =	vld [tilespmem:s11+$0x1960]  }
0x51a: {  	vm1 =	vmor vm1, vm2;
	vm2 =	vlt.f32 v9, $1.000000000e+00;
	vm3 =	vgt.f32 v9, $1.000000000e+00;
	v9 =	vld [tilespmem:s11+$0x60]  }
0x51b: {  	vm0 =	vmor vm0, vm1;
	vm1 =	veq.s32 v11, $0x0;
	vm2 =	vmor vm3, vm2;
	v11 =	vld [tilespmem:s11+$0x1970]  }
0x51c: {  	vm3 =	vgt.f32 v61, $1.000000000e+00;
	vm1 =	vmor vm1, vm2;
	vm2 =	vlt.f32 v61, $1.000000000e+00  }
0x51d: {  	vm4 =	veq.s32 v62, $0x0;
	vm0 =	vmor vm0, vm1;
	vm1 =	vmor vm3, vm2  }
0x51e: {  	vm15 =	veq.s32 v63, $0x0;
	vm2 =	vlt.f32 v10, $1.000000000e+00;
	vm1 =	vmor vm4, vm1  }
0x51f: {  	vm3 =	vgt.f32 v10, $1.000000000e+00;
	vm14 =	veq.s32 v9, $0x0;
	vm0 =	vmor vm0, vm1  }
0x520: {  	vm1 =	vmor vm3, vm2;
	vm2 =	vlt.f32 v11, $1.000000000e+00;
	vm3 =	vgt.f32 v11, $1.000000000e+00  }
0x521: {  	vm1 =	vmor vm14, vm1;
	vm2 =	vmor vm3, vm2;
	vm3 =	vlt.f32 v8, $1.000000000e+00  }
0x522: {  	vm1 =	vmor vm0, vm1;
	vm0 =	vgt.f32 v8, $1.000000000e+00;
	vm2 =	vmor vm15, vm2  }
0x523: {  	vm0 =	vmor vm0, vm3;
	vm1 =	vmor vm1, vm2  }
0x524: {  	vm1 =	vmor vm0, vm1  }
0x525: {  	v9 =	vmpcnt.ones.xlane vm1;
	_ =	sdelay $0x1  }
0x526: {  	(v2sf) =	vpush v9, $0x0;
	_ =	sdelay $0xe  }
0x527: {  	s25 =	spop (v2sf)  }
0x528: {  	p0 =	slt.s32 s25, $0x1  }
.Ltmp72:
0x529: {  	_ = 	snop;
	(pc) =	sbr.rel @p0 .LBB2_167-.Ltmp72, $1  }
0x52a: {  	_ =	sdelay $0x3  }
0x52b: {  	v9 =	vmpcnt.ones.xlane vm0;
	_ =	sdelay $0x1  }
0x52c: {  	(v2sf) =	vpush v9, $0x0;
	_ =	sdelay $0xe  }
0x52d: {  	s6 =	spop (v2sf)  }
0x52e: {  	p0 =	slt.s32 s6, $0x1  }
.Ltmp73:
0x52f: {  	_ = 	snop;
	(pc) =	sbr.rel @p0 .LBB2_139-.Ltmp73, $2  }
0x530: {  	_ =	sdelay $0x2  }
0x531: {  	s6 =	simm.s32 $0x0  }
0x532: {  	v9 =	vmov s6  }
0x533: {  	v9 =	vand.u32 $0x7F, v9  }
0x534: {  	v9 =	vbroadcast v9, $0x0;
	_ =	sdelay $0x1  }
0x535: {  	v9 =	vor.u32 v0, v9;
	_ =	sdelay $0x3  }
0x536: {  	s7 =	simm.s32 $0x1  }
0x537: {  	v11 =	vmov s7;
	s7 =	simm.s32 $0x2;
	v10 =	vld.idx.msk [tilespmem:v9+s19+$0x0], $0xffff  }
.LBB2_137:
0x538: {  	p0 =	sne.s32 s7, $0x7F;
	v11 =	vand.u32 $0x7F, v11  }
0x539: {  	v11 =	vbroadcast v11, $0x0;
	_ =	sdelay $0x1  }
0x53a: {  	v12 =	vor.u32 v0, v11  }
.Ltmp74:
0x53b: {  	(pc) =	sbr.rel @p0 .LBB2_137-.Ltmp74, $3  }
0x53c: {  	v10 =	vmul.f32 v10, v8;
	_ =	sdelay $0x1  }
0x53d: {  	[tilespmem:v9+s19+$0x0] =	vst.idx.msk vm0, v10;
	v9 =	vmov v12  }
0x53e: {  	v11 =	vmov s7;
	s7 =	sadd.s32 $0x1, s7;
	v10 =	vld.idx.msk [tilespmem:v12+s19+$0x0], $0xffff  }
0x53f: {  	v11 =	vand.u32 $0x7F, v11  }
0x540: {  	v11 =	vbroadcast v11, $0x0;
	_ =	sdelay $0x1  }
0x541: {  	v11 =	vor.u32 v0, v11;
	_ =	sdelay $0x1  }
0x542: {  	v10 =	vmul.f32 v10, v8;
	_ =	sdelay $0x1  }
0x543: {  	[tilespmem:v9+s19+$0x0] =	vst.idx.msk vm0, v10  }
0x544: {  	v9 =	vld.idx.msk [tilespmem:v11+s19+$0x0], $0xffff;
	_ =	sdelay $0x4  }
0x545: {  	v8 =	vmul.f32 v9, v8;
	_ =	sdelay $0x1  }
0x546: {  	[tilespmem:v11+s19+$0x0] =	vst.idx.msk vm0, v8  }
.LBB2_139:
0x547: {  	v8 =	vld [tilespmem:s11+$0x10]  }
0x548: {  	v9 =	vld [tilespmem:s11+$0x1910];
	_ =	sdelay $0x3  }
0x549: {  	vm0 =	veq.s32 v8, $0x0  }
0x54a: {  	v8 =	vsel vm0, $0x0, v9  }
0x54b: {  	vm0 =	vlt.f32 v8, $1.000000000e+00;
	vm1 =	vgt.f32 v8, $1.000000000e+00  }
0x54c: {  	vm0 =	vmor vm1, vm0  }
0x54d: {  	v9 =	vmpcnt.ones.xlane vm0;
	_ =	sdelay $0x1  }
0x54e: {  	(v2sf) =	vpush v9, $0x0;
	_ =	sdelay $0xe  }
0x54f: {  	s7 =	spop (v2sf)  }
0x550: {  	p0 =	slt.s32 s7, $0x1  }
.Ltmp75:
0x551: {  	_ = 	snop;
	(pc) =	sbr.rel @p0 .LBB2_143-.Ltmp75, $1  }
0x552: {  	_ =	sdelay $0x3  }
0x553: {  	v9 =	vmov s6  }
0x554: {  	v9 =	vand.u32 $0x7F, v9  }
0x555: {  	v9 =	vbroadcast v9, $0x0;
	_ =	sdelay $0x1  }
0x556: {  	v9 =	vor.u32 v1, v9;
	_ =	sdelay $0x3  }
0x557: {  	s25 =	simm.s32 $0x1  }
0x558: {  	s6 =	simm.s32 $0x2;
	v11 =	vmov s25;
	v10 =	vld.idx.msk [tilespmem:v9+s19+$0x0], $0xffff  }
.LBB2_141:
0x559: {  	p0 =	sne.s32 s6, $0x7F;
	v11 =	vand.u32 $0x7F, v11  }
0x55a: {  	v11 =	vbroadcast v11, $0x0;
	_ =	sdelay $0x1  }
0x55b: {  	v12 =	vor.u32 v1, v11  }
.Ltmp76:
0x55c: {  	(pc) =	sbr.rel @p0 .LBB2_141-.Ltmp76, $3  }
0x55d: {  	v10 =	vmul.f32 v10, v8;
	_ =	sdelay $0x1  }
0x55e: {  	[tilespmem:v9+s19+$0x0] =	vst.idx.msk vm0, v10;
	v9 =	vmov v12  }
0x55f: {  	v11 =	vmov s6;
	s6 =	sadd.s32 $0x1, s6;
	v10 =	vld.idx.msk [tilespmem:v12+s19+$0x0], $0xffff  }
0x560: {  	v11 =	vand.u32 $0x7F, v11  }
0x561: {  	v11 =	vbroadcast v11, $0x0;
	_ =	sdelay $0x1  }
0x562: {  	v11 =	vor.u32 v1, v11;
	_ =	sdelay $0x1  }
0x563: {  	v10 =	vmul.f32 v10, v8;
	_ =	sdelay $0x1  }
0x564: {  	[tilespmem:v9+s19+$0x0] =	vst.idx.msk vm0, v10  }
0x565: {  	v9 =	vld.idx.msk [tilespmem:v11+s19+$0x0], $0xffff;
	_ =	sdelay $0x4  }
0x566: {  	v8 =	vmul.f32 v9, v8;
	_ =	sdelay $0x1  }
0x567: {  	[tilespmem:v11+s19+$0x0] =	vst.idx.msk vm0, v8  }
.LBB2_143:
0x568: {  	v8 =	vld [tilespmem:s11+$0x20]  }
0x569: {  	v9 =	vld [tilespmem:s11+$0x1920];
	_ =	sdelay $0x3  }
0x56a: {  	vm0 =	veq.s32 v8, $0x0  }
0x56b: {  	v8 =	vsel vm0, $0x0, v9  }
0x56c: {  	vm0 =	vlt.f32 v8, $1.000000000e+00;
	vm1 =	vgt.f32 v8, $1.000000000e+00  }
0x56d: {  	vm0 =	vmor vm1, vm0  }
0x56e: {  	v9 =	vmpcnt.ones.xlane vm0;
	_ =	sdelay $0x1  }
0x56f: {  	(v2sf) =	vpush v9, $0x0;
	_ =	sdelay $0xe  }
0x570: {  	s6 =	spop (v2sf)  }
0x571: {  	p0 =	slt.s32 s6, $0x1  }
.Ltmp77:
0x572: {  	_ = 	snop;
	(pc) =	sbr.rel @p0 .LBB2_147-.Ltmp77, $2  }
0x573: {  	_ =	sdelay $0x2  }
0x574: {  	s6 =	simm.s32 $0x0  }
0x575: {  	v9 =	vmov s6  }
0x576: {  	v9 =	vand.u32 $0x7F, v9  }
0x577: {  	v9 =	vbroadcast v9, $0x0;
	_ =	sdelay $0x1  }
0x578: {  	v9 =	vor.u32 v2, v9;
	_ =	sdelay $0x3  }
0x579: {  	s7 =	simm.s32 $0x1  }
0x57a: {  	v11 =	vmov s7;
	s7 =	simm.s32 $0x2;
	v10 =	vld.idx.msk [tilespmem:v9+s19+$0x0], $0xffff  }
.LBB2_145:
0x57b: {  	p0 =	sne.s32 s7, $0x7F;
	v11 =	vand.u32 $0x7F, v11  }
0x57c: {  	v11 =	vbroadcast v11, $0x0;
	_ =	sdelay $0x1  }
0x57d: {  	v12 =	vor.u32 v2, v11  }
.Ltmp78:
0x57e: {  	(pc) =	sbr.rel @p0 .LBB2_145-.Ltmp78, $3  }
0x57f: {  	v10 =	vmul.f32 v10, v8;
	_ =	sdelay $0x1  }
0x580: {  	[tilespmem:v9+s19+$0x0] =	vst.idx.msk vm0, v10;
	v9 =	vmov v12  }
0x581: {  	v11 =	vmov s7;
	s7 =	sadd.s32 $0x1, s7;
	v10 =	vld.idx.msk [tilespmem:v12+s19+$0x0], $0xffff  }
0x582: {  	v11 =	vand.u32 $0x7F, v11  }
0x583: {  	v11 =	vbroadcast v11, $0x0;
	_ =	sdelay $0x1  }
0x584: {  	v11 =	vor.u32 v2, v11;
	_ =	sdelay $0x1  }
0x585: {  	v10 =	vmul.f32 v10, v8;
	_ =	sdelay $0x1  }
0x586: {  	[tilespmem:v9+s19+$0x0] =	vst.idx.msk vm0, v10  }
0x587: {  	v9 =	vld.idx.msk [tilespmem:v11+s19+$0x0], $0xffff;
	_ =	sdelay $0x4  }
0x588: {  	v8 =	vmul.f32 v9, v8;
	_ =	sdelay $0x1  }
0x589: {  	[tilespmem:v11+s19+$0x0] =	vst.idx.msk vm0, v8  }
.LBB2_147:
0x58a: {  	v8 =	vld [tilespmem:s11+$0x30]  }
0x58b: {  	v9 =	vld [tilespmem:s11+$0x1930];
	_ =	sdelay $0x3  }
0x58c: {  	vm0 =	veq.s32 v8, $0x0  }
0x58d: {  	v8 =	vsel vm0, $0x0, v9  }
0x58e: {  	vm0 =	vlt.f32 v8, $1.000000000e+00;
	vm1 =	vgt.f32 v8, $1.000000000e+00  }
0x58f: {  	vm0 =	vmor vm1, vm0  }
0x590: {  	v9 =	vmpcnt.ones.xlane vm0;
	_ =	sdelay $0x1  }
0x591: {  	(v2sf) =	vpush v9, $0x0;
	_ =	sdelay $0xe  }
0x592: {  	s7 =	spop (v2sf)  }
0x593: {  	p0 =	slt.s32 s7, $0x1  }
.Ltmp79:
0x594: {  	_ = 	snop;
	(pc) =	sbr.rel @p0 .LBB2_151-.Ltmp79, $1  }
0x595: {  	_ =	sdelay $0x3  }
0x596: {  	v9 =	vmov s6  }
0x597: {  	v9 =	vand.u32 $0x7F, v9  }
0x598: {  	v9 =	vbroadcast v9, $0x0;
	_ =	sdelay $0x1  }
0x599: {  	v9 =	vor.u32 v3, v9;
	_ =	sdelay $0x3  }
0x59a: {  	s25 =	simm.s32 $0x1  }
0x59b: {  	s6 =	simm.s32 $0x2;
	v11 =	vmov s25;
	v10 =	vld.idx.msk [tilespmem:v9+s19+$0x0], $0xffff  }
.LBB2_149:
0x59c: {  	p0 =	sne.s32 s6, $0x7F;
	v11 =	vand.u32 $0x7F, v11  }
0x59d: {  	v11 =	vbroadcast v11, $0x0;
	_ =	sdelay $0x1  }
0x59e: {  	v12 =	vor.u32 v3, v11  }
.Ltmp80:
0x59f: {  	(pc) =	sbr.rel @p0 .LBB2_149-.Ltmp80, $3  }
0x5a0: {  	v10 =	vmul.f32 v10, v8;
	_ =	sdelay $0x1  }
0x5a1: {  	[tilespmem:v9+s19+$0x0] =	vst.idx.msk vm0, v10;
	v9 =	vmov v12  }
0x5a2: {  	v11 =	vmov s6;
	s6 =	sadd.s32 $0x1, s6;
	v10 =	vld.idx.msk [tilespmem:v12+s19+$0x0], $0xffff  }
0x5a3: {  	v11 =	vand.u32 $0x7F, v11  }
0x5a4: {  	v11 =	vbroadcast v11, $0x0;
	_ =	sdelay $0x1  }
0x5a5: {  	v11 =	vor.u32 v3, v11;
	_ =	sdelay $0x1  }
0x5a6: {  	v10 =	vmul.f32 v10, v8;
	_ =	sdelay $0x1  }
0x5a7: {  	[tilespmem:v9+s19+$0x0] =	vst.idx.msk vm0, v10  }
0x5a8: {  	v9 =	vld.idx.msk [tilespmem:v11+s19+$0x0], $0xffff;
	_ =	sdelay $0x4  }
0x5a9: {  	v8 =	vmul.f32 v9, v8;
	_ =	sdelay $0x1  }
0x5aa: {  	[tilespmem:v11+s19+$0x0] =	vst.idx.msk vm0, v8  }
.LBB2_151:
0x5ab: {  	v8 =	vld [tilespmem:s11+$0x40]  }
0x5ac: {  	v9 =	vld [tilespmem:s11+$0x1940];
	_ =	sdelay $0x3  }
0x5ad: {  	vm0 =	veq.s32 v8, $0x0  }
0x5ae: {  	v8 =	vsel vm0, $0x0, v9  }
0x5af: {  	vm0 =	vlt.f32 v8, $1.000000000e+00;
	vm1 =	vgt.f32 v8, $1.000000000e+00  }
0x5b0: {  	vm0 =	vmor vm1, vm0  }
0x5b1: {  	v9 =	vmpcnt.ones.xlane vm0;
	_ =	sdelay $0x1  }
0x5b2: {  	(v2sf) =	vpush v9, $0x0;
	_ =	sdelay $0xe  }
0x5b3: {  	s6 =	spop (v2sf)  }
0x5b4: {  	p0 =	slt.s32 s6, $0x1  }
.Ltmp81:
0x5b5: {  	_ = 	snop;
	(pc) =	sbr.rel @p0 .LBB2_155-.Ltmp81, $2  }
0x5b6: {  	_ =	sdelay $0x2  }
0x5b7: {  	s6 =	simm.s32 $0x0  }
0x5b8: {  	v9 =	vmov s6  }
0x5b9: {  	v9 =	vand.u32 $0x7F, v9  }
0x5ba: {  	v9 =	vbroadcast v9, $0x0;
	_ =	sdelay $0x1  }
0x5bb: {  	v9 =	vor.u32 v4, v9;
	_ =	sdelay $0x3  }
0x5bc: {  	s7 =	simm.s32 $0x1  }
0x5bd: {  	v11 =	vmov s7;
	s7 =	simm.s32 $0x2;
	v10 =	vld.idx.msk [tilespmem:v9+s19+$0x0], $0xffff  }
.LBB2_153:
0x5be: {  	p0 =	sne.s32 s7, $0x7F;
	v11 =	vand.u32 $0x7F, v11  }
0x5bf: {  	v11 =	vbroadcast v11, $0x0;
	_ =	sdelay $0x1  }
0x5c0: {  	v12 =	vor.u32 v4, v11  }
.Ltmp82:
0x5c1: {  	(pc) =	sbr.rel @p0 .LBB2_153-.Ltmp82, $3  }
0x5c2: {  	v10 =	vmul.f32 v10, v8;
	_ =	sdelay $0x1  }
0x5c3: {  	[tilespmem:v9+s19+$0x0] =	vst.idx.msk vm0, v10;
	v9 =	vmov v12  }
0x5c4: {  	v11 =	vmov s7;
	s7 =	sadd.s32 $0x1, s7;
	v10 =	vld.idx.msk [tilespmem:v12+s19+$0x0], $0xffff  }
0x5c5: {  	v11 =	vand.u32 $0x7F, v11  }
0x5c6: {  	v11 =	vbroadcast v11, $0x0;
	_ =	sdelay $0x1  }
0x5c7: {  	v11 =	vor.u32 v4, v11;
	_ =	sdelay $0x1  }
0x5c8: {  	v10 =	vmul.f32 v10, v8;
	_ =	sdelay $0x1  }
0x5c9: {  	[tilespmem:v9+s19+$0x0] =	vst.idx.msk vm0, v10  }
0x5ca: {  	v9 =	vld.idx.msk [tilespmem:v11+s19+$0x0], $0xffff;
	_ =	sdelay $0x4  }
0x5cb: {  	v8 =	vmul.f32 v9, v8;
	_ =	sdelay $0x1  }
0x5cc: {  	[tilespmem:v11+s19+$0x0] =	vst.idx.msk vm0, v8  }
.LBB2_155:
0x5cd: {  	v8 =	vld [tilespmem:s11+$0x50]  }
0x5ce: {  	v9 =	vld [tilespmem:s11+$0x1950];
	_ =	sdelay $0x3  }
0x5cf: {  	vm0 =	veq.s32 v8, $0x0  }
0x5d0: {  	v8 =	vsel vm0, $0x0, v9  }
0x5d1: {  	vm0 =	vlt.f32 v8, $1.000000000e+00;
	vm1 =	vgt.f32 v8, $1.000000000e+00  }
0x5d2: {  	vm0 =	vmor vm1, vm0  }
0x5d3: {  	v9 =	vmpcnt.ones.xlane vm0;
	_ =	sdelay $0x1  }
0x5d4: {  	(v2sf) =	vpush v9, $0x0;
	_ =	sdelay $0xe  }
0x5d5: {  	s7 =	spop (v2sf)  }
0x5d6: {  	p0 =	slt.s32 s7, $0x1  }
.Ltmp83:
0x5d7: {  	_ = 	snop;
	(pc) =	sbr.rel @p0 .LBB2_159-.Ltmp83, $1  }
0x5d8: {  	_ =	sdelay $0x3  }
0x5d9: {  	v9 =	vmov s6  }
0x5da: {  	v9 =	vand.u32 $0x7F, v9  }
0x5db: {  	v9 =	vbroadcast v9, $0x0;
	_ =	sdelay $0x1  }
0x5dc: {  	v9 =	vor.u32 v5, v9;
	_ =	sdelay $0x3  }
0x5dd: {  	s25 =	simm.s32 $0x1  }
0x5de: {  	s6 =	simm.s32 $0x2;
	v11 =	vmov s25;
	v10 =	vld.idx.msk [tilespmem:v9+s19+$0x0], $0xffff  }
.LBB2_157:
0x5df: {  	p0 =	sne.s32 s6, $0x7F;
	v11 =	vand.u32 $0x7F, v11  }
0x5e0: {  	v11 =	vbroadcast v11, $0x0;
	_ =	sdelay $0x1  }
0x5e1: {  	v12 =	vor.u32 v5, v11  }
.Ltmp84:
0x5e2: {  	(pc) =	sbr.rel @p0 .LBB2_157-.Ltmp84, $3  }
0x5e3: {  	v10 =	vmul.f32 v10, v8;
	_ =	sdelay $0x1  }
0x5e4: {  	[tilespmem:v9+s19+$0x0] =	vst.idx.msk vm0, v10;
	v9 =	vmov v12  }
0x5e5: {  	v11 =	vmov s6;
	s6 =	sadd.s32 $0x1, s6;
	v10 =	vld.idx.msk [tilespmem:v12+s19+$0x0], $0xffff  }
0x5e6: {  	v11 =	vand.u32 $0x7F, v11  }
0x5e7: {  	v11 =	vbroadcast v11, $0x0;
	_ =	sdelay $0x1  }
0x5e8: {  	v11 =	vor.u32 v5, v11;
	_ =	sdelay $0x1  }
0x5e9: {  	v10 =	vmul.f32 v10, v8;
	_ =	sdelay $0x1  }
0x5ea: {  	[tilespmem:v9+s19+$0x0] =	vst.idx.msk vm0, v10  }
0x5eb: {  	v9 =	vld.idx.msk [tilespmem:v11+s19+$0x0], $0xffff;
	_ =	sdelay $0x4  }
0x5ec: {  	v8 =	vmul.f32 v9, v8;
	_ =	sdelay $0x1  }
0x5ed: {  	[tilespmem:v11+s19+$0x0] =	vst.idx.msk vm0, v8  }
.LBB2_159:
0x5ee: {  	v8 =	vld [tilespmem:s11+$0x60]  }
0x5ef: {  	v9 =	vld [tilespmem:s11+$0x1960];
	_ =	sdelay $0x3  }
0x5f0: {  	vm0 =	veq.s32 v8, $0x0  }
0x5f1: {  	v8 =	vsel vm0, $0x0, v9  }
0x5f2: {  	vm0 =	vlt.f32 v8, $1.000000000e+00;
	vm1 =	vgt.f32 v8, $1.000000000e+00  }
0x5f3: {  	vm0 =	vmor vm1, vm0  }
0x5f4: {  	v9 =	vmpcnt.ones.xlane vm0;
	_ =	sdelay $0x1  }
0x5f5: {  	(v2sf) =	vpush v9, $0x0;
	_ =	sdelay $0xe  }
0x5f6: {  	s6 =	spop (v2sf)  }
0x5f7: {  	p0 =	slt.s32 s6, $0x1  }
.Ltmp85:
0x5f8: {  	_ = 	snop;
	(pc) =	sbr.rel @p0 .LBB2_163-.Ltmp85, $2  }
0x5f9: {  	_ =	sdelay $0x2  }
0x5fa: {  	s6 =	simm.s32 $0x0  }
0x5fb: {  	v9 =	vmov s6  }
0x5fc: {  	v9 =	vand.u32 $0x7F, v9  }
0x5fd: {  	v9 =	vbroadcast v9, $0x0;
	_ =	sdelay $0x1  }
0x5fe: {  	v9 =	vor.u32 v6, v9;
	_ =	sdelay $0x3  }
0x5ff: {  	s7 =	simm.s32 $0x1  }
0x600: {  	v11 =	vmov s7;
	s7 =	simm.s32 $0x2;
	v10 =	vld.idx.msk [tilespmem:v9+s19+$0x0], $0xffff  }
.LBB2_161:
0x601: {  	p0 =	sne.s32 s7, $0x7F;
	v11 =	vand.u32 $0x7F, v11  }
0x602: {  	v11 =	vbroadcast v11, $0x0;
	_ =	sdelay $0x1  }
0x603: {  	v12 =	vor.u32 v6, v11  }
.Ltmp86:
0x604: {  	(pc) =	sbr.rel @p0 .LBB2_161-.Ltmp86, $3  }
0x605: {  	v10 =	vmul.f32 v10, v8;
	_ =	sdelay $0x1  }
0x606: {  	[tilespmem:v9+s19+$0x0] =	vst.idx.msk vm0, v10;
	v9 =	vmov v12  }
0x607: {  	v11 =	vmov s7;
	s7 =	sadd.s32 $0x1, s7;
	v10 =	vld.idx.msk [tilespmem:v12+s19+$0x0], $0xffff  }
0x608: {  	v11 =	vand.u32 $0x7F, v11  }
0x609: {  	v11 =	vbroadcast v11, $0x0;
	_ =	sdelay $0x1  }
0x60a: {  	v11 =	vor.u32 v6, v11;
	_ =	sdelay $0x1  }
0x60b: {  	v10 =	vmul.f32 v10, v8;
	_ =	sdelay $0x1  }
0x60c: {  	[tilespmem:v9+s19+$0x0] =	vst.idx.msk vm0, v10  }
0x60d: {  	v9 =	vld.idx.msk [tilespmem:v11+s19+$0x0], $0xffff;
	_ =	sdelay $0x4  }
0x60e: {  	v8 =	vmul.f32 v9, v8;
	_ =	sdelay $0x1  }
0x60f: {  	[tilespmem:v11+s19+$0x0] =	vst.idx.msk vm0, v8  }
.LBB2_163:
0x610: {  	v8 =	vld [tilespmem:s11+$0x70]  }
0x611: {  	v9 =	vld [tilespmem:s11+$0x1970];
	_ =	sdelay $0x3  }
0x612: {  	vm0 =	veq.s32 v8, $0x0  }
0x613: {  	v8 =	vsel vm0, $0x0, v9  }
0x614: {  	vm0 =	vlt.f32 v8, $1.000000000e+00;
	vm1 =	vgt.f32 v8, $1.000000000e+00  }
0x615: {  	vm0 =	vmor vm1, vm0  }
0x616: {  	v9 =	vmpcnt.ones.xlane vm0;
	_ =	sdelay $0x1  }
0x617: {  	(v2sf) =	vpush v9, $0x0;
	_ =	sdelay $0xe  }
0x618: {  	s7 =	spop (v2sf)  }
0x619: {  	p0 =	slt.s32 s7, $0x1  }
.Ltmp87:
0x61a: {  	_ = 	snop;
	(pc) =	sbr.rel @p0 .LBB2_167-.Ltmp87, $1  }
0x61b: {  	_ =	sdelay $0x3  }
0x61c: {  	v9 =	vmov s6  }
0x61d: {  	v9 =	vand.u32 $0x7F, v9  }
0x61e: {  	v9 =	vbroadcast v9, $0x0;
	_ =	sdelay $0x1  }
0x61f: {  	v9 =	vor.u32 v7, v9;
	_ =	sdelay $0x3  }
0x620: {  	s25 =	simm.s32 $0x1  }
0x621: {  	s6 =	simm.s32 $0x2;
	v11 =	vmov s25;
	v10 =	vld.idx.msk [tilespmem:v9+s19+$0x0], $0xffff  }
.LBB2_165:
0x622: {  	p0 =	sne.s32 s6, $0x7F;
	v11 =	vand.u32 $0x7F, v11  }
0x623: {  	v11 =	vbroadcast v11, $0x0;
	_ =	sdelay $0x1  }
0x624: {  	v12 =	vor.u32 v7, v11  }
.Ltmp88:
0x625: {  	(pc) =	sbr.rel @p0 .LBB2_165-.Ltmp88, $3  }
0x626: {  	v10 =	vmul.f32 v10, v8;
	_ =	sdelay $0x1  }
0x627: {  	[tilespmem:v9+s19+$0x0] =	vst.idx.msk vm0, v10;
	v9 =	vmov v12  }
0x628: {  	v11 =	vmov s6;
	s6 =	sadd.s32 $0x1, s6;
	v10 =	vld.idx.msk [tilespmem:v12+s19+$0x0], $0xffff  }
0x629: {  	v11 =	vand.u32 $0x7F, v11  }
0x62a: {  	v11 =	vbroadcast v11, $0x0;
	_ =	sdelay $0x1  }
0x62b: {  	v11 =	vor.u32 v7, v11;
	_ =	sdelay $0x1  }
0x62c: {  	v10 =	vmul.f32 v10, v8;
	_ =	sdelay $0x1  }
0x62d: {  	[tilespmem:v9+s19+$0x0] =	vst.idx.msk vm0, v10  }
0x62e: {  	v9 =	vld.idx.msk [tilespmem:v11+s19+$0x0], $0xffff;
	_ =	sdelay $0x2  }
.Ltmp89:
0x62f: {  	_ = 	snop;
	(pc) =	sbr.rel .LBB2_167-.Ltmp89, $3  }
0x630: {  	_ = 	snop  }
0x631: {  	v8 =	vmul.f32 v9, v8;
	_ =	sdelay $0x1  }
0x632: {  	[tilespmem:v11+s19+$0x0] =	vst.idx.msk vm0, v8  }
.LBB2_169:
0x633: {  	_ =	sfence.sel $0x180000  }
0x634: {  	[bflag:$0x0] =	sbarrier.arrive $0xFFFF  }
0x635: {  	_ =	strace $0x90000047  }
0x636: {  	s0 =	stileid.u32;
	[bflag:$0x2] =	sbarrier.arrive $0xFFFF  }
0x637: {  	p0 =	sne.s32 s0, $0x0;
	s0 =	rddreg [dreg:$0x4]  }
0x638: {  	s0 =	sadd.s32 @!p0 $0x100000, s0  }
0x639: {  	[sflag:s0] =	ssyncadd.tile.s32 @!p0 $0x1;
	_ =	shalt  }
.Lfunc_end2:
_tile_overlayer_lowered:
.L_overlay_start_2:
0x63a: {  	(tag) =	ssettag $0x2  }
0x63b: {  	s0 =	rddreg [dreg:$0x0];
	s2 =	stileid.u32  }
0x63c: {  	s1 =	rddreg [dreg:$0x1];
	p0 =	sne.s32 s2, $0x0  }
0x63d: {  	s3 =	rddreg [dreg:$0x2];
	[bflag:$0x3] =	sbarrier.arrive $0xFFFF;
	s2 =	simm.s32 @!p0 $0x1C0B  }
0x63e: {  	[timem:s3], [sflag:s2] =	dma.local @!p0 [hbm:s0], s1  }
0x63f: {  	s0 =	simm.s32 @!p0 $0xB  }
0x640: {  	_ =	swait.ge @!p0 [sflag:s0], s1  }
0x641: {  	s1 =	ssub.s32 @!p0 $0x0, s1;
	[sflag:s0] =	ssyncset.done @!p0 $0x0  }
0x642: {  	[sflag:s0] =	ssyncadd.s32 @!p0 s1  }
0x643: {  	[bflag:$0x3] =	sbarrier.arrive $0xFFFF  }
0x644: {  	_ =	shalt  }

</sc_bundles>
